<compile_context>
chip_gen: v7x
topology: tpu7x:2x2x1
jax: 0.10.2.dev20260603
libtpu: 0.0.44.dev20260713+nightly
codegen_flags: <defaults>
</compile_context>

<pallas_src>
import functools

import jax
import jax.numpy as jnp
from jax import lax
from jax.experimental import pallas as pl
from jax.experimental.pallas import tpu as pltpu
from jax.experimental.pallas import tpu_sc as plsc

EPSV = 1e-5
KNB = 20
_NC, _NS = 2, 16
_NW = _NC * _NS


def _knn_kernel(xr_ref, xa_ref, sqr_ref, sqa_ref, idx_ref, *, k, n):
    xr = xr_ref[0]
    xa = xa_ref[0]
    R = xr.shape[0]
    base = pl.program_id(0) * n
    G = jax.lax.dot_general(xr, xa, (((1,), (1,)), ((), ())),
                            preferred_element_type=jnp.float32)
    d = (2.0 * G - sqr_ref[0]) - sqa_ref[0]
    iota = jax.lax.broadcasted_iota(jnp.int32, (R, n), 1)
    kiota = jax.lax.broadcasted_iota(jnp.int32, (R, k), 1)
    idx = jnp.zeros((R, k), jnp.int32)
    for r in range(k):
        am = jnp.argmax(d, axis=1, keepdims=True)
        idx = jnp.where(kiota == r, am, idx)
        d = jnp.where(iota == am, -jnp.inf, d)
    idx_ref[0] = idx + base


def _knn_idx(xt, xx, block_rows=256):
    B, N, C = xt.shape
    sqr = xx[:, :, None]
    sqa = xx[:, None, :]
    return pl.pallas_call(
        functools.partial(_knn_kernel, k=KNB, n=N),
        grid=(B, N // block_rows),
        in_specs=[
            pl.BlockSpec((1, block_rows, C), lambda b, i: (b, i, 0)),
            pl.BlockSpec((1, N, C), lambda b, i: (b, 0, 0)),
            pl.BlockSpec((1, block_rows, 1), lambda b, i: (b, i, 0)),
            pl.BlockSpec((1, 1, N), lambda b, i: (b, 0, 0)),
        ],
        out_specs=pl.BlockSpec((1, block_rows, KNB), lambda b, i: (b, i, 0)),
        out_shape=jax.ShapeDtypeStruct((B, N, KNB), jnp.int32),
    )(xt, xt, sqr, sqa)


def _sc_gather_body(tab_hbm, idx_hbm, out_hbm, idx_v, rows_v, sem,
                    *, tot_idx, nsub):
    wid = lax.axis_index("s") * _NC + lax.axis_index("c")
    span = tot_idx // _NW
    rows_per_it = nsub * 128
    base_row = wid * (span // 128)

    def step(t, carry):
        r0 = base_row + t * nsub
        pltpu.sync_copy(idx_hbm.at[pl.ds(r0, nsub)], idx_v)
        cps = [
            pltpu.async_copy(tab_hbm.at[idx_v.at[j]],
                             rows_v.at[pl.ds(j * 128, 128)], sem)
            for j in range(nsub)
        ]
        for cp in cps:
            cp.wait()
        pltpu.sync_copy(rows_v, out_hbm.at[pl.ds(r0 * 128, rows_per_it)])
        return carry

    lax.fori_loop(0, span // rows_per_it, step, 0, unroll=False)


def _sc_gather(tab, idx2d, nsub=8):
    tot, C = tab.shape
    tot_idx = idx2d.shape[0] * 128
    mesh = plsc.VectorSubcoreMesh(core_axis_name="c", subcore_axis_name="s")
    fn = pl.kernel(
        functools.partial(_sc_gather_body, tot_idx=tot_idx, nsub=nsub),
        out_type=jax.ShapeDtypeStruct((tot_idx, C), jnp.float32),
        mesh=mesh,
        scratch_types=[
            pltpu.VMEM((nsub, 128), jnp.int32),
            pltpu.VMEM((nsub * 128, C), jnp.float32),
            pltpu.SemaphoreType.DMA,
        ],
        compiler_params=pltpu.CompilerParams(use_tc_tiling_on_sc=False),
    )
    return fn(tab, idx2d)


def _conv_kernel(xg_ref, xi_ref, w_ref, s_ref, b_ref, out_ref, *, k):
    xi = xi_ref[0]
    Nb, C = xi.shape
    xg = xg_ref[0].reshape(k * Nb, -1)[:, :C]
    o = w_ref.shape[1]
    xie = jnp.broadcast_to(xi[None], (k, Nb, C)).reshape(k * Nb, C)
    f = jnp.concatenate([xg - xie, xie], axis=1)
    h = jax.lax.dot_general(f, w_ref[...], (((1,), (0,)), ((), ())),
                            preferred_element_type=jnp.float32)
    y = h * s_ref[...] + b_ref[...]
    y = jnp.where(y > 0, y, 0.2 * y)
    out_ref[0] = jnp.max(y.reshape(k, Nb, o), axis=0)


def _conv_max(xg, xt, W, g, b, block_n=512):
    B, N, C = xt.shape
    Cg = xg.shape[3]
    o = W.shape[0]
    w = jnp.transpose(W)
    scale = (g / jnp.sqrt(1.0 + EPSV))[None, :]
    bias = b[None, :]
    return pl.pallas_call(
        functools.partial(_conv_kernel, k=KNB),
        grid=(B, N // block_n),
        in_specs=[
            pl.BlockSpec((1, KNB, block_n, Cg), lambda bb, i: (bb, 0, i, 0)),
            pl.BlockSpec((1, block_n, C), lambda bb, i: (bb, i, 0)),
            pl.BlockSpec((2 * C, o), lambda bb, i: (0, 0)),
            pl.BlockSpec((1, o), lambda bb, i: (0, 0)),
            pl.BlockSpec((1, o), lambda bb, i: (0, 0)),
        ],
        out_specs=pl.BlockSpec((1, block_n, o), lambda bb, i: (bb, i, 0)),
        out_shape=jax.ShapeDtypeStruct((B, N, o), jnp.float32),
    )(xg, xt, w, scale, bias)


def _edge_layer(xt, W, g, b):
    B, N, C = xt.shape
    xx = jnp.sum(xt ** 2, axis=2)
    idx = _knn_idx(xt, xx)
    tab = xt.reshape(B * N, C)
    Cp = max(C, 16)
    if Cp != C:
        tab = jnp.concatenate(
            [tab, jnp.zeros((B * N, Cp - C), tab.dtype)], axis=1)
    idxT = jnp.transpose(idx, (0, 2, 1))
    idx2d = idxT.reshape(B * KNB * N // 128, 128)
    xg = _sc_gather(tab, idx2d)
    xg = xg.reshape(B, KNB, N, Cp)
    return _conv_max(xg, xt, W, g, b)


def _final_kernel(x1_ref, x2_ref, x3_ref, x4_ref, w_ref, s_ref, b_ref, out_ref):
    xc = jnp.concatenate(
        [x1_ref[0], x2_ref[0], x3_ref[0], x4_ref[0]], axis=1)
    h = jax.lax.dot_general(xc, w_ref[...], (((1,), (0,)), ((), ())),
                            preferred_element_type=jnp.float32)
    y = h * s_ref[...] + b_ref[...]
    y = jnp.where(y > 0, y, 0.2 * y)
    pmax = jnp.max(y, axis=0, keepdims=True)
    pavg = jnp.sum(y, axis=0, keepdims=True) * (1.0 / y.shape[0])
    out_ref[0] = jnp.concatenate([pmax, pavg], axis=1)


def _final_layer(x1, x2, x3, x4, W5, g5, b5):
    B, N, _ = x1.shape
    xs = [x1, x2, x3, x4]
    w = jnp.transpose(W5)
    scale = (g5 / jnp.sqrt(1.0 + EPSV))[None, :]
    bias = b5[None, :]
    specs = [pl.BlockSpec((1, N, v.shape[2]), lambda bb: (bb, 0, 0))
             for v in xs]
    out = pl.pallas_call(
        _final_kernel,
        grid=(B,),
        in_specs=specs + [
            pl.BlockSpec((128, 64), lambda bb: (0, 0)),
            pl.BlockSpec((1, 64), lambda bb: (0, 0)),
            pl.BlockSpec((1, 64), lambda bb: (0, 0)),
        ],
        out_specs=pl.BlockSpec((1, 1, 128), lambda bb: (bb, 0, 0)),
        out_shape=jax.ShapeDtypeStruct((B, 1, 128), jnp.float32),
    )(*xs, w, scale, bias)
    return out[:, 0, :]


def kernel(x, W1, g1, b1, W2, g2, b2, W3, g3, b3, W4, g4, b4, W5, g5, b5):
    xt = jnp.transpose(x, (0, 2, 1))
    x1 = _edge_layer(xt, W1, g1, b1)
    x2 = _edge_layer(x1, W2, g2, b2)
    x3 = _edge_layer(x2, W3, g3, b3)
    x4 = _edge_layer(x3, W4, g4, b4)
    return _final_layer(x1, x2, x3, x4, W5, g5, b5)

# --- scband reference (transcript-rebuilt; emitter-appended) ---
"""Pipeline reference for scband-dgcnn-76836964926096 (READ-ONLY COPY).

The authoritative reference and input builder live on the scoring server;
editing this copy changes nothing except your own understanding.
"""

import jax, jax.numpy as jnp
import numpy as np

EPS = 1e-5
K = 20


def knn(x, k):
    # x: (B, C, N)
    inner = -2.0 * jnp.einsum('bcn,bcm->bnm', x, x)
    xx = jnp.sum(x ** 2, axis=1, keepdims=True)  # (B,1,N)
    pairwise = -xx - inner - jnp.transpose(xx, (0, 2, 1))
    idx = jax.lax.top_k(pairwise, k)[1]  # (B, N, k)
    return idx


def get_graph_feature(x, k):
    B, C, N = x.shape
    idx = knn(x, k)  # (B, N, k)
    x_t = jnp.transpose(x, (0, 2, 1))  # (B, N, C)
    feature = x_t[jnp.arange(B)[:, None, None], idx]  # (B, N, k, C) gather
    center = jnp.broadcast_to(x_t[:, :, None, :], (B, N, k, C))
    feat = jnp.concatenate([feature - center, center], axis=3)  # (B, N, k, 2C)
    return jnp.transpose(feat, (0, 3, 1, 2))  # (B, 2C, N, k)


def bn_lrelu(x, g, b):
    # eval-mode BatchNorm at init (running_mean=0, running_var=1) + LeakyReLU(0.2)
    scale = g / jnp.sqrt(1.0 + EPS)
    if x.ndim == 4:
        y = x * scale[None, :, None, None] + b[None, :, None, None]
    else:
        y = x * scale[None, :, None] + b[None, :, None]
    return jnp.where(y > 0, y, 0.2 * y)


def setup_inputs(seed: int = 0):
    key = jax.random.key(seed)
    ks = jax.random.split(key, 8)
    B, N = 8, 2048
    x = jax.random.normal(ks[0], (B, 3, N), dtype=jnp.float32)

    def conv_w(k, o, i):
        std = float(np.sqrt(2.0 / o))
        return jax.random.normal(k, (o, i), dtype=jnp.float32) * std

    return {
        'x': x,
        'W1': conv_w(ks[1], 16, 6),
        'g1': jnp.ones((16,), jnp.float32), 'b1': jnp.zeros((16,), jnp.float32),
        'W2': conv_w(ks[2], 16, 32),
        'g2': jnp.ones((16,), jnp.float32), 'b2': jnp.zeros((16,), jnp.float32),
        'W3': conv_w(ks[3], 32, 32),
        'g3': jnp.ones((32,), jnp.float32), 'b3': jnp.zeros((32,), jnp.float32),
        'W4': conv_w(ks[4], 64, 64),
        'g4': jnp.ones((64,), jnp.float32), 'b4': jnp.zeros((64,), jnp.float32),
        'W5': conv_w(ks[5], 64, 128),
        'g5': jnp.ones((64,), jnp.float32), 'b5': jnp.zeros((64,), jnp.float32),
    }


def reference(x, W1, g1, b1, W2, g2, b2, W3, g3, b3, W4, g4, b4, W5, g5, b5):
    f = get_graph_feature(x, K)                     # (B, 6, N, k)
    h = jnp.einsum('bcnk,oc->bonk', f, W1)          # conv1 (1x1, no bias)
    h = bn_lrelu(h, g1, b1)
    x1 = jnp.max(h, axis=-1)                        # (B, 16, N)

    f = get_graph_feature(x1, K)                    # (B, 32, N, k)
    h = jnp.einsum('bcnk,oc->bonk', f, W2)
    h = bn_lrelu(h, g2, b2)
    x2 = jnp.max(h, axis=-1)                        # (B, 16, N)

    f = get_graph_feature(x2, K)                    # (B, 32, N, k)
    h = jnp.einsum('bcnk,oc->bonk', f, W3)
    h = bn_lrelu(h, g3, b3)
    x3 = jnp.max(h, axis=-1)                        # (B, 32, N)

    f = get_graph_feature(x3, K)                    # (B, 64, N, k)
    h = jnp.einsum('bcnk,oc->bonk', f, W4)
    h = bn_lrelu(h, g4, b4)
    x4 = jnp.max(h, axis=-1)                        # (B, 64, N)

    xc = jnp.concatenate([x1, x2, x3, x4], axis=1)  # (B, 128, N)
    h5 = jnp.einsum('bcn,oc->bon', xc, W5)          # conv5 1d
    h5 = bn_lrelu(h5, g5, b5)                       # (B, 64, N)

    p_max = jnp.max(h5, axis=-1)                    # (B, 64)
    p_avg = jnp.mean(h5, axis=-1)                   # (B, 64)
    enc = jnp.concatenate([p_max, p_avg], axis=1)   # (B, 128)
    return enc

if __name__ == "__main__":
    import jax
    _d = setup_inputs()
    print(jax.jit(kernel)(*tuple(_d.values())))

</pallas_src>

<mosaic_0001>
#map = affine_map<(d0, d1) -> (0, 0)>
module attributes {stable_mosaic.version = 14 : i64} {
  func.func @_sc_gather_body(%arg0: i32, %arg1: i32, %arg2: memref<16384x16xf32, #tpu.memory_space<hbm>>, %arg3: memref<2560x128xi32, #tpu.memory_space<hbm>>, %arg4: memref<327680x16xf32, #tpu.memory_space<hbm>>, %arg5: memref<8x128xi32, #tpu.memory_space<vmem>>, %arg6: memref<1024x16xf32, #tpu.memory_space<vmem>>, %arg7: memref<!tpu.dma_semaphore, #tpu.memory_space<semaphore_mem>>) attributes {dimension_semantics = [#tpu.dimension_semantics<core_parallel>, #tpu.dimension_semantics<subcore_parallel>], iteration_bounds = array<i64: 2, 16>, scalar_prefetch = 0 : i64, scratch_operands = 3 : i64, tpu.core_type = #tpu.core_type<sc_vector_subcore>, window_params = [{transform_indices = #map}, {transform_indices = #map}, {transform_indices = #map}]} {
    %mul3A = arith.constant 2 : i32
    %mul3A_0 = arith.muli %arg1, %mul3A : i32
    %add3A = arith.addi %mul3A_0, %arg0 : i32
    %mul3A_1 = arith.constant 80 : i32
    %mul3A_2 = arith.muli %add3A, %mul3A_1 : i32
    %scan3A = arith.constant 0 : i32
    %scan3A_3 = arith.constant 0 : i32
    %scan3A_4 = arith.constant 10 : i32
    %scan3A_5 = arith.addi %scan3A_3, %scan3A_4 : i32
    %scan3A_6 = arith.constant 1 : i32
    scf.for %scan3A_8 = %scan3A_3 to %scan3A_5 step %scan3A_6  : i32 {
      %mul3A_9 = arith.constant 8 : i32
      %mul3A_10 = arith.muli %scan3A_8, %mul3A_9 : i32
      %add3A_11 = arith.addi %mul3A_2, %mul3A_10 : i32
      "tpu.region"() ({
        %run_scoped3A = tpu.sem_alloc : memref<!tpu.dma_semaphore, #tpu.memory_space<semaphore_mem>>
        %dma_start3A_172 = arith.constant 0 : i32
        %dma_start3A_173 = tpu.memref_slice %arg3[%add3A_11, %dma_start3A_172] : memref<2560x128xi32, #tpu.memory_space<hbm>> -> memref<8x128xi32, #tpu.memory_space<hbm>>
        %dma_start3A_174 = arith.constant 0 : i32
        %dma_start3A_175 = tpu.memref_slice %arg3[%add3A_11, %dma_start3A_174] : memref<2560x128xi32, #tpu.memory_space<hbm>> -> memref<8x128xi32, #tpu.memory_space<hbm>>
        tpu.enqueue_dma source(%dma_start3A_175 : memref<8x128xi32, #tpu.memory_space<hbm>>) target(%arg5 : memref<8x128xi32, #tpu.memory_space<vmem>>) target_semaphore(%run_scoped3A : memref<!tpu.dma_semaphore, #tpu.memory_space<semaphore_mem>>)
        %dma_wait3A_176 = arith.constant 0 : i32
        %dma_wait3A_177 = tpu.memref_slice %arg3[%add3A_11, %dma_wait3A_176] : memref<2560x128xi32, #tpu.memory_space<hbm>> -> memref<8x128xi32, #tpu.memory_space<hbm>>
        %dma_wait3A_178 = arith.constant 0 : i32
        %dma_wait3A_179 = tpu.memref_slice %arg3[%add3A_11, %dma_wait3A_178] : memref<2560x128xi32, #tpu.memory_space<hbm>> -> memref<8x128xi32, #tpu.memory_space<hbm>>
        tpu.wait_dma2 semaphore(%run_scoped3A : memref<!tpu.dma_semaphore, #tpu.memory_space<semaphore_mem>>) src(%dma_wait3A_179 : memref<8x128xi32, #tpu.memory_space<hbm>>) dst(%arg5 : memref<8x128xi32, #tpu.memory_space<vmem>>)
        tpu.yield
      }) : () -> ()
      %dma_start3A = arith.constant 0 : i32
      %dma_start3A_12 = arith.constant 0 : i32
      %dma_start3A_13 = arith.constant 0 : i32
      %dma_start3A_14 = tpu.memref_slice %arg6[%dma_start3A_12, %dma_start3A_13] : memref<1024x16xf32, #tpu.memory_space<vmem>> -> memref<128x16xf32, #tpu.memory_space<vmem>>
      %dma_start3A_15 = arith.constant 0 : i32
      %dma_start3A_16 = tpu.memref_slice %arg5[%dma_start3A, %dma_start3A_15] : memref<8x128xi32, #tpu.memory_space<vmem>> -> memref<1x128xi32, #tpu.memory_space<vmem>>
      %dma_start3A_17 = tpu.memref_squeeze %dma_start3A_16 : memref<1x128xi32, #tpu.memory_space<vmem>> -> memref<128xi32, #tpu.memory_space<vmem>>
      %dma_start3A_18 = arith.constant 0 : i32
      %dma_start3A_19 = arith.constant 0 : i32
      %dma_start3A_20 = tpu.memref_slice %arg2[%dma_start3A_18, %dma_start3A_19] : memref<16384x16xf32, #tpu.memory_space<hbm>> -> memref<16384x16xf32, #tpu.memory_space<hbm>>
      tpu.enqueue_indirect_dma source(%dma_start3A_20 : memref<16384x16xf32, #tpu.memory_space<hbm>>) target(%dma_start3A_14 : memref<128x16xf32, #tpu.memory_space<vmem>>) offsets(%dma_start3A_17 : memref<128xi32, #tpu.memory_space<vmem>>) semaphore(%arg7 : memref<!tpu.dma_semaphore, #tpu.memory_space<semaphore_mem>>)
      %dma_start3A_21 = arith.constant 1 : i32
      %dma_start3A_22 = arith.constant 128 : i32
      %dma_start3A_23 = arith.constant 0 : i32
      %dma_start3A_24 = tpu.memref_slice %arg6[%dma_start3A_22, %dma_start3A_23] : memref<1024x16xf32, #tpu.memory_space<vmem>> -> memref<128x16xf32, #tpu.memory_space<vmem>>
      %dma_start3A_25 = arith.constant 0 : i32
      %dma_start3A_26 = tpu.memref_slice %arg5[%dma_start3A_21, %dma_start3A_25] : memref<8x128xi32, #tpu.memory_space<vmem>> -> memref<1x128xi32, #tpu.memory_space<vmem>>
      %dma_start3A_27 = tpu.memref_squeeze %dma_start3A_26 : memref<1x128xi32, #tpu.memory_space<vmem>> -> memref<128xi32, #tpu.memory_space<vmem>>
      %dma_start3A_28 = arith.constant 0 : i32
      %dma_start3A_29 = arith.constant 0 : i32
      %dma_start3A_30 = tpu.memref_slice %arg2[%dma_start3A_28, %dma_start3A_29] : memref<16384x16xf32, #tpu.memory_space<hbm>> -> memref<16384x16xf32, #tpu.memory_space<hbm>>
      tpu.enqueue_indirect_dma source(%dma_start3A_30 : memref<16384x16xf32, #tpu.memory_space<hbm>>) target(%dma_start3A_24 : memref<128x16xf32, #tpu.memory_space<vmem>>) offsets(%dma_start3A_27 : memref<128xi32, #tpu.memory_space<vmem>>) semaphore(%arg7 : memref<!tpu.dma_semaphore, #tpu.memory_space<semaphore_mem>>)
      %dma_start3A_31 = arith.constant 2 : i32
      %dma_start3A_32 = arith.constant 256 : i32
      %dma_start3A_33 = arith.constant 0 : i32
      %dma_start3A_34 = tpu.memref_slice %arg6[%dma_start3A_32, %dma_start3A_33] : memref<1024x16xf32, #tpu.memory_space<vmem>> -> memref<128x16xf32, #tpu.memory_space<vmem>>
      %dma_start3A_35 = arith.constant 0 : i32
      %dma_start3A_36 = tpu.memref_slice %arg5[%dma_start3A_31, %dma_start3A_35] : memref<8x128xi32, #tpu.memory_space<vmem>> -> memref<1x128xi32, #tpu.memory_space<vmem>>
      %dma_start3A_37 = tpu.memref_squeeze %dma_start3A_36 : memref<1x128xi32, #tpu.memory_space<vmem>> -> memref<128xi32, #tpu.memory_space<vmem>>
      %dma_start3A_38 = arith.constant 0 : i32
      %dma_start3A_39 = arith.constant 0 : i32
      %dma_start3A_40 = tpu.memref_slice %arg2[%dma_start3A_38, %dma_start3A_39] : memref<16384x16xf32, #tpu.memory_space<hbm>> -> memref<16384x16xf32, #tpu.memory_space<hbm>>
      tpu.enqueue_indirect_dma source(%dma_start3A_40 : memref<16384x16xf32, #tpu.memory_space<hbm>>) target(%dma_start3A_34 : memref<128x16xf32, #tpu.memory_space<vmem>>) offsets(%dma_start3A_37 : memref<128xi32, #tpu.memory_space<vmem>>) semaphore(%arg7 : memref<!tpu.dma_semaphore, #tpu.memory_space<semaphore_mem>>)
      %dma_start3A_41 = arith.constant 3 : i32
      %dma_start3A_42 = arith.constant 384 : i32
      %dma_start3A_43 = arith.constant 0 : i32
      %dma_start3A_44 = tpu.memref_slice %arg6[%dma_start3A_42, %dma_start3A_43] : memref<1024x16xf32, #tpu.memory_space<vmem>> -> memref<128x16xf32, #tpu.memory_space<vmem>>
      %dma_start3A_45 = arith.constant 0 : i32
      %dma_start3A_46 = tpu.memref_slice %arg5[%dma_start3A_41, %dma_start3A_45] : memref<8x128xi32, #tpu.memory_space<vmem>> -> memref<1x128xi32, #tpu.memory_space<vmem>>
      %dma_start3A_47 = tpu.memref_squeeze %dma_start3A_46 : memref<1x128xi32, #tpu.memory_space<vmem>> -> memref<128xi32, #tpu.memory_space<vmem>>
      %dma_start3A_48 = arith.constant 0 : i32
      %dma_start3A_49 = arith.constant 0 : i32
      %dma_start3A_50 = tpu.memref_slice %arg2[%dma_start3A_48, %dma_start3A_49] : memref<16384x16xf32, #tpu.memory_space<hbm>> -> memref<16384x16xf32, #tpu.memory_space<hbm>>
      tpu.enqueue_indirect_dma source(%dma_start3A_50 : memref<16384x16xf32, #tpu.memory_space<hbm>>) target(%dma_start3A_44 : memref<128x16xf32, #tpu.memory_space<vmem>>) offsets(%dma_start3A_47 : memref<128xi32, #tpu.memory_space<vmem>>) semaphore(%arg7 : memref<!tpu.dma_semaphore, #tpu.memory_space<semaphore_mem>>)
      %dma_start3A_51 = arith.constant 4 : i32
      %dma_start3A_52 = arith.constant 512 : i32
      %dma_start3A_53 = arith.constant 0 : i32
      %dma_start3A_54 = tpu.memref_slice %arg6[%dma_start3A_52, %dma_start3A_53] : memref<1024x16xf32, #tpu.memory_space<vmem>> -> memref<128x16xf32, #tpu.memory_space<vmem>>
      %dma_start3A_55 = arith.constant 0 : i32
      %dma_start3A_56 = tpu.memref_slice %arg5[%dma_start3A_51, %dma_start3A_55] : memref<8x128xi32, #tpu.memory_space<vmem>> -> memref<1x128xi32, #tpu.memory_space<vmem>>
      %dma_start3A_57 = tpu.memref_squeeze %dma_start3A_56 : memref<1x128xi32, #tpu.memory_space<vmem>> -> memref<128xi32, #tpu.memory_space<vmem>>
      %dma_start3A_58 = arith.constant 0 : i32
      %dma_start3A_59 = arith.constant 0 : i32
      %dma_start3A_60 = tpu.memref_slice %arg2[%dma_start3A_58, %dma_start3A_59] : memref<16384x16xf32, #tpu.memory_space<hbm>> -> memref<16384x16xf32, #tpu.memory_space<hbm>>
      tpu.enqueue_indirect_dma source(%dma_start3A_60 : memref<16384x16xf32, #tpu.memory_space<hbm>>) target(%dma_start3A_54 : memref<128x16xf32, #tpu.memory_space<vmem>>) offsets(%dma_start3A_57 : memref<128xi32, #tpu.memory_space<vmem>>) semaphore(%arg7 : memref<!tpu.dma_semaphore, #tpu.memory_space<semaphore_mem>>)
      %dma_start3A_61 = arith.constant 5 : i32
      %dma_start3A_62 = arith.constant 640 : i32
      %dma_start3A_63 = arith.constant 0 : i32
      %dma_start3A_64 = tpu.memref_slice %arg6[%dma_start3A_62, %dma_start3A_63] : memref<1024x16xf32, #tpu.memory_space<vmem>> -> memref<128x16xf32, #tpu.memory_space<vmem>>
      %dma_start3A_65 = arith.constant 0 : i32
      %dma_start3A_66 = tpu.memref_slice %arg5[%dma_start3A_61, %dma_start3A_65] : memref<8x128xi32, #tpu.memory_space<vmem>> -> memref<1x128xi32, #tpu.memory_space<vmem>>
      %dma_start3A_67 = tpu.memref_squeeze %dma_start3A_66 : memref<1x128xi32, #tpu.memory_space<vmem>> -> memref<128xi32, #tpu.memory_space<vmem>>
      %dma_start3A_68 = arith.constant 0 : i32
      %dma_start3A_69 = arith.constant 0 : i32
      %dma_start3A_70 = tpu.memref_slice %arg2[%dma_start3A_68, %dma_start3A_69] : memref<16384x16xf32, #tpu.memory_space<hbm>> -> memref<16384x16xf32, #tpu.memory_space<hbm>>
      tpu.enqueue_indirect_dma source(%dma_start3A_70 : memref<16384x16xf32, #tpu.memory_space<hbm>>) target(%dma_start3A_64 : memref<128x16xf32, #tpu.memory_space<vmem>>) offsets(%dma_start3A_67 : memref<128xi32, #tpu.memory_space<vmem>>) semaphore(%arg7 : memref<!tpu.dma_semaphore, #tpu.memory_space<semaphore_mem>>)
      %dma_start3A_71 = arith.constant 6 : i32
      %dma_start3A_72 = arith.constant 768 : i32
      %dma_start3A_73 = arith.constant 0 : i32
      %dma_start3A_74 = tpu.memref_slice %arg6[%dma_start3A_72, %dma_start3A_73] : memref<1024x16xf32, #tpu.memory_space<vmem>> -> memref<128x16xf32, #tpu.memory_space<vmem>>
      %dma_start3A_75 = arith.constant 0 : i32
      %dma_start3A_76 = tpu.memref_slice %arg5[%dma_start3A_71, %dma_start3A_75] : memref<8x128xi32, #tpu.memory_space<vmem>> -> memref<1x128xi32, #tpu.memory_space<vmem>>
      %dma_start3A_77 = tpu.memref_squeeze %dma_start3A_76 : memref<1x128xi32, #tpu.memory_space<vmem>> -> memref<128xi32, #tpu.memory_space<vmem>>
      %dma_start3A_78 = arith.constant 0 : i32
      %dma_start3A_79 = arith.constant 0 : i32
      %dma_start3A_80 = tpu.memref_slice %arg2[%dma_start3A_78, %dma_start3A_79] : memref<16384x16xf32, #tpu.memory_space<hbm>> -> memref<16384x16xf32, #tpu.memory_space<hbm>>
      tpu.enqueue_indirect_dma source(%dma_start3A_80 : memref<16384x16xf32, #tpu.memory_space<hbm>>) target(%dma_start3A_74 : memref<128x16xf32, #tpu.memory_space<vmem>>) offsets(%dma_start3A_77 : memref<128xi32, #tpu.memory_space<vmem>>) semaphore(%arg7 : memref<!tpu.dma_semaphore, #tpu.memory_space<semaphore_mem>>)
      %dma_start3A_81 = arith.constant 7 : i32
      %dma_start3A_82 = arith.constant 896 : i32
      %dma_start3A_83 = arith.constant 0 : i32
      %dma_start3A_84 = tpu.memref_slice %arg6[%dma_start3A_82, %dma_start3A_83] : memref<1024x16xf32, #tpu.memory_space<vmem>> -> memref<128x16xf32, #tpu.memory_space<vmem>>
      %dma_start3A_85 = arith.constant 0 : i32
      %dma_start3A_86 = tpu.memref_slice %arg5[%dma_start3A_81, %dma_start3A_85] : memref<8x128xi32, #tpu.memory_space<vmem>> -> memref<1x128xi32, #tpu.memory_space<vmem>>
      %dma_start3A_87 = tpu.memref_squeeze %dma_start3A_86 : memref<1x128xi32, #tpu.memory_space<vmem>> -> memref<128xi32, #tpu.memory_space<vmem>>
      %dma_start3A_88 = arith.constant 0 : i32
      %dma_start3A_89 = arith.constant 0 : i32
      %dma_start3A_90 = tpu.memref_slice %arg2[%dma_start3A_88, %dma_start3A_89] : memref<16384x16xf32, #tpu.memory_space<hbm>> -> memref<16384x16xf32, #tpu.memory_space<hbm>>
      tpu.enqueue_indirect_dma source(%dma_start3A_90 : memref<16384x16xf32, #tpu.memory_space<hbm>>) target(%dma_start3A_84 : memref<128x16xf32, #tpu.memory_space<vmem>>) offsets(%dma_start3A_87 : memref<128xi32, #tpu.memory_space<vmem>>) semaphore(%arg7 : memref<!tpu.dma_semaphore, #tpu.memory_space<semaphore_mem>>)
      %dma_wait3A = arith.constant 0 : i32
      %dma_wait3A_91 = arith.constant 0 : i32
      %dma_wait3A_92 = arith.constant 0 : i32
      %dma_wait3A_93 = tpu.memref_slice %arg6[%dma_wait3A_91, %dma_wait3A_92] : memref<1024x16xf32, #tpu.memory_space<vmem>> -> memref<128x16xf32, #tpu.memory_space<vmem>>
      %dma_wait3A_94 = arith.constant 0 : i32
      %dma_wait3A_95 = tpu.memref_slice %arg5[%dma_wait3A, %dma_wait3A_94] : memref<8x128xi32, #tpu.memory_space<vmem>> -> memref<1x128xi32, #tpu.memory_space<vmem>>
      %dma_wait3A_96 = tpu.memref_squeeze %dma_wait3A_95 : memref<1x128xi32, #tpu.memory_space<vmem>> -> memref<128xi32, #tpu.memory_space<vmem>>
      %dma_wait3A_97 = arith.constant 0 : i32
      %dma_wait3A_98 = arith.constant 0 : i32
      %dma_wait3A_99 = tpu.memref_slice %arg2[%dma_wait3A_97, %dma_wait3A_98] : memref<16384x16xf32, #tpu.memory_space<hbm>> -> memref<16384x16xf32, #tpu.memory_space<hbm>>
      tpu.wait_indirect_dma semaphore(%arg7 : memref<!tpu.dma_semaphore, #tpu.memory_space<semaphore_mem>>) src(%dma_wait3A_99 : memref<16384x16xf32, #tpu.memory_space<hbm>>) dst(%dma_wait3A_93 : memref<128x16xf32, #tpu.memory_space<vmem>>)
      %dma_wait3A_100 = arith.constant 1 : i32
      %dma_wait3A_101 = arith.constant 128 : i32
      %dma_wait3A_102 = arith.constant 0 : i32
      %dma_wait3A_103 = tpu.memref_slice %arg6[%dma_wait3A_101, %dma_wait3A_102] : memref<1024x16xf32, #tpu.memory_space<vmem>> -> memref<128x16xf32, #tpu.memory_space<vmem>>
      %dma_wait3A_104 = arith.constant 0 : i32
      %dma_wait3A_105 = tpu.memref_slice %arg5[%dma_wait3A_100, %dma_wait3A_104] : memref<8x128xi32, #tpu.memory_space<vmem>> -> memref<1x128xi32, #tpu.memory_space<vmem>>
      %dma_wait3A_106 = tpu.memref_squeeze %dma_wait3A_105 : memref<1x128xi32, #tpu.memory_space<vmem>> -> memref<128xi32, #tpu.memory_space<vmem>>
      %dma_wait3A_107 = arith.constant 0 : i32
      %dma_wait3A_108 = arith.constant 0 : i32
      %dma_wait3A_109 = tpu.memref_slice %arg2[%dma_wait3A_107, %dma_wait3A_108] : memref<16384x16xf32, #tpu.memory_space<hbm>> -> memref<16384x16xf32, #tpu.memory_space<hbm>>
      tpu.wait_indirect_dma semaphore(%arg7 : memref<!tpu.dma_semaphore, #tpu.memory_space<semaphore_mem>>) src(%dma_wait3A_109 : memref<16384x16xf32, #tpu.memory_space<hbm>>) dst(%dma_wait3A_103 : memref<128x16xf32, #tpu.memory_space<vmem>>)
      %dma_wait3A_110 = arith.constant 2 : i32
      %dma_wait3A_111 = arith.constant 256 : i32
      %dma_wait3A_112 = arith.constant 0 : i32
      %dma_wait3A_113 = tpu.memref_slice %arg6[%dma_wait3A_111, %dma_wait3A_112] : memref<1024x16xf32, #tpu.memory_space<vmem>> -> memref<128x16xf32, #tpu.memory_space<vmem>>
      %dma_wait3A_114 = arith.constant 0 : i32
      %dma_wait3A_115 = tpu.memref_slice %arg5[%dma_wait3A_110, %dma_wait3A_114] : memref<8x128xi32, #tpu.memory_space<vmem>> -> memref<1x128xi32, #tpu.memory_space<vmem>>
      %dma_wait3A_116 = tpu.memref_squeeze %dma_wait3A_115 : memref<1x128xi32, #tpu.memory_space<vmem>> -> memref<128xi32, #tpu.memory_space<vmem>>
      %dma_wait3A_117 = arith.constant 0 : i32
      %dma_wait3A_118 = arith.constant 0 : i32
      %dma_wait3A_119 = tpu.memref_slice %arg2[%dma_wait3A_117, %dma_wait3A_118] : memref<16384x16xf32, #tpu.memory_space<hbm>> -> memref<16384x16xf32, #tpu.memory_space<hbm>>
      tpu.wait_indirect_dma semaphore(%arg7 : memref<!tpu.dma_semaphore, #tpu.memory_space<semaphore_mem>>) src(%dma_wait3A_119 : memref<16384x16xf32, #tpu.memory_space<hbm>>) dst(%dma_wait3A_113 : memref<128x16xf32, #tpu.memory_space<vmem>>)
      %dma_wait3A_120 = arith.constant 3 : i32
      %dma_wait3A_121 = arith.constant 384 : i32
      %dma_wait3A_122 = arith.constant 0 : i32
      %dma_wait3A_123 = tpu.memref_slice %arg6[%dma_wait3A_121, %dma_wait3A_122] : memref<1024x16xf32, #tpu.memory_space<vmem>> -> memref<128x16xf32, #tpu.memory_space<vmem>>
      %dma_wait3A_124 = arith.constant 0 : i32
      %dma_wait3A_125 = tpu.memref_slice %arg5[%dma_wait3A_120, %dma_wait3A_124] : memref<8x128xi32, #tpu.memory_space<vmem>> -> memref<1x128xi32, #tpu.memory_space<vmem>>
      %dma_wait3A_126 = tpu.memref_squeeze %dma_wait3A_125 : memref<1x128xi32, #tpu.memory_space<vmem>> -> memref<128xi32, #tpu.memory_space<vmem>>
      %dma_wait3A_127 = arith.constant 0 : i32
      %dma_wait3A_128 = arith.constant 0 : i32
      %dma_wait3A_129 = tpu.memref_slice %arg2[%dma_wait3A_127, %dma_wait3A_128] : memref<16384x16xf32, #tpu.memory_space<hbm>> -> memref<16384x16xf32, #tpu.memory_space<hbm>>
      tpu.wait_indirect_dma semaphore(%arg7 : memref<!tpu.dma_semaphore, #tpu.memory_space<semaphore_mem>>) src(%dma_wait3A_129 : memref<16384x16xf32, #tpu.memory_space<hbm>>) dst(%dma_wait3A_123 : memref<128x16xf32, #tpu.memory_space<vmem>>)
      %dma_wait3A_130 = arith.constant 4 : i32
      %dma_wait3A_131 = arith.constant 512 : i32
      %dma_wait3A_132 = arith.constant 0 : i32
      %dma_wait3A_133 = tpu.memref_slice %arg6[%dma_wait3A_131, %dma_wait3A_132] : memref<1024x16xf32, #tpu.memory_space<vmem>> -> memref<128x16xf32, #tpu.memory_space<vmem>>
      %dma_wait3A_134 = arith.constant 0 : i32
      %dma_wait3A_135 = tpu.memref_slice %arg5[%dma_wait3A_130, %dma_wait3A_134] : memref<8x128xi32, #tpu.memory_space<vmem>> -> memref<1x128xi32, #tpu.memory_space<vmem>>
      %dma_wait3A_136 = tpu.memref_squeeze %dma_wait3A_135 : memref<1x128xi32, #tpu.memory_space<vmem>> -> memref<128xi32, #tpu.memory_space<vmem>>
      %dma_wait3A_137 = arith.constant 0 : i32
      %dma_wait3A_138 = arith.constant 0 : i32
      %dma_wait3A_139 = tpu.memref_slice %arg2[%dma_wait3A_137, %dma_wait3A_138] : memref<16384x16xf32, #tpu.memory_space<hbm>> -> memref<16384x16xf32, #tpu.memory_space<hbm>>
      tpu.wait_indirect_dma semaphore(%arg7 : memref<!tpu.dma_semaphore, #tpu.memory_space<semaphore_mem>>) src(%dma_wait3A_139 : memref<16384x16xf32, #tpu.memory_space<hbm>>) dst(%dma_wait3A_133 : memref<128x16xf32, #tpu.memory_space<vmem>>)
      %dma_wait3A_140 = arith.constant 5 : i32
      %dma_wait3A_141 = arith.constant 640 : i32
      %dma_wait3A_142 = arith.constant 0 : i32
      %dma_wait3A_143 = tpu.memref_slice %arg6[%dma_wait3A_141, %dma_wait3A_142] : memref<1024x16xf32, #tpu.memory_space<vmem>> -> memref<128x16xf32, #tpu.memory_space<vmem>>
      %dma_wait3A_144 = arith.constant 0 : i32
      %dma_wait3A_145 = tpu.memref_slice %arg5[%dma_wait3A_140, %dma_wait3A_144] : memref<8x128xi32, #tpu.memory_space<vmem>> -> memref<1x128xi32, #tpu.memory_space<vmem>>
      %dma_wait3A_146 = tpu.memref_squeeze %dma_wait3A_145 : memref<1x128xi32, #tpu.memory_space<vmem>> -> memref<128xi32, #tpu.memory_space<vmem>>
      %dma_wait3A_147 = arith.constant 0 : i32
      %dma_wait3A_148 = arith.constant 0 : i32
      %dma_wait3A_149 = tpu.memref_slice %arg2[%dma_wait3A_147, %dma_wait3A_148] : memref<16384x16xf32, #tpu.memory_space<hbm>> -> memref<16384x16xf32, #tpu.memory_space<hbm>>
      tpu.wait_indirect_dma semaphore(%arg7 : memref<!tpu.dma_semaphore, #tpu.memory_space<semaphore_mem>>) src(%dma_wait3A_149 : memref<16384x16xf32, #tpu.memory_space<hbm>>) dst(%dma_wait3A_143 : memref<128x16xf32, #tpu.memory_space<vmem>>)
      %dma_wait3A_150 = arith.constant 6 : i32
      %dma_wait3A_151 = arith.constant 768 : i32
      %dma_wait3A_152 = arith.constant 0 : i32
      %dma_wait3A_153 = tpu.memref_slice %arg6[%dma_wait3A_151, %dma_wait3A_152] : memref<1024x16xf32, #tpu.memory_space<vmem>> -> memref<128x16xf32, #tpu.memory_space<vmem>>
      %dma_wait3A_154 = arith.constant 0 : i32
      %dma_wait3A_155 = tpu.memref_slice %arg5[%dma_wait3A_150, %dma_wait3A_154] : memref<8x128xi32, #tpu.memory_space<vmem>> -> memref<1x128xi32, #tpu.memory_space<vmem>>
      %dma_wait3A_156 = tpu.memref_squeeze %dma_wait3A_155 : memref<1x128xi32, #tpu.memory_space<vmem>> -> memref<128xi32, #tpu.memory_space<vmem>>
      %dma_wait3A_157 = arith.constant 0 : i32
      %dma_wait3A_158 = arith.constant 0 : i32
      %dma_wait3A_159 = tpu.memref_slice %arg2[%dma_wait3A_157, %dma_wait3A_158] : memref<16384x16xf32, #tpu.memory_space<hbm>> -> memref<16384x16xf32, #tpu.memory_space<hbm>>
      tpu.wait_indirect_dma semaphore(%arg7 : memref<!tpu.dma_semaphore, #tpu.memory_space<semaphore_mem>>) src(%dma_wait3A_159 : memref<16384x16xf32, #tpu.memory_space<hbm>>) dst(%dma_wait3A_153 : memref<128x16xf32, #tpu.memory_space<vmem>>)
      %dma_wait3A_160 = arith.constant 7 : i32
      %dma_wait3A_161 = arith.constant 896 : i32
      %dma_wait3A_162 = arith.constant 0 : i32
      %dma_wait3A_163 = tpu.memref_slice %arg6[%dma_wait3A_161, %dma_wait3A_162] : memref<1024x16xf32, #tpu.memory_space<vmem>> -> memref<128x16xf32, #tpu.memory_space<vmem>>
      %dma_wait3A_164 = arith.constant 0 : i32
      %dma_wait3A_165 = tpu.memref_slice %arg5[%dma_wait3A_160, %dma_wait3A_164] : memref<8x128xi32, #tpu.memory_space<vmem>> -> memref<1x128xi32, #tpu.memory_space<vmem>>
      %dma_wait3A_166 = tpu.memref_squeeze %dma_wait3A_165 : memref<1x128xi32, #tpu.memory_space<vmem>> -> memref<128xi32, #tpu.memory_space<vmem>>
      %dma_wait3A_167 = arith.constant 0 : i32
      %dma_wait3A_168 = arith.constant 0 : i32
      %dma_wait3A_169 = tpu.memref_slice %arg2[%dma_wait3A_167, %dma_wait3A_168] : memref<16384x16xf32, #tpu.memory_space<hbm>> -> memref<16384x16xf32, #tpu.memory_space<hbm>>
      tpu.wait_indirect_dma semaphore(%arg7 : memref<!tpu.dma_semaphore, #tpu.memory_space<semaphore_mem>>) src(%dma_wait3A_169 : memref<16384x16xf32, #tpu.memory_space<hbm>>) dst(%dma_wait3A_163 : memref<128x16xf32, #tpu.memory_space<vmem>>)
      %mul3A_170 = arith.constant 128 : i32
      %mul3A_171 = arith.muli %add3A_11, %mul3A_170 : i32
      "tpu.region"() ({
        %run_scoped3A = tpu.sem_alloc : memref<!tpu.dma_semaphore, #tpu.memory_space<semaphore_mem>>
        %dma_start3A_172 = arith.constant 0 : i32
        %dma_start3A_173 = tpu.memref_slice %arg4[%mul3A_171, %dma_start3A_172] : memref<327680x16xf32, #tpu.memory_space<hbm>> -> memref<1024x16xf32, #tpu.memory_space<hbm>>
        %dma_start3A_174 = arith.constant 0 : i32
        %dma_start3A_175 = tpu.memref_slice %arg4[%mul3A_171, %dma_start3A_174] : memref<327680x16xf32, #tpu.memory_space<hbm>> -> memref<1024x16xf32, #tpu.memory_space<hbm>>
        tpu.enqueue_dma source(%arg6 : memref<1024x16xf32, #tpu.memory_space<vmem>>) target(%dma_start3A_175 : memref<1024x16xf32, #tpu.memory_space<hbm>>) target_semaphore(%run_scoped3A : memref<!tpu.dma_semaphore, #tpu.memory_space<semaphore_mem>>)
        %dma_wait3A_176 = arith.constant 0 : i32
        %dma_wait3A_177 = tpu.memref_slice %arg4[%mul3A_171, %dma_wait3A_176] : memref<327680x16xf32, #tpu.memory_space<hbm>> -> memref<1024x16xf32, #tpu.memory_space<hbm>>
        %dma_wait3A_178 = arith.constant 0 : i32
        %dma_wait3A_179 = tpu.memref_slice %arg4[%mul3A_171, %dma_wait3A_178] : memref<327680x16xf32, #tpu.memory_space<hbm>> -> memref<1024x16xf32, #tpu.memory_space<hbm>>
        tpu.wait_dma2 semaphore(%run_scoped3A : memref<!tpu.dma_semaphore, #tpu.memory_space<semaphore_mem>>) src(%arg6 : memref<1024x16xf32, #tpu.memory_space<vmem>>) dst(%dma_wait3A_179 : memref<1024x16xf32, #tpu.memory_space<hbm>>)
        tpu.yield
      }) : () -> ()
    }
    %scan3A_7 = arith.constant 10 : i32
    return
  }
}

#map = affine_map<(d0, d1) -> (0, 0)>
module attributes {stable_mosaic.version = 14 : i64} {
  func.func @_sc_gather_body(%arg0: i32, %arg1: i32, %arg2: memref<16384x16xf32, #tpu.memory_space<hbm>>, %arg3: memref<2560x128xi32, #tpu.memory_space<hbm>>, %arg4: memref<327680x16xf32, #tpu.memory_space<hbm>>, %arg5: memref<8x128xi32, #tpu.memory_space<vmem>>, %arg6: memref<1024x16xf32, #tpu.memory_space<vmem>>, %arg7: memref<!tpu.dma_semaphore, #tpu.memory_space<semaphore_mem>>) attributes {dimension_semantics = [#tpu.dimension_semantics<core_parallel>, #tpu.dimension_semantics<subcore_parallel>], iteration_bounds = array<i64: 2, 16>, scalar_prefetch = 0 : i64, scratch_operands = 3 : i64, tpu.core_type = #tpu.core_type<sc_vector_subcore>, window_params = [{transform_indices = #map}, {transform_indices = #map}, {transform_indices = #map}]} {
    %mul3A = arith.constant 2 : i32
    %mul3A_0 = arith.muli %arg1, %mul3A : i32
    %add3A = arith.addi %mul3A_0, %arg0 : i32
    %mul3A_1 = arith.constant 80 : i32
    %mul3A_2 = arith.muli %add3A, %mul3A_1 : i32
    %scan3A = arith.constant 0 : i32
    %scan3A_3 = arith.constant 0 : i32
    %scan3A_4 = arith.constant 10 : i32
    %scan3A_5 = arith.addi %scan3A_3, %scan3A_4 : i32
    %scan3A_6 = arith.constant 1 : i32
    scf.for %scan3A_8 = %scan3A_3 to %scan3A_5 step %scan3A_6  : i32 {
      %mul3A_9 = arith.constant 8 : i32
      %mul3A_10 = arith.muli %scan3A_8, %mul3A_9 : i32
      %add3A_11 = arith.addi %mul3A_2, %mul3A_10 : i32
      "tpu.region"() ({
        %run_scoped3A = tpu.sem_alloc : memref<!tpu.dma_semaphore, #tpu.memory_space<semaphore_mem>>
        %dma_start3A_172 = arith.constant 0 : i32
        %dma_start3A_173 = tpu.memref_slice %arg3[%add3A_11, %dma_start3A_172] : memref<2560x128xi32, #tpu.memory_space<hbm>> -> memref<8x128xi32, #tpu.memory_space<hbm>>
        %dma_start3A_174 = arith.constant 0 : i32
        %dma_start3A_175 = tpu.memref_slice %arg3[%add3A_11, %dma_start3A_174] : memref<2560x128xi32, #tpu.memory_space<hbm>> -> memref<8x128xi32, #tpu.memory_space<hbm>>
        tpu.enqueue_dma source(%dma_start3A_175 : memref<8x128xi32, #tpu.memory_space<hbm>>) target(%arg5 : memref<8x128xi32, #tpu.memory_space<vmem>>) target_semaphore(%run_scoped3A : memref<!tpu.dma_semaphore, #tpu.memory_space<semaphore_mem>>)
        %dma_wait3A_176 = arith.constant 0 : i32
        %dma_wait3A_177 = tpu.memref_slice %arg3[%add3A_11, %dma_wait3A_176] : memref<2560x128xi32, #tpu.memory_space<hbm>> -> memref<8x128xi32, #tpu.memory_space<hbm>>
        %dma_wait3A_178 = arith.constant 0 : i32
        %dma_wait3A_179 = tpu.memref_slice %arg3[%add3A_11, %dma_wait3A_178] : memref<2560x128xi32, #tpu.memory_space<hbm>> -> memref<8x128xi32, #tpu.memory_space<hbm>>
        tpu.wait_dma2 semaphore(%run_scoped3A : memref<!tpu.dma_semaphore, #tpu.memory_space<semaphore_mem>>) src(%dma_wait3A_179 : memref<8x128xi32, #tpu.memory_space<hbm>>) dst(%arg5 : memref<8x128xi32, #tpu.memory_space<vmem>>)
        tpu.yield
      }) : () -> ()
      %dma_start3A = arith.constant 0 : i32
      %dma_start3A_12 = arith.constant 0 : i32
      %dma_start3A_13 = arith.constant 0 : i32
      %dma_start3A_14 = tpu.memref_slice %arg6[%dma_start3A_12, %dma_start3A_13] : memref<1024x16xf32, #tpu.memory_space<vmem>> -> memref<128x16xf32, #tpu.memory_space<vmem>>
      %dma_start3A_15 = arith.constant 0 : i32
      %dma_start3A_16 = tpu.memref_slice %arg5[%dma_start3A, %dma_start3A_15] : memref<8x128xi32, #tpu.memory_space<vmem>> -> memref<1x128xi32, #tpu.memory_space<vmem>>
      %dma_start3A_17 = tpu.memref_squeeze %dma_start3A_16 : memref<1x128xi32, #tpu.memory_space<vmem>> -> memref<128xi32, #tpu.memory_space<vmem>>
      %dma_start3A_18 = arith.constant 0 : i32
      %dma_start3A_19 = arith.constant 0 : i32
      %dma_start3A_20 = tpu.memref_slice %arg2[%dma_start3A_18, %dma_start3A_19] : memref<16384x16xf32, #tpu.memory_space<hbm>> -> memref<16384x16xf32, #tpu.memory_space<hbm>>
      tpu.enqueue_indirect_dma source(%dma_start3A_20 : memref<16384x16xf32, #tpu.memory_space<hbm>>) target(%dma_start3A_14 : memref<128x16xf32, #tpu.memory_space<vmem>>) offsets(%dma_start3A_17 : memref<128xi32, #tpu.memory_space<vmem>>) semaphore(%arg7 : memref<!tpu.dma_semaphore, #tpu.memory_space<semaphore_mem>>)
      %dma_start3A_21 = arith.constant 1 : i32
      %dma_start3A_22 = arith.constant 128 : i32
      %dma_start3A_23 = arith.constant 0 : i32
      %dma_start3A_24 = tpu.memref_slice %arg6[%dma_start3A_22, %dma_start3A_23] : memref<1024x16xf32, #tpu.memory_space<vmem>> -> memref<128x16xf32, #tpu.memory_space<vmem>>
      %dma_start3A_25 = arith.constant 0 : i32
      %dma_start3A_26 = tpu.memref_slice %arg5[%dma_start3A_21, %dma_start3A_25] : memref<8x128xi32, #tpu.memory_space<vmem>> -> memref<1x128xi32, #tpu.memory_space<vmem>>
      %dma_start3A_27 = tpu.memref_squeeze %dma_start3A_26 : memref<1x128xi32, #tpu.memory_space<vmem>> -> memref<128xi32, #tpu.memory_space<vmem>>
      %dma_start3A_28 = arith.constant 0 : i32
      %dma_start3A_29 = arith.constant 0 : i32
      %dma_start3A_30 = tpu.memref_slice %arg2[%dma_start3A_28, %dma_start3A_29] : memref<16384x16xf32, #tpu.memory_space<hbm>> -> memref<16384x16xf32, #tpu.memory_space<hbm>>
      tpu.enqueue_indirect_dma source(%dma_start3A_30 : memref<16384x16xf32, #tpu.memory_space<hbm>>) target(%dma_start3A_24 : memref<128x16xf32, #tpu.memory_space<vmem>>) offsets(%dma_start3A_27 : memref<128xi32, #tpu.memory_space<vmem>>) semaphore(%arg7 : memref<!tpu.dma_semaphore, #tpu.memory_space<semaphore_mem>>)
      %dma_start3A_31 = arith.constant 2 : i32
      %dma_start3A_32 = arith.constant 256 : i32
      %dma_start3A_33 = arith.constant 0 : i32
      %dma_start3A_34 = tpu.memref_slice %arg6[%dma_start3A_32, %dma_start3A_33] : memref<1024x16xf32, #tpu.memory_space<vmem>> -> memref<128x16xf32, #tpu.memory_space<vmem>>
      %dma_start3A_35 = arith.constant 0 : i32
      %dma_start3A_36 = tpu.memref_slice %arg5[%dma_start3A_31, %dma_start3A_35] : memref<8x128xi32, #tpu.memory_space<vmem>> -> memref<1x128xi32, #tpu.memory_space<vmem>>
      %dma_start3A_37 = tpu.memref_squeeze %dma_start3A_36 : memref<1x128xi32, #tpu.memory_space<vmem>> -> memref<128xi32, #tpu.memory_space<vmem>>
      %dma_start3A_38 = arith.constant 0 : i32
      %dma_start3A_39 = arith.constant 0 : i32
      %dma_start3A_40 = tpu.memref_slice %arg2[%dma_start3A_38, %dma_start3A_39] : memref<16384x16xf32, #tpu.memory_space<hbm>> -> memref<16384x16xf32, #tpu.memory_space<hbm>>
      tpu.enqueue_indirect_dma source(%dma_start3A_40 : memref<16384x16xf32, #tpu.memory_space<hbm>>) target(%dma_start3A_34 : memref<128x16xf32, #tpu.memory_space<vmem>>) offsets(%dma_start3A_37 : memref<128xi32, #tpu.memory_space<vmem>>) semaphore(%arg7 : memref<!tpu.dma_semaphore, #tpu.memory_space<semaphore_mem>>)
      %dma_start3A_41 = arith.constant 3 : i32
      %dma_start3A_42 = arith.constant 384 : i32
      %dma_start3A_43 = arith.constant 0 : i32
      %dma_start3A_44 = tpu.memref_slice %arg6[%dma_start3A_42, %dma_start3A_43] : memref<1024x16xf32, #tpu.memory_space<vmem>> -> memref<128x16xf32, #tpu.memory_space<vmem>>
      %dma_start3A_45 = arith.constant 0 : i32
      %dma_start3A_46 = tpu.memref_slice %arg5[%dma_start3A_41, %dma_start3A_45] : memref<8x128xi32, #tpu.memory_space<vmem>> -> memref<1x128xi32, #tpu.memory_space<vmem>>
      %dma_start3A_47 = tpu.memref_squeeze %dma_start3A_46 : memref<1x128xi32, #tpu.memory_space<vmem>> -> memref<128xi32, #tpu.memory_space<vmem>>
      %dma_start3A_48 = arith.constant 0 : i32
      %dma_start3A_49 = arith.constant 0 : i32
      %dma_start3A_50 = tpu.memref_slice %arg2[%dma_start3A_48, %dma_start3A_49] : memref<16384x16xf32, #tpu.memory_space<hbm>> -> memref<16384x16xf32, #tpu.memory_space<hbm>>
      tpu.enqueue_indirect_dma source(%dma_start3A_50 : memref<16384x16xf32, #tpu.memory_space<hbm>>) target(%dma_start3A_44 : memref<128x16xf32, #tpu.memory_space<vmem>>) offsets(%dma_start3A_47 : memref<128xi32, #tpu.memory_space<vmem>>) semaphore(%arg7 : memref<!tpu.dma_semaphore, #tpu.memory_space<semaphore_mem>>)
      %dma_start3A_51 = arith.constant 4 : i32
      %dma_start3A_52 = arith.constant 512 : i32
      %dma_start3A_53 = arith.constant 0 : i32
      %dma_start3A_54 = tpu.memref_slice %arg6[%dma_start3A_52, %dma_start3A_53] : memref<1024x16xf32, #tpu.memory_space<vmem>> -> memref<128x16xf32, #tpu.memory_space<vmem>>
      %dma_start3A_55 = arith.constant 0 : i32
      %dma_start3A_56 = tpu.memref_slice %arg5[%dma_start3A_51, %dma_start3A_55] : memref<8x128xi32, #tpu.memory_space<vmem>> -> memref<1x128xi32, #tpu.memory_space<vmem>>
      %dma_start3A_57 = tpu.memref_squeeze %dma_start3A_56 : memref<1x128xi32, #tpu.memory_space<vmem>> -> memref<128xi32, #tpu.memory_space<vmem>>
      %dma_start3A_58 = arith.constant 0 : i32
      %dma_start3A_59 = arith.constant 0 : i32
      %dma_start3A_60 = tpu.memref_slice %arg2[%dma_start3A_58, %dma_start3A_59] : memref<16384x16xf32, #tpu.memory_space<hbm>> -> memref<16384x16xf32, #tpu.memory_space<hbm>>
      tpu.enqueue_indirect_dma source(%dma_start3A_60 : memref<16384x16xf32, #tpu.memory_space<hbm>>) target(%dma_start3A_54 : memref<128x16xf32, #tpu.memory_space<vmem>>) offsets(%dma_start3A_57 : memref<128xi32, #tpu.memory_space<vmem>>) semaphore(%arg7 : memref<!tpu.dma_semaphore, #tpu.memory_space<semaphore_mem>>)
      %dma_start3A_61 = arith.constant 5 : i32
      %dma_start3A_62 = arith.constant 640 : i32
      %dma_start3A_63 = arith.constant 0 : i32
      %dma_start3A_64 = tpu.memref_slice %arg6[%dma_start3A_62, %dma_start3A_63] : memref<1024x16xf32, #tpu.memory_space<vmem>> -> memref<128x16xf32, #tpu.memory_space<vmem>>
      %dma_start3A_65 = arith.constant 0 : i32
      %dma_start3A_66 = tpu.memref_slice %arg5[%dma_start3A_61, %dma_start3A_65] : memref<8x128xi32, #tpu.memory_space<vmem>> -> memref<1x128xi32, #tpu.memory_space<vmem>>
      %dma_start3A_67 = tpu.memref_squeeze %dma_start3A_66 : memref<1x128xi32, #tpu.memory_space<vmem>> -> memref<128xi32, #tpu.memory_space<vmem>>
      %dma_start3A_68 = arith.constant 0 : i32
      %dma_start3A_69 = arith.constant 0 : i32
      %dma_start3A_70 = tpu.memref_slice %arg2[%dma_start3A_68, %dma_start3A_69] : memref<16384x16xf32, #tpu.memory_space<hbm>> -> memref<16384x16xf32, #tpu.memory_space<hbm>>
      tpu.enqueue_indirect_dma source(%dma_start3A_70 : memref<16384x16xf32, #tpu.memory_space<hbm>>) target(%dma_start3A_64 : memref<128x16xf32, #tpu.memory_space<vmem>>) offsets(%dma_start3A_67 : memref<128xi32, #tpu.memory_space<vmem>>) semaphore(%arg7 : memref<!tpu.dma_semaphore, #tpu.memory_space<semaphore_mem>>)
      %dma_start3A_71 = arith.constant 6 : i32
      %dma_start3A_72 = arith.constant 768 : i32
      %dma_start3A_73 = arith.constant 0 : i32
      %dma_start3A_74 = tpu.memref_slice %arg6[%dma_start3A_72, %dma_start3A_73] : memref<1024x16xf32, #tpu.memory_space<vmem>> -> memref<128x16xf32, #tpu.memory_space<vmem>>
      %dma_start3A_75 = arith.constant 0 : i32
      %dma_start3A_76 = tpu.memref_slice %arg5[%dma_start3A_71, %dma_start3A_75] : memref<8x128xi32, #tpu.memory_space<vmem>> -> memref<1x128xi32, #tpu.memory_space<vmem>>
      %dma_start3A_77 = tpu.memref_squeeze %dma_start3A_76 : memref<1x128xi32, #tpu.memory_space<vmem>> -> memref<128xi32, #tpu.memory_space<vmem>>
      %dma_start3A_78 = arith.constant 0 : i32
      %dma_start3A_79 = arith.constant 0 : i32
      %dma_start3A_80 = tpu.memref_slice %arg2[%dma_start3A_78, %dma_start3A_79] : memref<16384x16xf32, #tpu.memory_space<hbm>> -> memref<16384x16xf32, #tpu.memory_space<hbm>>
      tpu.enqueue_indirect_dma source(%dma_start3A_80 : memref<16384x16xf32, #tpu.memory_space<hbm>>) target(%dma_start3A_74 : memref<128x16xf32, #tpu.memory_space<vmem>>) offsets(%dma_start3A_77 : memref<128xi32, #tpu.memory_space<vmem>>) semaphore(%arg7 : memref<!tpu.dma_semaphore, #tpu.memory_space<semaphore_mem>>)
      %dma_start3A_81 = arith.constant 7 : i32
      %dma_start3A_82 = arith.constant 896 : i32
      %dma_start3A_83 = arith.constant 0 : i32
      %dma_start3A_84 = tpu.memref_slice %arg6[%dma_start3A_82, %dma_start3A_83] : memref<1024x16xf32, #tpu.memory_space<vmem>> -> memref<128x16xf32, #tpu.memory_space<vmem>>
      %dma_start3A_85 = arith.constant 0 : i32
      %dma_start3A_86 = tpu.memref_slice %arg5[%dma_start3A_81, %dma_start3A_85] : memref<8x128xi32, #tpu.memory_space<vmem>> -> memref<1x128xi32, #tpu.memory_space<vmem>>
      %dma_start3A_87 = tpu.memref_squeeze %dma_start3A_86 : memref<1x128xi32, #tpu.memory_space<vmem>> -> memref<128xi32, #tpu.memory_space<vmem>>
      %dma_start3A_88 = arith.constant 0 : i32
      %dma_start3A_89 = arith.constant 0 : i32
      %dma_start3A_90 = tpu.memref_slice %arg2[%dma_start3A_88, %dma_start3A_89] : memref<16384x16xf32, #tpu.memory_space<hbm>> -> memref<16384x16xf32, #tpu.memory_space<hbm>>
      tpu.enqueue_indirect_dma source(%dma_start3A_90 : memref<16384x16xf32, #tpu.memory_space<hbm>>) target(%dma_start3A_84 : memref<128x16xf32, #tpu.memory_space<vmem>>) offsets(%dma_start3A_87 : memref<128xi32, #tpu.memory_space<vmem>>) semaphore(%arg7 : memref<!tpu.dma_semaphore, #tpu.memory_space<semaphore_mem>>)
      %dma_wait3A = arith.constant 0 : i32
      %dma_wait3A_91 = arith.constant 0 : i32
      %dma_wait3A_92 = arith.constant 0 : i32
      %dma_wait3A_93 = tpu.memref_slice %arg6[%dma_wait3A_91, %dma_wait3A_92] : memref<1024x16xf32, #tpu.memory_space<vmem>> -> memref<128x16xf32, #tpu.memory_space<vmem>>
      %dma_wait3A_94 = arith.constant 0 : i32
      %dma_wait3A_95 = tpu.memref_slice %arg5[%dma_wait3A, %dma_wait3A_94] : memref<8x128xi32, #tpu.memory_space<vmem>> -> memref<1x128xi32, #tpu.memory_space<vmem>>
      %dma_wait3A_96 = tpu.memref_squeeze %dma_wait3A_95 : memref<1x128xi32, #tpu.memory_space<vmem>> -> memref<128xi32, #tpu.memory_space<vmem>>
      %dma_wait3A_97 = arith.constant 0 : i32
      %dma_wait3A_98 = arith.constant 0 : i32
      %dma_wait3A_99 = tpu.memref_slice %arg2[%dma_wait3A_97, %dma_wait3A_98] : memref<16384x16xf32, #tpu.memory_space<hbm>> -> memref<16384x16xf32, #tpu.memory_space<hbm>>
      tpu.wait_indirect_dma semaphore(%arg7 : memref<!tpu.dma_semaphore, #tpu.memory_space<semaphore_mem>>) src(%dma_wait3A_99 : memref<16384x16xf32, #tpu.memory_space<hbm>>) dst(%dma_wait3A_93 : memref<128x16xf32, #tpu.memory_space<vmem>>)
      %dma_wait3A_100 = arith.constant 1 : i32
      %dma_wait3A_101 = arith.constant 128 : i32
      %dma_wait3A_102 = arith.constant 0 : i32
      %dma_wait3A_103 = tpu.memref_slice %arg6[%dma_wait3A_101, %dma_wait3A_102] : memref<1024x16xf32, #tpu.memory_space<vmem>> -> memref<128x16xf32, #tpu.memory_space<vmem>>
      %dma_wait3A_104 = arith.constant 0 : i32
      %dma_wait3A_105 = tpu.memref_slice %arg5[%dma_wait3A_100, %dma_wait3A_104] : memref<8x128xi32, #tpu.memory_space<vmem>> -> memref<1x128xi32, #tpu.memory_space<vmem>>
      %dma_wait3A_106 = tpu.memref_squeeze %dma_wait3A_105 : memref<1x128xi32, #tpu.memory_space<vmem>> -> memref<128xi32, #tpu.memory_space<vmem>>
      %dma_wait3A_107 = arith.constant 0 : i32
      %dma_wait3A_108 = arith.constant 0 : i32
      %dma_wait3A_109 = tpu.memref_slice %arg2[%dma_wait3A_107, %dma_wait3A_108] : memref<16384x16xf32, #tpu.memory_space<hbm>> -> memref<16384x16xf32, #tpu.memory_space<hbm>>
      tpu.wait_indirect_dma semaphore(%arg7 : memref<!tpu.dma_semaphore, #tpu.memory_space<semaphore_mem>>) src(%dma_wait3A_109 : memref<16384x16xf32, #tpu.memory_space<hbm>>) dst(%dma_wait3A_103 : memref<128x16xf32, #tpu.memory_space<vmem>>)
      %dma_wait3A_110 = arith.constant 2 : i32
      %dma_wait3A_111 = arith.constant 256 : i32
      %dma_wait3A_112 = arith.constant 0 : i32
      %dma_wait3A_113 = tpu.memref_slice %arg6[%dma_wait3A_111, %dma_wait3A_112] : memref<1024x16xf32, #tpu.memory_space<vmem>> -> memref<128x16xf32, #tpu.memory_space<vmem>>
      %dma_wait3A_114 = arith.constant 0 : i32
      %dma_wait3A_115 = tpu.memref_slice %arg5[%dma_wait3A_110, %dma_wait3A_114] : memref<8x128xi32, #tpu.memory_space<vmem>> -> memref<1x128xi32, #tpu.memory_space<vmem>>
      %dma_wait3A_116 = tpu.memref_squeeze %dma_wait3A_115 : memref<1x128xi32, #tpu.memory_space<vmem>> -> memref<128xi32, #tpu.memory_space<vmem>>
      %dma_wait3A_117 = arith.constant 0 : i32
      %dma_wait3A_118 = arith.constant 0 : i32
      %dma_wait3A_119 = tpu.memref_slice %arg2[%dma_wait3A_117, %dma_wait3A_118] : memref<16384x16xf32, #tpu.memory_space<hbm>> -> memref<16384x16xf32, #tpu.memory_space<hbm>>
      tpu.wait_indirect_dma semaphore(%arg7 : memref<!tpu.dma_semaphore, #tpu.memory_space<semaphore_mem>>) src(%dma_wait3A_119 : memref<16384x16xf32, #tpu.memory_space<hbm>>) dst(%dma_wait3A_113 : memref<128x16xf32, #tpu.memory_space<vmem>>)
      %dma_wait3A_120 = arith.constant 3 : i32
      %dma_wait3A_121 = arith.constant 384 : i32
      %dma_wait3A_122 = arith.constant 0 : i32
      %dma_wait3A_123 = tpu.memref_slice %arg6[%dma_wait3A_121, %dma_wait3A_122] : memref<1024x16xf32, #tpu.memory_space<vmem>> -> memref<128x16xf32, #tpu.memory_space<vmem>>
      %dma_wait3A_124 = arith.constant 0 : i32
      %dma_wait3A_125 = tpu.memref_slice %arg5[%dma_wait3A_120, %dma_wait3A_124] : memref<8x128xi32, #tpu.memory_space<vmem>> -> memref<1x128xi32, #tpu.memory_space<vmem>>
      %dma_wait3A_126 = tpu.memref_squeeze %dma_wait3A_125 : memref<1x128xi32, #tpu.memory_space<vmem>> -> memref<128xi32, #tpu.memory_space<vmem>>
      %dma_wait3A_127 = arith.constant 0 : i32
      %dma_wait3A_128 = arith.constant 0 : i32
      %dma_wait3A_129 = tpu.memref_slice %arg2[%dma_wait3A_127, %dma_wait3A_128] : memref<16384x16xf32, #tpu.memory_space<hbm>> -> memref<16384x16xf32, #tpu.memory_space<hbm>>
      tpu.wait_indirect_dma semaphore(%arg7 : memref<!tpu.dma_semaphore, #tpu.memory_space<semaphore_mem>>) src(%dma_wait3A_129 : memref<16384x16xf32, #tpu.memory_space<hbm>>) dst(%dma_wait3A_123 : memref<128x16xf32, #tpu.memory_space<vmem>>)
      %dma_wait3A_130 = arith.constant 4 : i32
      %dma_wait3A_131 = arith.constant 512 : i32
      %dma_wait3A_132 = arith.constant 0 : i32
      %dma_wait3A_133 = tpu.memref_slice %arg6[%dma_wait3A_131, %dma_wait3A_132] : memref<1024x16xf32, #tpu.memory_space<vmem>> -> memref<128x16xf32, #tpu.memory_space<vmem>>
      %dma_wait3A_134 = arith.constant 0 : i32
      %dma_wait3A_135 = tpu.memref_slice %arg5[%dma_wait3A_130, %dma_wait3A_134] : memref<8x128xi32, #tpu.memory_space<vmem>> -> memref<1x128xi32, #tpu.memory_space<vmem>>
      %dma_wait3A_136 = tpu.memref_squeeze %dma_wait3A_135 : memref<1x128xi32, #tpu.memory_space<vmem>> -> memref<128xi32, #tpu.memory_space<vmem>>
      %dma_wait3A_137 = arith.constant 0 : i32
      %dma_wait3A_138 = arith.constant 0 : i32
      %dma_wait3A_139 = tpu.memref_slice %arg2[%dma_wait3A_137, %dma_wait3A_138] : memref<16384x16xf32, #tpu.memory_space<hbm>> -> memref<16384x16xf32, #tpu.memory_space<hbm>>
      tpu.wait_indirect_dma semaphore(%arg7 : memref<!tpu.dma_semaphore, #tpu.memory_space<semaphore_mem>>) src(%dma_wait3A_139 : memref<16384x16xf32, #tpu.memory_space<hbm>>) dst(%dma_wait3A_133 : memref<128x16xf32, #tpu.memory_space<vmem>>)
      %dma_wait3A_140 = arith.constant 5 : i32
      %dma_wait3A_141 = arith.constant 640 : i32
      %dma_wait3A_142 = arith.constant 0 : i32
      %dma_wait3A_143 = tpu.memref_slice %arg6[%dma_wait3A_141, %dma_wait3A_142] : memref<1024x16xf32, #tpu.memory_space<vmem>> -> memref<128x16xf32, #tpu.memory_space<vmem>>
      %dma_wait3A_144 = arith.constant 0 : i32
      %dma_wait3A_145 = tpu.memref_slice %arg5[%dma_wait3A_140, %dma_wait3A_144] : memref<8x128xi32, #tpu.memory_space<vmem>> -> memref<1x128xi32, #tpu.memory_space<vmem>>
      %dma_wait3A_146 = tpu.memref_squeeze %dma_wait3A_145 : memref<1x128xi32, #tpu.memory_space<vmem>> -> memref<128xi32, #tpu.memory_space<vmem>>
      %dma_wait3A_147 = arith.constant 0 : i32
      %dma_wait3A_148 = arith.constant 0 : i32
      %dma_wait3A_149 = tpu.memref_slice %arg2[%dma_wait3A_147, %dma_wait3A_148] : memref<16384x16xf32, #tpu.memory_space<hbm>> -> memref<16384x16xf32, #tpu.memory_space<hbm>>
      tpu.wait_indirect_dma semaphore(%arg7 : memref<!tpu.dma_semaphore, #tpu.memory_space<semaphore_mem>>) src(%dma_wait3A_149 : memref<16384x16xf32, #tpu.memory_space<hbm>>) dst(%dma_wait3A_143 : memref<128x16xf32, #tpu.memory_space<vmem>>)
      %dma_wait3A_150 = arith.constant 6 : i32
      %dma_wait3A_151 = arith.constant 768 : i32
      %dma_wait3A_152 = arith.constant 0 : i32
      %dma_wait3A_153 = tpu.memref_slice %arg6[%dma_wait3A_151, %dma_wait3A_152] : memref<1024x16xf32, #tpu.memory_space<vmem>> -> memref<128x16xf32, #tpu.memory_space<vmem>>
      %dma_wait3A_154 = arith.constant 0 : i32
      %dma_wait3A_155 = tpu.memref_slice %arg5[%dma_wait3A_150, %dma_wait3A_154] : memref<8x128xi32, #tpu.memory_space<vmem>> -> memref<1x128xi32, #tpu.memory_space<vmem>>
      %dma_wait3A_156 = tpu.memref_squeeze %dma_wait3A_155 : memref<1x128xi32, #tpu.memory_space<vmem>> -> memref<128xi32, #tpu.memory_space<vmem>>
      %dma_wait3A_157 = arith.constant 0 : i32
      %dma_wait3A_158 = arith.constant 0 : i32
      %dma_wait3A_159 = tpu.memref_slice %arg2[%dma_wait3A_157, %dma_wait3A_158] : memref<16384x16xf32, #tpu.memory_space<hbm>> -> memref<16384x16xf32, #tpu.memory_space<hbm>>
      tpu.wait_indirect_dma semaphore(%arg7 : memref<!tpu.dma_semaphore, #tpu.memory_space<semaphore_mem>>) src(%dma_wait3A_159 : memref<16384x16xf32, #tpu.memory_space<hbm>>) dst(%dma_wait3A_153 : memref<128x16xf32, #tpu.memory_space<vmem>>)
      %dma_wait3A_160 = arith.constant 7 : i32
      %dma_wait3A_161 = arith.constant 896 : i32
      %dma_wait3A_162 = arith.constant 0 : i32
      %dma_wait3A_163 = tpu.memref_slice %arg6[%dma_wait3A_161, %dma_wait3A_162] : memref<1024x16xf32, #tpu.memory_space<vmem>> -> memref<128x16xf32, #tpu.memory_space<vmem>>
      %dma_wait3A_164 = arith.constant 0 : i32
      %dma_wait3A_165 = tpu.memref_slice %arg5[%dma_wait3A_160, %dma_wait3A_164] : memref<8x128xi32, #tpu.memory_space<vmem>> -> memref<1x128xi32, #tpu.memory_space<vmem>>
      %dma_wait3A_166 = tpu.memref_squeeze %dma_wait3A_165 : memref<1x128xi32, #tpu.memory_space<vmem>> -> memref<128xi32, #tpu.memory_space<vmem>>
      %dma_wait3A_167 = arith.constant 0 : i32
      %dma_wait3A_168 = arith.constant 0 : i32
      %dma_wait3A_169 = tpu.memref_slice %arg2[%dma_wait3A_167, %dma_wait3A_168] : memref<16384x16xf32, #tpu.memory_space<hbm>> -> memref<16384x16xf32, #tpu.memory_space<hbm>>
      tpu.wait_indirect_dma semaphore(%arg7 : memref<!tpu.dma_semaphore, #tpu.memory_space<semaphore_mem>>) src(%dma_wait3A_169 : memref<16384x16xf32, #tpu.memory_space<hbm>>) dst(%dma_wait3A_163 : memref<128x16xf32, #tpu.memory_space<vmem>>)
      %mul3A_170 = arith.constant 128 : i32
      %mul3A_171 = arith.muli %add3A_11, %mul3A_170 : i32
      "tpu.region"() ({
        %run_scoped3A = tpu.sem_alloc : memref<!tpu.dma_semaphore, #tpu.memory_space<semaphore_mem>>
        %dma_start3A_172 = arith.constant 0 : i32
        %dma_start3A_173 = tpu.memref_slice %arg4[%mul3A_171, %dma_start3A_172] : memref<327680x16xf32, #tpu.memory_space<hbm>> -> memref<1024x16xf32, #tpu.memory_space<hbm>>
        %dma_start3A_174 = arith.constant 0 : i32
        %dma_start3A_175 = tpu.memref_slice %arg4[%mul3A_171, %dma_start3A_174] : memref<327680x16xf32, #tpu.memory_space<hbm>> -> memref<1024x16xf32, #tpu.memory_space<hbm>>
        tpu.enqueue_dma source(%arg6 : memref<1024x16xf32, #tpu.memory_space<vmem>>) target(%dma_start3A_175 : memref<1024x16xf32, #tpu.memory_space<hbm>>) target_semaphore(%run_scoped3A : memref<!tpu.dma_semaphore, #tpu.memory_space<semaphore_mem>>)
        %dma_wait3A_176 = arith.constant 0 : i32
        %dma_wait3A_177 = tpu.memref_slice %arg4[%mul3A_171, %dma_wait3A_176] : memref<327680x16xf32, #tpu.memory_space<hbm>> -> memref<1024x16xf32, #tpu.memory_space<hbm>>
        %dma_wait3A_178 = arith.constant 0 : i32
        %dma_wait3A_179 = tpu.memref_slice %arg4[%mul3A_171, %dma_wait3A_178] : memref<327680x16xf32, #tpu.memory_space<hbm>> -> memref<1024x16xf32, #tpu.memory_space<hbm>>
        tpu.wait_dma2 semaphore(%run_scoped3A : memref<!tpu.dma_semaphore, #tpu.memory_space<semaphore_mem>>) src(%arg6 : memref<1024x16xf32, #tpu.memory_space<vmem>>) dst(%dma_wait3A_179 : memref<1024x16xf32, #tpu.memory_space<hbm>>)
        tpu.yield
      }) : () -> ()
    }
    %scan3A_7 = arith.constant 10 : i32
    return
  }
}

#map = affine_map<(d0, d1) -> (0, 0)>
module attributes {stable_mosaic.version = 14 : i64} {
  func.func @_sc_gather_body(%arg0: i32, %arg1: i32, %arg2: memref<16384x16xf32, #tpu.memory_space<hbm>>, %arg3: memref<2560x128xi32, #tpu.memory_space<hbm>>, %arg4: memref<327680x16xf32, #tpu.memory_space<hbm>>, %arg5: memref<8x128xi32, #tpu.memory_space<vmem>>, %arg6: memref<1024x16xf32, #tpu.memory_space<vmem>>, %arg7: memref<!tpu.dma_semaphore, #tpu.memory_space<semaphore_mem>>) attributes {dimension_semantics = [#tpu.dimension_semantics<core_parallel>, #tpu.dimension_semantics<subcore_parallel>], iteration_bounds = array<i64: 2, 16>, scalar_prefetch = 0 : i64, scratch_operands = 3 : i64, tpu.core_type = #tpu.core_type<sc_vector_subcore>, window_params = [{transform_indices = #map}, {transform_indices = #map}, {transform_indices = #map}]} {
    %mul3A = arith.constant 2 : i32
    %mul3A_0 = arith.muli %arg1, %mul3A : i32
    %add3A = arith.addi %mul3A_0, %arg0 : i32
    %mul3A_1 = arith.constant 80 : i32
    %mul3A_2 = arith.muli %add3A, %mul3A_1 : i32
    %scan3A = arith.constant 0 : i32
    %scan3A_3 = arith.constant 0 : i32
    %scan3A_4 = arith.constant 10 : i32
    %scan3A_5 = arith.addi %scan3A_3, %scan3A_4 : i32
    %scan3A_6 = arith.constant 1 : i32
    scf.for %scan3A_8 = %scan3A_3 to %scan3A_5 step %scan3A_6  : i32 {
      %mul3A_9 = arith.constant 8 : i32
      %mul3A_10 = arith.muli %scan3A_8, %mul3A_9 : i32
      %add3A_11 = arith.addi %mul3A_2, %mul3A_10 : i32
      "tpu.region"() ({
        %run_scoped3A = tpu.sem_alloc : memref<!tpu.dma_semaphore, #tpu.memory_space<semaphore_mem>>
        %dma_start3A_172 = arith.constant 0 : i32
        %dma_start3A_173 = tpu.memref_slice %arg3[%add3A_11, %dma_start3A_172] : memref<2560x128xi32, #tpu.memory_space<hbm>> -> memref<8x128xi32, #tpu.memory_space<hbm>>
        %dma_start3A_174 = arith.constant 0 : i32
        %dma_start3A_175 = tpu.memref_slice %arg3[%add3A_11, %dma_start3A_174] : memref<2560x128xi32, #tpu.memory_space<hbm>> -> memref<8x128xi32, #tpu.memory_space<hbm>>
        tpu.enqueue_dma source(%dma_start3A_175 : memref<8x128xi32, #tpu.memory_space<hbm>>) target(%arg5 : memref<8x128xi32, #tpu.memory_space<vmem>>) target_semaphore(%run_scoped3A : memref<!tpu.dma_semaphore, #tpu.memory_space<semaphore_mem>>)
        %dma_wait3A_176 = arith.constant 0 : i32
        %dma_wait3A_177 = tpu.memref_slice %arg3[%add3A_11, %dma_wait3A_176] : memref<2560x128xi32, #tpu.memory_space<hbm>> -> memref<8x128xi32, #tpu.memory_space<hbm>>
        %dma_wait3A_178 = arith.constant 0 : i32
        %dma_wait3A_179 = tpu.memref_slice %arg3[%add3A_11, %dma_wait3A_178] : memref<2560x128xi32, #tpu.memory_space<hbm>> -> memref<8x128xi32, #tpu.memory_space<hbm>>
        tpu.wait_dma2 semaphore(%run_scoped3A : memref<!tpu.dma_semaphore, #tpu.memory_space<semaphore_mem>>) src(%dma_wait3A_179 : memref<8x128xi32, #tpu.memory_space<hbm>>) dst(%arg5 : memref<8x128xi32, #tpu.memory_space<vmem>>)
        tpu.yield
      }) : () -> ()
      %dma_start3A = arith.constant 0 : i32
      %dma_start3A_12 = arith.constant 0 : i32
      %dma_start3A_13 = arith.constant 0 : i32
      %dma_start3A_14 = tpu.memref_slice %arg6[%dma_start3A_12, %dma_start3A_13] : memref<1024x16xf32, #tpu.memory_space<vmem>> -> memref<128x16xf32, #tpu.memory_space<vmem>>
      %dma_start3A_15 = arith.constant 0 : i32
      %dma_start3A_16 = tpu.memref_slice %arg5[%dma_start3A, %dma_start3A_15] : memref<8x128xi32, #tpu.memory_space<vmem>> -> memref<1x128xi32, #tpu.memory_space<vmem>>
      %dma_start3A_17 = tpu.memref_squeeze %dma_start3A_16 : memref<1x128xi32, #tpu.memory_space<vmem>> -> memref<128xi32, #tpu.memory_space<vmem>>
      %dma_start3A_18 = arith.constant 0 : i32
      %dma_start3A_19 = arith.constant 0 : i32
      %dma_start3A_20 = tpu.memref_slice %arg2[%dma_start3A_18, %dma_start3A_19] : memref<16384x16xf32, #tpu.memory_space<hbm>> -> memref<16384x16xf32, #tpu.memory_space<hbm>>
      tpu.enqueue_indirect_dma source(%dma_start3A_20 : memref<16384x16xf32, #tpu.memory_space<hbm>>) target(%dma_start3A_14 : memref<128x16xf32, #tpu.memory_space<vmem>>) offsets(%dma_start3A_17 : memref<128xi32, #tpu.memory_space<vmem>>) semaphore(%arg7 : memref<!tpu.dma_semaphore, #tpu.memory_space<semaphore_mem>>)
      %dma_start3A_21 = arith.constant 1 : i32
      %dma_start3A_22 = arith.constant 128 : i32
      %dma_start3A_23 = arith.constant 0 : i32
      %dma_start3A_24 = tpu.memref_slice %arg6[%dma_start3A_22, %dma_start3A_23] : memref<1024x16xf32, #tpu.memory_space<vmem>> -> memref<128x16xf32, #tpu.memory_space<vmem>>
      %dma_start3A_25 = arith.constant 0 : i32
      %dma_start3A_26 = tpu.memref_slice %arg5[%dma_start3A_21, %dma_start3A_25] : memref<8x128xi32, #tpu.memory_space<vmem>> -> memref<1x128xi32, #tpu.memory_space<vmem>>
      %dma_start3A_27 = tpu.memref_squeeze %dma_start3A_26 : memref<1x128xi32, #tpu.memory_space<vmem>> -> memref<128xi32, #tpu.memory_space<vmem>>
      %dma_start3A_28 = arith.constant 0 : i32
      %dma_start3A_29 = arith.constant 0 : i32
      %dma_start3A_30 = tpu.memref_slice %arg2[%dma_start3A_28, %dma_start3A_29] : memref<16384x16xf32, #tpu.memory_space<hbm>> -> memref<16384x16xf32, #tpu.memory_space<hbm>>
      tpu.enqueue_indirect_dma source(%dma_start3A_30 : memref<16384x16xf32, #tpu.memory_space<hbm>>) target(%dma_start3A_24 : memref<128x16xf32, #tpu.memory_space<vmem>>) offsets(%dma_start3A_27 : memref<128xi32, #tpu.memory_space<vmem>>) semaphore(%arg7 : memref<!tpu.dma_semaphore, #tpu.memory_space<semaphore_mem>>)
      %dma_start3A_31 = arith.constant 2 : i32
      %dma_start3A_32 = arith.constant 256 : i32
      %dma_start3A_33 = arith.constant 0 : i32
      %dma_start3A_34 = tpu.memref_slice %arg6[%dma_start3A_32, %dma_start3A_33] : memref<1024x16xf32, #tpu.memory_space<vmem>> -> memref<128x16xf32, #tpu.memory_space<vmem>>
      %dma_start3A_35 = arith.constant 0 : i32
      %dma_start3A_36 = tpu.memref_slice %arg5[%dma_start3A_31, %dma_start3A_35] : memref<8x128xi32, #tpu.memory_space<vmem>> -> memref<1x128xi32, #tpu.memory_space<vmem>>
      %dma_start3A_37 = tpu.memref_squeeze %dma_start3A_36 : memref<1x128xi32, #tpu.memory_space<vmem>> -> memref<128xi32, #tpu.memory_space<vmem>>
      %dma_start3A_38 = arith.constant 0 : i32
      %dma_start3A_39 = arith.constant 0 : i32
      %dma_start3A_40 = tpu.memref_slice %arg2[%dma_start3A_38, %dma_start3A_39] : memref<16384x16xf32, #tpu.memory_space<hbm>> -> memref<16384x16xf32, #tpu.memory_space<hbm>>
      tpu.enqueue_indirect_dma source(%dma_start3A_40 : memref<16384x16xf32, #tpu.memory_space<hbm>>) target(%dma_start3A_34 : memref<128x16xf32, #tpu.memory_space<vmem>>) offsets(%dma_start3A_37 : memref<128xi32, #tpu.memory_space<vmem>>) semaphore(%arg7 : memref<!tpu.dma_semaphore, #tpu.memory_space<semaphore_mem>>)
      %dma_start3A_41 = arith.constant 3 : i32
      %dma_start3A_42 = arith.constant 384 : i32
      %dma_start3A_43 = arith.constant 0 : i32
      %dma_start3A_44 = tpu.memref_slice %arg6[%dma_start3A_42, %dma_start3A_43] : memref<1024x16xf32, #tpu.memory_space<vmem>> -> memref<128x16xf32, #tpu.memory_space<vmem>>
      %dma_start3A_45 = arith.constant 0 : i32
      %dma_start3A_46 = tpu.memref_slice %arg5[%dma_start3A_41, %dma_start3A_45] : memref<8x128xi32, #tpu.memory_space<vmem>> -> memref<1x128xi32, #tpu.memory_space<vmem>>
      %dma_start3A_47 = tpu.memref_squeeze %dma_start3A_46 : memref<1x128xi32, #tpu.memory_space<vmem>> -> memref<128xi32, #tpu.memory_space<vmem>>
      %dma_start3A_48 = arith.constant 0 : i32
      %dma_start3A_49 = arith.constant 0 : i32
      %dma_start3A_50 = tpu.memref_slice %arg2[%dma_start3A_48, %dma_start3A_49] : memref<16384x16xf32, #tpu.memory_space<hbm>> -> memref<16384x16xf32, #tpu.memory_space<hbm>>
      tpu.enqueue_indirect_dma source(%dma_start3A_50 : memref<16384x16xf32, #tpu.memory_space<hbm>>) target(%dma_start3A_44 : memref<128x16xf32, #tpu.memory_space<vmem>>) offsets(%dma_start3A_47 : memref<128xi32, #tpu.memory_space<vmem>>) semaphore(%arg7 : memref<!tpu.dma_semaphore, #tpu.memory_space<semaphore_mem>>)
      %dma_start3A_51 = arith.constant 4 : i32
      %dma_start3A_52 = arith.constant 512 : i32
      %dma_start3A_53 = arith.constant 0 : i32
      %dma_start3A_54 = tpu.memref_slice %arg6[%dma_start3A_52, %dma_start3A_53] : memref<1024x16xf32, #tpu.memory_space<vmem>> -> memref<128x16xf32, #tpu.memory_space<vmem>>
      %dma_start3A_55 = arith.constant 0 : i32
      %dma_start3A_56 = tpu.memref_slice %arg5[%dma_start3A_51, %dma_start3A_55] : memref<8x128xi32, #tpu.memory_space<vmem>> -> memref<1x128xi32, #tpu.memory_space<vmem>>
      %dma_start3A_57 = tpu.memref_squeeze %dma_start3A_56 : memref<1x128xi32, #tpu.memory_space<vmem>> -> memref<128xi32, #tpu.memory_space<vmem>>
      %dma_start3A_58 = arith.constant 0 : i32
      %dma_start3A_59 = arith.constant 0 : i32
      %dma_start3A_60 = tpu.memref_slice %arg2[%dma_start3A_58, %dma_start3A_59] : memref<16384x16xf32, #tpu.memory_space<hbm>> -> memref<16384x16xf32, #tpu.memory_space<hbm>>
      tpu.enqueue_indirect_dma source(%dma_start3A_60 : memref<16384x16xf32, #tpu.memory_space<hbm>>) target(%dma_start3A_54 : memref<128x16xf32, #tpu.memory_space<vmem>>) offsets(%dma_start3A_57 : memref<128xi32, #tpu.memory_space<vmem>>) semaphore(%arg7 : memref<!tpu.dma_semaphore, #tpu.memory_space<semaphore_mem>>)
      %dma_start3A_61 = arith.constant 5 : i32
      %dma_start3A_62 = arith.constant 640 : i32
      %dma_start3A_63 = arith.constant 0 : i32
      %dma_start3A_64 = tpu.memref_slice %arg6[%dma_start3A_62, %dma_start3A_63] : memref<1024x16xf32, #tpu.memory_space<vmem>> -> memref<128x16xf32, #tpu.memory_space<vmem>>
      %dma_start3A_65 = arith.constant 0 : i32
      %dma_start3A_66 = tpu.memref_slice %arg5[%dma_start3A_61, %dma_start3A_65] : memref<8x128xi32, #tpu.memory_space<vmem>> -> memref<1x128xi32, #tpu.memory_space<vmem>>
      %dma_start3A_67 = tpu.memref_squeeze %dma_start3A_66 : memref<1x128xi32, #tpu.memory_space<vmem>> -> memref<128xi32, #tpu.memory_space<vmem>>
      %dma_start3A_68 = arith.constant 0 : i32
      %dma_start3A_69 = arith.constant 0 : i32
      %dma_start3A_70 = tpu.memref_slice %arg2[%dma_start3A_68, %dma_start3A_69] : memref<16384x16xf32, #tpu.memory_space<hbm>> -> memref<16384x16xf32, #tpu.memory_space<hbm>>
      tpu.enqueue_indirect_dma source(%dma_start3A_70 : memref<16384x16xf32, #tpu.memory_space<hbm>>) target(%dma_start3A_64 : memref<128x16xf32, #tpu.memory_space<vmem>>) offsets(%dma_start3A_67 : memref<128xi32, #tpu.memory_space<vmem>>) semaphore(%arg7 : memref<!tpu.dma_semaphore, #tpu.memory_space<semaphore_mem>>)
      %dma_start3A_71 = arith.constant 6 : i32
      %dma_start3A_72 = arith.constant 768 : i32
      %dma_start3A_73 = arith.constant 0 : i32
      %dma_start3A_74 = tpu.memref_slice %arg6[%dma_start3A_72, %dma_start3A_73] : memref<1024x16xf32, #tpu.memory_space<vmem>> -> memref<128x16xf32, #tpu.memory_space<vmem>>
      %dma_start3A_75 = arith.constant 0 : i32
      %dma_start3A_76 = tpu.memref_slice %arg5[%dma_start3A_71, %dma_start3A_75] : memref<8x128xi32, #tpu.memory_space<vmem>> -> memref<1x128xi32, #tpu.memory_space<vmem>>
      %dma_start3A_77 = tpu.memref_squeeze %dma_start3A_76 : memref<1x128xi32, #tpu.memory_space<vmem>> -> memref<128xi32, #tpu.memory_space<vmem>>
      %dma_start3A_78 = arith.constant 0 : i32
      %dma_start3A_79 = arith.constant 0 : i32
      %dma_start3A_80 = tpu.memref_slice %arg2[%dma_start3A_78, %dma_start3A_79] : memref<16384x16xf32, #tpu.memory_space<hbm>> -> memref<16384x16xf32, #tpu.memory_space<hbm>>
      tpu.enqueue_indirect_dma source(%dma_start3A_80 : memref<16384x16xf32, #tpu.memory_space<hbm>>) target(%dma_start3A_74 : memref<128x16xf32, #tpu.memory_space<vmem>>) offsets(%dma_start3A_77 : memref<128xi32, #tpu.memory_space<vmem>>) semaphore(%arg7 : memref<!tpu.dma_semaphore, #tpu.memory_space<semaphore_mem>>)
      %dma_start3A_81 = arith.constant 7 : i32
      %dma_start3A_82 = arith.constant 896 : i32
      %dma_start3A_83 = arith.constant 0 : i32
      %dma_start3A_84 = tpu.memref_slice %arg6[%dma_start3A_82, %dma_start3A_83] : memref<1024x16xf32, #tpu.memory_space<vmem>> -> memref<128x16xf32, #tpu.memory_space<vmem>>
      %dma_start3A_85 = arith.constant 0 : i32
      %dma_start3A_86 = tpu.memref_slice %arg5[%dma_start3A_81, %dma_start3A_85] : memref<8x128xi32, #tpu.memory_space<vmem>> -> memref<1x128xi32, #tpu.memory_space<vmem>>
      %dma_start3A_87 = tpu.memref_squeeze %dma_start3A_86 : memref<1x128xi32, #tpu.memory_space<vmem>> -> memref<128xi32, #tpu.memory_space<vmem>>
      %dma_start3A_88 = arith.constant 0 : i32
      %dma_start3A_89 = arith.constant 0 : i32
      %dma_start3A_90 = tpu.memref_slice %arg2[%dma_start3A_88, %dma_start3A_89] : memref<16384x16xf32, #tpu.memory_space<hbm>> -> memref<16384x16xf32, #tpu.memory_space<hbm>>
      tpu.enqueue_indirect_dma source(%dma_start3A_90 : memref<16384x16xf32, #tpu.memory_space<hbm>>) target(%dma_start3A_84 : memref<128x16xf32, #tpu.memory_space<vmem>>) offsets(%dma_start3A_87 : memref<128xi32, #tpu.memory_space<vmem>>) semaphore(%arg7 : memref<!tpu.dma_semaphore, #tpu.memory_space<semaphore_mem>>)
      %dma_wait3A = arith.constant 0 : i32
      %dma_wait3A_91 = arith.constant 0 : i32
      %dma_wait3A_92 = arith.constant 0 : i32
      %dma_wait3A_93 = tpu.memref_slice %arg6[%dma_wait3A_91, %dma_wait3A_92] : memref<1024x16xf32, #tpu.memory_space<vmem>> -> memref<128x16xf32, #tpu.memory_space<vmem>>
      %dma_wait3A_94 = arith.constant 0 : i32
      %dma_wait3A_95 = tpu.memref_slice %arg5[%dma_wait3A, %dma_wait3A_94] : memref<8x128xi32, #tpu.memory_space<vmem>> -> memref<1x128xi32, #tpu.memory_space<vmem>>
      %dma_wait3A_96 = tpu.memref_squeeze %dma_wait3A_95 : memref<1x128xi32, #tpu.memory_space<vmem>> -> memref<128xi32, #tpu.memory_space<vmem>>
      %dma_wait3A_97 = arith.constant 0 : i32
      %dma_wait3A_98 = arith.constant 0 : i32
      %dma_wait3A_99 = tpu.memref_slice %arg2[%dma_wait3A_97, %dma_wait3A_98] : memref<16384x16xf32, #tpu.memory_space<hbm>> -> memref<16384x16xf32, #tpu.memory_space<hbm>>
      tpu.wait_indirect_dma semaphore(%arg7 : memref<!tpu.dma_semaphore, #tpu.memory_space<semaphore_mem>>) src(%dma_wait3A_99 : memref<16384x16xf32, #tpu.memory_space<hbm>>) dst(%dma_wait3A_93 : memref<128x16xf32, #tpu.memory_space<vmem>>)
      %dma_wait3A_100 = arith.constant 1 : i32
      %dma_wait3A_101 = arith.constant 128 : i32
      %dma_wait3A_102 = arith.constant 0 : i32
      %dma_wait3A_103 = tpu.memref_slice %arg6[%dma_wait3A_101, %dma_wait3A_102] : memref<1024x16xf32, #tpu.memory_space<vmem>> -> memref<128x16xf32, #tpu.memory_space<vmem>>
      %dma_wait3A_104 = arith.constant 0 : i32
      %dma_wait3A_105 = tpu.memref_slice %arg5[%dma_wait3A_100, %dma_wait3A_104] : memref<8x128xi32, #tpu.memory_space<vmem>> -> memref<1x128xi32, #tpu.memory_space<vmem>>
      %dma_wait3A_106 = tpu.memref_squeeze %dma_wait3A_105 : memref<1x128xi32, #tpu.memory_space<vmem>> -> memref<128xi32, #tpu.memory_space<vmem>>
      %dma_wait3A_107 = arith.constant 0 : i32
      %dma_wait3A_108 = arith.constant 0 : i32
      %dma_wait3A_109 = tpu.memref_slice %arg2[%dma_wait3A_107, %dma_wait3A_108] : memref<16384x16xf32, #tpu.memory_space<hbm>> -> memref<16384x16xf32, #tpu.memory_space<hbm>>
      tpu.wait_indirect_dma semaphore(%arg7 : memref<!tpu.dma_semaphore, #tpu.memory_space<semaphore_mem>>) src(%dma_wait3A_109 : memref<16384x16xf32, #tpu.memory_space<hbm>>) dst(%dma_wait3A_103 : memref<128x16xf32, #tpu.memory_space<vmem>>)
      %dma_wait3A_110 = arith.constant 2 : i32
      %dma_wait3A_111 = arith.constant 256 : i32
      %dma_wait3A_112 = arith.constant 0 : i32
      %dma_wait3A_113 = tpu.memref_slice %arg6[%dma_wait3A_111, %dma_wait3A_112] : memref<1024x16xf32, #tpu.memory_space<vmem>> -> memref<128x16xf32, #tpu.memory_space<vmem>>
      %dma_wait3A_114 = arith.constant 0 : i32
      %dma_wait3A_115 = tpu.memref_slice %arg5[%dma_wait3A_110, %dma_wait3A_114] : memref<8x128xi32, #tpu.memory_space<vmem>> -> memref<1x128xi32, #tpu.memory_space<vmem>>
      %dma_wait3A_116 = tpu.memref_squeeze %dma_wait3A_115 : memref<1x128xi32, #tpu.memory_space<vmem>> -> memref<128xi32, #tpu.memory_space<vmem>>
      %dma_wait3A_117 = arith.constant 0 : i32
      %dma_wait3A_118 = arith.constant 0 : i32
      %dma_wait3A_119 = tpu.memref_slice %arg2[%dma_wait3A_117, %dma_wait3A_118] : memref<16384x16xf32, #tpu.memory_space<hbm>> -> memref<16384x16xf32, #tpu.memory_space<hbm>>
      tpu.wait_indirect_dma semaphore(%arg7 : memref<!tpu.dma_semaphore, #tpu.memory_space<semaphore_mem>>) src(%dma_wait3A_119 : memref<16384x16xf32, #tpu.memory_space<hbm>>) dst(%dma_wait3A_113 : memref<128x16xf32, #tpu.memory_space<vmem>>)
      %dma_wait3A_120 = arith.constant 3 : i32
      %dma_wait3A_121 = arith.constant 384 : i32
      %dma_wait3A_122 = arith.constant 0 : i32
      %dma_wait3A_123 = tpu.memref_slice %arg6[%dma_wait3A_121, %dma_wait3A_122] : memref<1024x16xf32, #tpu.memory_space<vmem>> -> memref<128x16xf32, #tpu.memory_space<vmem>>
      %dma_wait3A_124 = arith.constant 0 : i32
      %dma_wait3A_125 = tpu.memref_slice %arg5[%dma_wait3A_120, %dma_wait3A_124] : memref<8x128xi32, #tpu.memory_space<vmem>> -> memref<1x128xi32, #tpu.memory_space<vmem>>
      %dma_wait3A_126 = tpu.memref_squeeze %dma_wait3A_125 : memref<1x128xi32, #tpu.memory_space<vmem>> -> memref<128xi32, #tpu.memory_space<vmem>>
      %dma_wait3A_127 = arith.constant 0 : i32
      %dma_wait3A_128 = arith.constant 0 : i32
      %dma_wait3A_129 = tpu.memref_slice %arg2[%dma_wait3A_127, %dma_wait3A_128] : memref<16384x16xf32, #tpu.memory_space<hbm>> -> memref<16384x16xf32, #tpu.memory_space<hbm>>
      tpu.wait_indirect_dma semaphore(%arg7 : memref<!tpu.dma_semaphore, #tpu.memory_space<semaphore_mem>>) src(%dma_wait3A_129 : memref<16384x16xf32, #tpu.memory_space<hbm>>) dst(%dma_wait3A_123 : memref<128x16xf32, #tpu.memory_space<vmem>>)
      %dma_wait3A_130 = arith.constant 4 : i32
      %dma_wait3A_131 = arith.constant 512 : i32
      %dma_wait3A_132 = arith.constant 0 : i32
      %dma_wait3A_133 = tpu.memref_slice %arg6[%dma_wait3A_131, %dma_wait3A_132] : memref<1024x16xf32, #tpu.memory_space<vmem>> -> memref<128x16xf32, #tpu.memory_space<vmem>>
      %dma_wait3A_134 = arith.constant 0 : i32
      %dma_wait3A_135 = tpu.memref_slice %arg5[%dma_wait3A_130, %dma_wait3A_134] : memref<8x128xi32, #tpu.memory_space<vmem>> -> memref<1x128xi32, #tpu.memory_space<vmem>>
      %dma_wait3A_136 = tpu.memref_squeeze %dma_wait3A_135 : memref<1x128xi32, #tpu.memory_space<vmem>> -> memref<128xi32, #tpu.memory_space<vmem>>
      %dma_wait3A_137 = arith.constant 0 : i32
      %dma_wait3A_138 = arith.constant 0 : i32
      %dma_wait3A_139 = tpu.memref_slice %arg2[%dma_wait3A_137, %dma_wait3A_138] : memref<16384x16xf32, #tpu.memory_space<hbm>> -> memref<16384x16xf32, #tpu.memory_space<hbm>>
      tpu.wait_indirect_dma semaphore(%arg7 : memref<!tpu.dma_semaphore, #tpu.memory_space<semaphore_mem>>) src(%dma_wait3A_139 : memref<16384x16xf32, #tpu.memory_space<hbm>>) dst(%dma_wait3A_133 : memref<128x16xf32, #tpu.memory_space<vmem>>)
      %dma_wait3A_140 = arith.constant 5 : i32
      %dma_wait3A_141 = arith.constant 640 : i32
      %dma_wait3A_142 = arith.constant 0 : i32
      %dma_wait3A_143 = tpu.memref_slice %arg6[%dma_wait3A_141, %dma_wait3A_142] : memref<1024x16xf32, #tpu.memory_space<vmem>> -> memref<128x16xf32, #tpu.memory_space<vmem>>
      %dma_wait3A_144 = arith.constant 0 : i32
      %dma_wait3A_145 = tpu.memref_slice %arg5[%dma_wait3A_140, %dma_wait3A_144] : memref<8x128xi32, #tpu.memory_space<vmem>> -> memref<1x128xi32, #tpu.memory_space<vmem>>
      %dma_wait3A_146 = tpu.memref_squeeze %dma_wait3A_145 : memref<1x128xi32, #tpu.memory_space<vmem>> -> memref<128xi32, #tpu.memory_space<vmem>>
      %dma_wait3A_147 = arith.constant 0 : i32
      %dma_wait3A_148 = arith.constant 0 : i32
      %dma_wait3A_149 = tpu.memref_slice %arg2[%dma_wait3A_147, %dma_wait3A_148] : memref<16384x16xf32, #tpu.memory_space<hbm>> -> memref<16384x16xf32, #tpu.memory_space<hbm>>
      tpu.wait_indirect_dma semaphore(%arg7 : memref<!tpu.dma_semaphore, #tpu.memory_space<semaphore_mem>>) src(%dma_wait3A_149 : memref<16384x16xf32, #tpu.memory_space<hbm>>) dst(%dma_wait3A_143 : memref<128x16xf32, #tpu.memory_space<vmem>>)
      %dma_wait3A_150 = arith.constant 6 : i32
      %dma_wait3A_151 = arith.constant 768 : i32
      %dma_wait3A_152 = arith.constant 0 : i32
      %dma_wait3A_153 = tpu.memref_slice %arg6[%dma_wait3A_151, %dma_wait3A_152] : memref<1024x16xf32, #tpu.memory_space<vmem>> -> memref<128x16xf32, #tpu.memory_space<vmem>>
      %dma_wait3A_154 = arith.constant 0 : i32
      %dma_wait3A_155 = tpu.memref_slice %arg5[%dma_wait3A_150, %dma_wait3A_154] : memref<8x128xi32, #tpu.memory_space<vmem>> -> memref<1x128xi32, #tpu.memory_space<vmem>>
      %dma_wait3A_156 = tpu.memref_squeeze %dma_wait3A_155 : memref<1x128xi32, #tpu.memory_space<vmem>> -> memref<128xi32, #tpu.memory_space<vmem>>
      %dma_wait3A_157 = arith.constant 0 : i32
      %dma_wait3A_158 = arith.constant 0 : i32
      %dma_wait3A_159 = tpu.memref_slice %arg2[%dma_wait3A_157, %dma_wait3A_158] : memref<16384x16xf32, #tpu.memory_space<hbm>> -> memref<16384x16xf32, #tpu.memory_space<hbm>>
      tpu.wait_indirect_dma semaphore(%arg7 : memref<!tpu.dma_semaphore, #tpu.memory_space<semaphore_mem>>) src(%dma_wait3A_159 : memref<16384x16xf32, #tpu.memory_space<hbm>>) dst(%dma_wait3A_153 : memref<128x16xf32, #tpu.memory_space<vmem>>)
      %dma_wait3A_160 = arith.constant 7 : i32
      %dma_wait3A_161 = arith.constant 896 : i32
      %dma_wait3A_162 = arith.constant 0 : i32
      %dma_wait3A_163 = tpu.memref_slice %arg6[%dma_wait3A_161, %dma_wait3A_162] : memref<1024x16xf32, #tpu.memory_space<vmem>> -> memref<128x16xf32, #tpu.memory_space<vmem>>
      %dma_wait3A_164 = arith.constant 0 : i32
      %dma_wait3A_165 = tpu.memref_slice %arg5[%dma_wait3A_160, %dma_wait3A_164] : memref<8x128xi32, #tpu.memory_space<vmem>> -> memref<1x128xi32, #tpu.memory_space<vmem>>
      %dma_wait3A_166 = tpu.memref_squeeze %dma_wait3A_165 : memref<1x128xi32, #tpu.memory_space<vmem>> -> memref<128xi32, #tpu.memory_space<vmem>>
      %dma_wait3A_167 = arith.constant 0 : i32
      %dma_wait3A_168 = arith.constant 0 : i32
      %dma_wait3A_169 = tpu.memref_slice %arg2[%dma_wait3A_167, %dma_wait3A_168] : memref<16384x16xf32, #tpu.memory_space<hbm>> -> memref<16384x16xf32, #tpu.memory_space<hbm>>
      tpu.wait_indirect_dma semaphore(%arg7 : memref<!tpu.dma_semaphore, #tpu.memory_space<semaphore_mem>>) src(%dma_wait3A_169 : memref<16384x16xf32, #tpu.memory_space<hbm>>) dst(%dma_wait3A_163 : memref<128x16xf32, #tpu.memory_space<vmem>>)
      %mul3A_170 = arith.constant 128 : i32
      %mul3A_171 = arith.muli %add3A_11, %mul3A_170 : i32
      "tpu.region"() ({
        %run_scoped3A = tpu.sem_alloc : memref<!tpu.dma_semaphore, #tpu.memory_space<semaphore_mem>>
        %dma_start3A_172 = arith.constant 0 : i32
        %dma_start3A_173 = tpu.memref_slice %arg4[%mul3A_171, %dma_start3A_172] : memref<327680x16xf32, #tpu.memory_space<hbm>> -> memref<1024x16xf32, #tpu.memory_space<hbm>>
        %dma_start3A_174 = arith.constant 0 : i32
        %dma_start3A_175 = tpu.memref_slice %arg4[%mul3A_171, %dma_start3A_174] : memref<327680x16xf32, #tpu.memory_space<hbm>> -> memref<1024x16xf32, #tpu.memory_space<hbm>>
        tpu.enqueue_dma source(%arg6 : memref<1024x16xf32, #tpu.memory_space<vmem>>) target(%dma_start3A_175 : memref<1024x16xf32, #tpu.memory_space<hbm>>) target_semaphore(%run_scoped3A : memref<!tpu.dma_semaphore, #tpu.memory_space<semaphore_mem>>)
        %dma_wait3A_176 = arith.constant 0 : i32
        %dma_wait3A_177 = tpu.memref_slice %arg4[%mul3A_171, %dma_wait3A_176] : memref<327680x16xf32, #tpu.memory_space<hbm>> -> memref<1024x16xf32, #tpu.memory_space<hbm>>
        %dma_wait3A_178 = arith.constant 0 : i32
        %dma_wait3A_179 = tpu.memref_slice %arg4[%mul3A_171, %dma_wait3A_178] : memref<327680x16xf32, #tpu.memory_space<hbm>> -> memref<1024x16xf32, #tpu.memory_space<hbm>>
        tpu.wait_dma2 semaphore(%run_scoped3A : memref<!tpu.dma_semaphore, #tpu.memory_space<semaphore_mem>>) src(%arg6 : memref<1024x16xf32, #tpu.memory_space<vmem>>) dst(%dma_wait3A_179 : memref<1024x16xf32, #tpu.memory_space<hbm>>)
        tpu.yield
      }) : () -> ()
    }
    %scan3A_7 = arith.constant 10 : i32
    return
  }
}

#map = affine_map<(d0, d1) -> (0, 0)>
module attributes {stable_mosaic.version = 14 : i64} {
  func.func @_sc_gather_body(%arg0: i32, %arg1: i32, %arg2: memref<16384x32xf32, #tpu.memory_space<hbm>>, %arg3: memref<2560x128xi32, #tpu.memory_space<hbm>>, %arg4: memref<327680x32xf32, #tpu.memory_space<hbm>>, %arg5: memref<8x128xi32, #tpu.memory_space<vmem>>, %arg6: memref<1024x32xf32, #tpu.memory_space<vmem>>, %arg7: memref<!tpu.dma_semaphore, #tpu.memory_space<semaphore_mem>>) attributes {dimension_semantics = [#tpu.dimension_semantics<core_parallel>, #tpu.dimension_semantics<subcore_parallel>], iteration_bounds = array<i64: 2, 16>, scalar_prefetch = 0 : i64, scratch_operands = 3 : i64, tpu.core_type = #tpu.core_type<sc_vector_subcore>, window_params = [{transform_indices = #map}, {transform_indices = #map}, {transform_indices = #map}]} {
    %mul3A = arith.constant 2 : i32
    %mul3A_0 = arith.muli %arg1, %mul3A : i32
    %add3A = arith.addi %mul3A_0, %arg0 : i32
    %mul3A_1 = arith.constant 80 : i32
    %mul3A_2 = arith.muli %add3A, %mul3A_1 : i32
    %scan3A = arith.constant 0 : i32
    %scan3A_3 = arith.constant 0 : i32
    %scan3A_4 = arith.constant 10 : i32
    %scan3A_5 = arith.addi %scan3A_3, %scan3A_4 : i32
    %scan3A_6 = arith.constant 1 : i32
    scf.for %scan3A_8 = %scan3A_3 to %scan3A_5 step %scan3A_6  : i32 {
      %mul3A_9 = arith.constant 8 : i32
      %mul3A_10 = arith.muli %scan3A_8, %mul3A_9 : i32
      %add3A_11 = arith.addi %mul3A_2, %mul3A_10 : i32
      "tpu.region"() ({
        %run_scoped3A = tpu.sem_alloc : memref<!tpu.dma_semaphore, #tpu.memory_space<semaphore_mem>>
        %dma_start3A_172 = arith.constant 0 : i32
        %dma_start3A_173 = tpu.memref_slice %arg3[%add3A_11, %dma_start3A_172] : memref<2560x128xi32, #tpu.memory_space<hbm>> -> memref<8x128xi32, #tpu.memory_space<hbm>>
        %dma_start3A_174 = arith.constant 0 : i32
        %dma_start3A_175 = tpu.memref_slice %arg3[%add3A_11, %dma_start3A_174] : memref<2560x128xi32, #tpu.memory_space<hbm>> -> memref<8x128xi32, #tpu.memory_space<hbm>>
        tpu.enqueue_dma source(%dma_start3A_175 : memref<8x128xi32, #tpu.memory_space<hbm>>) target(%arg5 : memref<8x128xi32, #tpu.memory_space<vmem>>) target_semaphore(%run_scoped3A : memref<!tpu.dma_semaphore, #tpu.memory_space<semaphore_mem>>)
        %dma_wait3A_176 = arith.constant 0 : i32
        %dma_wait3A_177 = tpu.memref_slice %arg3[%add3A_11, %dma_wait3A_176] : memref<2560x128xi32, #tpu.memory_space<hbm>> -> memref<8x128xi32, #tpu.memory_space<hbm>>
        %dma_wait3A_178 = arith.constant 0 : i32
        %dma_wait3A_179 = tpu.memref_slice %arg3[%add3A_11, %dma_wait3A_178] : memref<2560x128xi32, #tpu.memory_space<hbm>> -> memref<8x128xi32, #tpu.memory_space<hbm>>
        tpu.wait_dma2 semaphore(%run_scoped3A : memref<!tpu.dma_semaphore, #tpu.memory_space<semaphore_mem>>) src(%dma_wait3A_179 : memref<8x128xi32, #tpu.memory_space<hbm>>) dst(%arg5 : memref<8x128xi32, #tpu.memory_space<vmem>>)
        tpu.yield
      }) : () -> ()
      %dma_start3A = arith.constant 0 : i32
      %dma_start3A_12 = arith.constant 0 : i32
      %dma_start3A_13 = arith.constant 0 : i32
      %dma_start3A_14 = tpu.memref_slice %arg6[%dma_start3A_12, %dma_start3A_13] : memref<1024x32xf32, #tpu.memory_space<vmem>> -> memref<128x32xf32, #tpu.memory_space<vmem>>
      %dma_start3A_15 = arith.constant 0 : i32
      %dma_start3A_16 = tpu.memref_slice %arg5[%dma_start3A, %dma_start3A_15] : memref<8x128xi32, #tpu.memory_space<vmem>> -> memref<1x128xi32, #tpu.memory_space<vmem>>
      %dma_start3A_17 = tpu.memref_squeeze %dma_start3A_16 : memref<1x128xi32, #tpu.memory_space<vmem>> -> memref<128xi32, #tpu.memory_space<vmem>>
      %dma_start3A_18 = arith.constant 0 : i32
      %dma_start3A_19 = arith.constant 0 : i32
      %dma_start3A_20 = tpu.memref_slice %arg2[%dma_start3A_18, %dma_start3A_19] : memref<16384x32xf32, #tpu.memory_space<hbm>> -> memref<16384x32xf32, #tpu.memory_space<hbm>>
      tpu.enqueue_indirect_dma source(%dma_start3A_20 : memref<16384x32xf32, #tpu.memory_space<hbm>>) target(%dma_start3A_14 : memref<128x32xf32, #tpu.memory_space<vmem>>) offsets(%dma_start3A_17 : memref<128xi32, #tpu.memory_space<vmem>>) semaphore(%arg7 : memref<!tpu.dma_semaphore, #tpu.memory_space<semaphore_mem>>)
      %dma_start3A_21 = arith.constant 1 : i32
      %dma_start3A_22 = arith.constant 128 : i32
      %dma_start3A_23 = arith.constant 0 : i32
      %dma_start3A_24 = tpu.memref_slice %arg6[%dma_start3A_22, %dma_start3A_23] : memref<1024x32xf32, #tpu.memory_space<vmem>> -> memref<128x32xf32, #tpu.memory_space<vmem>>
      %dma_start3A_25 = arith.constant 0 : i32
      %dma_start3A_26 = tpu.memref_slice %arg5[%dma_start3A_21, %dma_start3A_25] : memref<8x128xi32, #tpu.memory_space<vmem>> -> memref<1x128xi32, #tpu.memory_space<vmem>>
      %dma_start3A_27 = tpu.memref_squeeze %dma_start3A_26 : memref<1x128xi32, #tpu.memory_space<vmem>> -> memref<128xi32, #tpu.memory_space<vmem>>
      %dma_start3A_28 = arith.constant 0 : i32
      %dma_start3A_29 = arith.constant 0 : i32
      %dma_start3A_30 = tpu.memref_slice %arg2[%dma_start3A_28, %dma_start3A_29] : memref<16384x32xf32, #tpu.memory_space<hbm>> -> memref<16384x32xf32, #tpu.memory_space<hbm>>
      tpu.enqueue_indirect_dma source(%dma_start3A_30 : memref<16384x32xf32, #tpu.memory_space<hbm>>) target(%dma_start3A_24 : memref<128x32xf32, #tpu.memory_space<vmem>>) offsets(%dma_start3A_27 : memref<128xi32, #tpu.memory_space<vmem>>) semaphore(%arg7 : memref<!tpu.dma_semaphore, #tpu.memory_space<semaphore_mem>>)
      %dma_start3A_31 = arith.constant 2 : i32
      %dma_start3A_32 = arith.constant 256 : i32
      %dma_start3A_33 = arith.constant 0 : i32
      %dma_start3A_34 = tpu.memref_slice %arg6[%dma_start3A_32, %dma_start3A_33] : memref<1024x32xf32, #tpu.memory_space<vmem>> -> memref<128x32xf32, #tpu.memory_space<vmem>>
      %dma_start3A_35 = arith.constant 0 : i32
      %dma_start3A_36 = tpu.memref_slice %arg5[%dma_start3A_31, %dma_start3A_35] : memref<8x128xi32, #tpu.memory_space<vmem>> -> memref<1x128xi32, #tpu.memory_space<vmem>>
      %dma_start3A_37 = tpu.memref_squeeze %dma_start3A_36 : memref<1x128xi32, #tpu.memory_space<vmem>> -> memref<128xi32, #tpu.memory_space<vmem>>
      %dma_start3A_38 = arith.constant 0 : i32
      %dma_start3A_39 = arith.constant 0 : i32
      %dma_start3A_40 = tpu.memref_slice %arg2[%dma_start3A_38, %dma_start3A_39] : memref<16384x32xf32, #tpu.memory_space<hbm>> -> memref<16384x32xf32, #tpu.memory_space<hbm>>
      tpu.enqueue_indirect_dma source(%dma_start3A_40 : memref<16384x32xf32, #tpu.memory_space<hbm>>) target(%dma_start3A_34 : memref<128x32xf32, #tpu.memory_space<vmem>>) offsets(%dma_start3A_37 : memref<128xi32, #tpu.memory_space<vmem>>) semaphore(%arg7 : memref<!tpu.dma_semaphore, #tpu.memory_space<semaphore_mem>>)
      %dma_start3A_41 = arith.constant 3 : i32
      %dma_start3A_42 = arith.constant 384 : i32
      %dma_start3A_43 = arith.constant 0 : i32
      %dma_start3A_44 = tpu.memref_slice %arg6[%dma_start3A_42, %dma_start3A_43] : memref<1024x32xf32, #tpu.memory_space<vmem>> -> memref<128x32xf32, #tpu.memory_space<vmem>>
      %dma_start3A_45 = arith.constant 0 : i32
      %dma_start3A_46 = tpu.memref_slice %arg5[%dma_start3A_41, %dma_start3A_45] : memref<8x128xi32, #tpu.memory_space<vmem>> -> memref<1x128xi32, #tpu.memory_space<vmem>>
      %dma_start3A_47 = tpu.memref_squeeze %dma_start3A_46 : memref<1x128xi32, #tpu.memory_space<vmem>> -> memref<128xi32, #tpu.memory_space<vmem>>
      %dma_start3A_48 = arith.constant 0 : i32
      %dma_start3A_49 = arith.constant 0 : i32
      %dma_start3A_50 = tpu.memref_slice %arg2[%dma_start3A_48, %dma_start3A_49] : memref<16384x32xf32, #tpu.memory_space<hbm>> -> memref<16384x32xf32, #tpu.memory_space<hbm>>
      tpu.enqueue_indirect_dma source(%dma_start3A_50 : memref<16384x32xf32, #tpu.memory_space<hbm>>) target(%dma_start3A_44 : memref<128x32xf32, #tpu.memory_space<vmem>>) offsets(%dma_start3A_47 : memref<128xi32, #tpu.memory_space<vmem>>) semaphore(%arg7 : memref<!tpu.dma_semaphore, #tpu.memory_space<semaphore_mem>>)
      %dma_start3A_51 = arith.constant 4 : i32
      %dma_start3A_52 = arith.constant 512 : i32
      %dma_start3A_53 = arith.constant 0 : i32
      %dma_start3A_54 = tpu.memref_slice %arg6[%dma_start3A_52, %dma_start3A_53] : memref<1024x32xf32, #tpu.memory_space<vmem>> -> memref<128x32xf32, #tpu.memory_space<vmem>>
      %dma_start3A_55 = arith.constant 0 : i32
      %dma_start3A_56 = tpu.memref_slice %arg5[%dma_start3A_51, %dma_start3A_55] : memref<8x128xi32, #tpu.memory_space<vmem>> -> memref<1x128xi32, #tpu.memory_space<vmem>>
      %dma_start3A_57 = tpu.memref_squeeze %dma_start3A_56 : memref<1x128xi32, #tpu.memory_space<vmem>> -> memref<128xi32, #tpu.memory_space<vmem>>
      %dma_start3A_58 = arith.constant 0 : i32
      %dma_start3A_59 = arith.constant 0 : i32
      %dma_start3A_60 = tpu.memref_slice %arg2[%dma_start3A_58, %dma_start3A_59] : memref<16384x32xf32, #tpu.memory_space<hbm>> -> memref<16384x32xf32, #tpu.memory_space<hbm>>
      tpu.enqueue_indirect_dma source(%dma_start3A_60 : memref<16384x32xf32, #tpu.memory_space<hbm>>) target(%dma_start3A_54 : memref<128x32xf32, #tpu.memory_space<vmem>>) offsets(%dma_start3A_57 : memref<128xi32, #tpu.memory_space<vmem>>) semaphore(%arg7 : memref<!tpu.dma_semaphore, #tpu.memory_space<semaphore_mem>>)
      %dma_start3A_61 = arith.constant 5 : i32
      %dma_start3A_62 = arith.constant 640 : i32
      %dma_start3A_63 = arith.constant 0 : i32
      %dma_start3A_64 = tpu.memref_slice %arg6[%dma_start3A_62, %dma_start3A_63] : memref<1024x32xf32, #tpu.memory_space<vmem>> -> memref<128x32xf32, #tpu.memory_space<vmem>>
      %dma_start3A_65 = arith.constant 0 : i32
      %dma_start3A_66 = tpu.memref_slice %arg5[%dma_start3A_61, %dma_start3A_65] : memref<8x128xi32, #tpu.memory_space<vmem>> -> memref<1x128xi32, #tpu.memory_space<vmem>>
      %dma_start3A_67 = tpu.memref_squeeze %dma_start3A_66 : memref<1x128xi32, #tpu.memory_space<vmem>> -> memref<128xi32, #tpu.memory_space<vmem>>
      %dma_start3A_68 = arith.constant 0 : i32
      %dma_start3A_69 = arith.constant 0 : i32
      %dma_start3A_70 = tpu.memref_slice %arg2[%dma_start3A_68, %dma_start3A_69] : memref<16384x32xf32, #tpu.memory_space<hbm>> -> memref<16384x32xf32, #tpu.memory_space<hbm>>
      tpu.enqueue_indirect_dma source(%dma_start3A_70 : memref<16384x32xf32, #tpu.memory_space<hbm>>) target(%dma_start3A_64 : memref<128x32xf32, #tpu.memory_space<vmem>>) offsets(%dma_start3A_67 : memref<128xi32, #tpu.memory_space<vmem>>) semaphore(%arg7 : memref<!tpu.dma_semaphore, #tpu.memory_space<semaphore_mem>>)
      %dma_start3A_71 = arith.constant 6 : i32
      %dma_start3A_72 = arith.constant 768 : i32
      %dma_start3A_73 = arith.constant 0 : i32
      %dma_start3A_74 = tpu.memref_slice %arg6[%dma_start3A_72, %dma_start3A_73] : memref<1024x32xf32, #tpu.memory_space<vmem>> -> memref<128x32xf32, #tpu.memory_space<vmem>>
      %dma_start3A_75 = arith.constant 0 : i32
      %dma_start3A_76 = tpu.memref_slice %arg5[%dma_start3A_71, %dma_start3A_75] : memref<8x128xi32, #tpu.memory_space<vmem>> -> memref<1x128xi32, #tpu.memory_space<vmem>>
      %dma_start3A_77 = tpu.memref_squeeze %dma_start3A_76 : memref<1x128xi32, #tpu.memory_space<vmem>> -> memref<128xi32, #tpu.memory_space<vmem>>
      %dma_start3A_78 = arith.constant 0 : i32
      %dma_start3A_79 = arith.constant 0 : i32
      %dma_start3A_80 = tpu.memref_slice %arg2[%dma_start3A_78, %dma_start3A_79] : memref<16384x32xf32, #tpu.memory_space<hbm>> -> memref<16384x32xf32, #tpu.memory_space<hbm>>
      tpu.enqueue_indirect_dma source(%dma_start3A_80 : memref<16384x32xf32, #tpu.memory_space<hbm>>) target(%dma_start3A_74 : memref<128x32xf32, #tpu.memory_space<vmem>>) offsets(%dma_start3A_77 : memref<128xi32, #tpu.memory_space<vmem>>) semaphore(%arg7 : memref<!tpu.dma_semaphore, #tpu.memory_space<semaphore_mem>>)
      %dma_start3A_81 = arith.constant 7 : i32
      %dma_start3A_82 = arith.constant 896 : i32
      %dma_start3A_83 = arith.constant 0 : i32
      %dma_start3A_84 = tpu.memref_slice %arg6[%dma_start3A_82, %dma_start3A_83] : memref<1024x32xf32, #tpu.memory_space<vmem>> -> memref<128x32xf32, #tpu.memory_space<vmem>>
      %dma_start3A_85 = arith.constant 0 : i32
      %dma_start3A_86 = tpu.memref_slice %arg5[%dma_start3A_81, %dma_start3A_85] : memref<8x128xi32, #tpu.memory_space<vmem>> -> memref<1x128xi32, #tpu.memory_space<vmem>>
      %dma_start3A_87 = tpu.memref_squeeze %dma_start3A_86 : memref<1x128xi32, #tpu.memory_space<vmem>> -> memref<128xi32, #tpu.memory_space<vmem>>
      %dma_start3A_88 = arith.constant 0 : i32
      %dma_start3A_89 = arith.constant 0 : i32
      %dma_start3A_90 = tpu.memref_slice %arg2[%dma_start3A_88, %dma_start3A_89] : memref<16384x32xf32, #tpu.memory_space<hbm>> -> memref<16384x32xf32, #tpu.memory_space<hbm>>
      tpu.enqueue_indirect_dma source(%dma_start3A_90 : memref<16384x32xf32, #tpu.memory_space<hbm>>) target(%dma_start3A_84 : memref<128x32xf32, #tpu.memory_space<vmem>>) offsets(%dma_start3A_87 : memref<128xi32, #tpu.memory_space<vmem>>) semaphore(%arg7 : memref<!tpu.dma_semaphore, #tpu.memory_space<semaphore_mem>>)
      %dma_wait3A = arith.constant 0 : i32
      %dma_wait3A_91 = arith.constant 0 : i32
      %dma_wait3A_92 = arith.constant 0 : i32
      %dma_wait3A_93 = tpu.memref_slice %arg6[%dma_wait3A_91, %dma_wait3A_92] : memref<1024x32xf32, #tpu.memory_space<vmem>> -> memref<128x32xf32, #tpu.memory_space<vmem>>
      %dma_wait3A_94 = arith.constant 0 : i32
      %dma_wait3A_95 = tpu.memref_slice %arg5[%dma_wait3A, %dma_wait3A_94] : memref<8x128xi32, #tpu.memory_space<vmem>> -> memref<1x128xi32, #tpu.memory_space<vmem>>
      %dma_wait3A_96 = tpu.memref_squeeze %dma_wait3A_95 : memref<1x128xi32, #tpu.memory_space<vmem>> -> memref<128xi32, #tpu.memory_space<vmem>>
      %dma_wait3A_97 = arith.constant 0 : i32
      %dma_wait3A_98 = arith.constant 0 : i32
      %dma_wait3A_99 = tpu.memref_slice %arg2[%dma_wait3A_97, %dma_wait3A_98] : memref<16384x32xf32, #tpu.memory_space<hbm>> -> memref<16384x32xf32, #tpu.memory_space<hbm>>
      tpu.wait_indirect_dma semaphore(%arg7 : memref<!tpu.dma_semaphore, #tpu.memory_space<semaphore_mem>>) src(%dma_wait3A_99 : memref<16384x32xf32, #tpu.memory_space<hbm>>) dst(%dma_wait3A_93 : memref<128x32xf32, #tpu.memory_space<vmem>>)
      %dma_wait3A_100 = arith.constant 1 : i32
      %dma_wait3A_101 = arith.constant 128 : i32
      %dma_wait3A_102 = arith.constant 0 : i32
      %dma_wait3A_103 = tpu.memref_slice %arg6[%dma_wait3A_101, %dma_wait3A_102] : memref<1024x32xf32, #tpu.memory_space<vmem>> -> memref<128x32xf32, #tpu.memory_space<vmem>>
      %dma_wait3A_104 = arith.constant 0 : i32
      %dma_wait3A_105 = tpu.memref_slice %arg5[%dma_wait3A_100, %dma_wait3A_104] : memref<8x128xi32, #tpu.memory_space<vmem>> -> memref<1x128xi32, #tpu.memory_space<vmem>>
      %dma_wait3A_106 = tpu.memref_squeeze %dma_wait3A_105 : memref<1x128xi32, #tpu.memory_space<vmem>> -> memref<128xi32, #tpu.memory_space<vmem>>
      %dma_wait3A_107 = arith.constant 0 : i32
      %dma_wait3A_108 = arith.constant 0 : i32
      %dma_wait3A_109 = tpu.memref_slice %arg2[%dma_wait3A_107, %dma_wait3A_108] : memref<16384x32xf32, #tpu.memory_space<hbm>> -> memref<16384x32xf32, #tpu.memory_space<hbm>>
      tpu.wait_indirect_dma semaphore(%arg7 : memref<!tpu.dma_semaphore, #tpu.memory_space<semaphore_mem>>) src(%dma_wait3A_109 : memref<16384x32xf32, #tpu.memory_space<hbm>>) dst(%dma_wait3A_103 : memref<128x32xf32, #tpu.memory_space<vmem>>)
      %dma_wait3A_110 = arith.constant 2 : i32
      %dma_wait3A_111 = arith.constant 256 : i32
      %dma_wait3A_112 = arith.constant 0 : i32
      %dma_wait3A_113 = tpu.memref_slice %arg6[%dma_wait3A_111, %dma_wait3A_112] : memref<1024x32xf32, #tpu.memory_space<vmem>> -> memref<128x32xf32, #tpu.memory_space<vmem>>
      %dma_wait3A_114 = arith.constant 0 : i32
      %dma_wait3A_115 = tpu.memref_slice %arg5[%dma_wait3A_110, %dma_wait3A_114] : memref<8x128xi32, #tpu.memory_space<vmem>> -> memref<1x128xi32, #tpu.memory_space<vmem>>
      %dma_wait3A_116 = tpu.memref_squeeze %dma_wait3A_115 : memref<1x128xi32, #tpu.memory_space<vmem>> -> memref<128xi32, #tpu.memory_space<vmem>>
      %dma_wait3A_117 = arith.constant 0 : i32
      %dma_wait3A_118 = arith.constant 0 : i32
      %dma_wait3A_119 = tpu.memref_slice %arg2[%dma_wait3A_117, %dma_wait3A_118] : memref<16384x32xf32, #tpu.memory_space<hbm>> -> memref<16384x32xf32, #tpu.memory_space<hbm>>
      tpu.wait_indirect_dma semaphore(%arg7 : memref<!tpu.dma_semaphore, #tpu.memory_space<semaphore_mem>>) src(%dma_wait3A_119 : memref<16384x32xf32, #tpu.memory_space<hbm>>) dst(%dma_wait3A_113 : memref<128x32xf32, #tpu.memory_space<vmem>>)
      %dma_wait3A_120 = arith.constant 3 : i32
      %dma_wait3A_121 = arith.constant 384 : i32
      %dma_wait3A_122 = arith.constant 0 : i32
      %dma_wait3A_123 = tpu.memref_slice %arg6[%dma_wait3A_121, %dma_wait3A_122] : memref<1024x32xf32, #tpu.memory_space<vmem>> -> memref<128x32xf32, #tpu.memory_space<vmem>>
      %dma_wait3A_124 = arith.constant 0 : i32
      %dma_wait3A_125 = tpu.memref_slice %arg5[%dma_wait3A_120, %dma_wait3A_124] : memref<8x128xi32, #tpu.memory_space<vmem>> -> memref<1x128xi32, #tpu.memory_space<vmem>>
      %dma_wait3A_126 = tpu.memref_squeeze %dma_wait3A_125 : memref<1x128xi32, #tpu.memory_space<vmem>> -> memref<128xi32, #tpu.memory_space<vmem>>
      %dma_wait3A_127 = arith.constant 0 : i32
      %dma_wait3A_128 = arith.constant 0 : i32
      %dma_wait3A_129 = tpu.memref_slice %arg2[%dma_wait3A_127, %dma_wait3A_128] : memref<16384x32xf32, #tpu.memory_space<hbm>> -> memref<16384x32xf32, #tpu.memory_space<hbm>>
      tpu.wait_indirect_dma semaphore(%arg7 : memref<!tpu.dma_semaphore, #tpu.memory_space<semaphore_mem>>) src(%dma_wait3A_129 : memref<16384x32xf32, #tpu.memory_space<hbm>>) dst(%dma_wait3A_123 : memref<128x32xf32, #tpu.memory_space<vmem>>)
      %dma_wait3A_130 = arith.constant 4 : i32
      %dma_wait3A_131 = arith.constant 512 : i32
      %dma_wait3A_132 = arith.constant 0 : i32
      %dma_wait3A_133 = tpu.memref_slice %arg6[%dma_wait3A_131, %dma_wait3A_132] : memref<1024x32xf32, #tpu.memory_space<vmem>> -> memref<128x32xf32, #tpu.memory_space<vmem>>
      %dma_wait3A_134 = arith.constant 0 : i32
      %dma_wait3A_135 = tpu.memref_slice %arg5[%dma_wait3A_130, %dma_wait3A_134] : memref<8x128xi32, #tpu.memory_space<vmem>> -> memref<1x128xi32, #tpu.memory_space<vmem>>
      %dma_wait3A_136 = tpu.memref_squeeze %dma_wait3A_135 : memref<1x128xi32, #tpu.memory_space<vmem>> -> memref<128xi32, #tpu.memory_space<vmem>>
      %dma_wait3A_137 = arith.constant 0 : i32
      %dma_wait3A_138 = arith.constant 0 : i32
      %dma_wait3A_139 = tpu.memref_slice %arg2[%dma_wait3A_137, %dma_wait3A_138] : memref<16384x32xf32, #tpu.memory_space<hbm>> -> memref<16384x32xf32, #tpu.memory_space<hbm>>
      tpu.wait_indirect_dma semaphore(%arg7 : memref<!tpu.dma_semaphore, #tpu.memory_space<semaphore_mem>>) src(%dma_wait3A_139 : memref<16384x32xf32, #tpu.memory_space<hbm>>) dst(%dma_wait3A_133 : memref<128x32xf32, #tpu.memory_space<vmem>>)
      %dma_wait3A_140 = arith.constant 5 : i32
      %dma_wait3A_141 = arith.constant 640 : i32
      %dma_wait3A_142 = arith.constant 0 : i32
      %dma_wait3A_143 = tpu.memref_slice %arg6[%dma_wait3A_141, %dma_wait3A_142] : memref<1024x32xf32, #tpu.memory_space<vmem>> -> memref<128x32xf32, #tpu.memory_space<vmem>>
      %dma_wait3A_144 = arith.constant 0 : i32
      %dma_wait3A_145 = tpu.memref_slice %arg5[%dma_wait3A_140, %dma_wait3A_144] : memref<8x128xi32, #tpu.memory_space<vmem>> -> memref<1x128xi32, #tpu.memory_space<vmem>>
      %dma_wait3A_146 = tpu.memref_squeeze %dma_wait3A_145 : memref<1x128xi32, #tpu.memory_space<vmem>> -> memref<128xi32, #tpu.memory_space<vmem>>
      %dma_wait3A_147 = arith.constant 0 : i32
      %dma_wait3A_148 = arith.constant 0 : i32
      %dma_wait3A_149 = tpu.memref_slice %arg2[%dma_wait3A_147, %dma_wait3A_148] : memref<16384x32xf32, #tpu.memory_space<hbm>> -> memref<16384x32xf32, #tpu.memory_space<hbm>>
      tpu.wait_indirect_dma semaphore(%arg7 : memref<!tpu.dma_semaphore, #tpu.memory_space<semaphore_mem>>) src(%dma_wait3A_149 : memref<16384x32xf32, #tpu.memory_space<hbm>>) dst(%dma_wait3A_143 : memref<128x32xf32, #tpu.memory_space<vmem>>)
      %dma_wait3A_150 = arith.constant 6 : i32
      %dma_wait3A_151 = arith.constant 768 : i32
      %dma_wait3A_152 = arith.constant 0 : i32
      %dma_wait3A_153 = tpu.memref_slice %arg6[%dma_wait3A_151, %dma_wait3A_152] : memref<1024x32xf32, #tpu.memory_space<vmem>> -> memref<128x32xf32, #tpu.memory_space<vmem>>
      %dma_wait3A_154 = arith.constant 0 : i32
      %dma_wait3A_155 = tpu.memref_slice %arg5[%dma_wait3A_150, %dma_wait3A_154] : memref<8x128xi32, #tpu.memory_space<vmem>> -> memref<1x128xi32, #tpu.memory_space<vmem>>
      %dma_wait3A_156 = tpu.memref_squeeze %dma_wait3A_155 : memref<1x128xi32, #tpu.memory_space<vmem>> -> memref<128xi32, #tpu.memory_space<vmem>>
      %dma_wait3A_157 = arith.constant 0 : i32
      %dma_wait3A_158 = arith.constant 0 : i32
      %dma_wait3A_159 = tpu.memref_slice %arg2[%dma_wait3A_157, %dma_wait3A_158] : memref<16384x32xf32, #tpu.memory_space<hbm>> -> memref<16384x32xf32, #tpu.memory_space<hbm>>
      tpu.wait_indirect_dma semaphore(%arg7 : memref<!tpu.dma_semaphore, #tpu.memory_space<semaphore_mem>>) src(%dma_wait3A_159 : memref<16384x32xf32, #tpu.memory_space<hbm>>) dst(%dma_wait3A_153 : memref<128x32xf32, #tpu.memory_space<vmem>>)
      %dma_wait3A_160 = arith.constant 7 : i32
      %dma_wait3A_161 = arith.constant 896 : i32
      %dma_wait3A_162 = arith.constant 0 : i32
      %dma_wait3A_163 = tpu.memref_slice %arg6[%dma_wait3A_161, %dma_wait3A_162] : memref<1024x32xf32, #tpu.memory_space<vmem>> -> memref<128x32xf32, #tpu.memory_space<vmem>>
      %dma_wait3A_164 = arith.constant 0 : i32
      %dma_wait3A_165 = tpu.memref_slice %arg5[%dma_wait3A_160, %dma_wait3A_164] : memref<8x128xi32, #tpu.memory_space<vmem>> -> memref<1x128xi32, #tpu.memory_space<vmem>>
      %dma_wait3A_166 = tpu.memref_squeeze %dma_wait3A_165 : memref<1x128xi32, #tpu.memory_space<vmem>> -> memref<128xi32, #tpu.memory_space<vmem>>
      %dma_wait3A_167 = arith.constant 0 : i32
      %dma_wait3A_168 = arith.constant 0 : i32
      %dma_wait3A_169 = tpu.memref_slice %arg2[%dma_wait3A_167, %dma_wait3A_168] : memref<16384x32xf32, #tpu.memory_space<hbm>> -> memref<16384x32xf32, #tpu.memory_space<hbm>>
      tpu.wait_indirect_dma semaphore(%arg7 : memref<!tpu.dma_semaphore, #tpu.memory_space<semaphore_mem>>) src(%dma_wait3A_169 : memref<16384x32xf32, #tpu.memory_space<hbm>>) dst(%dma_wait3A_163 : memref<128x32xf32, #tpu.memory_space<vmem>>)
      %mul3A_170 = arith.constant 128 : i32
      %mul3A_171 = arith.muli %add3A_11, %mul3A_170 : i32
      "tpu.region"() ({
        %run_scoped3A = tpu.sem_alloc : memref<!tpu.dma_semaphore, #tpu.memory_space<semaphore_mem>>
        %dma_start3A_172 = arith.constant 0 : i32
        %dma_start3A_173 = tpu.memref_slice %arg4[%mul3A_171, %dma_start3A_172] : memref<327680x32xf32, #tpu.memory_space<hbm>> -> memref<1024x32xf32, #tpu.memory_space<hbm>>
        %dma_start3A_174 = arith.constant 0 : i32
        %dma_start3A_175 = tpu.memref_slice %arg4[%mul3A_171, %dma_start3A_174] : memref<327680x32xf32, #tpu.memory_space<hbm>> -> memref<1024x32xf32, #tpu.memory_space<hbm>>
        tpu.enqueue_dma source(%arg6 : memref<1024x32xf32, #tpu.memory_space<vmem>>) target(%dma_start3A_175 : memref<1024x32xf32, #tpu.memory_space<hbm>>) target_semaphore(%run_scoped3A : memref<!tpu.dma_semaphore, #tpu.memory_space<semaphore_mem>>)
        %dma_wait3A_176 = arith.constant 0 : i32
        %dma_wait3A_177 = tpu.memref_slice %arg4[%mul3A_171, %dma_wait3A_176] : memref<327680x32xf32, #tpu.memory_space<hbm>> -> memref<1024x32xf32, #tpu.memory_space<hbm>>
        %dma_wait3A_178 = arith.constant 0 : i32
        %dma_wait3A_179 = tpu.memref_slice %arg4[%mul3A_171, %dma_wait3A_178] : memref<327680x32xf32, #tpu.memory_space<hbm>> -> memref<1024x32xf32, #tpu.memory_space<hbm>>
        tpu.wait_dma2 semaphore(%run_scoped3A : memref<!tpu.dma_semaphore, #tpu.memory_space<semaphore_mem>>) src(%arg6 : memref<1024x32xf32, #tpu.memory_space<vmem>>) dst(%dma_wait3A_179 : memref<1024x32xf32, #tpu.memory_space<hbm>>)
        tpu.yield
      }) : () -> ()
    }
    %scan3A_7 = arith.constant 10 : i32
    return
  }
}

module attributes {stable_mosaic.version = 14 : i64} {
  func.func @_knn_kernel(%arg0: i32, %arg1: i32, %arg2: memref<1x256x3xf32, #tpu.memory_space<vmem>>, %arg3: memref<1x2048x3xf32, #tpu.memory_space<vmem>>, %arg4: memref<1x256x1xf32, #tpu.memory_space<vmem>>, %arg5: memref<1x1x2048xf32, #tpu.memory_space<vmem>>, %arg6: memref<1x256x20xi32, #tpu.memory_space<vmem>>) attributes {dimension_semantics = [#tpu.dimension_semantics<arbitrary>, #tpu.dimension_semantics<arbitrary>], iteration_bounds = array<i64: 8, 8>, scalar_prefetch = 0 : i64, scratch_operands = 0 : i64, tpu.core_type = #tpu.core_type<tc>, window_params = [{transform_indices = @transform_0, window_bounds = array<i64: 1, 256, 3>}, {transform_indices = @transform_1, window_bounds = array<i64: 1, 2048, 3>}, {transform_indices = @transform_2, window_bounds = array<i64: 1, 256, 1>}, {transform_indices = @transform_3, window_bounds = array<i64: 1, 1, 2048>}, {transform_indices = @transform_4, window_bounds = array<i64: 1, 256, 20>}]} {
    %get3A = arith.constant 0 : index
    %get3A_0 = arith.constant 0 : index
    %get3A_1 = arith.constant 0 : index
    %get3A_2 = vector.load %arg2[%get3A, %get3A_0, %get3A_1] : memref<1x256x3xf32, #tpu.memory_space<vmem>>, vector<1x256x3xf32>
    %get3A_3 = vector.shape_cast %get3A_2 : vector<1x256x3xf32> to vector<256x3xf32>
    %get3A_4 = arith.constant 0 : index
    %get3A_5 = arith.constant 0 : index
    %get3A_6 = arith.constant 0 : index
    %get3A_7 = vector.load %arg3[%get3A_4, %get3A_5, %get3A_6] : memref<1x2048x3xf32, #tpu.memory_space<vmem>>, vector<1x2048x3xf32>
    %get3A_8 = vector.shape_cast %get3A_7 : vector<1x2048x3xf32> to vector<2048x3xf32>
    %mul3A = arith.constant 2048 : i32
    %mul3A_9 = arith.muli %arg0, %mul3A : i32
    %dot_general3A = arith.constant dense<0.000000e+00> : vector<256x2048xf32>
    %dot_general3A_10 = tpu.matmul %get3A_3, %get3A_8, %dot_general3A {dimension_numbers = #tpu.dot_dimension_numbers<[1], [1], [0], [0], [0, 0, 1, 0], [], []>, transpose_lhs_hint = false} : vector<256x3xf32>, vector<2048x3xf32>, vector<256x2048xf32> -> vector<256x2048xf32>
    %mul3A_11 = arith.constant 2.000000e+00 : f32
    %mul3A_12 = vector.broadcast %mul3A_11 : f32 to vector<256x2048xf32>
    %mul3A_13 = arith.mulf %mul3A_12, %dot_general3A_10 : vector<256x2048xf32>
    %get3A_14 = arith.constant 0 : index
    %get3A_15 = arith.constant 0 : index
    %get3A_16 = arith.constant 0 : index
    %get3A_17 = vector.load %arg4[%get3A_14, %get3A_15, %get3A_16] : memref<1x256x1xf32, #tpu.memory_space<vmem>>, vector<1x256x1xf32>
    %get3A_18 = vector.shape_cast %get3A_17 : vector<1x256x1xf32> to vector<256x1xf32>
    %sub3A = vector.broadcast %get3A_18 : vector<256x1xf32> to vector<256x2048xf32>
    %sub3A_19 = arith.subf %mul3A_13, %sub3A : vector<256x2048xf32>
    %get3A_20 = arith.constant 0 : index
    %get3A_21 = arith.constant 0 : index
    %get3A_22 = arith.constant 0 : index
    %get3A_23 = vector.load %arg5[%get3A_20, %get3A_21, %get3A_22] : memref<1x1x2048xf32, #tpu.memory_space<vmem>>, vector<1x1x2048xf32>
    %get3A_24 = vector.shape_cast %get3A_23 : vector<1x1x2048xf32> to vector<1x2048xf32>
    %sub3A_25 = vector.broadcast %get3A_24 : vector<1x2048xf32> to vector<256x2048xf32>
    %sub3A_26 = arith.subf %sub3A_19, %sub3A_25 : vector<256x2048xf32>
    %iota3A = tpu.iota {dimensions = array<i32: 1>} : vector<256x2048xi32>
    %iota3A_27 = tpu.iota {dimensions = array<i32: 1>} : vector<256x20xi32>
    %broadcast_in_dim3A = arith.constant 0 : i32
    %broadcast_in_dim3A_28 = vector.broadcast %broadcast_in_dim3A : i32 to vector<256x20xi32>
    %argmax3A = tpu.reduce_index %sub3A_26 {axis = 1 : i32, kind = #tpu.reduction_kind<arg_max>} : vector<256x2048xf32> -> vector<256xi32>
    %broadcast_in_dim3A_29 = vector.shape_cast %argmax3A : vector<256xi32> to vector<256x1xi32>
    %eq3A = arith.constant 0 : i32
    %eq3A_30 = vector.broadcast %eq3A : i32 to vector<256x20xi32>
    %eq3A_31 = arith.cmpi eq, %iota3A_27, %eq3A_30 : vector<256x20xi32>
    %broadcast_in_dim3A_32 = vector.shape_cast %broadcast_in_dim3A_29 : vector<256x1xi32> to vector<256x1xi32>
    %broadcast_in_dim3A_33 = vector.broadcast %broadcast_in_dim3A_32 : vector<256x1xi32> to vector<256x20xi32>
    %select_n3A = arith.select %eq3A_31, %broadcast_in_dim3A_33, %broadcast_in_dim3A_28 : vector<256x20xi1>, vector<256x20xi32>
    %eq3A_34 = vector.broadcast %broadcast_in_dim3A_29 : vector<256x1xi32> to vector<256x2048xi32>
    %eq3A_35 = arith.cmpi eq, %iota3A, %eq3A_34 : vector<256x2048xi32>
    %jit3A = arith.constant 0xFF800000 : f32
    %broadcast_in_dim3A_36 = vector.broadcast %jit3A : f32 to vector<256x2048xf32>
    %select_n3A_37 = arith.select %eq3A_35, %broadcast_in_dim3A_36, %sub3A_26 : vector<256x2048xi1>, vector<256x2048xf32>
    %argmax3A_38 = tpu.reduce_index %select_n3A_37 {axis = 1 : i32, kind = #tpu.reduction_kind<arg_max>} : vector<256x2048xf32> -> vector<256xi32>
    %broadcast_in_dim3A_39 = vector.shape_cast %argmax3A_38 : vector<256xi32> to vector<256x1xi32>
    %eq3A_40 = arith.constant 1 : i32
    %eq3A_41 = vector.broadcast %eq3A_40 : i32 to vector<256x20xi32>
    %eq3A_42 = arith.cmpi eq, %iota3A_27, %eq3A_41 : vector<256x20xi32>
    %broadcast_in_dim3A_43 = vector.shape_cast %broadcast_in_dim3A_39 : vector<256x1xi32> to vector<256x1xi32>
    %broadcast_in_dim3A_44 = vector.broadcast %broadcast_in_dim3A_43 : vector<256x1xi32> to vector<256x20xi32>
    %select_n3A_45 = arith.select %eq3A_42, %broadcast_in_dim3A_44, %select_n3A : vector<256x20xi1>, vector<256x20xi32>
    %eq3A_46 = vector.broadcast %broadcast_in_dim3A_39 : vector<256x1xi32> to vector<256x2048xi32>
    %eq3A_47 = arith.cmpi eq, %iota3A, %eq3A_46 : vector<256x2048xi32>
    %jit3A_48 = arith.constant 0xFF800000 : f32
    %broadcast_in_dim3A_49 = vector.broadcast %jit3A_48 : f32 to vector<256x2048xf32>
    %select_n3A_50 = arith.select %eq3A_47, %broadcast_in_dim3A_49, %select_n3A_37 : vector<256x2048xi1>, vector<256x2048xf32>
    %argmax3A_51 = tpu.reduce_index %select_n3A_50 {axis = 1 : i32, kind = #tpu.reduction_kind<arg_max>} : vector<256x2048xf32> -> vector<256xi32>
    %broadcast_in_dim3A_52 = vector.shape_cast %argmax3A_51 : vector<256xi32> to vector<256x1xi32>
    %eq3A_53 = arith.constant 2 : i32
    %eq3A_54 = vector.broadcast %eq3A_53 : i32 to vector<256x20xi32>
    %eq3A_55 = arith.cmpi eq, %iota3A_27, %eq3A_54 : vector<256x20xi32>
    %broadcast_in_dim3A_56 = vector.shape_cast %broadcast_in_dim3A_52 : vector<256x1xi32> to vector<256x1xi32>
    %broadcast_in_dim3A_57 = vector.broadcast %broadcast_in_dim3A_56 : vector<256x1xi32> to vector<256x20xi32>
    %select_n3A_58 = arith.select %eq3A_55, %broadcast_in_dim3A_57, %select_n3A_45 : vector<256x20xi1>, vector<256x20xi32>
    %eq3A_59 = vector.broadcast %broadcast_in_dim3A_52 : vector<256x1xi32> to vector<256x2048xi32>
    %eq3A_60 = arith.cmpi eq, %iota3A, %eq3A_59 : vector<256x2048xi32>
    %jit3A_61 = arith.constant 0xFF800000 : f32
    %broadcast_in_dim3A_62 = vector.broadcast %jit3A_61 : f32 to vector<256x2048xf32>
    %select_n3A_63 = arith.select %eq3A_60, %broadcast_in_dim3A_62, %select_n3A_50 : vector<256x2048xi1>, vector<256x2048xf32>
    %argmax3A_64 = tpu.reduce_index %select_n3A_63 {axis = 1 : i32, kind = #tpu.reduction_kind<arg_max>} : vector<256x2048xf32> -> vector<256xi32>
    %broadcast_in_dim3A_65 = vector.shape_cast %argmax3A_64 : vector<256xi32> to vector<256x1xi32>
    %eq3A_66 = arith.constant 3 : i32
    %eq3A_67 = vector.broadcast %eq3A_66 : i32 to vector<256x20xi32>
    %eq3A_68 = arith.cmpi eq, %iota3A_27, %eq3A_67 : vector<256x20xi32>
    %broadcast_in_dim3A_69 = vector.shape_cast %broadcast_in_dim3A_65 : vector<256x1xi32> to vector<256x1xi32>
    %broadcast_in_dim3A_70 = vector.broadcast %broadcast_in_dim3A_69 : vector<256x1xi32> to vector<256x20xi32>
    %select_n3A_71 = arith.select %eq3A_68, %broadcast_in_dim3A_70, %select_n3A_58 : vector<256x20xi1>, vector<256x20xi32>
    %eq3A_72 = vector.broadcast %broadcast_in_dim3A_65 : vector<256x1xi32> to vector<256x2048xi32>
    %eq3A_73 = arith.cmpi eq, %iota3A, %eq3A_72 : vector<256x2048xi32>
    %jit3A_74 = arith.constant 0xFF800000 : f32
    %broadcast_in_dim3A_75 = vector.broadcast %jit3A_74 : f32 to vector<256x2048xf32>
    %select_n3A_76 = arith.select %eq3A_73, %broadcast_in_dim3A_75, %select_n3A_63 : vector<256x2048xi1>, vector<256x2048xf32>
    %argmax3A_77 = tpu.reduce_index %select_n3A_76 {axis = 1 : i32, kind = #tpu.reduction_kind<arg_max>} : vector<256x2048xf32> -> vector<256xi32>
    %broadcast_in_dim3A_78 = vector.shape_cast %argmax3A_77 : vector<256xi32> to vector<256x1xi32>
    %eq3A_79 = arith.constant 4 : i32
    %eq3A_80 = vector.broadcast %eq3A_79 : i32 to vector<256x20xi32>
    %eq3A_81 = arith.cmpi eq, %iota3A_27, %eq3A_80 : vector<256x20xi32>
    %broadcast_in_dim3A_82 = vector.shape_cast %broadcast_in_dim3A_78 : vector<256x1xi32> to vector<256x1xi32>
    %broadcast_in_dim3A_83 = vector.broadcast %broadcast_in_dim3A_82 : vector<256x1xi32> to vector<256x20xi32>
    %select_n3A_84 = arith.select %eq3A_81, %broadcast_in_dim3A_83, %select_n3A_71 : vector<256x20xi1>, vector<256x20xi32>
    %eq3A_85 = vector.broadcast %broadcast_in_dim3A_78 : vector<256x1xi32> to vector<256x2048xi32>
    %eq3A_86 = arith.cmpi eq, %iota3A, %eq3A_85 : vector<256x2048xi32>
    %jit3A_87 = arith.constant 0xFF800000 : f32
    %broadcast_in_dim3A_88 = vector.broadcast %jit3A_87 : f32 to vector<256x2048xf32>
    %select_n3A_89 = arith.select %eq3A_86, %broadcast_in_dim3A_88, %select_n3A_76 : vector<256x2048xi1>, vector<256x2048xf32>
    %argmax3A_90 = tpu.reduce_index %select_n3A_89 {axis = 1 : i32, kind = #tpu.reduction_kind<arg_max>} : vector<256x2048xf32> -> vector<256xi32>
    %broadcast_in_dim3A_91 = vector.shape_cast %argmax3A_90 : vector<256xi32> to vector<256x1xi32>
    %eq3A_92 = arith.constant 5 : i32
    %eq3A_93 = vector.broadcast %eq3A_92 : i32 to vector<256x20xi32>
    %eq3A_94 = arith.cmpi eq, %iota3A_27, %eq3A_93 : vector<256x20xi32>
    %broadcast_in_dim3A_95 = vector.shape_cast %broadcast_in_dim3A_91 : vector<256x1xi32> to vector<256x1xi32>
    %broadcast_in_dim3A_96 = vector.broadcast %broadcast_in_dim3A_95 : vector<256x1xi32> to vector<256x20xi32>
    %select_n3A_97 = arith.select %eq3A_94, %broadcast_in_dim3A_96, %select_n3A_84 : vector<256x20xi1>, vector<256x20xi32>
    %eq3A_98 = vector.broadcast %broadcast_in_dim3A_91 : vector<256x1xi32> to vector<256x2048xi32>
    %eq3A_99 = arith.cmpi eq, %iota3A, %eq3A_98 : vector<256x2048xi32>
    %jit3A_100 = arith.constant 0xFF800000 : f32
    %broadcast_in_dim3A_101 = vector.broadcast %jit3A_100 : f32 to vector<256x2048xf32>
    %select_n3A_102 = arith.select %eq3A_99, %broadcast_in_dim3A_101, %select_n3A_89 : vector<256x2048xi1>, vector<256x2048xf32>
    %argmax3A_103 = tpu.reduce_index %select_n3A_102 {axis = 1 : i32, kind = #tpu.reduction_kind<arg_max>} : vector<256x2048xf32> -> vector<256xi32>
    %broadcast_in_dim3A_104 = vector.shape_cast %argmax3A_103 : vector<256xi32> to vector<256x1xi32>
    %eq3A_105 = arith.constant 6 : i32
    %eq3A_106 = vector.broadcast %eq3A_105 : i32 to vector<256x20xi32>
    %eq3A_107 = arith.cmpi eq, %iota3A_27, %eq3A_106 : vector<256x20xi32>
    %broadcast_in_dim3A_108 = vector.shape_cast %broadcast_in_dim3A_104 : vector<256x1xi32> to vector<256x1xi32>
    %broadcast_in_dim3A_109 = vector.broadcast %broadcast_in_dim3A_108 : vector<256x1xi32> to vector<256x20xi32>
    %select_n3A_110 = arith.select %eq3A_107, %broadcast_in_dim3A_109, %select_n3A_97 : vector<256x20xi1>, vector<256x20xi32>
    %eq3A_111 = vector.broadcast %broadcast_in_dim3A_104 : vector<256x1xi32> to vector<256x2048xi32>
    %eq3A_112 = arith.cmpi eq, %iota3A, %eq3A_111 : vector<256x2048xi32>
    %jit3A_113 = arith.constant 0xFF800000 : f32
    %broadcast_in_dim3A_114 = vector.broadcast %jit3A_113 : f32 to vector<256x2048xf32>
    %select_n3A_115 = arith.select %eq3A_112, %broadcast_in_dim3A_114, %select_n3A_102 : vector<256x2048xi1>, vector<256x2048xf32>
    %argmax3A_116 = tpu.reduce_index %select_n3A_115 {axis = 1 : i32, kind = #tpu.reduction_kind<arg_max>} : vector<256x2048xf32> -> vector<256xi32>
    %broadcast_in_dim3A_117 = vector.shape_cast %argmax3A_116 : vector<256xi32> to vector<256x1xi32>
    %eq3A_118 = arith.constant 7 : i32
    %eq3A_119 = vector.broadcast %eq3A_118 : i32 to vector<256x20xi32>
    %eq3A_120 = arith.cmpi eq, %iota3A_27, %eq3A_119 : vector<256x20xi32>
    %broadcast_in_dim3A_121 = vector.shape_cast %broadcast_in_dim3A_117 : vector<256x1xi32> to vector<256x1xi32>
    %broadcast_in_dim3A_122 = vector.broadcast %broadcast_in_dim3A_121 : vector<256x1xi32> to vector<256x20xi32>
    %select_n3A_123 = arith.select %eq3A_120, %broadcast_in_dim3A_122, %select_n3A_110 : vector<256x20xi1>, vector<256x20xi32>
    %eq3A_124 = vector.broadcast %broadcast_in_dim3A_117 : vector<256x1xi32> to vector<256x2048xi32>
    %eq3A_125 = arith.cmpi eq, %iota3A, %eq3A_124 : vector<256x2048xi32>
    %jit3A_126 = arith.constant 0xFF800000 : f32
    %broadcast_in_dim3A_127 = vector.broadcast %jit3A_126 : f32 to vector<256x2048xf32>
    %select_n3A_128 = arith.select %eq3A_125, %broadcast_in_dim3A_127, %select_n3A_115 : vector<256x2048xi1>, vector<256x2048xf32>
    %argmax3A_129 = tpu.reduce_index %select_n3A_128 {axis = 1 : i32, kind = #tpu.reduction_kind<arg_max>} : vector<256x2048xf32> -> vector<256xi32>
    %broadcast_in_dim3A_130 = vector.shape_cast %argmax3A_129 : vector<256xi32> to vector<256x1xi32>
    %eq3A_131 = arith.constant 8 : i32
    %eq3A_132 = vector.broadcast %eq3A_131 : i32 to vector<256x20xi32>
    %eq3A_133 = arith.cmpi eq, %iota3A_27, %eq3A_132 : vector<256x20xi32>
    %broadcast_in_dim3A_134 = vector.shape_cast %broadcast_in_dim3A_130 : vector<256x1xi32> to vector<256x1xi32>
    %broadcast_in_dim3A_135 = vector.broadcast %broadcast_in_dim3A_134 : vector<256x1xi32> to vector<256x20xi32>
    %select_n3A_136 = arith.select %eq3A_133, %broadcast_in_dim3A_135, %select_n3A_123 : vector<256x20xi1>, vector<256x20xi32>
    %eq3A_137 = vector.broadcast %broadcast_in_dim3A_130 : vector<256x1xi32> to vector<256x2048xi32>
    %eq3A_138 = arith.cmpi eq, %iota3A, %eq3A_137 : vector<256x2048xi32>
    %jit3A_139 = arith.constant 0xFF800000 : f32
    %broadcast_in_dim3A_140 = vector.broadcast %jit3A_139 : f32 to vector<256x2048xf32>
    %select_n3A_141 = arith.select %eq3A_138, %broadcast_in_dim3A_140, %select_n3A_128 : vector<256x2048xi1>, vector<256x2048xf32>
    %argmax3A_142 = tpu.reduce_index %select_n3A_141 {axis = 1 : i32, kind = #tpu.reduction_kind<arg_max>} : vector<256x2048xf32> -> vector<256xi32>
    %broadcast_in_dim3A_143 = vector.shape_cast %argmax3A_142 : vector<256xi32> to vector<256x1xi32>
    %eq3A_144 = arith.constant 9 : i32
    %eq3A_145 = vector.broadcast %eq3A_144 : i32 to vector<256x20xi32>
    %eq3A_146 = arith.cmpi eq, %iota3A_27, %eq3A_145 : vector<256x20xi32>
    %broadcast_in_dim3A_147 = vector.shape_cast %broadcast_in_dim3A_143 : vector<256x1xi32> to vector<256x1xi32>
    %broadcast_in_dim3A_148 = vector.broadcast %broadcast_in_dim3A_147 : vector<256x1xi32> to vector<256x20xi32>
    %select_n3A_149 = arith.select %eq3A_146, %broadcast_in_dim3A_148, %select_n3A_136 : vector<256x20xi1>, vector<256x20xi32>
    %eq3A_150 = vector.broadcast %broadcast_in_dim3A_143 : vector<256x1xi32> to vector<256x2048xi32>
    %eq3A_151 = arith.cmpi eq, %iota3A, %eq3A_150 : vector<256x2048xi32>
    %jit3A_152 = arith.constant 0xFF800000 : f32
    %broadcast_in_dim3A_153 = vector.broadcast %jit3A_152 : f32 to vector<256x2048xf32>
    %select_n3A_154 = arith.select %eq3A_151, %broadcast_in_dim3A_153, %select_n3A_141 : vector<256x2048xi1>, vector<256x2048xf32>
    %argmax3A_155 = tpu.reduce_index %select_n3A_154 {axis = 1 : i32, kind = #tpu.reduction_kind<arg_max>} : vector<256x2048xf32> -> vector<256xi32>
    %broadcast_in_dim3A_156 = vector.shape_cast %argmax3A_155 : vector<256xi32> to vector<256x1xi32>
    %eq3A_157 = arith.constant 10 : i32
    %eq3A_158 = vector.broadcast %eq3A_157 : i32 to vector<256x20xi32>
    %eq3A_159 = arith.cmpi eq, %iota3A_27, %eq3A_158 : vector<256x20xi32>
    %broadcast_in_dim3A_160 = vector.shape_cast %broadcast_in_dim3A_156 : vector<256x1xi32> to vector<256x1xi32>
    %broadcast_in_dim3A_161 = vector.broadcast %broadcast_in_dim3A_160 : vector<256x1xi32> to vector<256x20xi32>
    %select_n3A_162 = arith.select %eq3A_159, %broadcast_in_dim3A_161, %select_n3A_149 : vector<256x20xi1>, vector<256x20xi32>
    %eq3A_163 = vector.broadcast %broadcast_in_dim3A_156 : vector<256x1xi32> to vector<256x2048xi32>
    %eq3A_164 = arith.cmpi eq, %iota3A, %eq3A_163 : vector<256x2048xi32>
    %jit3A_165 = arith.constant 0xFF800000 : f32
    %broadcast_in_dim3A_166 = vector.broadcast %jit3A_165 : f32 to vector<256x2048xf32>
    %select_n3A_167 = arith.select %eq3A_164, %broadcast_in_dim3A_166, %select_n3A_154 : vector<256x2048xi1>, vector<256x2048xf32>
    %argmax3A_168 = tpu.reduce_index %select_n3A_167 {axis = 1 : i32, kind = #tpu.reduction_kind<arg_max>} : vector<256x2048xf32> -> vector<256xi32>
    %broadcast_in_dim3A_169 = vector.shape_cast %argmax3A_168 : vector<256xi32> to vector<256x1xi32>
    %eq3A_170 = arith.constant 11 : i32
    %eq3A_171 = vector.broadcast %eq3A_170 : i32 to vector<256x20xi32>
    %eq3A_172 = arith.cmpi eq, %iota3A_27, %eq3A_171 : vector<256x20xi32>
    %broadcast_in_dim3A_173 = vector.shape_cast %broadcast_in_dim3A_169 : vector<256x1xi32> to vector<256x1xi32>
    %broadcast_in_dim3A_174 = vector.broadcast %broadcast_in_dim3A_173 : vector<256x1xi32> to vector<256x20xi32>
    %select_n3A_175 = arith.select %eq3A_172, %broadcast_in_dim3A_174, %select_n3A_162 : vector<256x20xi1>, vector<256x20xi32>
    %eq3A_176 = vector.broadcast %broadcast_in_dim3A_169 : vector<256x1xi32> to vector<256x2048xi32>
    %eq3A_177 = arith.cmpi eq, %iota3A, %eq3A_176 : vector<256x2048xi32>
    %jit3A_178 = arith.constant 0xFF800000 : f32
    %broadcast_in_dim3A_179 = vector.broadcast %jit3A_178 : f32 to vector<256x2048xf32>
    %select_n3A_180 = arith.select %eq3A_177, %broadcast_in_dim3A_179, %select_n3A_167 : vector<256x2048xi1>, vector<256x2048xf32>
    %argmax3A_181 = tpu.reduce_index %select_n3A_180 {axis = 1 : i32, kind = #tpu.reduction_kind<arg_max>} : vector<256x2048xf32> -> vector<256xi32>
    %broadcast_in_dim3A_182 = vector.shape_cast %argmax3A_181 : vector<256xi32> to vector<256x1xi32>
    %eq3A_183 = arith.constant 12 : i32
    %eq3A_184 = vector.broadcast %eq3A_183 : i32 to vector<256x20xi32>
    %eq3A_185 = arith.cmpi eq, %iota3A_27, %eq3A_184 : vector<256x20xi32>
    %broadcast_in_dim3A_186 = vector.shape_cast %broadcast_in_dim3A_182 : vector<256x1xi32> to vector<256x1xi32>
    %broadcast_in_dim3A_187 = vector.broadcast %broadcast_in_dim3A_186 : vector<256x1xi32> to vector<256x20xi32>
    %select_n3A_188 = arith.select %eq3A_185, %broadcast_in_dim3A_187, %select_n3A_175 : vector<256x20xi1>, vector<256x20xi32>
    %eq3A_189 = vector.broadcast %broadcast_in_dim3A_182 : vector<256x1xi32> to vector<256x2048xi32>
    %eq3A_190 = arith.cmpi eq, %iota3A, %eq3A_189 : vector<256x2048xi32>
    %jit3A_191 = arith.constant 0xFF800000 : f32
    %broadcast_in_dim3A_192 = vector.broadcast %jit3A_191 : f32 to vector<256x2048xf32>
    %select_n3A_193 = arith.select %eq3A_190, %broadcast_in_dim3A_192, %select_n3A_180 : vector<256x2048xi1>, vector<256x2048xf32>
    %argmax3A_194 = tpu.reduce_index %select_n3A_193 {axis = 1 : i32, kind = #tpu.reduction_kind<arg_max>} : vector<256x2048xf32> -> vector<256xi32>
    %broadcast_in_dim3A_195 = vector.shape_cast %argmax3A_194 : vector<256xi32> to vector<256x1xi32>
    %eq3A_196 = arith.constant 13 : i32
    %eq3A_197 = vector.broadcast %eq3A_196 : i32 to vector<256x20xi32>
    %eq3A_198 = arith.cmpi eq, %iota3A_27, %eq3A_197 : vector<256x20xi32>
    %broadcast_in_dim3A_199 = vector.shape_cast %broadcast_in_dim3A_195 : vector<256x1xi32> to vector<256x1xi32>
    %broadcast_in_dim3A_200 = vector.broadcast %broadcast_in_dim3A_199 : vector<256x1xi32> to vector<256x20xi32>
    %select_n3A_201 = arith.select %eq3A_198, %broadcast_in_dim3A_200, %select_n3A_188 : vector<256x20xi1>, vector<256x20xi32>
    %eq3A_202 = vector.broadcast %broadcast_in_dim3A_195 : vector<256x1xi32> to vector<256x2048xi32>
    %eq3A_203 = arith.cmpi eq, %iota3A, %eq3A_202 : vector<256x2048xi32>
    %jit3A_204 = arith.constant 0xFF800000 : f32
    %broadcast_in_dim3A_205 = vector.broadcast %jit3A_204 : f32 to vector<256x2048xf32>
    %select_n3A_206 = arith.select %eq3A_203, %broadcast_in_dim3A_205, %select_n3A_193 : vector<256x2048xi1>, vector<256x2048xf32>
    %argmax3A_207 = tpu.reduce_index %select_n3A_206 {axis = 1 : i32, kind = #tpu.reduction_kind<arg_max>} : vector<256x2048xf32> -> vector<256xi32>
    %broadcast_in_dim3A_208 = vector.shape_cast %argmax3A_207 : vector<256xi32> to vector<256x1xi32>
    %eq3A_209 = arith.constant 14 : i32
    %eq3A_210 = vector.broadcast %eq3A_209 : i32 to vector<256x20xi32>
    %eq3A_211 = arith.cmpi eq, %iota3A_27, %eq3A_210 : vector<256x20xi32>
    %broadcast_in_dim3A_212 = vector.shape_cast %broadcast_in_dim3A_208 : vector<256x1xi32> to vector<256x1xi32>
    %broadcast_in_dim3A_213 = vector.broadcast %broadcast_in_dim3A_212 : vector<256x1xi32> to vector<256x20xi32>
    %select_n3A_214 = arith.select %eq3A_211, %broadcast_in_dim3A_213, %select_n3A_201 : vector<256x20xi1>, vector<256x20xi32>
    %eq3A_215 = vector.broadcast %broadcast_in_dim3A_208 : vector<256x1xi32> to vector<256x2048xi32>
    %eq3A_216 = arith.cmpi eq, %iota3A, %eq3A_215 : vector<256x2048xi32>
    %jit3A_217 = arith.constant 0xFF800000 : f32
    %broadcast_in_dim3A_218 = vector.broadcast %jit3A_217 : f32 to vector<256x2048xf32>
    %select_n3A_219 = arith.select %eq3A_216, %broadcast_in_dim3A_218, %select_n3A_206 : vector<256x2048xi1>, vector<256x2048xf32>
    %argmax3A_220 = tpu.reduce_index %select_n3A_219 {axis = 1 : i32, kind = #tpu.reduction_kind<arg_max>} : vector<256x2048xf32> -> vector<256xi32>
    %broadcast_in_dim3A_221 = vector.shape_cast %argmax3A_220 : vector<256xi32> to vector<256x1xi32>
    %eq3A_222 = arith.constant 15 : i32
    %eq3A_223 = vector.broadcast %eq3A_222 : i32 to vector<256x20xi32>
    %eq3A_224 = arith.cmpi eq, %iota3A_27, %eq3A_223 : vector<256x20xi32>
    %broadcast_in_dim3A_225 = vector.shape_cast %broadcast_in_dim3A_221 : vector<256x1xi32> to vector<256x1xi32>
    %broadcast_in_dim3A_226 = vector.broadcast %broadcast_in_dim3A_225 : vector<256x1xi32> to vector<256x20xi32>
    %select_n3A_227 = arith.select %eq3A_224, %broadcast_in_dim3A_226, %select_n3A_214 : vector<256x20xi1>, vector<256x20xi32>
    %eq3A_228 = vector.broadcast %broadcast_in_dim3A_221 : vector<256x1xi32> to vector<256x2048xi32>
    %eq3A_229 = arith.cmpi eq, %iota3A, %eq3A_228 : vector<256x2048xi32>
    %jit3A_230 = arith.constant 0xFF800000 : f32
    %broadcast_in_dim3A_231 = vector.broadcast %jit3A_230 : f32 to vector<256x2048xf32>
    %select_n3A_232 = arith.select %eq3A_229, %broadcast_in_dim3A_231, %select_n3A_219 : vector<256x2048xi1>, vector<256x2048xf32>
    %argmax3A_233 = tpu.reduce_index %select_n3A_232 {axis = 1 : i32, kind = #tpu.reduction_kind<arg_max>} : vector<256x2048xf32> -> vector<256xi32>
    %broadcast_in_dim3A_234 = vector.shape_cast %argmax3A_233 : vector<256xi32> to vector<256x1xi32>
    %eq3A_235 = arith.constant 16 : i32
    %eq3A_236 = vector.broadcast %eq3A_235 : i32 to vector<256x20xi32>
    %eq3A_237 = arith.cmpi eq, %iota3A_27, %eq3A_236 : vector<256x20xi32>
    %broadcast_in_dim3A_238 = vector.shape_cast %broadcast_in_dim3A_234 : vector<256x1xi32> to vector<256x1xi32>
    %broadcast_in_dim3A_239 = vector.broadcast %broadcast_in_dim3A_238 : vector<256x1xi32> to vector<256x20xi32>
    %select_n3A_240 = arith.select %eq3A_237, %broadcast_in_dim3A_239, %select_n3A_227 : vector<256x20xi1>, vector<256x20xi32>
    %eq3A_241 = vector.broadcast %broadcast_in_dim3A_234 : vector<256x1xi32> to vector<256x2048xi32>
    %eq3A_242 = arith.cmpi eq, %iota3A, %eq3A_241 : vector<256x2048xi32>
    %jit3A_243 = arith.constant 0xFF800000 : f32
    %broadcast_in_dim3A_244 = vector.broadcast %jit3A_243 : f32 to vector<256x2048xf32>
    %select_n3A_245 = arith.select %eq3A_242, %broadcast_in_dim3A_244, %select_n3A_232 : vector<256x2048xi1>, vector<256x2048xf32>
    %argmax3A_246 = tpu.reduce_index %select_n3A_245 {axis = 1 : i32, kind = #tpu.reduction_kind<arg_max>} : vector<256x2048xf32> -> vector<256xi32>
    %broadcast_in_dim3A_247 = vector.shape_cast %argmax3A_246 : vector<256xi32> to vector<256x1xi32>
    %eq3A_248 = arith.constant 17 : i32
    %eq3A_249 = vector.broadcast %eq3A_248 : i32 to vector<256x20xi32>
    %eq3A_250 = arith.cmpi eq, %iota3A_27, %eq3A_249 : vector<256x20xi32>
    %broadcast_in_dim3A_251 = vector.shape_cast %broadcast_in_dim3A_247 : vector<256x1xi32> to vector<256x1xi32>
    %broadcast_in_dim3A_252 = vector.broadcast %broadcast_in_dim3A_251 : vector<256x1xi32> to vector<256x20xi32>
    %select_n3A_253 = arith.select %eq3A_250, %broadcast_in_dim3A_252, %select_n3A_240 : vector<256x20xi1>, vector<256x20xi32>
    %eq3A_254 = vector.broadcast %broadcast_in_dim3A_247 : vector<256x1xi32> to vector<256x2048xi32>
    %eq3A_255 = arith.cmpi eq, %iota3A, %eq3A_254 : vector<256x2048xi32>
    %jit3A_256 = arith.constant 0xFF800000 : f32
    %broadcast_in_dim3A_257 = vector.broadcast %jit3A_256 : f32 to vector<256x2048xf32>
    %select_n3A_258 = arith.select %eq3A_255, %broadcast_in_dim3A_257, %select_n3A_245 : vector<256x2048xi1>, vector<256x2048xf32>
    %argmax3A_259 = tpu.reduce_index %select_n3A_258 {axis = 1 : i32, kind = #tpu.reduction_kind<arg_max>} : vector<256x2048xf32> -> vector<256xi32>
    %broadcast_in_dim3A_260 = vector.shape_cast %argmax3A_259 : vector<256xi32> to vector<256x1xi32>
    %eq3A_261 = arith.constant 18 : i32
    %eq3A_262 = vector.broadcast %eq3A_261 : i32 to vector<256x20xi32>
    %eq3A_263 = arith.cmpi eq, %iota3A_27, %eq3A_262 : vector<256x20xi32>
    %broadcast_in_dim3A_264 = vector.shape_cast %broadcast_in_dim3A_260 : vector<256x1xi32> to vector<256x1xi32>
    %broadcast_in_dim3A_265 = vector.broadcast %broadcast_in_dim3A_264 : vector<256x1xi32> to vector<256x20xi32>
    %select_n3A_266 = arith.select %eq3A_263, %broadcast_in_dim3A_265, %select_n3A_253 : vector<256x20xi1>, vector<256x20xi32>
    %eq3A_267 = vector.broadcast %broadcast_in_dim3A_260 : vector<256x1xi32> to vector<256x2048xi32>
    %eq3A_268 = arith.cmpi eq, %iota3A, %eq3A_267 : vector<256x2048xi32>
    %jit3A_269 = arith.constant 0xFF800000 : f32
    %broadcast_in_dim3A_270 = vector.broadcast %jit3A_269 : f32 to vector<256x2048xf32>
    %select_n3A_271 = arith.select %eq3A_268, %broadcast_in_dim3A_270, %select_n3A_258 : vector<256x2048xi1>, vector<256x2048xf32>
    %argmax3A_272 = tpu.reduce_index %select_n3A_271 {axis = 1 : i32, kind = #tpu.reduction_kind<arg_max>} : vector<256x2048xf32> -> vector<256xi32>
    %broadcast_in_dim3A_273 = vector.shape_cast %argmax3A_272 : vector<256xi32> to vector<256x1xi32>
    %eq3A_274 = arith.constant 19 : i32
    %eq3A_275 = vector.broadcast %eq3A_274 : i32 to vector<256x20xi32>
    %eq3A_276 = arith.cmpi eq, %iota3A_27, %eq3A_275 : vector<256x20xi32>
    %broadcast_in_dim3A_277 = vector.shape_cast %broadcast_in_dim3A_273 : vector<256x1xi32> to vector<256x1xi32>
    %broadcast_in_dim3A_278 = vector.broadcast %broadcast_in_dim3A_277 : vector<256x1xi32> to vector<256x20xi32>
    %select_n3A_279 = arith.select %eq3A_276, %broadcast_in_dim3A_278, %select_n3A_266 : vector<256x20xi1>, vector<256x20xi32>
    %add3A = vector.broadcast %mul3A_9 : i32 to vector<256x20xi32>
    %add3A_280 = arith.addi %select_n3A_279, %add3A : vector<256x20xi32>
    %swap3A = arith.constant 0 : index
    %swap3A_281 = arith.constant 0 : index
    %swap3A_282 = arith.constant 0 : index
    %swap3A_283 = vector.load %arg6[%swap3A, %swap3A_281, %swap3A_282] : memref<1x256x20xi32, #tpu.memory_space<vmem>>, vector<1x256x20xi32>
    %swap3A_284 = vector.shape_cast %swap3A_283 : vector<1x256x20xi32> to vector<256x20xi32>
    %swap3A_285 = vector.shape_cast %add3A_280 : vector<256x20xi32> to vector<1x256x20xi32>
    tpu.vector_store %arg6[%swap3A, %swap3A_281, %swap3A_282], %swap3A_285 {strides = array<i32>} : memref<1x256x20xi32, #tpu.memory_space<vmem>>, vector<1x256x20xi32>,
    return
  }
  func.func @transform_0(%arg0: i32, %arg1: i32) -> (i32, i32, i32) {
    %c0_i32 = arith.constant 0 : i32
    %c0_i32_0 = arith.constant 0 : i32
    return %arg0, %arg1, %c0_i32 : i32, i32, i32
  }
  func.func @transform_1(%arg0: i32, %arg1: i32) -> (i32, i32, i32) {
    %c0_i32 = arith.constant 0 : i32
    %c0_i32_0 = arith.constant 0 : i32
    %c0_i32_1 = arith.constant 0 : i32
    return %arg0, %c0_i32, %c0_i32_0 : i32, i32, i32
  }
  func.func @transform_2(%arg0: i32, %arg1: i32) -> (i32, i32, i32) {
    %c0_i32 = arith.constant 0 : i32
    %c0_i32_0 = arith.constant 0 : i32
    return %arg0, %arg1, %c0_i32 : i32, i32, i32
  }
  func.func @transform_3(%arg0: i32, %arg1: i32) -> (i32, i32, i32) {
    %c0_i32 = arith.constant 0 : i32
    %c0_i32_0 = arith.constant 0 : i32
    %c0_i32_1 = arith.constant 0 : i32
    return %arg0, %c0_i32, %c0_i32_0 : i32, i32, i32
  }
  func.func @transform_4(%arg0: i32, %arg1: i32) -> (i32, i32, i32) {
    %c0_i32 = arith.constant 0 : i32
    %c0_i32_0 = arith.constant 0 : i32
    return %arg0, %arg1, %c0_i32 : i32, i32, i32
  }
}

module attributes {stable_mosaic.version = 14 : i64} {
  func.func @_conv_kernel(%arg0: i32, %arg1: i32, %arg2: memref<1x20x512x16xf32, #tpu.memory_space<vmem>>, %arg3: memref<1x512x3xf32, #tpu.memory_space<vmem>>, %arg4: memref<6x16xf32, #tpu.memory_space<vmem>>, %arg5: memref<1x16xf32, #tpu.memory_space<vmem>>, %arg6: memref<1x16xf32, #tpu.memory_space<vmem>>, %arg7: memref<1x512x16xf32, #tpu.memory_space<vmem>>) attributes {dimension_semantics = [#tpu.dimension_semantics<arbitrary>, #tpu.dimension_semantics<arbitrary>], iteration_bounds = array<i64: 8, 4>, scalar_prefetch = 0 : i64, scratch_operands = 0 : i64, tpu.core_type = #tpu.core_type<tc>, window_params = [{transform_indices = @transform_0, window_bounds = array<i64: 1, 20, 512, 16>}, {transform_indices = @transform_1, window_bounds = array<i64: 1, 512, 3>}, {pipeline_mode = #tpu.pipeline_mode<synchronous>, transform_indices = @transform_2, window_bounds = array<i64: 6, 16>}, {pipeline_mode = #tpu.pipeline_mode<synchronous>, transform_indices = @transform_3, window_bounds = array<i64: 1, 16>}, {pipeline_mode = #tpu.pipeline_mode<synchronous>, transform_indices = @transform_4, window_bounds = array<i64: 1, 16>}, {transform_indices = @transform_5, window_bounds = array<i64: 1, 512, 16>}]} {
    %get3A = arith.constant 0 : index
    %get3A_0 = arith.constant 0 : index
    %get3A_1 = arith.constant 0 : index
    %get3A_2 = vector.load %arg3[%get3A, %get3A_0, %get3A_1] : memref<1x512x3xf32, #tpu.memory_space<vmem>>, vector<1x512x3xf32>
    %get3A_3 = vector.shape_cast %get3A_2 : vector<1x512x3xf32> to vector<512x3xf32>
    %get3A_4 = arith.constant 0 : index
    %get3A_5 = arith.constant 0 : index
    %get3A_6 = arith.constant 0 : index
    %get3A_7 = arith.constant 0 : index
    %get3A_8 = vector.load %arg2[%get3A_4, %get3A_5, %get3A_6, %get3A_7] : memref<1x20x512x16xf32, #tpu.memory_space<vmem>>, vector<1x20x512x16xf32>
    %get3A_9 = vector.shape_cast %get3A_8 : vector<1x20x512x16xf32> to vector<20x512x16xf32>
    %reshape3A = vector.shape_cast %get3A_9 : vector<20x512x16xf32> to vector<10240x16xf32>
    %slice3A = vector.extract_strided_slice %reshape3A {offsets = [0, 0], sizes = [10240, 3], strides = [1, 1]} : vector<10240x16xf32> to vector<10240x3xf32>
    %broadcast_in_dim3A = vector.shape_cast %get3A_3 : vector<512x3xf32> to vector<1x512x3xf32>
    %broadcast_in_dim3A_10 = vector.shape_cast %broadcast_in_dim3A : vector<1x512x3xf32> to vector<1x512x3xf32>
    %broadcast_in_dim3A_11 = vector.broadcast %broadcast_in_dim3A_10 : vector<1x512x3xf32> to vector<20x512x3xf32>
    %reshape3A_12 = vector.shape_cast %broadcast_in_dim3A_11 : vector<20x512x3xf32> to vector<10240x3xf32>
    %sub3A = arith.subf %slice3A, %reshape3A_12 : vector<10240x3xf32>
    %concatenate3A = tpu.concatenate %sub3A, %reshape3A_12 in 1 : vector<10240x3xf32>, vector<10240x3xf32> -> vector<10240x6xf32>
    %get3A_13 = arith.constant 0 : index
    %get3A_14 = arith.constant 0 : index
    %get3A_15 = vector.load %arg4[%get3A_13, %get3A_14] : memref<6x16xf32, #tpu.memory_space<vmem>>, vector<6x16xf32>
    %dot_general3A = arith.constant dense<0.000000e+00> : vector<10240x16xf32>
    %dot_general3A_16 = tpu.matmul %concatenate3A, %get3A_15, %dot_general3A {dimension_numbers = #tpu.dot_dimension_numbers<[1], [0], [0], [1], [0, 0, 1, 1], [], []>, transpose_lhs_hint = false} : vector<10240x6xf32>, vector<6x16xf32>, vector<10240x16xf32> -> vector<10240x16xf32>
    %get3A_17 = arith.constant 0 : index
    %get3A_18 = arith.constant 0 : index
    %get3A_19 = vector.load %arg5[%get3A_17, %get3A_18] : memref<1x16xf32, #tpu.memory_space<vmem>>, vector<1x16xf32>
    %mul3A = vector.broadcast %get3A_19 : vector<1x16xf32> to vector<10240x16xf32>
    %mul3A_20 = arith.mulf %dot_general3A_16, %mul3A : vector<10240x16xf32>
    %get3A_21 = arith.constant 0 : index
    %get3A_22 = arith.constant 0 : index
    %get3A_23 = vector.load %arg6[%get3A_21, %get3A_22] : memref<1x16xf32, #tpu.memory_space<vmem>>, vector<1x16xf32>
    %add3A = vector.broadcast %get3A_23 : vector<1x16xf32> to vector<10240x16xf32>
    %add3A_24 = arith.addf %mul3A_20, %add3A : vector<10240x16xf32>
    %gt3A = arith.constant 0.000000e+00 : f32
    %gt3A_25 = vector.broadcast %gt3A : f32 to vector<10240x16xf32>
    %gt3A_26 = arith.cmpf ogt, %add3A_24, %gt3A_25 : vector<10240x16xf32>
    %mul3A_27 = arith.constant 2.000000e-01 : f32
    %mul3A_28 = vector.broadcast %mul3A_27 : f32 to vector<10240x16xf32>
    %mul3A_29 = arith.mulf %mul3A_28, %add3A_24 : vector<10240x16xf32>
    %select_n3A = arith.select %gt3A_26, %add3A_24, %mul3A_29 : vector<10240x16xi1>, vector<10240x16xf32>
    %reshape3A_30 = vector.shape_cast %select_n3A : vector<10240x16xf32> to vector<20x512x16xf32>
    %reduce_max3A = arith.constant dense<0xFF800000> : vector<512x16xf32>
    %reduce_max3A_31 = vector.multi_reduction <maximumf>, %reshape3A_30, %reduce_max3A [0] : vector<20x512x16xf32> to vector<512x16xf32>
    %swap3A = arith.constant 0 : index
    %swap3A_32 = arith.constant 0 : index
    %swap3A_33 = arith.constant 0 : index
    %swap3A_34 = vector.load %arg7[%swap3A, %swap3A_32, %swap3A_33] : memref<1x512x16xf32, #tpu.memory_space<vmem>>, vector<1x512x16xf32>
    %swap3A_35 = vector.shape_cast %swap3A_34 : vector<1x512x16xf32> to vector<512x16xf32>
    %swap3A_36 = vector.shape_cast %reduce_max3A_31 : vector<512x16xf32> to vector<1x512x16xf32>
    tpu.vector_store %arg7[%swap3A, %swap3A_32, %swap3A_33], %swap3A_36 {strides = array<i32>} : memref<1x512x16xf32, #tpu.memory_space<vmem>>, vector<1x512x16xf32>,
    return
  }
  func.func @transform_0(%arg0: i32, %arg1: i32) -> (i32, i32, i32, i32) {
    %c0_i32 = arith.constant 0 : i32
    %c0_i32_0 = arith.constant 0 : i32
    %c0_i32_1 = arith.constant 0 : i32
    return %arg0, %c0_i32, %arg1, %c0_i32_0 : i32, i32, i32, i32
  }
  func.func @transform_1(%arg0: i32, %arg1: i32) -> (i32, i32, i32) {
    %c0_i32 = arith.constant 0 : i32
    %c0_i32_0 = arith.constant 0 : i32
    return %arg0, %arg1, %c0_i32 : i32, i32, i32
  }
  func.func @transform_2(%arg0: i32, %arg1: i32) -> (i32, i32) {
    %c0_i32 = arith.constant 0 : i32
    %c0_i32_0 = arith.constant 0 : i32
    %c0_i32_1 = arith.constant 0 : i32
    return %c0_i32, %c0_i32_0 : i32, i32
  }
  func.func @transform_3(%arg0: i32, %arg1: i32) -> (i32, i32) {
    %c0_i32 = arith.constant 0 : i32
    %c0_i32_0 = arith.constant 0 : i32
    %c0_i32_1 = arith.constant 0 : i32
    return %c0_i32, %c0_i32_0 : i32, i32
  }
  func.func @transform_4(%arg0: i32, %arg1: i32) -> (i32, i32) {
    %c0_i32 = arith.constant 0 : i32
    %c0_i32_0 = arith.constant 0 : i32
    %c0_i32_1 = arith.constant 0 : i32
    return %c0_i32, %c0_i32_0 : i32, i32
  }
  func.func @transform_5(%arg0: i32, %arg1: i32) -> (i32, i32, i32) {
    %c0_i32 = arith.constant 0 : i32
    %c0_i32_0 = arith.constant 0 : i32
    return %arg0, %arg1, %c0_i32 : i32, i32, i32
  }
}

module attributes {stable_mosaic.version = 14 : i64} {
  func.func @_knn_kernel(%arg0: i32, %arg1: i32, %arg2: memref<1x256x16xf32, #tpu.memory_space<vmem>>, %arg3: memref<1x2048x16xf32, #tpu.memory_space<vmem>>, %arg4: memref<1x256x1xf32, #tpu.memory_space<vmem>>, %arg5: memref<1x1x2048xf32, #tpu.memory_space<vmem>>, %arg6: memref<1x256x20xi32, #tpu.memory_space<vmem>>) attributes {dimension_semantics = [#tpu.dimension_semantics<arbitrary>, #tpu.dimension_semantics<arbitrary>], iteration_bounds = array<i64: 8, 8>, scalar_prefetch = 0 : i64, scratch_operands = 0 : i64, tpu.core_type = #tpu.core_type<tc>, window_params = [{transform_indices = @transform_0, window_bounds = array<i64: 1, 256, 16>}, {transform_indices = @transform_1, window_bounds = array<i64: 1, 2048, 16>}, {transform_indices = @transform_2, window_bounds = array<i64: 1, 256, 1>}, {transform_indices = @transform_3, window_bounds = array<i64: 1, 1, 2048>}, {transform_indices = @transform_4, window_bounds = array<i64: 1, 256, 20>}]} {
    %get3A = arith.constant 0 : index
    %get3A_0 = arith.constant 0 : index
    %get3A_1 = arith.constant 0 : index
    %get3A_2 = vector.load %arg2[%get3A, %get3A_0, %get3A_1] : memref<1x256x16xf32, #tpu.memory_space<vmem>>, vector<1x256x16xf32>
    %get3A_3 = vector.shape_cast %get3A_2 : vector<1x256x16xf32> to vector<256x16xf32>
    %get3A_4 = arith.constant 0 : index
    %get3A_5 = arith.constant 0 : index
    %get3A_6 = arith.constant 0 : index
    %get3A_7 = vector.load %arg3[%get3A_4, %get3A_5, %get3A_6] : memref<1x2048x16xf32, #tpu.memory_space<vmem>>, vector<1x2048x16xf32>
    %get3A_8 = vector.shape_cast %get3A_7 : vector<1x2048x16xf32> to vector<2048x16xf32>
    %mul3A = arith.constant 2048 : i32
    %mul3A_9 = arith.muli %arg0, %mul3A : i32
    %dot_general3A = arith.constant dense<0.000000e+00> : vector<256x2048xf32>
    %dot_general3A_10 = tpu.matmul %get3A_3, %get3A_8, %dot_general3A {dimension_numbers = #tpu.dot_dimension_numbers<[1], [1], [0], [0], [0, 0, 1, 0], [], []>, transpose_lhs_hint = false} : vector<256x16xf32>, vector<2048x16xf32>, vector<256x2048xf32> -> vector<256x2048xf32>
    %mul3A_11 = arith.constant 2.000000e+00 : f32
    %mul3A_12 = vector.broadcast %mul3A_11 : f32 to vector<256x2048xf32>
    %mul3A_13 = arith.mulf %mul3A_12, %dot_general3A_10 : vector<256x2048xf32>
    %get3A_14 = arith.constant 0 : index
    %get3A_15 = arith.constant 0 : index
    %get3A_16 = arith.constant 0 : index
    %get3A_17 = vector.load %arg4[%get3A_14, %get3A_15, %get3A_16] : memref<1x256x1xf32, #tpu.memory_space<vmem>>, vector<1x256x1xf32>
    %get3A_18 = vector.shape_cast %get3A_17 : vector<1x256x1xf32> to vector<256x1xf32>
    %sub3A = vector.broadcast %get3A_18 : vector<256x1xf32> to vector<256x2048xf32>
    %sub3A_19 = arith.subf %mul3A_13, %sub3A : vector<256x2048xf32>
    %get3A_20 = arith.constant 0 : index
    %get3A_21 = arith.constant 0 : index
    %get3A_22 = arith.constant 0 : index
    %get3A_23 = vector.load %arg5[%get3A_20, %get3A_21, %get3A_22] : memref<1x1x2048xf32, #tpu.memory_space<vmem>>, vector<1x1x2048xf32>
    %get3A_24 = vector.shape_cast %get3A_23 : vector<1x1x2048xf32> to vector<1x2048xf32>
    %sub3A_25 = vector.broadcast %get3A_24 : vector<1x2048xf32> to vector<256x2048xf32>
    %sub3A_26 = arith.subf %sub3A_19, %sub3A_25 : vector<256x2048xf32>
    %iota3A = tpu.iota {dimensions = array<i32: 1>} : vector<256x2048xi32>
    %iota3A_27 = tpu.iota {dimensions = array<i32: 1>} : vector<256x20xi32>
    %broadcast_in_dim3A = arith.constant 0 : i32
    %broadcast_in_dim3A_28 = vector.broadcast %broadcast_in_dim3A : i32 to vector<256x20xi32>
    %argmax3A = tpu.reduce_index %sub3A_26 {axis = 1 : i32, kind = #tpu.reduction_kind<arg_max>} : vector<256x2048xf32> -> vector<256xi32>
    %broadcast_in_dim3A_29 = vector.shape_cast %argmax3A : vector<256xi32> to vector<256x1xi32>
    %eq3A = arith.constant 0 : i32
    %eq3A_30 = vector.broadcast %eq3A : i32 to vector<256x20xi32>
    %eq3A_31 = arith.cmpi eq, %iota3A_27, %eq3A_30 : vector<256x20xi32>
    %broadcast_in_dim3A_32 = vector.shape_cast %broadcast_in_dim3A_29 : vector<256x1xi32> to vector<256x1xi32>
    %broadcast_in_dim3A_33 = vector.broadcast %broadcast_in_dim3A_32 : vector<256x1xi32> to vector<256x20xi32>
    %select_n3A = arith.select %eq3A_31, %broadcast_in_dim3A_33, %broadcast_in_dim3A_28 : vector<256x20xi1>, vector<256x20xi32>
    %eq3A_34 = vector.broadcast %broadcast_in_dim3A_29 : vector<256x1xi32> to vector<256x2048xi32>
    %eq3A_35 = arith.cmpi eq, %iota3A, %eq3A_34 : vector<256x2048xi32>
    %jit3A = arith.constant 0xFF800000 : f32
    %broadcast_in_dim3A_36 = vector.broadcast %jit3A : f32 to vector<256x2048xf32>
    %select_n3A_37 = arith.select %eq3A_35, %broadcast_in_dim3A_36, %sub3A_26 : vector<256x2048xi1>, vector<256x2048xf32>
    %argmax3A_38 = tpu.reduce_index %select_n3A_37 {axis = 1 : i32, kind = #tpu.reduction_kind<arg_max>} : vector<256x2048xf32> -> vector<256xi32>
    %broadcast_in_dim3A_39 = vector.shape_cast %argmax3A_38 : vector<256xi32> to vector<256x1xi32>
    %eq3A_40 = arith.constant 1 : i32
    %eq3A_41 = vector.broadcast %eq3A_40 : i32 to vector<256x20xi32>
    %eq3A_42 = arith.cmpi eq, %iota3A_27, %eq3A_41 : vector<256x20xi32>
    %broadcast_in_dim3A_43 = vector.shape_cast %broadcast_in_dim3A_39 : vector<256x1xi32> to vector<256x1xi32>
    %broadcast_in_dim3A_44 = vector.broadcast %broadcast_in_dim3A_43 : vector<256x1xi32> to vector<256x20xi32>
    %select_n3A_45 = arith.select %eq3A_42, %broadcast_in_dim3A_44, %select_n3A : vector<256x20xi1>, vector<256x20xi32>
    %eq3A_46 = vector.broadcast %broadcast_in_dim3A_39 : vector<256x1xi32> to vector<256x2048xi32>
    %eq3A_47 = arith.cmpi eq, %iota3A, %eq3A_46 : vector<256x2048xi32>
    %jit3A_48 = arith.constant 0xFF800000 : f32
    %broadcast_in_dim3A_49 = vector.broadcast %jit3A_48 : f32 to vector<256x2048xf32>
    %select_n3A_50 = arith.select %eq3A_47, %broadcast_in_dim3A_49, %select_n3A_37 : vector<256x2048xi1>, vector<256x2048xf32>
    %argmax3A_51 = tpu.reduce_index %select_n3A_50 {axis = 1 : i32, kind = #tpu.reduction_kind<arg_max>} : vector<256x2048xf32> -> vector<256xi32>
    %broadcast_in_dim3A_52 = vector.shape_cast %argmax3A_51 : vector<256xi32> to vector<256x1xi32>
    %eq3A_53 = arith.constant 2 : i32
    %eq3A_54 = vector.broadcast %eq3A_53 : i32 to vector<256x20xi32>
    %eq3A_55 = arith.cmpi eq, %iota3A_27, %eq3A_54 : vector<256x20xi32>
    %broadcast_in_dim3A_56 = vector.shape_cast %broadcast_in_dim3A_52 : vector<256x1xi32> to vector<256x1xi32>
    %broadcast_in_dim3A_57 = vector.broadcast %broadcast_in_dim3A_56 : vector<256x1xi32> to vector<256x20xi32>
    %select_n3A_58 = arith.select %eq3A_55, %broadcast_in_dim3A_57, %select_n3A_45 : vector<256x20xi1>, vector<256x20xi32>
    %eq3A_59 = vector.broadcast %broadcast_in_dim3A_52 : vector<256x1xi32> to vector<256x2048xi32>
    %eq3A_60 = arith.cmpi eq, %iota3A, %eq3A_59 : vector<256x2048xi32>
    %jit3A_61 = arith.constant 0xFF800000 : f32
    %broadcast_in_dim3A_62 = vector.broadcast %jit3A_61 : f32 to vector<256x2048xf32>
    %select_n3A_63 = arith.select %eq3A_60, %broadcast_in_dim3A_62, %select_n3A_50 : vector<256x2048xi1>, vector<256x2048xf32>
    %argmax3A_64 = tpu.reduce_index %select_n3A_63 {axis = 1 : i32, kind = #tpu.reduction_kind<arg_max>} : vector<256x2048xf32> -> vector<256xi32>
    %broadcast_in_dim3A_65 = vector.shape_cast %argmax3A_64 : vector<256xi32> to vector<256x1xi32>
    %eq3A_66 = arith.constant 3 : i32
    %eq3A_67 = vector.broadcast %eq3A_66 : i32 to vector<256x20xi32>
    %eq3A_68 = arith.cmpi eq, %iota3A_27, %eq3A_67 : vector<256x20xi32>
    %broadcast_in_dim3A_69 = vector.shape_cast %broadcast_in_dim3A_65 : vector<256x1xi32> to vector<256x1xi32>
    %broadcast_in_dim3A_70 = vector.broadcast %broadcast_in_dim3A_69 : vector<256x1xi32> to vector<256x20xi32>
    %select_n3A_71 = arith.select %eq3A_68, %broadcast_in_dim3A_70, %select_n3A_58 : vector<256x20xi1>, vector<256x20xi32>
    %eq3A_72 = vector.broadcast %broadcast_in_dim3A_65 : vector<256x1xi32> to vector<256x2048xi32>
    %eq3A_73 = arith.cmpi eq, %iota3A, %eq3A_72 : vector<256x2048xi32>
    %jit3A_74 = arith.constant 0xFF800000 : f32
    %broadcast_in_dim3A_75 = vector.broadcast %jit3A_74 : f32 to vector<256x2048xf32>
    %select_n3A_76 = arith.select %eq3A_73, %broadcast_in_dim3A_75, %select_n3A_63 : vector<256x2048xi1>, vector<256x2048xf32>
    %argmax3A_77 = tpu.reduce_index %select_n3A_76 {axis = 1 : i32, kind = #tpu.reduction_kind<arg_max>} : vector<256x2048xf32> -> vector<256xi32>
    %broadcast_in_dim3A_78 = vector.shape_cast %argmax3A_77 : vector<256xi32> to vector<256x1xi32>
    %eq3A_79 = arith.constant 4 : i32
    %eq3A_80 = vector.broadcast %eq3A_79 : i32 to vector<256x20xi32>
    %eq3A_81 = arith.cmpi eq, %iota3A_27, %eq3A_80 : vector<256x20xi32>
    %broadcast_in_dim3A_82 = vector.shape_cast %broadcast_in_dim3A_78 : vector<256x1xi32> to vector<256x1xi32>
    %broadcast_in_dim3A_83 = vector.broadcast %broadcast_in_dim3A_82 : vector<256x1xi32> to vector<256x20xi32>
    %select_n3A_84 = arith.select %eq3A_81, %broadcast_in_dim3A_83, %select_n3A_71 : vector<256x20xi1>, vector<256x20xi32>
    %eq3A_85 = vector.broadcast %broadcast_in_dim3A_78 : vector<256x1xi32> to vector<256x2048xi32>
    %eq3A_86 = arith.cmpi eq, %iota3A, %eq3A_85 : vector<256x2048xi32>
    %jit3A_87 = arith.constant 0xFF800000 : f32
    %broadcast_in_dim3A_88 = vector.broadcast %jit3A_87 : f32 to vector<256x2048xf32>
    %select_n3A_89 = arith.select %eq3A_86, %broadcast_in_dim3A_88, %select_n3A_76 : vector<256x2048xi1>, vector<256x2048xf32>
    %argmax3A_90 = tpu.reduce_index %select_n3A_89 {axis = 1 : i32, kind = #tpu.reduction_kind<arg_max>} : vector<256x2048xf32> -> vector<256xi32>
    %broadcast_in_dim3A_91 = vector.shape_cast %argmax3A_90 : vector<256xi32> to vector<256x1xi32>
    %eq3A_92 = arith.constant 5 : i32
    %eq3A_93 = vector.broadcast %eq3A_92 : i32 to vector<256x20xi32>
    %eq3A_94 = arith.cmpi eq, %iota3A_27, %eq3A_93 : vector<256x20xi32>
    %broadcast_in_dim3A_95 = vector.shape_cast %broadcast_in_dim3A_91 : vector<256x1xi32> to vector<256x1xi32>
    %broadcast_in_dim3A_96 = vector.broadcast %broadcast_in_dim3A_95 : vector<256x1xi32> to vector<256x20xi32>
    %select_n3A_97 = arith.select %eq3A_94, %broadcast_in_dim3A_96, %select_n3A_84 : vector<256x20xi1>, vector<256x20xi32>
    %eq3A_98 = vector.broadcast %broadcast_in_dim3A_91 : vector<256x1xi32> to vector<256x2048xi32>
    %eq3A_99 = arith.cmpi eq, %iota3A, %eq3A_98 : vector<256x2048xi32>
    %jit3A_100 = arith.constant 0xFF800000 : f32
    %broadcast_in_dim3A_101 = vector.broadcast %jit3A_100 : f32 to vector<256x2048xf32>
    %select_n3A_102 = arith.select %eq3A_99, %broadcast_in_dim3A_101, %select_n3A_89 : vector<256x2048xi1>, vector<256x2048xf32>
    %argmax3A_103 = tpu.reduce_index %select_n3A_102 {axis = 1 : i32, kind = #tpu.reduction_kind<arg_max>} : vector<256x2048xf32> -> vector<256xi32>
    %broadcast_in_dim3A_104 = vector.shape_cast %argmax3A_103 : vector<256xi32> to vector<256x1xi32>
    %eq3A_105 = arith.constant 6 : i32
    %eq3A_106 = vector.broadcast %eq3A_105 : i32 to vector<256x20xi32>
    %eq3A_107 = arith.cmpi eq, %iota3A_27, %eq3A_106 : vector<256x20xi32>
    %broadcast_in_dim3A_108 = vector.shape_cast %broadcast_in_dim3A_104 : vector<256x1xi32> to vector<256x1xi32>
    %broadcast_in_dim3A_109 = vector.broadcast %broadcast_in_dim3A_108 : vector<256x1xi32> to vector<256x20xi32>
    %select_n3A_110 = arith.select %eq3A_107, %broadcast_in_dim3A_109, %select_n3A_97 : vector<256x20xi1>, vector<256x20xi32>
    %eq3A_111 = vector.broadcast %broadcast_in_dim3A_104 : vector<256x1xi32> to vector<256x2048xi32>
    %eq3A_112 = arith.cmpi eq, %iota3A, %eq3A_111 : vector<256x2048xi32>
    %jit3A_113 = arith.constant 0xFF800000 : f32
    %broadcast_in_dim3A_114 = vector.broadcast %jit3A_113 : f32 to vector<256x2048xf32>
    %select_n3A_115 = arith.select %eq3A_112, %broadcast_in_dim3A_114, %select_n3A_102 : vector<256x2048xi1>, vector<256x2048xf32>
    %argmax3A_116 = tpu.reduce_index %select_n3A_115 {axis = 1 : i32, kind = #tpu.reduction_kind<arg_max>} : vector<256x2048xf32> -> vector<256xi32>
    %broadcast_in_dim3A_117 = vector.shape_cast %argmax3A_116 : vector<256xi32> to vector<256x1xi32>
    %eq3A_118 = arith.constant 7 : i32
    %eq3A_119 = vector.broadcast %eq3A_118 : i32 to vector<256x20xi32>
    %eq3A_120 = arith.cmpi eq, %iota3A_27, %eq3A_119 : vector<256x20xi32>
    %broadcast_in_dim3A_121 = vector.shape_cast %broadcast_in_dim3A_117 : vector<256x1xi32> to vector<256x1xi32>
    %broadcast_in_dim3A_122 = vector.broadcast %broadcast_in_dim3A_121 : vector<256x1xi32> to vector<256x20xi32>
    %select_n3A_123 = arith.select %eq3A_120, %broadcast_in_dim3A_122, %select_n3A_110 : vector<256x20xi1>, vector<256x20xi32>
    %eq3A_124 = vector.broadcast %broadcast_in_dim3A_117 : vector<256x1xi32> to vector<256x2048xi32>
    %eq3A_125 = arith.cmpi eq, %iota3A, %eq3A_124 : vector<256x2048xi32>
    %jit3A_126 = arith.constant 0xFF800000 : f32
    %broadcast_in_dim3A_127 = vector.broadcast %jit3A_126 : f32 to vector<256x2048xf32>
    %select_n3A_128 = arith.select %eq3A_125, %broadcast_in_dim3A_127, %select_n3A_115 : vector<256x2048xi1>, vector<256x2048xf32>
    %argmax3A_129 = tpu.reduce_index %select_n3A_128 {axis = 1 : i32, kind = #tpu.reduction_kind<arg_max>} : vector<256x2048xf32> -> vector<256xi32>
    %broadcast_in_dim3A_130 = vector.shape_cast %argmax3A_129 : vector<256xi32> to vector<256x1xi32>
    %eq3A_131 = arith.constant 8 : i32
    %eq3A_132 = vector.broadcast %eq3A_131 : i32 to vector<256x20xi32>
    %eq3A_133 = arith.cmpi eq, %iota3A_27, %eq3A_132 : vector<256x20xi32>
    %broadcast_in_dim3A_134 = vector.shape_cast %broadcast_in_dim3A_130 : vector<256x1xi32> to vector<256x1xi32>
    %broadcast_in_dim3A_135 = vector.broadcast %broadcast_in_dim3A_134 : vector<256x1xi32> to vector<256x20xi32>
    %select_n3A_136 = arith.select %eq3A_133, %broadcast_in_dim3A_135, %select_n3A_123 : vector<256x20xi1>, vector<256x20xi32>
    %eq3A_137 = vector.broadcast %broadcast_in_dim3A_130 : vector<256x1xi32> to vector<256x2048xi32>
    %eq3A_138 = arith.cmpi eq, %iota3A, %eq3A_137 : vector<256x2048xi32>
    %jit3A_139 = arith.constant 0xFF800000 : f32
    %broadcast_in_dim3A_140 = vector.broadcast %jit3A_139 : f32 to vector<256x2048xf32>
    %select_n3A_141 = arith.select %eq3A_138, %broadcast_in_dim3A_140, %select_n3A_128 : vector<256x2048xi1>, vector<256x2048xf32>
    %argmax3A_142 = tpu.reduce_index %select_n3A_141 {axis = 1 : i32, kind = #tpu.reduction_kind<arg_max>} : vector<256x2048xf32> -> vector<256xi32>
    %broadcast_in_dim3A_143 = vector.shape_cast %argmax3A_142 : vector<256xi32> to vector<256x1xi32>
    %eq3A_144 = arith.constant 9 : i32
    %eq3A_145 = vector.broadcast %eq3A_144 : i32 to vector<256x20xi32>
    %eq3A_146 = arith.cmpi eq, %iota3A_27, %eq3A_145 : vector<256x20xi32>
    %broadcast_in_dim3A_147 = vector.shape_cast %broadcast_in_dim3A_143 : vector<256x1xi32> to vector<256x1xi32>
    %broadcast_in_dim3A_148 = vector.broadcast %broadcast_in_dim3A_147 : vector<256x1xi32> to vector<256x20xi32>
    %select_n3A_149 = arith.select %eq3A_146, %broadcast_in_dim3A_148, %select_n3A_136 : vector<256x20xi1>, vector<256x20xi32>
    %eq3A_150 = vector.broadcast %broadcast_in_dim3A_143 : vector<256x1xi32> to vector<256x2048xi32>
    %eq3A_151 = arith.cmpi eq, %iota3A, %eq3A_150 : vector<256x2048xi32>
    %jit3A_152 = arith.constant 0xFF800000 : f32
    %broadcast_in_dim3A_153 = vector.broadcast %jit3A_152 : f32 to vector<256x2048xf32>
    %select_n3A_154 = arith.select %eq3A_151, %broadcast_in_dim3A_153, %select_n3A_141 : vector<256x2048xi1>, vector<256x2048xf32>
    %argmax3A_155 = tpu.reduce_index %select_n3A_154 {axis = 1 : i32, kind = #tpu.reduction_kind<arg_max>} : vector<256x2048xf32> -> vector<256xi32>
    %broadcast_in_dim3A_156 = vector.shape_cast %argmax3A_155 : vector<256xi32> to vector<256x1xi32>
    %eq3A_157 = arith.constant 10 : i32
    %eq3A_158 = vector.broadcast %eq3A_157 : i32 to vector<256x20xi32>
    %eq3A_159 = arith.cmpi eq, %iota3A_27, %eq3A_158 : vector<256x20xi32>
    %broadcast_in_dim3A_160 = vector.shape_cast %broadcast_in_dim3A_156 : vector<256x1xi32> to vector<256x1xi32>
    %broadcast_in_dim3A_161 = vector.broadcast %broadcast_in_dim3A_160 : vector<256x1xi32> to vector<256x20xi32>
    %select_n3A_162 = arith.select %eq3A_159, %broadcast_in_dim3A_161, %select_n3A_149 : vector<256x20xi1>, vector<256x20xi32>
    %eq3A_163 = vector.broadcast %broadcast_in_dim3A_156 : vector<256x1xi32> to vector<256x2048xi32>
    %eq3A_164 = arith.cmpi eq, %iota3A, %eq3A_163 : vector<256x2048xi32>
    %jit3A_165 = arith.constant 0xFF800000 : f32
    %broadcast_in_dim3A_166 = vector.broadcast %jit3A_165 : f32 to vector<256x2048xf32>
    %select_n3A_167 = arith.select %eq3A_164, %broadcast_in_dim3A_166, %select_n3A_154 : vector<256x2048xi1>, vector<256x2048xf32>
    %argmax3A_168 = tpu.reduce_index %select_n3A_167 {axis = 1 : i32, kind = #tpu.reduction_kind<arg_max>} : vector<256x2048xf32> -> vector<256xi32>
    %broadcast_in_dim3A_169 = vector.shape_cast %argmax3A_168 : vector<256xi32> to vector<256x1xi32>
    %eq3A_170 = arith.constant 11 : i32
    %eq3A_171 = vector.broadcast %eq3A_170 : i32 to vector<256x20xi32>
    %eq3A_172 = arith.cmpi eq, %iota3A_27, %eq3A_171 : vector<256x20xi32>
    %broadcast_in_dim3A_173 = vector.shape_cast %broadcast_in_dim3A_169 : vector<256x1xi32> to vector<256x1xi32>
    %broadcast_in_dim3A_174 = vector.broadcast %broadcast_in_dim3A_173 : vector<256x1xi32> to vector<256x20xi32>
    %select_n3A_175 = arith.select %eq3A_172, %broadcast_in_dim3A_174, %select_n3A_162 : vector<256x20xi1>, vector<256x20xi32>
    %eq3A_176 = vector.broadcast %broadcast_in_dim3A_169 : vector<256x1xi32> to vector<256x2048xi32>
    %eq3A_177 = arith.cmpi eq, %iota3A, %eq3A_176 : vector<256x2048xi32>
    %jit3A_178 = arith.constant 0xFF800000 : f32
    %broadcast_in_dim3A_179 = vector.broadcast %jit3A_178 : f32 to vector<256x2048xf32>
    %select_n3A_180 = arith.select %eq3A_177, %broadcast_in_dim3A_179, %select_n3A_167 : vector<256x2048xi1>, vector<256x2048xf32>
    %argmax3A_181 = tpu.reduce_index %select_n3A_180 {axis = 1 : i32, kind = #tpu.reduction_kind<arg_max>} : vector<256x2048xf32> -> vector<256xi32>
    %broadcast_in_dim3A_182 = vector.shape_cast %argmax3A_181 : vector<256xi32> to vector<256x1xi32>
    %eq3A_183 = arith.constant 12 : i32
    %eq3A_184 = vector.broadcast %eq3A_183 : i32 to vector<256x20xi32>
    %eq3A_185 = arith.cmpi eq, %iota3A_27, %eq3A_184 : vector<256x20xi32>
    %broadcast_in_dim3A_186 = vector.shape_cast %broadcast_in_dim3A_182 : vector<256x1xi32> to vector<256x1xi32>
    %broadcast_in_dim3A_187 = vector.broadcast %broadcast_in_dim3A_186 : vector<256x1xi32> to vector<256x20xi32>
    %select_n3A_188 = arith.select %eq3A_185, %broadcast_in_dim3A_187, %select_n3A_175 : vector<256x20xi1>, vector<256x20xi32>
    %eq3A_189 = vector.broadcast %broadcast_in_dim3A_182 : vector<256x1xi32> to vector<256x2048xi32>
    %eq3A_190 = arith.cmpi eq, %iota3A, %eq3A_189 : vector<256x2048xi32>
    %jit3A_191 = arith.constant 0xFF800000 : f32
    %broadcast_in_dim3A_192 = vector.broadcast %jit3A_191 : f32 to vector<256x2048xf32>
    %select_n3A_193 = arith.select %eq3A_190, %broadcast_in_dim3A_192, %select_n3A_180 : vector<256x2048xi1>, vector<256x2048xf32>
    %argmax3A_194 = tpu.reduce_index %select_n3A_193 {axis = 1 : i32, kind = #tpu.reduction_kind<arg_max>} : vector<256x2048xf32> -> vector<256xi32>
    %broadcast_in_dim3A_195 = vector.shape_cast %argmax3A_194 : vector<256xi32> to vector<256x1xi32>
    %eq3A_196 = arith.constant 13 : i32
    %eq3A_197 = vector.broadcast %eq3A_196 : i32 to vector<256x20xi32>
    %eq3A_198 = arith.cmpi eq, %iota3A_27, %eq3A_197 : vector<256x20xi32>
    %broadcast_in_dim3A_199 = vector.shape_cast %broadcast_in_dim3A_195 : vector<256x1xi32> to vector<256x1xi32>
    %broadcast_in_dim3A_200 = vector.broadcast %broadcast_in_dim3A_199 : vector<256x1xi32> to vector<256x20xi32>
    %select_n3A_201 = arith.select %eq3A_198, %broadcast_in_dim3A_200, %select_n3A_188 : vector<256x20xi1>, vector<256x20xi32>
    %eq3A_202 = vector.broadcast %broadcast_in_dim3A_195 : vector<256x1xi32> to vector<256x2048xi32>
    %eq3A_203 = arith.cmpi eq, %iota3A, %eq3A_202 : vector<256x2048xi32>
    %jit3A_204 = arith.constant 0xFF800000 : f32
    %broadcast_in_dim3A_205 = vector.broadcast %jit3A_204 : f32 to vector<256x2048xf32>
    %select_n3A_206 = arith.select %eq3A_203, %broadcast_in_dim3A_205, %select_n3A_193 : vector<256x2048xi1>, vector<256x2048xf32>
    %argmax3A_207 = tpu.reduce_index %select_n3A_206 {axis = 1 : i32, kind = #tpu.reduction_kind<arg_max>} : vector<256x2048xf32> -> vector<256xi32>
    %broadcast_in_dim3A_208 = vector.shape_cast %argmax3A_207 : vector<256xi32> to vector<256x1xi32>
    %eq3A_209 = arith.constant 14 : i32
    %eq3A_210 = vector.broadcast %eq3A_209 : i32 to vector<256x20xi32>
    %eq3A_211 = arith.cmpi eq, %iota3A_27, %eq3A_210 : vector<256x20xi32>
    %broadcast_in_dim3A_212 = vector.shape_cast %broadcast_in_dim3A_208 : vector<256x1xi32> to vector<256x1xi32>
    %broadcast_in_dim3A_213 = vector.broadcast %broadcast_in_dim3A_212 : vector<256x1xi32> to vector<256x20xi32>
    %select_n3A_214 = arith.select %eq3A_211, %broadcast_in_dim3A_213, %select_n3A_201 : vector<256x20xi1>, vector<256x20xi32>
    %eq3A_215 = vector.broadcast %broadcast_in_dim3A_208 : vector<256x1xi32> to vector<256x2048xi32>
    %eq3A_216 = arith.cmpi eq, %iota3A, %eq3A_215 : vector<256x2048xi32>
    %jit3A_217 = arith.constant 0xFF800000 : f32
    %broadcast_in_dim3A_218 = vector.broadcast %jit3A_217 : f32 to vector<256x2048xf32>
    %select_n3A_219 = arith.select %eq3A_216, %broadcast_in_dim3A_218, %select_n3A_206 : vector<256x2048xi1>, vector<256x2048xf32>
    %argmax3A_220 = tpu.reduce_index %select_n3A_219 {axis = 1 : i32, kind = #tpu.reduction_kind<arg_max>} : vector<256x2048xf32> -> vector<256xi32>
    %broadcast_in_dim3A_221 = vector.shape_cast %argmax3A_220 : vector<256xi32> to vector<256x1xi32>
    %eq3A_222 = arith.constant 15 : i32
    %eq3A_223 = vector.broadcast %eq3A_222 : i32 to vector<256x20xi32>
    %eq3A_224 = arith.cmpi eq, %iota3A_27, %eq3A_223 : vector<256x20xi32>
    %broadcast_in_dim3A_225 = vector.shape_cast %broadcast_in_dim3A_221 : vector<256x1xi32> to vector<256x1xi32>
    %broadcast_in_dim3A_226 = vector.broadcast %broadcast_in_dim3A_225 : vector<256x1xi32> to vector<256x20xi32>
    %select_n3A_227 = arith.select %eq3A_224, %broadcast_in_dim3A_226, %select_n3A_214 : vector<256x20xi1>, vector<256x20xi32>
    %eq3A_228 = vector.broadcast %broadcast_in_dim3A_221 : vector<256x1xi32> to vector<256x2048xi32>
    %eq3A_229 = arith.cmpi eq, %iota3A, %eq3A_228 : vector<256x2048xi32>
    %jit3A_230 = arith.constant 0xFF800000 : f32
    %broadcast_in_dim3A_231 = vector.broadcast %jit3A_230 : f32 to vector<256x2048xf32>
    %select_n3A_232 = arith.select %eq3A_229, %broadcast_in_dim3A_231, %select_n3A_219 : vector<256x2048xi1>, vector<256x2048xf32>
    %argmax3A_233 = tpu.reduce_index %select_n3A_232 {axis = 1 : i32, kind = #tpu.reduction_kind<arg_max>} : vector<256x2048xf32> -> vector<256xi32>
    %broadcast_in_dim3A_234 = vector.shape_cast %argmax3A_233 : vector<256xi32> to vector<256x1xi32>
    %eq3A_235 = arith.constant 16 : i32
    %eq3A_236 = vector.broadcast %eq3A_235 : i32 to vector<256x20xi32>
    %eq3A_237 = arith.cmpi eq, %iota3A_27, %eq3A_236 : vector<256x20xi32>
    %broadcast_in_dim3A_238 = vector.shape_cast %broadcast_in_dim3A_234 : vector<256x1xi32> to vector<256x1xi32>
    %broadcast_in_dim3A_239 = vector.broadcast %broadcast_in_dim3A_238 : vector<256x1xi32> to vector<256x20xi32>
    %select_n3A_240 = arith.select %eq3A_237, %broadcast_in_dim3A_239, %select_n3A_227 : vector<256x20xi1>, vector<256x20xi32>
    %eq3A_241 = vector.broadcast %broadcast_in_dim3A_234 : vector<256x1xi32> to vector<256x2048xi32>
    %eq3A_242 = arith.cmpi eq, %iota3A, %eq3A_241 : vector<256x2048xi32>
    %jit3A_243 = arith.constant 0xFF800000 : f32
    %broadcast_in_dim3A_244 = vector.broadcast %jit3A_243 : f32 to vector<256x2048xf32>
    %select_n3A_245 = arith.select %eq3A_242, %broadcast_in_dim3A_244, %select_n3A_232 : vector<256x2048xi1>, vector<256x2048xf32>
    %argmax3A_246 = tpu.reduce_index %select_n3A_245 {axis = 1 : i32, kind = #tpu.reduction_kind<arg_max>} : vector<256x2048xf32> -> vector<256xi32>
    %broadcast_in_dim3A_247 = vector.shape_cast %argmax3A_246 : vector<256xi32> to vector<256x1xi32>
    %eq3A_248 = arith.constant 17 : i32
    %eq3A_249 = vector.broadcast %eq3A_248 : i32 to vector<256x20xi32>
    %eq3A_250 = arith.cmpi eq, %iota3A_27, %eq3A_249 : vector<256x20xi32>
    %broadcast_in_dim3A_251 = vector.shape_cast %broadcast_in_dim3A_247 : vector<256x1xi32> to vector<256x1xi32>
    %broadcast_in_dim3A_252 = vector.broadcast %broadcast_in_dim3A_251 : vector<256x1xi32> to vector<256x20xi32>
    %select_n3A_253 = arith.select %eq3A_250, %broadcast_in_dim3A_252, %select_n3A_240 : vector<256x20xi1>, vector<256x20xi32>
    %eq3A_254 = vector.broadcast %broadcast_in_dim3A_247 : vector<256x1xi32> to vector<256x2048xi32>
    %eq3A_255 = arith.cmpi eq, %iota3A, %eq3A_254 : vector<256x2048xi32>
    %jit3A_256 = arith.constant 0xFF800000 : f32
    %broadcast_in_dim3A_257 = vector.broadcast %jit3A_256 : f32 to vector<256x2048xf32>
    %select_n3A_258 = arith.select %eq3A_255, %broadcast_in_dim3A_257, %select_n3A_245 : vector<256x2048xi1>, vector<256x2048xf32>
    %argmax3A_259 = tpu.reduce_index %select_n3A_258 {axis = 1 : i32, kind = #tpu.reduction_kind<arg_max>} : vector<256x2048xf32> -> vector<256xi32>
    %broadcast_in_dim3A_260 = vector.shape_cast %argmax3A_259 : vector<256xi32> to vector<256x1xi32>
    %eq3A_261 = arith.constant 18 : i32
    %eq3A_262 = vector.broadcast %eq3A_261 : i32 to vector<256x20xi32>
    %eq3A_263 = arith.cmpi eq, %iota3A_27, %eq3A_262 : vector<256x20xi32>
    %broadcast_in_dim3A_264 = vector.shape_cast %broadcast_in_dim3A_260 : vector<256x1xi32> to vector<256x1xi32>
    %broadcast_in_dim3A_265 = vector.broadcast %broadcast_in_dim3A_264 : vector<256x1xi32> to vector<256x20xi32>
    %select_n3A_266 = arith.select %eq3A_263, %broadcast_in_dim3A_265, %select_n3A_253 : vector<256x20xi1>, vector<256x20xi32>
    %eq3A_267 = vector.broadcast %broadcast_in_dim3A_260 : vector<256x1xi32> to vector<256x2048xi32>
    %eq3A_268 = arith.cmpi eq, %iota3A, %eq3A_267 : vector<256x2048xi32>
    %jit3A_269 = arith.constant 0xFF800000 : f32
    %broadcast_in_dim3A_270 = vector.broadcast %jit3A_269 : f32 to vector<256x2048xf32>
    %select_n3A_271 = arith.select %eq3A_268, %broadcast_in_dim3A_270, %select_n3A_258 : vector<256x2048xi1>, vector<256x2048xf32>
    %argmax3A_272 = tpu.reduce_index %select_n3A_271 {axis = 1 : i32, kind = #tpu.reduction_kind<arg_max>} : vector<256x2048xf32> -> vector<256xi32>
    %broadcast_in_dim3A_273 = vector.shape_cast %argmax3A_272 : vector<256xi32> to vector<256x1xi32>
    %eq3A_274 = arith.constant 19 : i32
    %eq3A_275 = vector.broadcast %eq3A_274 : i32 to vector<256x20xi32>
    %eq3A_276 = arith.cmpi eq, %iota3A_27, %eq3A_275 : vector<256x20xi32>
    %broadcast_in_dim3A_277 = vector.shape_cast %broadcast_in_dim3A_273 : vector<256x1xi32> to vector<256x1xi32>
    %broadcast_in_dim3A_278 = vector.broadcast %broadcast_in_dim3A_277 : vector<256x1xi32> to vector<256x20xi32>
    %select_n3A_279 = arith.select %eq3A_276, %broadcast_in_dim3A_278, %select_n3A_266 : vector<256x20xi1>, vector<256x20xi32>
    %add3A = vector.broadcast %mul3A_9 : i32 to vector<256x20xi32>
    %add3A_280 = arith.addi %select_n3A_279, %add3A : vector<256x20xi32>
    %swap3A = arith.constant 0 : index
    %swap3A_281 = arith.constant 0 : index
    %swap3A_282 = arith.constant 0 : index
    %swap3A_283 = vector.load %arg6[%swap3A, %swap3A_281, %swap3A_282] : memref<1x256x20xi32, #tpu.memory_space<vmem>>, vector<1x256x20xi32>
    %swap3A_284 = vector.shape_cast %swap3A_283 : vector<1x256x20xi32> to vector<256x20xi32>
    %swap3A_285 = vector.shape_cast %add3A_280 : vector<256x20xi32> to vector<1x256x20xi32>
    tpu.vector_store %arg6[%swap3A, %swap3A_281, %swap3A_282], %swap3A_285 {strides = array<i32>} : memref<1x256x20xi32, #tpu.memory_space<vmem>>, vector<1x256x20xi32>,
    return
  }
  func.func @transform_0(%arg0: i32, %arg1: i32) -> (i32, i32, i32) {
    %c0_i32 = arith.constant 0 : i32
    %c0_i32_0 = arith.constant 0 : i32
    return %arg0, %arg1, %c0_i32 : i32, i32, i32
  }
  func.func @transform_1(%arg0: i32, %arg1: i32) -> (i32, i32, i32) {
    %c0_i32 = arith.constant 0 : i32
    %c0_i32_0 = arith.constant 0 : i32
    %c0_i32_1 = arith.constant 0 : i32
    return %arg0, %c0_i32, %c0_i32_0 : i32, i32, i32
  }
  func.func @transform_2(%arg0: i32, %arg1: i32) -> (i32, i32, i32) {
    %c0_i32 = arith.constant 0 : i32
    %c0_i32_0 = arith.constant 0 : i32
    return %arg0, %arg1, %c0_i32 : i32, i32, i32
  }
  func.func @transform_3(%arg0: i32, %arg1: i32) -> (i32, i32, i32) {
    %c0_i32 = arith.constant 0 : i32
    %c0_i32_0 = arith.constant 0 : i32
    %c0_i32_1 = arith.constant 0 : i32
    return %arg0, %c0_i32, %c0_i32_0 : i32, i32, i32
  }
  func.func @transform_4(%arg0: i32, %arg1: i32) -> (i32, i32, i32) {
    %c0_i32 = arith.constant 0 : i32
    %c0_i32_0 = arith.constant 0 : i32
    return %arg0, %arg1, %c0_i32 : i32, i32, i32
  }
}

module attributes {stable_mosaic.version = 14 : i64} {
  func.func @_conv_kernel(%arg0: i32, %arg1: i32, %arg2: memref<1x20x512x16xf32, #tpu.memory_space<vmem>>, %arg3: memref<1x512x16xf32, #tpu.memory_space<vmem>>, %arg4: memref<32x16xf32, #tpu.memory_space<vmem>>, %arg5: memref<1x16xf32, #tpu.memory_space<vmem>>, %arg6: memref<1x16xf32, #tpu.memory_space<vmem>>, %arg7: memref<1x512x16xf32, #tpu.memory_space<vmem>>) attributes {dimension_semantics = [#tpu.dimension_semantics<arbitrary>, #tpu.dimension_semantics<arbitrary>], iteration_bounds = array<i64: 8, 4>, scalar_prefetch = 0 : i64, scratch_operands = 0 : i64, tpu.core_type = #tpu.core_type<tc>, window_params = [{transform_indices = @transform_0, window_bounds = array<i64: 1, 20, 512, 16>}, {transform_indices = @transform_1, window_bounds = array<i64: 1, 512, 16>}, {pipeline_mode = #tpu.pipeline_mode<synchronous>, transform_indices = @transform_2, window_bounds = array<i64: 32, 16>}, {pipeline_mode = #tpu.pipeline_mode<synchronous>, transform_indices = @transform_3, window_bounds = array<i64: 1, 16>}, {pipeline_mode = #tpu.pipeline_mode<synchronous>, transform_indices = @transform_4, window_bounds = array<i64: 1, 16>}, {transform_indices = @transform_5, window_bounds = array<i64: 1, 512, 16>}]} {
    %get3A = arith.constant 0 : index
    %get3A_0 = arith.constant 0 : index
    %get3A_1 = arith.constant 0 : index
    %get3A_2 = vector.load %arg3[%get3A, %get3A_0, %get3A_1] : memref<1x512x16xf32, #tpu.memory_space<vmem>>, vector<1x512x16xf32>
    %get3A_3 = vector.shape_cast %get3A_2 : vector<1x512x16xf32> to vector<512x16xf32>
    %get3A_4 = arith.constant 0 : index
    %get3A_5 = arith.constant 0 : index
    %get3A_6 = arith.constant 0 : index
    %get3A_7 = arith.constant 0 : index
    %get3A_8 = vector.load %arg2[%get3A_4, %get3A_5, %get3A_6, %get3A_7] : memref<1x20x512x16xf32, #tpu.memory_space<vmem>>, vector<1x20x512x16xf32>
    %get3A_9 = vector.shape_cast %get3A_8 : vector<1x20x512x16xf32> to vector<20x512x16xf32>
    %reshape3A = vector.shape_cast %get3A_9 : vector<20x512x16xf32> to vector<10240x16xf32>
    %broadcast_in_dim3A = vector.shape_cast %get3A_3 : vector<512x16xf32> to vector<1x512x16xf32>
    %broadcast_in_dim3A_10 = vector.shape_cast %broadcast_in_dim3A : vector<1x512x16xf32> to vector<1x512x16xf32>
    %broadcast_in_dim3A_11 = vector.broadcast %broadcast_in_dim3A_10 : vector<1x512x16xf32> to vector<20x512x16xf32>
    %reshape3A_12 = vector.shape_cast %broadcast_in_dim3A_11 : vector<20x512x16xf32> to vector<10240x16xf32>
    %sub3A = arith.subf %reshape3A, %reshape3A_12 : vector<10240x16xf32>
    %concatenate3A = tpu.concatenate %sub3A, %reshape3A_12 in 1 : vector<10240x16xf32>, vector<10240x16xf32> -> vector<10240x32xf32>
    %get3A_13 = arith.constant 0 : index
    %get3A_14 = arith.constant 0 : index
    %get3A_15 = vector.load %arg4[%get3A_13, %get3A_14] : memref<32x16xf32, #tpu.memory_space<vmem>>, vector<32x16xf32>
    %dot_general3A = arith.constant dense<0.000000e+00> : vector<10240x16xf32>
    %dot_general3A_16 = tpu.matmul %concatenate3A, %get3A_15, %dot_general3A {dimension_numbers = #tpu.dot_dimension_numbers<[1], [0], [0], [1], [0, 0, 1, 1], [], []>, transpose_lhs_hint = false} : vector<10240x32xf32>, vector<32x16xf32>, vector<10240x16xf32> -> vector<10240x16xf32>
    %get3A_17 = arith.constant 0 : index
    %get3A_18 = arith.constant 0 : index
    %get3A_19 = vector.load %arg5[%get3A_17, %get3A_18] : memref<1x16xf32, #tpu.memory_space<vmem>>, vector<1x16xf32>
    %mul3A = vector.broadcast %get3A_19 : vector<1x16xf32> to vector<10240x16xf32>
    %mul3A_20 = arith.mulf %dot_general3A_16, %mul3A : vector<10240x16xf32>
    %get3A_21 = arith.constant 0 : index
    %get3A_22 = arith.constant 0 : index
    %get3A_23 = vector.load %arg6[%get3A_21, %get3A_22] : memref<1x16xf32, #tpu.memory_space<vmem>>, vector<1x16xf32>
    %add3A = vector.broadcast %get3A_23 : vector<1x16xf32> to vector<10240x16xf32>
    %add3A_24 = arith.addf %mul3A_20, %add3A : vector<10240x16xf32>
    %gt3A = arith.constant 0.000000e+00 : f32
    %gt3A_25 = vector.broadcast %gt3A : f32 to vector<10240x16xf32>
    %gt3A_26 = arith.cmpf ogt, %add3A_24, %gt3A_25 : vector<10240x16xf32>
    %mul3A_27 = arith.constant 2.000000e-01 : f32
    %mul3A_28 = vector.broadcast %mul3A_27 : f32 to vector<10240x16xf32>
    %mul3A_29 = arith.mulf %mul3A_28, %add3A_24 : vector<10240x16xf32>
    %select_n3A = arith.select %gt3A_26, %add3A_24, %mul3A_29 : vector<10240x16xi1>, vector<10240x16xf32>
    %reshape3A_30 = vector.shape_cast %select_n3A : vector<10240x16xf32> to vector<20x512x16xf32>
    %reduce_max3A = arith.constant dense<0xFF800000> : vector<512x16xf32>
    %reduce_max3A_31 = vector.multi_reduction <maximumf>, %reshape3A_30, %reduce_max3A [0] : vector<20x512x16xf32> to vector<512x16xf32>
    %swap3A = arith.constant 0 : index
    %swap3A_32 = arith.constant 0 : index
    %swap3A_33 = arith.constant 0 : index
    %swap3A_34 = vector.load %arg7[%swap3A, %swap3A_32, %swap3A_33] : memref<1x512x16xf32, #tpu.memory_space<vmem>>, vector<1x512x16xf32>
    %swap3A_35 = vector.shape_cast %swap3A_34 : vector<1x512x16xf32> to vector<512x16xf32>
    %swap3A_36 = vector.shape_cast %reduce_max3A_31 : vector<512x16xf32> to vector<1x512x16xf32>
    tpu.vector_store %arg7[%swap3A, %swap3A_32, %swap3A_33], %swap3A_36 {strides = array<i32>} : memref<1x512x16xf32, #tpu.memory_space<vmem>>, vector<1x512x16xf32>,
    return
  }
  func.func @transform_0(%arg0: i32, %arg1: i32) -> (i32, i32, i32, i32) {
    %c0_i32 = arith.constant 0 : i32
    %c0_i32_0 = arith.constant 0 : i32
    %c0_i32_1 = arith.constant 0 : i32
    return %arg0, %c0_i32, %arg1, %c0_i32_0 : i32, i32, i32, i32
  }
  func.func @transform_1(%arg0: i32, %arg1: i32) -> (i32, i32, i32) {
    %c0_i32 = arith.constant 0 : i32
    %c0_i32_0 = arith.constant 0 : i32
    return %arg0, %arg1, %c0_i32 : i32, i32, i32
  }
  func.func @transform_2(%arg0: i32, %arg1: i32) -> (i32, i32) {
    %c0_i32 = arith.constant 0 : i32
    %c0_i32_0 = arith.constant 0 : i32
    %c0_i32_1 = arith.constant 0 : i32
    return %c0_i32, %c0_i32_0 : i32, i32
  }
  func.func @transform_3(%arg0: i32, %arg1: i32) -> (i32, i32) {
    %c0_i32 = arith.constant 0 : i32
    %c0_i32_0 = arith.constant 0 : i32
    %c0_i32_1 = arith.constant 0 : i32
    return %c0_i32, %c0_i32_0 : i32, i32
  }
  func.func @transform_4(%arg0: i32, %arg1: i32) -> (i32, i32) {
    %c0_i32 = arith.constant 0 : i32
    %c0_i32_0 = arith.constant 0 : i32
    %c0_i32_1 = arith.constant 0 : i32
    return %c0_i32, %c0_i32_0 : i32, i32
  }
  func.func @transform_5(%arg0: i32, %arg1: i32) -> (i32, i32, i32) {
    %c0_i32 = arith.constant 0 : i32
    %c0_i32_0 = arith.constant 0 : i32
    return %arg0, %arg1, %c0_i32 : i32, i32, i32
  }
}

module attributes {stable_mosaic.version = 14 : i64} {
  func.func @_conv_kernel(%arg0: i32, %arg1: i32, %arg2: memref<1x20x512x16xf32, #tpu.memory_space<vmem>>, %arg3: memref<1x512x16xf32, #tpu.memory_space<vmem>>, %arg4: memref<32x32xf32, #tpu.memory_space<vmem>>, %arg5: memref<1x32xf32, #tpu.memory_space<vmem>>, %arg6: memref<1x32xf32, #tpu.memory_space<vmem>>, %arg7: memref<1x512x32xf32, #tpu.memory_space<vmem>>) attributes {dimension_semantics = [#tpu.dimension_semantics<arbitrary>, #tpu.dimension_semantics<arbitrary>], iteration_bounds = array<i64: 8, 4>, scalar_prefetch = 0 : i64, scratch_operands = 0 : i64, tpu.core_type = #tpu.core_type<tc>, window_params = [{transform_indices = @transform_0, window_bounds = array<i64: 1, 20, 512, 16>}, {transform_indices = @transform_1, window_bounds = array<i64: 1, 512, 16>}, {pipeline_mode = #tpu.pipeline_mode<synchronous>, transform_indices = @transform_2, window_bounds = array<i64: 32, 32>}, {pipeline_mode = #tpu.pipeline_mode<synchronous>, transform_indices = @transform_3, window_bounds = array<i64: 1, 32>}, {pipeline_mode = #tpu.pipeline_mode<synchronous>, transform_indices = @transform_4, window_bounds = array<i64: 1, 32>}, {transform_indices = @transform_5, window_bounds = array<i64: 1, 512, 32>}]} {
    %get3A = arith.constant 0 : index
    %get3A_0 = arith.constant 0 : index
    %get3A_1 = arith.constant 0 : index
    %get3A_2 = vector.load %arg3[%get3A, %get3A_0, %get3A_1] : memref<1x512x16xf32, #tpu.memory_space<vmem>>, vector<1x512x16xf32>
    %get3A_3 = vector.shape_cast %get3A_2 : vector<1x512x16xf32> to vector<512x16xf32>
    %get3A_4 = arith.constant 0 : index
    %get3A_5 = arith.constant 0 : index
    %get3A_6 = arith.constant 0 : index
    %get3A_7 = arith.constant 0 : index
    %get3A_8 = vector.load %arg2[%get3A_4, %get3A_5, %get3A_6, %get3A_7] : memref<1x20x512x16xf32, #tpu.memory_space<vmem>>, vector<1x20x512x16xf32>
    %get3A_9 = vector.shape_cast %get3A_8 : vector<1x20x512x16xf32> to vector<20x512x16xf32>
    %reshape3A = vector.shape_cast %get3A_9 : vector<20x512x16xf32> to vector<10240x16xf32>
    %broadcast_in_dim3A = vector.shape_cast %get3A_3 : vector<512x16xf32> to vector<1x512x16xf32>
    %broadcast_in_dim3A_10 = vector.shape_cast %broadcast_in_dim3A : vector<1x512x16xf32> to vector<1x512x16xf32>
    %broadcast_in_dim3A_11 = vector.broadcast %broadcast_in_dim3A_10 : vector<1x512x16xf32> to vector<20x512x16xf32>
    %reshape3A_12 = vector.shape_cast %broadcast_in_dim3A_11 : vector<20x512x16xf32> to vector<10240x16xf32>
    %sub3A = arith.subf %reshape3A, %reshape3A_12 : vector<10240x16xf32>
    %concatenate3A = tpu.concatenate %sub3A, %reshape3A_12 in 1 : vector<10240x16xf32>, vector<10240x16xf32> -> vector<10240x32xf32>
    %get3A_13 = arith.constant 0 : index
    %get3A_14 = arith.constant 0 : index
    %get3A_15 = vector.load %arg4[%get3A_13, %get3A_14] : memref<32x32xf32, #tpu.memory_space<vmem>>, vector<32x32xf32>
    %dot_general3A = arith.constant dense<0.000000e+00> : vector<10240x32xf32>
    %dot_general3A_16 = tpu.matmul %concatenate3A, %get3A_15, %dot_general3A {dimension_numbers = #tpu.dot_dimension_numbers<[1], [0], [0], [1], [0, 0, 1, 1], [], []>, transpose_lhs_hint = false} : vector<10240x32xf32>, vector<32x32xf32>, vector<10240x32xf32> -> vector<10240x32xf32>
    %get3A_17 = arith.constant 0 : index
    %get3A_18 = arith.constant 0 : index
    %get3A_19 = vector.load %arg5[%get3A_17, %get3A_18] : memref<1x32xf32, #tpu.memory_space<vmem>>, vector<1x32xf32>
    %mul3A = vector.broadcast %get3A_19 : vector<1x32xf32> to vector<10240x32xf32>
    %mul3A_20 = arith.mulf %dot_general3A_16, %mul3A : vector<10240x32xf32>
    %get3A_21 = arith.constant 0 : index
    %get3A_22 = arith.constant 0 : index
    %get3A_23 = vector.load %arg6[%get3A_21, %get3A_22] : memref<1x32xf32, #tpu.memory_space<vmem>>, vector<1x32xf32>
    %add3A = vector.broadcast %get3A_23 : vector<1x32xf32> to vector<10240x32xf32>
    %add3A_24 = arith.addf %mul3A_20, %add3A : vector<10240x32xf32>
    %gt3A = arith.constant 0.000000e+00 : f32
    %gt3A_25 = vector.broadcast %gt3A : f32 to vector<10240x32xf32>
    %gt3A_26 = arith.cmpf ogt, %add3A_24, %gt3A_25 : vector<10240x32xf32>
    %mul3A_27 = arith.constant 2.000000e-01 : f32
    %mul3A_28 = vector.broadcast %mul3A_27 : f32 to vector<10240x32xf32>
    %mul3A_29 = arith.mulf %mul3A_28, %add3A_24 : vector<10240x32xf32>
    %select_n3A = arith.select %gt3A_26, %add3A_24, %mul3A_29 : vector<10240x32xi1>, vector<10240x32xf32>
    %reshape3A_30 = vector.shape_cast %select_n3A : vector<10240x32xf32> to vector<20x512x32xf32>
    %reduce_max3A = arith.constant dense<0xFF800000> : vector<512x32xf32>
    %reduce_max3A_31 = vector.multi_reduction <maximumf>, %reshape3A_30, %reduce_max3A [0] : vector<20x512x32xf32> to vector<512x32xf32>
    %swap3A = arith.constant 0 : index
    %swap3A_32 = arith.constant 0 : index
    %swap3A_33 = arith.constant 0 : index
    %swap3A_34 = vector.load %arg7[%swap3A, %swap3A_32, %swap3A_33] : memref<1x512x32xf32, #tpu.memory_space<vmem>>, vector<1x512x32xf32>
    %swap3A_35 = vector.shape_cast %swap3A_34 : vector<1x512x32xf32> to vector<512x32xf32>
    %swap3A_36 = vector.shape_cast %reduce_max3A_31 : vector<512x32xf32> to vector<1x512x32xf32>
    tpu.vector_store %arg7[%swap3A, %swap3A_32, %swap3A_33], %swap3A_36 {strides = array<i32>} : memref<1x512x32xf32, #tpu.memory_space<vmem>>, vector<1x512x32xf32>,
    return
  }
  func.func @transform_0(%arg0: i32, %arg1: i32) -> (i32, i32, i32, i32) {
    %c0_i32 = arith.constant 0 : i32
    %c0_i32_0 = arith.constant 0 : i32
    %c0_i32_1 = arith.constant 0 : i32
    return %arg0, %c0_i32, %arg1, %c0_i32_0 : i32, i32, i32, i32
  }
  func.func @transform_1(%arg0: i32, %arg1: i32) -> (i32, i32, i32) {
    %c0_i32 = arith.constant 0 : i32
    %c0_i32_0 = arith.constant 0 : i32
    return %arg0, %arg1, %c0_i32 : i32, i32, i32
  }
  func.func @transform_2(%arg0: i32, %arg1: i32) -> (i32, i32) {
    %c0_i32 = arith.constant 0 : i32
    %c0_i32_0 = arith.constant 0 : i32
    %c0_i32_1 = arith.constant 0 : i32
    return %c0_i32, %c0_i32_0 : i32, i32
  }
  func.func @transform_3(%arg0: i32, %arg1: i32) -> (i32, i32) {
    %c0_i32 = arith.constant 0 : i32
    %c0_i32_0 = arith.constant 0 : i32
    %c0_i32_1 = arith.constant 0 : i32
    return %c0_i32, %c0_i32_0 : i32, i32
  }
  func.func @transform_4(%arg0: i32, %arg1: i32) -> (i32, i32) {
    %c0_i32 = arith.constant 0 : i32
    %c0_i32_0 = arith.constant 0 : i32
    %c0_i32_1 = arith.constant 0 : i32
    return %c0_i32, %c0_i32_0 : i32, i32
  }
  func.func @transform_5(%arg0: i32, %arg1: i32) -> (i32, i32, i32) {
    %c0_i32 = arith.constant 0 : i32
    %c0_i32_0 = arith.constant 0 : i32
    return %arg0, %arg1, %c0_i32 : i32, i32, i32
  }
}

module attributes {stable_mosaic.version = 14 : i64} {
  func.func @_knn_kernel(%arg0: i32, %arg1: i32, %arg2: memref<1x256x32xf32, #tpu.memory_space<vmem>>, %arg3: memref<1x2048x32xf32, #tpu.memory_space<vmem>>, %arg4: memref<1x256x1xf32, #tpu.memory_space<vmem>>, %arg5: memref<1x1x2048xf32, #tpu.memory_space<vmem>>, %arg6: memref<1x256x20xi32, #tpu.memory_space<vmem>>) attributes {dimension_semantics = [#tpu.dimension_semantics<arbitrary>, #tpu.dimension_semantics<arbitrary>], iteration_bounds = array<i64: 8, 8>, scalar_prefetch = 0 : i64, scratch_operands = 0 : i64, tpu.core_type = #tpu.core_type<tc>, window_params = [{transform_indices = @transform_0, window_bounds = array<i64: 1, 256, 32>}, {transform_indices = @transform_1, window_bounds = array<i64: 1, 2048, 32>}, {transform_indices = @transform_2, window_bounds = array<i64: 1, 256, 1>}, {transform_indices = @transform_3, window_bounds = array<i64: 1, 1, 2048>}, {transform_indices = @transform_4, window_bounds = array<i64: 1, 256, 20>}]} {
    %get3A = arith.constant 0 : index
    %get3A_0 = arith.constant 0 : index
    %get3A_1 = arith.constant 0 : index
    %get3A_2 = vector.load %arg2[%get3A, %get3A_0, %get3A_1] : memref<1x256x32xf32, #tpu.memory_space<vmem>>, vector<1x256x32xf32>
    %get3A_3 = vector.shape_cast %get3A_2 : vector<1x256x32xf32> to vector<256x32xf32>
    %get3A_4 = arith.constant 0 : index
    %get3A_5 = arith.constant 0 : index
    %get3A_6 = arith.constant 0 : index
    %get3A_7 = vector.load %arg3[%get3A_4, %get3A_5, %get3A_6] : memref<1x2048x32xf32, #tpu.memory_space<vmem>>, vector<1x2048x32xf32>
    %get3A_8 = vector.shape_cast %get3A_7 : vector<1x2048x32xf32> to vector<2048x32xf32>
    %mul3A = arith.constant 2048 : i32
    %mul3A_9 = arith.muli %arg0, %mul3A : i32
    %dot_general3A = arith.constant dense<0.000000e+00> : vector<256x2048xf32>
    %dot_general3A_10 = tpu.matmul %get3A_3, %get3A_8, %dot_general3A {dimension_numbers = #tpu.dot_dimension_numbers<[1], [1], [0], [0], [0, 0, 1, 0], [], []>, transpose_lhs_hint = false} : vector<256x32xf32>, vector<2048x32xf32>, vector<256x2048xf32> -> vector<256x2048xf32>
    %mul3A_11 = arith.constant 2.000000e+00 : f32
    %mul3A_12 = vector.broadcast %mul3A_11 : f32 to vector<256x2048xf32>
    %mul3A_13 = arith.mulf %mul3A_12, %dot_general3A_10 : vector<256x2048xf32>
    %get3A_14 = arith.constant 0 : index
    %get3A_15 = arith.constant 0 : index
    %get3A_16 = arith.constant 0 : index
    %get3A_17 = vector.load %arg4[%get3A_14, %get3A_15, %get3A_16] : memref<1x256x1xf32, #tpu.memory_space<vmem>>, vector<1x256x1xf32>
    %get3A_18 = vector.shape_cast %get3A_17 : vector<1x256x1xf32> to vector<256x1xf32>
    %sub3A = vector.broadcast %get3A_18 : vector<256x1xf32> to vector<256x2048xf32>
    %sub3A_19 = arith.subf %mul3A_13, %sub3A : vector<256x2048xf32>
    %get3A_20 = arith.constant 0 : index
    %get3A_21 = arith.constant 0 : index
    %get3A_22 = arith.constant 0 : index
    %get3A_23 = vector.load %arg5[%get3A_20, %get3A_21, %get3A_22] : memref<1x1x2048xf32, #tpu.memory_space<vmem>>, vector<1x1x2048xf32>
    %get3A_24 = vector.shape_cast %get3A_23 : vector<1x1x2048xf32> to vector<1x2048xf32>
    %sub3A_25 = vector.broadcast %get3A_24 : vector<1x2048xf32> to vector<256x2048xf32>
    %sub3A_26 = arith.subf %sub3A_19, %sub3A_25 : vector<256x2048xf32>
    %iota3A = tpu.iota {dimensions = array<i32: 1>} : vector<256x2048xi32>
    %iota3A_27 = tpu.iota {dimensions = array<i32: 1>} : vector<256x20xi32>
    %broadcast_in_dim3A = arith.constant 0 : i32
    %broadcast_in_dim3A_28 = vector.broadcast %broadcast_in_dim3A : i32 to vector<256x20xi32>
    %argmax3A = tpu.reduce_index %sub3A_26 {axis = 1 : i32, kind = #tpu.reduction_kind<arg_max>} : vector<256x2048xf32> -> vector<256xi32>
    %broadcast_in_dim3A_29 = vector.shape_cast %argmax3A : vector<256xi32> to vector<256x1xi32>
    %eq3A = arith.constant 0 : i32
    %eq3A_30 = vector.broadcast %eq3A : i32 to vector<256x20xi32>
    %eq3A_31 = arith.cmpi eq, %iota3A_27, %eq3A_30 : vector<256x20xi32>
    %broadcast_in_dim3A_32 = vector.shape_cast %broadcast_in_dim3A_29 : vector<256x1xi32> to vector<256x1xi32>
    %broadcast_in_dim3A_33 = vector.broadcast %broadcast_in_dim3A_32 : vector<256x1xi32> to vector<256x20xi32>
    %select_n3A = arith.select %eq3A_31, %broadcast_in_dim3A_33, %broadcast_in_dim3A_28 : vector<256x20xi1>, vector<256x20xi32>
    %eq3A_34 = vector.broadcast %broadcast_in_dim3A_29 : vector<256x1xi32> to vector<256x2048xi32>
    %eq3A_35 = arith.cmpi eq, %iota3A, %eq3A_34 : vector<256x2048xi32>
    %jit3A = arith.constant 0xFF800000 : f32
    %broadcast_in_dim3A_36 = vector.broadcast %jit3A : f32 to vector<256x2048xf32>
    %select_n3A_37 = arith.select %eq3A_35, %broadcast_in_dim3A_36, %sub3A_26 : vector<256x2048xi1>, vector<256x2048xf32>
    %argmax3A_38 = tpu.reduce_index %select_n3A_37 {axis = 1 : i32, kind = #tpu.reduction_kind<arg_max>} : vector<256x2048xf32> -> vector<256xi32>
    %broadcast_in_dim3A_39 = vector.shape_cast %argmax3A_38 : vector<256xi32> to vector<256x1xi32>
    %eq3A_40 = arith.constant 1 : i32
    %eq3A_41 = vector.broadcast %eq3A_40 : i32 to vector<256x20xi32>
    %eq3A_42 = arith.cmpi eq, %iota3A_27, %eq3A_41 : vector<256x20xi32>
    %broadcast_in_dim3A_43 = vector.shape_cast %broadcast_in_dim3A_39 : vector<256x1xi32> to vector<256x1xi32>
    %broadcast_in_dim3A_44 = vector.broadcast %broadcast_in_dim3A_43 : vector<256x1xi32> to vector<256x20xi32>
    %select_n3A_45 = arith.select %eq3A_42, %broadcast_in_dim3A_44, %select_n3A : vector<256x20xi1>, vector<256x20xi32>
    %eq3A_46 = vector.broadcast %broadcast_in_dim3A_39 : vector<256x1xi32> to vector<256x2048xi32>
    %eq3A_47 = arith.cmpi eq, %iota3A, %eq3A_46 : vector<256x2048xi32>
    %jit3A_48 = arith.constant 0xFF800000 : f32
    %broadcast_in_dim3A_49 = vector.broadcast %jit3A_48 : f32 to vector<256x2048xf32>
    %select_n3A_50 = arith.select %eq3A_47, %broadcast_in_dim3A_49, %select_n3A_37 : vector<256x2048xi1>, vector<256x2048xf32>
    %argmax3A_51 = tpu.reduce_index %select_n3A_50 {axis = 1 : i32, kind = #tpu.reduction_kind<arg_max>} : vector<256x2048xf32> -> vector<256xi32>
    %broadcast_in_dim3A_52 = vector.shape_cast %argmax3A_51 : vector<256xi32> to vector<256x1xi32>
    %eq3A_53 = arith.constant 2 : i32
    %eq3A_54 = vector.broadcast %eq3A_53 : i32 to vector<256x20xi32>
    %eq3A_55 = arith.cmpi eq, %iota3A_27, %eq3A_54 : vector<256x20xi32>
    %broadcast_in_dim3A_56 = vector.shape_cast %broadcast_in_dim3A_52 : vector<256x1xi32> to vector<256x1xi32>
    %broadcast_in_dim3A_57 = vector.broadcast %broadcast_in_dim3A_56 : vector<256x1xi32> to vector<256x20xi32>
    %select_n3A_58 = arith.select %eq3A_55, %broadcast_in_dim3A_57, %select_n3A_45 : vector<256x20xi1>, vector<256x20xi32>
    %eq3A_59 = vector.broadcast %broadcast_in_dim3A_52 : vector<256x1xi32> to vector<256x2048xi32>
    %eq3A_60 = arith.cmpi eq, %iota3A, %eq3A_59 : vector<256x2048xi32>
    %jit3A_61 = arith.constant 0xFF800000 : f32
    %broadcast_in_dim3A_62 = vector.broadcast %jit3A_61 : f32 to vector<256x2048xf32>
    %select_n3A_63 = arith.select %eq3A_60, %broadcast_in_dim3A_62, %select_n3A_50 : vector<256x2048xi1>, vector<256x2048xf32>
    %argmax3A_64 = tpu.reduce_index %select_n3A_63 {axis = 1 : i32, kind = #tpu.reduction_kind<arg_max>} : vector<256x2048xf32> -> vector<256xi32>
    %broadcast_in_dim3A_65 = vector.shape_cast %argmax3A_64 : vector<256xi32> to vector<256x1xi32>
    %eq3A_66 = arith.constant 3 : i32
    %eq3A_67 = vector.broadcast %eq3A_66 : i32 to vector<256x20xi32>
    %eq3A_68 = arith.cmpi eq, %iota3A_27, %eq3A_67 : vector<256x20xi32>
    %broadcast_in_dim3A_69 = vector.shape_cast %broadcast_in_dim3A_65 : vector<256x1xi32> to vector<256x1xi32>
    %broadcast_in_dim3A_70 = vector.broadcast %broadcast_in_dim3A_69 : vector<256x1xi32> to vector<256x20xi32>
    %select_n3A_71 = arith.select %eq3A_68, %broadcast_in_dim3A_70, %select_n3A_58 : vector<256x20xi1>, vector<256x20xi32>
    %eq3A_72 = vector.broadcast %broadcast_in_dim3A_65 : vector<256x1xi32> to vector<256x2048xi32>
    %eq3A_73 = arith.cmpi eq, %iota3A, %eq3A_72 : vector<256x2048xi32>
    %jit3A_74 = arith.constant 0xFF800000 : f32
    %broadcast_in_dim3A_75 = vector.broadcast %jit3A_74 : f32 to vector<256x2048xf32>
    %select_n3A_76 = arith.select %eq3A_73, %broadcast_in_dim3A_75, %select_n3A_63 : vector<256x2048xi1>, vector<256x2048xf32>
    %argmax3A_77 = tpu.reduce_index %select_n3A_76 {axis = 1 : i32, kind = #tpu.reduction_kind<arg_max>} : vector<256x2048xf32> -> vector<256xi32>
    %broadcast_in_dim3A_78 = vector.shape_cast %argmax3A_77 : vector<256xi32> to vector<256x1xi32>
    %eq3A_79 = arith.constant 4 : i32
    %eq3A_80 = vector.broadcast %eq3A_79 : i32 to vector<256x20xi32>
    %eq3A_81 = arith.cmpi eq, %iota3A_27, %eq3A_80 : vector<256x20xi32>
    %broadcast_in_dim3A_82 = vector.shape_cast %broadcast_in_dim3A_78 : vector<256x1xi32> to vector<256x1xi32>
    %broadcast_in_dim3A_83 = vector.broadcast %broadcast_in_dim3A_82 : vector<256x1xi32> to vector<256x20xi32>
    %select_n3A_84 = arith.select %eq3A_81, %broadcast_in_dim3A_83, %select_n3A_71 : vector<256x20xi1>, vector<256x20xi32>
    %eq3A_85 = vector.broadcast %broadcast_in_dim3A_78 : vector<256x1xi32> to vector<256x2048xi32>
    %eq3A_86 = arith.cmpi eq, %iota3A, %eq3A_85 : vector<256x2048xi32>
    %jit3A_87 = arith.constant 0xFF800000 : f32
    %broadcast_in_dim3A_88 = vector.broadcast %jit3A_87 : f32 to vector<256x2048xf32>
    %select_n3A_89 = arith.select %eq3A_86, %broadcast_in_dim3A_88, %select_n3A_76 : vector<256x2048xi1>, vector<256x2048xf32>
    %argmax3A_90 = tpu.reduce_index %select_n3A_89 {axis = 1 : i32, kind = #tpu.reduction_kind<arg_max>} : vector<256x2048xf32> -> vector<256xi32>
    %broadcast_in_dim3A_91 = vector.shape_cast %argmax3A_90 : vector<256xi32> to vector<256x1xi32>
    %eq3A_92 = arith.constant 5 : i32
    %eq3A_93 = vector.broadcast %eq3A_92 : i32 to vector<256x20xi32>
    %eq3A_94 = arith.cmpi eq, %iota3A_27, %eq3A_93 : vector<256x20xi32>
    %broadcast_in_dim3A_95 = vector.shape_cast %broadcast_in_dim3A_91 : vector<256x1xi32> to vector<256x1xi32>
    %broadcast_in_dim3A_96 = vector.broadcast %broadcast_in_dim3A_95 : vector<256x1xi32> to vector<256x20xi32>
    %select_n3A_97 = arith.select %eq3A_94, %broadcast_in_dim3A_96, %select_n3A_84 : vector<256x20xi1>, vector<256x20xi32>
    %eq3A_98 = vector.broadcast %broadcast_in_dim3A_91 : vector<256x1xi32> to vector<256x2048xi32>
    %eq3A_99 = arith.cmpi eq, %iota3A, %eq3A_98 : vector<256x2048xi32>
    %jit3A_100 = arith.constant 0xFF800000 : f32
    %broadcast_in_dim3A_101 = vector.broadcast %jit3A_100 : f32 to vector<256x2048xf32>
    %select_n3A_102 = arith.select %eq3A_99, %broadcast_in_dim3A_101, %select_n3A_89 : vector<256x2048xi1>, vector<256x2048xf32>
    %argmax3A_103 = tpu.reduce_index %select_n3A_102 {axis = 1 : i32, kind = #tpu.reduction_kind<arg_max>} : vector<256x2048xf32> -> vector<256xi32>
    %broadcast_in_dim3A_104 = vector.shape_cast %argmax3A_103 : vector<256xi32> to vector<256x1xi32>
    %eq3A_105 = arith.constant 6 : i32
    %eq3A_106 = vector.broadcast %eq3A_105 : i32 to vector<256x20xi32>
    %eq3A_107 = arith.cmpi eq, %iota3A_27, %eq3A_106 : vector<256x20xi32>
    %broadcast_in_dim3A_108 = vector.shape_cast %broadcast_in_dim3A_104 : vector<256x1xi32> to vector<256x1xi32>
    %broadcast_in_dim3A_109 = vector.broadcast %broadcast_in_dim3A_108 : vector<256x1xi32> to vector<256x20xi32>
    %select_n3A_110 = arith.select %eq3A_107, %broadcast_in_dim3A_109, %select_n3A_97 : vector<256x20xi1>, vector<256x20xi32>
    %eq3A_111 = vector.broadcast %broadcast_in_dim3A_104 : vector<256x1xi32> to vector<256x2048xi32>
    %eq3A_112 = arith.cmpi eq, %iota3A, %eq3A_111 : vector<256x2048xi32>
    %jit3A_113 = arith.constant 0xFF800000 : f32
    %broadcast_in_dim3A_114 = vector.broadcast %jit3A_113 : f32 to vector<256x2048xf32>
    %select_n3A_115 = arith.select %eq3A_112, %broadcast_in_dim3A_114, %select_n3A_102 : vector<256x2048xi1>, vector<256x2048xf32>
    %argmax3A_116 = tpu.reduce_index %select_n3A_115 {axis = 1 : i32, kind = #tpu.reduction_kind<arg_max>} : vector<256x2048xf32> -> vector<256xi32>
    %broadcast_in_dim3A_117 = vector.shape_cast %argmax3A_116 : vector<256xi32> to vector<256x1xi32>
    %eq3A_118 = arith.constant 7 : i32
    %eq3A_119 = vector.broadcast %eq3A_118 : i32 to vector<256x20xi32>
    %eq3A_120 = arith.cmpi eq, %iota3A_27, %eq3A_119 : vector<256x20xi32>
    %broadcast_in_dim3A_121 = vector.shape_cast %broadcast_in_dim3A_117 : vector<256x1xi32> to vector<256x1xi32>
    %broadcast_in_dim3A_122 = vector.broadcast %broadcast_in_dim3A_121 : vector<256x1xi32> to vector<256x20xi32>
    %select_n3A_123 = arith.select %eq3A_120, %broadcast_in_dim3A_122, %select_n3A_110 : vector<256x20xi1>, vector<256x20xi32>
    %eq3A_124 = vector.broadcast %broadcast_in_dim3A_117 : vector<256x1xi32> to vector<256x2048xi32>
    %eq3A_125 = arith.cmpi eq, %iota3A, %eq3A_124 : vector<256x2048xi32>
    %jit3A_126 = arith.constant 0xFF800000 : f32
    %broadcast_in_dim3A_127 = vector.broadcast %jit3A_126 : f32 to vector<256x2048xf32>
    %select_n3A_128 = arith.select %eq3A_125, %broadcast_in_dim3A_127, %select_n3A_115 : vector<256x2048xi1>, vector<256x2048xf32>
    %argmax3A_129 = tpu.reduce_index %select_n3A_128 {axis = 1 : i32, kind = #tpu.reduction_kind<arg_max>} : vector<256x2048xf32> -> vector<256xi32>
    %broadcast_in_dim3A_130 = vector.shape_cast %argmax3A_129 : vector<256xi32> to vector<256x1xi32>
    %eq3A_131 = arith.constant 8 : i32
    %eq3A_132 = vector.broadcast %eq3A_131 : i32 to vector<256x20xi32>
    %eq3A_133 = arith.cmpi eq, %iota3A_27, %eq3A_132 : vector<256x20xi32>
    %broadcast_in_dim3A_134 = vector.shape_cast %broadcast_in_dim3A_130 : vector<256x1xi32> to vector<256x1xi32>
    %broadcast_in_dim3A_135 = vector.broadcast %broadcast_in_dim3A_134 : vector<256x1xi32> to vector<256x20xi32>
    %select_n3A_136 = arith.select %eq3A_133, %broadcast_in_dim3A_135, %select_n3A_123 : vector<256x20xi1>, vector<256x20xi32>
    %eq3A_137 = vector.broadcast %broadcast_in_dim3A_130 : vector<256x1xi32> to vector<256x2048xi32>
    %eq3A_138 = arith.cmpi eq, %iota3A, %eq3A_137 : vector<256x2048xi32>
    %jit3A_139 = arith.constant 0xFF800000 : f32
    %broadcast_in_dim3A_140 = vector.broadcast %jit3A_139 : f32 to vector<256x2048xf32>
    %select_n3A_141 = arith.select %eq3A_138, %broadcast_in_dim3A_140, %select_n3A_128 : vector<256x2048xi1>, vector<256x2048xf32>
    %argmax3A_142 = tpu.reduce_index %select_n3A_141 {axis = 1 : i32, kind = #tpu.reduction_kind<arg_max>} : vector<256x2048xf32> -> vector<256xi32>
    %broadcast_in_dim3A_143 = vector.shape_cast %argmax3A_142 : vector<256xi32> to vector<256x1xi32>
    %eq3A_144 = arith.constant 9 : i32
    %eq3A_145 = vector.broadcast %eq3A_144 : i32 to vector<256x20xi32>
    %eq3A_146 = arith.cmpi eq, %iota3A_27, %eq3A_145 : vector<256x20xi32>
    %broadcast_in_dim3A_147 = vector.shape_cast %broadcast_in_dim3A_143 : vector<256x1xi32> to vector<256x1xi32>
    %broadcast_in_dim3A_148 = vector.broadcast %broadcast_in_dim3A_147 : vector<256x1xi32> to vector<256x20xi32>
    %select_n3A_149 = arith.select %eq3A_146, %broadcast_in_dim3A_148, %select_n3A_136 : vector<256x20xi1>, vector<256x20xi32>
    %eq3A_150 = vector.broadcast %broadcast_in_dim3A_143 : vector<256x1xi32> to vector<256x2048xi32>
    %eq3A_151 = arith.cmpi eq, %iota3A, %eq3A_150 : vector<256x2048xi32>
    %jit3A_152 = arith.constant 0xFF800000 : f32
    %broadcast_in_dim3A_153 = vector.broadcast %jit3A_152 : f32 to vector<256x2048xf32>
    %select_n3A_154 = arith.select %eq3A_151, %broadcast_in_dim3A_153, %select_n3A_141 : vector<256x2048xi1>, vector<256x2048xf32>
    %argmax3A_155 = tpu.reduce_index %select_n3A_154 {axis = 1 : i32, kind = #tpu.reduction_kind<arg_max>} : vector<256x2048xf32> -> vector<256xi32>
    %broadcast_in_dim3A_156 = vector.shape_cast %argmax3A_155 : vector<256xi32> to vector<256x1xi32>
    %eq3A_157 = arith.constant 10 : i32
    %eq3A_158 = vector.broadcast %eq3A_157 : i32 to vector<256x20xi32>
    %eq3A_159 = arith.cmpi eq, %iota3A_27, %eq3A_158 : vector<256x20xi32>
    %broadcast_in_dim3A_160 = vector.shape_cast %broadcast_in_dim3A_156 : vector<256x1xi32> to vector<256x1xi32>
    %broadcast_in_dim3A_161 = vector.broadcast %broadcast_in_dim3A_160 : vector<256x1xi32> to vector<256x20xi32>
    %select_n3A_162 = arith.select %eq3A_159, %broadcast_in_dim3A_161, %select_n3A_149 : vector<256x20xi1>, vector<256x20xi32>
    %eq3A_163 = vector.broadcast %broadcast_in_dim3A_156 : vector<256x1xi32> to vector<256x2048xi32>
    %eq3A_164 = arith.cmpi eq, %iota3A, %eq3A_163 : vector<256x2048xi32>
    %jit3A_165 = arith.constant 0xFF800000 : f32
    %broadcast_in_dim3A_166 = vector.broadcast %jit3A_165 : f32 to vector<256x2048xf32>
    %select_n3A_167 = arith.select %eq3A_164, %broadcast_in_dim3A_166, %select_n3A_154 : vector<256x2048xi1>, vector<256x2048xf32>
    %argmax3A_168 = tpu.reduce_index %select_n3A_167 {axis = 1 : i32, kind = #tpu.reduction_kind<arg_max>} : vector<256x2048xf32> -> vector<256xi32>
    %broadcast_in_dim3A_169 = vector.shape_cast %argmax3A_168 : vector<256xi32> to vector<256x1xi32>
    %eq3A_170 = arith.constant 11 : i32
    %eq3A_171 = vector.broadcast %eq3A_170 : i32 to vector<256x20xi32>
    %eq3A_172 = arith.cmpi eq, %iota3A_27, %eq3A_171 : vector<256x20xi32>
    %broadcast_in_dim3A_173 = vector.shape_cast %broadcast_in_dim3A_169 : vector<256x1xi32> to vector<256x1xi32>
    %broadcast_in_dim3A_174 = vector.broadcast %broadcast_in_dim3A_173 : vector<256x1xi32> to vector<256x20xi32>
    %select_n3A_175 = arith.select %eq3A_172, %broadcast_in_dim3A_174, %select_n3A_162 : vector<256x20xi1>, vector<256x20xi32>
    %eq3A_176 = vector.broadcast %broadcast_in_dim3A_169 : vector<256x1xi32> to vector<256x2048xi32>
    %eq3A_177 = arith.cmpi eq, %iota3A, %eq3A_176 : vector<256x2048xi32>
    %jit3A_178 = arith.constant 0xFF800000 : f32
    %broadcast_in_dim3A_179 = vector.broadcast %jit3A_178 : f32 to vector<256x2048xf32>
    %select_n3A_180 = arith.select %eq3A_177, %broadcast_in_dim3A_179, %select_n3A_167 : vector<256x2048xi1>, vector<256x2048xf32>
    %argmax3A_181 = tpu.reduce_index %select_n3A_180 {axis = 1 : i32, kind = #tpu.reduction_kind<arg_max>} : vector<256x2048xf32> -> vector<256xi32>
    %broadcast_in_dim3A_182 = vector.shape_cast %argmax3A_181 : vector<256xi32> to vector<256x1xi32>
    %eq3A_183 = arith.constant 12 : i32
    %eq3A_184 = vector.broadcast %eq3A_183 : i32 to vector<256x20xi32>
    %eq3A_185 = arith.cmpi eq, %iota3A_27, %eq3A_184 : vector<256x20xi32>
    %broadcast_in_dim3A_186 = vector.shape_cast %broadcast_in_dim3A_182 : vector<256x1xi32> to vector<256x1xi32>
    %broadcast_in_dim3A_187 = vector.broadcast %broadcast_in_dim3A_186 : vector<256x1xi32> to vector<256x20xi32>
    %select_n3A_188 = arith.select %eq3A_185, %broadcast_in_dim3A_187, %select_n3A_175 : vector<256x20xi1>, vector<256x20xi32>
    %eq3A_189 = vector.broadcast %broadcast_in_dim3A_182 : vector<256x1xi32> to vector<256x2048xi32>
    %eq3A_190 = arith.cmpi eq, %iota3A, %eq3A_189 : vector<256x2048xi32>
    %jit3A_191 = arith.constant 0xFF800000 : f32
    %broadcast_in_dim3A_192 = vector.broadcast %jit3A_191 : f32 to vector<256x2048xf32>
    %select_n3A_193 = arith.select %eq3A_190, %broadcast_in_dim3A_192, %select_n3A_180 : vector<256x2048xi1>, vector<256x2048xf32>
    %argmax3A_194 = tpu.reduce_index %select_n3A_193 {axis = 1 : i32, kind = #tpu.reduction_kind<arg_max>} : vector<256x2048xf32> -> vector<256xi32>
    %broadcast_in_dim3A_195 = vector.shape_cast %argmax3A_194 : vector<256xi32> to vector<256x1xi32>
    %eq3A_196 = arith.constant 13 : i32
    %eq3A_197 = vector.broadcast %eq3A_196 : i32 to vector<256x20xi32>
    %eq3A_198 = arith.cmpi eq, %iota3A_27, %eq3A_197 : vector<256x20xi32>
    %broadcast_in_dim3A_199 = vector.shape_cast %broadcast_in_dim3A_195 : vector<256x1xi32> to vector<256x1xi32>
    %broadcast_in_dim3A_200 = vector.broadcast %broadcast_in_dim3A_199 : vector<256x1xi32> to vector<256x20xi32>
    %select_n3A_201 = arith.select %eq3A_198, %broadcast_in_dim3A_200, %select_n3A_188 : vector<256x20xi1>, vector<256x20xi32>
    %eq3A_202 = vector.broadcast %broadcast_in_dim3A_195 : vector<256x1xi32> to vector<256x2048xi32>
    %eq3A_203 = arith.cmpi eq, %iota3A, %eq3A_202 : vector<256x2048xi32>
    %jit3A_204 = arith.constant 0xFF800000 : f32
    %broadcast_in_dim3A_205 = vector.broadcast %jit3A_204 : f32 to vector<256x2048xf32>
    %select_n3A_206 = arith.select %eq3A_203, %broadcast_in_dim3A_205, %select_n3A_193 : vector<256x2048xi1>, vector<256x2048xf32>
    %argmax3A_207 = tpu.reduce_index %select_n3A_206 {axis = 1 : i32, kind = #tpu.reduction_kind<arg_max>} : vector<256x2048xf32> -> vector<256xi32>
    %broadcast_in_dim3A_208 = vector.shape_cast %argmax3A_207 : vector<256xi32> to vector<256x1xi32>
    %eq3A_209 = arith.constant 14 : i32
    %eq3A_210 = vector.broadcast %eq3A_209 : i32 to vector<256x20xi32>
    %eq3A_211 = arith.cmpi eq, %iota3A_27, %eq3A_210 : vector<256x20xi32>
    %broadcast_in_dim3A_212 = vector.shape_cast %broadcast_in_dim3A_208 : vector<256x1xi32> to vector<256x1xi32>
    %broadcast_in_dim3A_213 = vector.broadcast %broadcast_in_dim3A_212 : vector<256x1xi32> to vector<256x20xi32>
    %select_n3A_214 = arith.select %eq3A_211, %broadcast_in_dim3A_213, %select_n3A_201 : vector<256x20xi1>, vector<256x20xi32>
    %eq3A_215 = vector.broadcast %broadcast_in_dim3A_208 : vector<256x1xi32> to vector<256x2048xi32>
    %eq3A_216 = arith.cmpi eq, %iota3A, %eq3A_215 : vector<256x2048xi32>
    %jit3A_217 = arith.constant 0xFF800000 : f32
    %broadcast_in_dim3A_218 = vector.broadcast %jit3A_217 : f32 to vector<256x2048xf32>
    %select_n3A_219 = arith.select %eq3A_216, %broadcast_in_dim3A_218, %select_n3A_206 : vector<256x2048xi1>, vector<256x2048xf32>
    %argmax3A_220 = tpu.reduce_index %select_n3A_219 {axis = 1 : i32, kind = #tpu.reduction_kind<arg_max>} : vector<256x2048xf32> -> vector<256xi32>
    %broadcast_in_dim3A_221 = vector.shape_cast %argmax3A_220 : vector<256xi32> to vector<256x1xi32>
    %eq3A_222 = arith.constant 15 : i32
    %eq3A_223 = vector.broadcast %eq3A_222 : i32 to vector<256x20xi32>
    %eq3A_224 = arith.cmpi eq, %iota3A_27, %eq3A_223 : vector<256x20xi32>
    %broadcast_in_dim3A_225 = vector.shape_cast %broadcast_in_dim3A_221 : vector<256x1xi32> to vector<256x1xi32>
    %broadcast_in_dim3A_226 = vector.broadcast %broadcast_in_dim3A_225 : vector<256x1xi32> to vector<256x20xi32>
    %select_n3A_227 = arith.select %eq3A_224, %broadcast_in_dim3A_226, %select_n3A_214 : vector<256x20xi1>, vector<256x20xi32>
    %eq3A_228 = vector.broadcast %broadcast_in_dim3A_221 : vector<256x1xi32> to vector<256x2048xi32>
    %eq3A_229 = arith.cmpi eq, %iota3A, %eq3A_228 : vector<256x2048xi32>
    %jit3A_230 = arith.constant 0xFF800000 : f32
    %broadcast_in_dim3A_231 = vector.broadcast %jit3A_230 : f32 to vector<256x2048xf32>
    %select_n3A_232 = arith.select %eq3A_229, %broadcast_in_dim3A_231, %select_n3A_219 : vector<256x2048xi1>, vector<256x2048xf32>
    %argmax3A_233 = tpu.reduce_index %select_n3A_232 {axis = 1 : i32, kind = #tpu.reduction_kind<arg_max>} : vector<256x2048xf32> -> vector<256xi32>
    %broadcast_in_dim3A_234 = vector.shape_cast %argmax3A_233 : vector<256xi32> to vector<256x1xi32>
    %eq3A_235 = arith.constant 16 : i32
    %eq3A_236 = vector.broadcast %eq3A_235 : i32 to vector<256x20xi32>
    %eq3A_237 = arith.cmpi eq, %iota3A_27, %eq3A_236 : vector<256x20xi32>
    %broadcast_in_dim3A_238 = vector.shape_cast %broadcast_in_dim3A_234 : vector<256x1xi32> to vector<256x1xi32>
    %broadcast_in_dim3A_239 = vector.broadcast %broadcast_in_dim3A_238 : vector<256x1xi32> to vector<256x20xi32>
    %select_n3A_240 = arith.select %eq3A_237, %broadcast_in_dim3A_239, %select_n3A_227 : vector<256x20xi1>, vector<256x20xi32>
    %eq3A_241 = vector.broadcast %broadcast_in_dim3A_234 : vector<256x1xi32> to vector<256x2048xi32>
    %eq3A_242 = arith.cmpi eq, %iota3A, %eq3A_241 : vector<256x2048xi32>
    %jit3A_243 = arith.constant 0xFF800000 : f32
    %broadcast_in_dim3A_244 = vector.broadcast %jit3A_243 : f32 to vector<256x2048xf32>
    %select_n3A_245 = arith.select %eq3A_242, %broadcast_in_dim3A_244, %select_n3A_232 : vector<256x2048xi1>, vector<256x2048xf32>
    %argmax3A_246 = tpu.reduce_index %select_n3A_245 {axis = 1 : i32, kind = #tpu.reduction_kind<arg_max>} : vector<256x2048xf32> -> vector<256xi32>
    %broadcast_in_dim3A_247 = vector.shape_cast %argmax3A_246 : vector<256xi32> to vector<256x1xi32>
    %eq3A_248 = arith.constant 17 : i32
    %eq3A_249 = vector.broadcast %eq3A_248 : i32 to vector<256x20xi32>
    %eq3A_250 = arith.cmpi eq, %iota3A_27, %eq3A_249 : vector<256x20xi32>
    %broadcast_in_dim3A_251 = vector.shape_cast %broadcast_in_dim3A_247 : vector<256x1xi32> to vector<256x1xi32>
    %broadcast_in_dim3A_252 = vector.broadcast %broadcast_in_dim3A_251 : vector<256x1xi32> to vector<256x20xi32>
    %select_n3A_253 = arith.select %eq3A_250, %broadcast_in_dim3A_252, %select_n3A_240 : vector<256x20xi1>, vector<256x20xi32>
    %eq3A_254 = vector.broadcast %broadcast_in_dim3A_247 : vector<256x1xi32> to vector<256x2048xi32>
    %eq3A_255 = arith.cmpi eq, %iota3A, %eq3A_254 : vector<256x2048xi32>
    %jit3A_256 = arith.constant 0xFF800000 : f32
    %broadcast_in_dim3A_257 = vector.broadcast %jit3A_256 : f32 to vector<256x2048xf32>
    %select_n3A_258 = arith.select %eq3A_255, %broadcast_in_dim3A_257, %select_n3A_245 : vector<256x2048xi1>, vector<256x2048xf32>
    %argmax3A_259 = tpu.reduce_index %select_n3A_258 {axis = 1 : i32, kind = #tpu.reduction_kind<arg_max>} : vector<256x2048xf32> -> vector<256xi32>
    %broadcast_in_dim3A_260 = vector.shape_cast %argmax3A_259 : vector<256xi32> to vector<256x1xi32>
    %eq3A_261 = arith.constant 18 : i32
    %eq3A_262 = vector.broadcast %eq3A_261 : i32 to vector<256x20xi32>
    %eq3A_263 = arith.cmpi eq, %iota3A_27, %eq3A_262 : vector<256x20xi32>
    %broadcast_in_dim3A_264 = vector.shape_cast %broadcast_in_dim3A_260 : vector<256x1xi32> to vector<256x1xi32>
    %broadcast_in_dim3A_265 = vector.broadcast %broadcast_in_dim3A_264 : vector<256x1xi32> to vector<256x20xi32>
    %select_n3A_266 = arith.select %eq3A_263, %broadcast_in_dim3A_265, %select_n3A_253 : vector<256x20xi1>, vector<256x20xi32>
    %eq3A_267 = vector.broadcast %broadcast_in_dim3A_260 : vector<256x1xi32> to vector<256x2048xi32>
    %eq3A_268 = arith.cmpi eq, %iota3A, %eq3A_267 : vector<256x2048xi32>
    %jit3A_269 = arith.constant 0xFF800000 : f32
    %broadcast_in_dim3A_270 = vector.broadcast %jit3A_269 : f32 to vector<256x2048xf32>
    %select_n3A_271 = arith.select %eq3A_268, %broadcast_in_dim3A_270, %select_n3A_258 : vector<256x2048xi1>, vector<256x2048xf32>
    %argmax3A_272 = tpu.reduce_index %select_n3A_271 {axis = 1 : i32, kind = #tpu.reduction_kind<arg_max>} : vector<256x2048xf32> -> vector<256xi32>
    %broadcast_in_dim3A_273 = vector.shape_cast %argmax3A_272 : vector<256xi32> to vector<256x1xi32>
    %eq3A_274 = arith.constant 19 : i32
    %eq3A_275 = vector.broadcast %eq3A_274 : i32 to vector<256x20xi32>
    %eq3A_276 = arith.cmpi eq, %iota3A_27, %eq3A_275 : vector<256x20xi32>
    %broadcast_in_dim3A_277 = vector.shape_cast %broadcast_in_dim3A_273 : vector<256x1xi32> to vector<256x1xi32>
    %broadcast_in_dim3A_278 = vector.broadcast %broadcast_in_dim3A_277 : vector<256x1xi32> to vector<256x20xi32>
    %select_n3A_279 = arith.select %eq3A_276, %broadcast_in_dim3A_278, %select_n3A_266 : vector<256x20xi1>, vector<256x20xi32>
    %add3A = vector.broadcast %mul3A_9 : i32 to vector<256x20xi32>
    %add3A_280 = arith.addi %select_n3A_279, %add3A : vector<256x20xi32>
    %swap3A = arith.constant 0 : index
    %swap3A_281 = arith.constant 0 : index
    %swap3A_282 = arith.constant 0 : index
    %swap3A_283 = vector.load %arg6[%swap3A, %swap3A_281, %swap3A_282] : memref<1x256x20xi32, #tpu.memory_space<vmem>>, vector<1x256x20xi32>
    %swap3A_284 = vector.shape_cast %swap3A_283 : vector<1x256x20xi32> to vector<256x20xi32>
    %swap3A_285 = vector.shape_cast %add3A_280 : vector<256x20xi32> to vector<1x256x20xi32>
    tpu.vector_store %arg6[%swap3A, %swap3A_281, %swap3A_282], %swap3A_285 {strides = array<i32>} : memref<1x256x20xi32, #tpu.memory_space<vmem>>, vector<1x256x20xi32>,
    return
  }
  func.func @transform_0(%arg0: i32, %arg1: i32) -> (i32, i32, i32) {
    %c0_i32 = arith.constant 0 : i32
    %c0_i32_0 = arith.constant 0 : i32
    return %arg0, %arg1, %c0_i32 : i32, i32, i32
  }
  func.func @transform_1(%arg0: i32, %arg1: i32) -> (i32, i32, i32) {
    %c0_i32 = arith.constant 0 : i32
    %c0_i32_0 = arith.constant 0 : i32
    %c0_i32_1 = arith.constant 0 : i32
    return %arg0, %c0_i32, %c0_i32_0 : i32, i32, i32
  }
  func.func @transform_2(%arg0: i32, %arg1: i32) -> (i32, i32, i32) {
    %c0_i32 = arith.constant 0 : i32
    %c0_i32_0 = arith.constant 0 : i32
    return %arg0, %arg1, %c0_i32 : i32, i32, i32
  }
  func.func @transform_3(%arg0: i32, %arg1: i32) -> (i32, i32, i32) {
    %c0_i32 = arith.constant 0 : i32
    %c0_i32_0 = arith.constant 0 : i32
    %c0_i32_1 = arith.constant 0 : i32
    return %arg0, %c0_i32, %c0_i32_0 : i32, i32, i32
  }
  func.func @transform_4(%arg0: i32, %arg1: i32) -> (i32, i32, i32) {
    %c0_i32 = arith.constant 0 : i32
    %c0_i32_0 = arith.constant 0 : i32
    return %arg0, %arg1, %c0_i32 : i32, i32, i32
  }
}

module attributes {stable_mosaic.version = 14 : i64} {
  func.func @_conv_kernel(%arg0: i32, %arg1: i32, %arg2: memref<1x20x512x32xf32, #tpu.memory_space<vmem>>, %arg3: memref<1x512x32xf32, #tpu.memory_space<vmem>>, %arg4: memref<64x64xf32, #tpu.memory_space<vmem>>, %arg5: memref<1x64xf32, #tpu.memory_space<vmem>>, %arg6: memref<1x64xf32, #tpu.memory_space<vmem>>, %arg7: memref<1x512x64xf32, #tpu.memory_space<vmem>>) attributes {dimension_semantics = [#tpu.dimension_semantics<arbitrary>, #tpu.dimension_semantics<arbitrary>], iteration_bounds = array<i64: 8, 4>, scalar_prefetch = 0 : i64, scratch_operands = 0 : i64, tpu.core_type = #tpu.core_type<tc>, window_params = [{transform_indices = @transform_0, window_bounds = array<i64: 1, 20, 512, 32>}, {transform_indices = @transform_1, window_bounds = array<i64: 1, 512, 32>}, {pipeline_mode = #tpu.pipeline_mode<synchronous>, transform_indices = @transform_2, window_bounds = array<i64: 64, 64>}, {pipeline_mode = #tpu.pipeline_mode<synchronous>, transform_indices = @transform_3, window_bounds = array<i64: 1, 64>}, {pipeline_mode = #tpu.pipeline_mode<synchronous>, transform_indices = @transform_4, window_bounds = array<i64: 1, 64>}, {transform_indices = @transform_5, window_bounds = array<i64: 1, 512, 64>}]} {
    %get3A = arith.constant 0 : index
    %get3A_0 = arith.constant 0 : index
    %get3A_1 = arith.constant 0 : index
    %get3A_2 = vector.load %arg3[%get3A, %get3A_0, %get3A_1] : memref<1x512x32xf32, #tpu.memory_space<vmem>>, vector<1x512x32xf32>
    %get3A_3 = vector.shape_cast %get3A_2 : vector<1x512x32xf32> to vector<512x32xf32>
    %get3A_4 = arith.constant 0 : index
    %get3A_5 = arith.constant 0 : index
    %get3A_6 = arith.constant 0 : index
    %get3A_7 = arith.constant 0 : index
    %get3A_8 = vector.load %arg2[%get3A_4, %get3A_5, %get3A_6, %get3A_7] : memref<1x20x512x32xf32, #tpu.memory_space<vmem>>, vector<1x20x512x32xf32>
    %get3A_9 = vector.shape_cast %get3A_8 : vector<1x20x512x32xf32> to vector<20x512x32xf32>
    %reshape3A = vector.shape_cast %get3A_9 : vector<20x512x32xf32> to vector<10240x32xf32>
    %broadcast_in_dim3A = vector.shape_cast %get3A_3 : vector<512x32xf32> to vector<1x512x32xf32>
    %broadcast_in_dim3A_10 = vector.shape_cast %broadcast_in_dim3A : vector<1x512x32xf32> to vector<1x512x32xf32>
    %broadcast_in_dim3A_11 = vector.broadcast %broadcast_in_dim3A_10 : vector<1x512x32xf32> to vector<20x512x32xf32>
    %reshape3A_12 = vector.shape_cast %broadcast_in_dim3A_11 : vector<20x512x32xf32> to vector<10240x32xf32>
    %sub3A = arith.subf %reshape3A, %reshape3A_12 : vector<10240x32xf32>
    %concatenate3A = tpu.concatenate %sub3A, %reshape3A_12 in 1 : vector<10240x32xf32>, vector<10240x32xf32> -> vector<10240x64xf32>
    %get3A_13 = arith.constant 0 : index
    %get3A_14 = arith.constant 0 : index
    %get3A_15 = vector.load %arg4[%get3A_13, %get3A_14] : memref<64x64xf32, #tpu.memory_space<vmem>>, vector<64x64xf32>
    %dot_general3A = arith.constant dense<0.000000e+00> : vector<10240x64xf32>
    %dot_general3A_16 = tpu.matmul %concatenate3A, %get3A_15, %dot_general3A {dimension_numbers = #tpu.dot_dimension_numbers<[1], [0], [0], [1], [0, 0, 1, 1], [], []>, transpose_lhs_hint = false} : vector<10240x64xf32>, vector<64x64xf32>, vector<10240x64xf32> -> vector<10240x64xf32>
    %get3A_17 = arith.constant 0 : index
    %get3A_18 = arith.constant 0 : index
    %get3A_19 = vector.load %arg5[%get3A_17, %get3A_18] : memref<1x64xf32, #tpu.memory_space<vmem>>, vector<1x64xf32>
    %mul3A = vector.broadcast %get3A_19 : vector<1x64xf32> to vector<10240x64xf32>
    %mul3A_20 = arith.mulf %dot_general3A_16, %mul3A : vector<10240x64xf32>
    %get3A_21 = arith.constant 0 : index
    %get3A_22 = arith.constant 0 : index
    %get3A_23 = vector.load %arg6[%get3A_21, %get3A_22] : memref<1x64xf32, #tpu.memory_space<vmem>>, vector<1x64xf32>
    %add3A = vector.broadcast %get3A_23 : vector<1x64xf32> to vector<10240x64xf32>
    %add3A_24 = arith.addf %mul3A_20, %add3A : vector<10240x64xf32>
    %gt3A = arith.constant 0.000000e+00 : f32
    %gt3A_25 = vector.broadcast %gt3A : f32 to vector<10240x64xf32>
    %gt3A_26 = arith.cmpf ogt, %add3A_24, %gt3A_25 : vector<10240x64xf32>
    %mul3A_27 = arith.constant 2.000000e-01 : f32
    %mul3A_28 = vector.broadcast %mul3A_27 : f32 to vector<10240x64xf32>
    %mul3A_29 = arith.mulf %mul3A_28, %add3A_24 : vector<10240x64xf32>
    %select_n3A = arith.select %gt3A_26, %add3A_24, %mul3A_29 : vector<10240x64xi1>, vector<10240x64xf32>
    %reshape3A_30 = vector.shape_cast %select_n3A : vector<10240x64xf32> to vector<20x512x64xf32>
    %reduce_max3A = arith.constant dense<0xFF800000> : vector<512x64xf32>
    %reduce_max3A_31 = vector.multi_reduction <maximumf>, %reshape3A_30, %reduce_max3A [0] : vector<20x512x64xf32> to vector<512x64xf32>
    %swap3A = arith.constant 0 : index
    %swap3A_32 = arith.constant 0 : index
    %swap3A_33 = arith.constant 0 : index
    %swap3A_34 = vector.load %arg7[%swap3A, %swap3A_32, %swap3A_33] : memref<1x512x64xf32, #tpu.memory_space<vmem>>, vector<1x512x64xf32>
    %swap3A_35 = vector.shape_cast %swap3A_34 : vector<1x512x64xf32> to vector<512x64xf32>
    %swap3A_36 = vector.shape_cast %reduce_max3A_31 : vector<512x64xf32> to vector<1x512x64xf32>
    tpu.vector_store %arg7[%swap3A, %swap3A_32, %swap3A_33], %swap3A_36 {strides = array<i32>} : memref<1x512x64xf32, #tpu.memory_space<vmem>>, vector<1x512x64xf32>,
    return
  }
  func.func @transform_0(%arg0: i32, %arg1: i32) -> (i32, i32, i32, i32) {
    %c0_i32 = arith.constant 0 : i32
    %c0_i32_0 = arith.constant 0 : i32
    %c0_i32_1 = arith.constant 0 : i32
    return %arg0, %c0_i32, %arg1, %c0_i32_0 : i32, i32, i32, i32
  }
  func.func @transform_1(%arg0: i32, %arg1: i32) -> (i32, i32, i32) {
    %c0_i32 = arith.constant 0 : i32
    %c0_i32_0 = arith.constant 0 : i32
    return %arg0, %arg1, %c0_i32 : i32, i32, i32
  }
  func.func @transform_2(%arg0: i32, %arg1: i32) -> (i32, i32) {
    %c0_i32 = arith.constant 0 : i32
    %c0_i32_0 = arith.constant 0 : i32
    %c0_i32_1 = arith.constant 0 : i32
    return %c0_i32, %c0_i32_0 : i32, i32
  }
  func.func @transform_3(%arg0: i32, %arg1: i32) -> (i32, i32) {
    %c0_i32 = arith.constant 0 : i32
    %c0_i32_0 = arith.constant 0 : i32
    %c0_i32_1 = arith.constant 0 : i32
    return %c0_i32, %c0_i32_0 : i32, i32
  }
  func.func @transform_4(%arg0: i32, %arg1: i32) -> (i32, i32) {
    %c0_i32 = arith.constant 0 : i32
    %c0_i32_0 = arith.constant 0 : i32
    %c0_i32_1 = arith.constant 0 : i32
    return %c0_i32, %c0_i32_0 : i32, i32
  }
  func.func @transform_5(%arg0: i32, %arg1: i32) -> (i32, i32, i32) {
    %c0_i32 = arith.constant 0 : i32
    %c0_i32_0 = arith.constant 0 : i32
    return %arg0, %arg1, %c0_i32 : i32, i32, i32
  }
}

module attributes {stable_mosaic.version = 14 : i64} {
  func.func @_final_kernel(%arg0: i32, %arg1: memref<1x2048x16xf32, #tpu.memory_space<vmem>>, %arg2: memref<1x2048x16xf32, #tpu.memory_space<vmem>>, %arg3: memref<1x2048x32xf32, #tpu.memory_space<vmem>>, %arg4: memref<1x2048x64xf32, #tpu.memory_space<vmem>>, %arg5: memref<128x64xf32, #tpu.memory_space<vmem>>, %arg6: memref<1x64xf32, #tpu.memory_space<vmem>>, %arg7: memref<1x64xf32, #tpu.memory_space<vmem>>, %arg8: memref<1x1x128xf32, #tpu.memory_space<vmem>>) attributes {dimension_semantics = [#tpu.dimension_semantics<arbitrary>], iteration_bounds = array<i64: 8>, scalar_prefetch = 0 : i64, scratch_operands = 0 : i64, tpu.core_type = #tpu.core_type<tc>, window_params = [{transform_indices = @transform_0, window_bounds = array<i64: 1, 2048, 16>}, {transform_indices = @transform_1, window_bounds = array<i64: 1, 2048, 16>}, {transform_indices = @transform_2, window_bounds = array<i64: 1, 2048, 32>}, {transform_indices = @transform_3, window_bounds = array<i64: 1, 2048, 64>}, {pipeline_mode = #tpu.pipeline_mode<synchronous>, transform_indices = @transform_4, window_bounds = array<i64: 128, 64>}, {pipeline_mode = #tpu.pipeline_mode<synchronous>, transform_indices = @transform_5, window_bounds = array<i64: 1, 64>}, {pipeline_mode = #tpu.pipeline_mode<synchronous>, transform_indices = @transform_6, window_bounds = array<i64: 1, 64>}, {transform_indices = @transform_7, window_bounds = array<i64: 1, 1, 128>}]} {
    %get3A = arith.constant 0 : index
    %get3A_0 = arith.constant 0 : index
    %get3A_1 = arith.constant 0 : index
    %get3A_2 = vector.load %arg1[%get3A, %get3A_0, %get3A_1] : memref<1x2048x16xf32, #tpu.memory_space<vmem>>, vector<1x2048x16xf32>
    %get3A_3 = vector.shape_cast %get3A_2 : vector<1x2048x16xf32> to vector<2048x16xf32>
    %get3A_4 = arith.constant 0 : index
    %get3A_5 = arith.constant 0 : index
    %get3A_6 = arith.constant 0 : index
    %get3A_7 = vector.load %arg2[%get3A_4, %get3A_5, %get3A_6] : memref<1x2048x16xf32, #tpu.memory_space<vmem>>, vector<1x2048x16xf32>
    %get3A_8 = vector.shape_cast %get3A_7 : vector<1x2048x16xf32> to vector<2048x16xf32>
    %get3A_9 = arith.constant 0 : index
    %get3A_10 = arith.constant 0 : index
    %get3A_11 = arith.constant 0 : index
    %get3A_12 = vector.load %arg3[%get3A_9, %get3A_10, %get3A_11] : memref<1x2048x32xf32, #tpu.memory_space<vmem>>, vector<1x2048x32xf32>
    %get3A_13 = vector.shape_cast %get3A_12 : vector<1x2048x32xf32> to vector<2048x32xf32>
    %get3A_14 = arith.constant 0 : index
    %get3A_15 = arith.constant 0 : index
    %get3A_16 = arith.constant 0 : index
    %get3A_17 = vector.load %arg4[%get3A_14, %get3A_15, %get3A_16] : memref<1x2048x64xf32, #tpu.memory_space<vmem>>, vector<1x2048x64xf32>
    %get3A_18 = vector.shape_cast %get3A_17 : vector<1x2048x64xf32> to vector<2048x64xf32>
    %concatenate3A = tpu.concatenate %get3A_3, %get3A_8, %get3A_13, %get3A_18 in 1 : vector<2048x16xf32>, vector<2048x16xf32>, vector<2048x32xf32>, vector<2048x64xf32> -> vector<2048x128xf32>
    %get3A_19 = arith.constant 0 : index
    %get3A_20 = arith.constant 0 : index
    %get3A_21 = vector.load %arg5[%get3A_19, %get3A_20] : memref<128x64xf32, #tpu.memory_space<vmem>>, vector<128x64xf32>
    %dot_general3A = arith.constant dense<0.000000e+00> : vector<2048x64xf32>
    %dot_general3A_22 = tpu.matmul %concatenate3A, %get3A_21, %dot_general3A {dimension_numbers = #tpu.dot_dimension_numbers<[1], [0], [0], [1], [0, 0, 1, 1], [], []>, transpose_lhs_hint = false} : vector<2048x128xf32>, vector<128x64xf32>, vector<2048x64xf32> -> vector<2048x64xf32>
    %get3A_23 = arith.constant 0 : index
    %get3A_24 = arith.constant 0 : index
    %get3A_25 = vector.load %arg6[%get3A_23, %get3A_24] : memref<1x64xf32, #tpu.memory_space<vmem>>, vector<1x64xf32>
    %mul3A = vector.broadcast %get3A_25 : vector<1x64xf32> to vector<2048x64xf32>
    %mul3A_26 = arith.mulf %dot_general3A_22, %mul3A : vector<2048x64xf32>
    %get3A_27 = arith.constant 0 : index
    %get3A_28 = arith.constant 0 : index
    %get3A_29 = vector.load %arg7[%get3A_27, %get3A_28] : memref<1x64xf32, #tpu.memory_space<vmem>>, vector<1x64xf32>
    %add3A = vector.broadcast %get3A_29 : vector<1x64xf32> to vector<2048x64xf32>
    %add3A_30 = arith.addf %mul3A_26, %add3A : vector<2048x64xf32>
    %gt3A = arith.constant 0.000000e+00 : f32
    %gt3A_31 = vector.broadcast %gt3A : f32 to vector<2048x64xf32>
    %gt3A_32 = arith.cmpf ogt, %add3A_30, %gt3A_31 : vector<2048x64xf32>
    %mul3A_33 = arith.constant 2.000000e-01 : f32
    %mul3A_34 = vector.broadcast %mul3A_33 : f32 to vector<2048x64xf32>
    %mul3A_35 = arith.mulf %mul3A_34, %add3A_30 : vector<2048x64xf32>
    %select_n3A = arith.select %gt3A_32, %add3A_30, %mul3A_35 : vector<2048x64xi1>, vector<2048x64xf32>
    %reduce_max3A = arith.constant dense<0xFF800000> : vector<64xf32>
    %reduce_max3A_36 = vector.multi_reduction <maximumf>, %select_n3A, %reduce_max3A [0] : vector<2048x64xf32> to vector<64xf32>
    %broadcast_in_dim3A = vector.shape_cast %reduce_max3A_36 : vector<64xf32> to vector<1x64xf32>
    %reduce_sum3A = arith.constant dense<0.000000e+00> : vector<64xf32>
    %reduce_sum3A_37 = vector.multi_reduction <add>, %select_n3A, %reduce_sum3A [0] : vector<2048x64xf32> to vector<64xf32>
    %broadcast_in_dim3A_38 = vector.shape_cast %reduce_sum3A_37 : vector<64xf32> to vector<1x64xf32>
    %mul3A_39 = arith.constant 4.8828125E-4 : f32
    %mul3A_40 = vector.broadcast %mul3A_39 : f32 to vector<1x64xf32>
    %mul3A_41 = arith.mulf %broadcast_in_dim3A_38, %mul3A_40 : vector<1x64xf32>
    %concatenate3A_42 = tpu.concatenate %broadcast_in_dim3A, %mul3A_41 in 1 : vector<1x64xf32>, vector<1x64xf32> -> vector<1x128xf32>
    %swap3A = arith.constant 0 : index
    %swap3A_43 = arith.constant 0 : index
    %swap3A_44 = arith.constant 0 : index
    %swap3A_45 = vector.load %arg8[%swap3A, %swap3A_43, %swap3A_44] : memref<1x1x128xf32, #tpu.memory_space<vmem>>, vector<1x1x128xf32>
    %swap3A_46 = vector.shape_cast %swap3A_45 : vector<1x1x128xf32> to vector<1x128xf32>
    %swap3A_47 = vector.shape_cast %concatenate3A_42 : vector<1x128xf32> to vector<1x1x128xf32>
    tpu.vector_store %arg8[%swap3A, %swap3A_43, %swap3A_44], %swap3A_47 {strides = array<i32>} : memref<1x1x128xf32, #tpu.memory_space<vmem>>, vector<1x1x128xf32>,
    return
  }
  func.func @transform_0(%arg0: i32) -> (i32, i32, i32) {
    %c0_i32 = arith.constant 0 : i32
    %c0_i32_0 = arith.constant 0 : i32
    %c0_i32_1 = arith.constant 0 : i32
    return %arg0, %c0_i32, %c0_i32_0 : i32, i32, i32
  }
  func.func @transform_1(%arg0: i32) -> (i32, i32, i32) {
    %c0_i32 = arith.constant 0 : i32
    %c0_i32_0 = arith.constant 0 : i32
    %c0_i32_1 = arith.constant 0 : i32
    return %arg0, %c0_i32, %c0_i32_0 : i32, i32, i32
  }
  func.func @transform_2(%arg0: i32) -> (i32, i32, i32) {
    %c0_i32 = arith.constant 0 : i32
    %c0_i32_0 = arith.constant 0 : i32
    %c0_i32_1 = arith.constant 0 : i32
    return %arg0, %c0_i32, %c0_i32_0 : i32, i32, i32
  }
  func.func @transform_3(%arg0: i32) -> (i32, i32, i32) {
    %c0_i32 = arith.constant 0 : i32
    %c0_i32_0 = arith.constant 0 : i32
    %c0_i32_1 = arith.constant 0 : i32
    return %arg0, %c0_i32, %c0_i32_0 : i32, i32, i32
  }
  func.func @transform_4(%arg0: i32) -> (i32, i32) {
    %c0_i32 = arith.constant 0 : i32
    %c0_i32_0 = arith.constant 0 : i32
    %c0_i32_1 = arith.constant 0 : i32
    return %c0_i32, %c0_i32_0 : i32, i32
  }
  func.func @transform_5(%arg0: i32) -> (i32, i32) {
    %c0_i32 = arith.constant 0 : i32
    %c0_i32_0 = arith.constant 0 : i32
    %c0_i32_1 = arith.constant 0 : i32
    return %c0_i32, %c0_i32_0 : i32, i32
  }
  func.func @transform_6(%arg0: i32) -> (i32, i32) {
    %c0_i32 = arith.constant 0 : i32
    %c0_i32_0 = arith.constant 0 : i32
    %c0_i32_1 = arith.constant 0 : i32
    return %c0_i32, %c0_i32_0 : i32, i32
  }
  func.func @transform_7(%arg0: i32) -> (i32, i32, i32) {
    %c0_i32 = arith.constant 0 : i32
    %c0_i32_0 = arith.constant 0 : i32
    %c0_i32_1 = arith.constant 0 : i32
    return %arg0, %c0_i32, %c0_i32_0 : i32, i32, i32
  }
}

</mosaic_0001>

<sc_bundles>
// kernel: kernel.15.cloned.1.call-start
scs
__scs_entry_jumppad:
0x0: {  	(pc) =	sbr.rel $0x88, $3  }
0x1: {  	(tag) =	ssettag $0x0;
	lr =	simm.s32 $0x1  }
0x2: {  	[smem:$0x3F91] =	sst lr;
	_ =	strace $0xD0000000  }
0x3: {  	_ = 	snop  }
0x4: {  	_ = 	snop  }
0x5: {  	_ = 	snop  }
0x6: {  	_ = 	snop  }
0x7: {  	_ = 	snop  }
__scs_overlays_trampoline_lowered:
0x8: {  	[smem:$0x3FA0] =	sst s0  }
0x9: {  	[smem:$0x3FA1] =	sst s1  }
0xa: {  	[smem:$0x3FA2] =	sst s2  }
0xb: {  	[smem:$0x3FA3] =	sst s3  }
0xc: {  	[smem:$0x3FA4] =	sst s4  }
0xd: {  	[smem:$0x3FA5] =	sst s5  }
0xe: {  	[smem:$0x3FA6] =	sst s6  }
0xf: {  	[smem:$0x3FA7] =	sst s7  }
0x10: {  	[smem:$0x3FA8] =	sst s8  }
0x11: {  	[smem:$0x3FA9] =	sst s9;
	s0 =	simm.s32 @!p0 $0x0  }
0x12: {  	s1 =	sld [smem:$0x3F8F];
	s0 =	simm.s32 @p0 $0x1  }
0x13: {  	[smem:$0x3FAA] =	sst s0;
	s0 =	simm.s32 @!p1 $0x0  }
0x14: {  	s2 =	sld [smem:$0x3F8E];
	s0 =	simm.s32 @p1 $0x1  }
0x15: {  	[smem:$0x3FAB] =	sst s0;
	s0 =	simm.s32 @!p2 $0x0  }
0x16: {  	s3 =	sld [smem:$0x3FDB];
	s0 =	simm.s32 @p2 $0x1  }
0x17: {  	s4 =	simm.s32 $0x1BF5;
	[smem:$0x3FAD] =	sst s0  }
0x18: {  	s0 =	sld [smem:$0x3F90];
	_ =	swait.ge [sflag:s4], $0x0  }
0x19: {  	s7 =	sld [smem:$0x3F91]  }
0x1a: {  	s8 =	sadd.s32 $0xFFFFE003, lr  }
0x1b: {  	s9 =	sadd.s32 $0xFFFFFEF7, lr;
	s5 =	simm.s32 $0xFFFFFFFF;
	p2 =	slt.u32 s8, $0xFFFFF086  }
0x1c: {  	p1 =	slt.u32 s9, $0xF7A;
	s5 =	simm.s32 @!p2 $0x0  }
0x1d: {  	s5 =	simm.s32 @p1 $0x1;
	p0 =	seq.s32 s7, s2  }
0x1e: {  	s7 =	smul.u32 @!p0 $0xF7A, s2;
	p2 =	seq.s32 @!p0 s5, $0x0  }
0x1f: {  	s9 =	smul.u32 $0xF7A, s1;
	s8 =	simm.s32 @!p0 $0x1BF5;
	p2 =	por !p2, p0  }
0x20: {  	[sflag:s8] =	ssyncset.s32 @!p0 $0xFFFFF086;
	s6 =	sadd.s32 @!p0 s3, s7;
	s7 =	simm.s32 @!p0 $0x108  }
0x21: {  	s3 =	sadd.s32 s3, s9;
	s6 =	sadd.s32 @!p0 $0x88, s6;
	s7 =	simm.s32 @p2 $0x1082  }
0x22: {  	[simem:s7], [sflag:s8] =	dma.local @!p0 [hbm:s6], $0xF7A  }
0x23: {  	s9 =	sor.u32 $0xD0000000, s2;
	s6 =	simm.s32 $0x108;
	_ =	swait.ge @!p0 [sflag:s8], $0x0  }
0x24: {  	s3 =	sadd.s32 $0x88, s3;
	s6 =	simm.s32 @!p1 $0x1082;
	[sflag:s4] =	ssyncset.s32 $0xFFFFF086  }
0x25: {  	[simem:s6], [sflag:s4] =	dma.local [hbm:s3], $0xF7A  }
0x26: {  	[smem:$0x3F91] =	sst s1;
	(tag) =	ssettag s2;
	_ =	strace s9  }
0x27: {  	s1 =	sld [smem:$0x3FA1]  }
0x28: {  	s2 =	sld [smem:$0x3FA2]  }
0x29: {  	s4 =	sld [smem:$0x3FA4]  }
0x2a: {  	p0 =	seq.s32 s5, $0x0;
	s5 =	sld [smem:$0x3FA5]  }
0x2b: {  	s6 =	sld [smem:$0x3FA6]  }
0x2c: {  	s7 =	sld [smem:$0x3FA7]  }
0x2d: {  	s3 =	simm.s32 $0x108;
	s8 =	sld [smem:$0x3FA8]  }
0x2e: {  	s3 =	simm.s32 @!p0 $0x1082;
	s9 =	sld [smem:$0x3FA9]  }
0x2f: {  	lr =	sadd.s32 s0, s3;
	s0 =	sld [smem:$0x3FA0]  }
0x30: {  	s3 =	sld [smem:$0x3FA3]  }
0x31: {  	[smem:$0x3FAC] =	sst s10  }
0x32: {  	s10 =	sld [smem:$0x3FAA];
	_ =	sdelay $0x3  }
0x33: {  	p0 =	seq.s32 s10, $0x1;
	s10 =	sld [smem:$0x3FAC];
	_ =	sdelay $0x3  }
0x34: {  	[smem:$0x3FAC] =	sst s10  }
0x35: {  	s10 =	sld [smem:$0x3FAB];
	_ =	sdelay $0x3  }
0x36: {  	p1 =	seq.s32 s10, $0x1;
	s10 =	sld [smem:$0x3FAC];
	_ =	sdelay $0x3  }
0x37: {  	[smem:$0x3FAC] =	sst s10  }
0x38: {  	s10 =	sld [smem:$0x3FAD]  }
0x39: {  	_ = 	snop;
	(pc) =	sbr.ind lr, $3  }
0x3a: {  	_ = 	snop  }
0x3b: {  	_ = 	snop  }
0x3c: {  	p2 =	seq.s32 s10, $0x1;
	s10 =	sld [smem:$0x3FAC]  }
0x3d: {  	_ =	shalt  }
0x3e: {  	_ =	shalt  }
0x3f: {  	_ =	shalt  }
0x40: {  	_ =	shalt  }
0x41: {  	_ =	shalt  }
0x42: {  	_ =	shalt  }
0x43: {  	_ =	shalt  }
0x44: {  	_ =	shalt  }
0x45: {  	_ =	shalt  }
0x46: {  	_ =	shalt  }
0x47: {  	_ =	shalt  }
0x48: {  	_ =	shalt  }
0x49: {  	_ =	shalt  }
0x4a: {  	_ =	shalt  }
0x4b: {  	_ =	shalt  }
0x4c: {  	_ =	shalt  }
0x4d: {  	_ =	shalt  }
0x4e: {  	_ =	shalt  }
0x4f: {  	_ =	shalt  }
0x50: {  	_ =	shalt  }
0x51: {  	_ =	shalt  }
0x52: {  	_ =	shalt  }
0x53: {  	_ =	shalt  }
0x54: {  	_ =	shalt  }
0x55: {  	_ =	shalt  }
0x56: {  	_ =	shalt  }
0x57: {  	_ =	shalt  }
0x58: {  	_ =	shalt  }
0x59: {  	_ =	shalt  }
0x5a: {  	_ =	shalt  }
0x5b: {  	_ =	shalt  }
0x5c: {  	_ =	shalt  }
0x5d: {  	_ =	shalt  }
0x5e: {  	_ =	shalt  }
0x5f: {  	_ =	shalt  }
0x60: {  	_ =	shalt  }
0x61: {  	_ =	shalt  }
0x62: {  	_ =	shalt  }
0x63: {  	_ =	shalt  }
0x64: {  	_ =	shalt  }
0x65: {  	_ =	shalt  }
0x66: {  	_ =	shalt  }
0x67: {  	_ =	shalt  }
0x68: {  	_ =	shalt  }
0x69: {  	_ =	shalt  }
0x6a: {  	_ =	shalt  }
0x6b: {  	_ =	shalt  }
0x6c: {  	_ =	shalt  }
0x6d: {  	_ =	shalt  }
0x6e: {  	_ =	shalt  }
0x6f: {  	_ =	shalt  }
0x70: {  	_ =	shalt  }
0x71: {  	_ =	shalt  }
0x72: {  	_ =	shalt  }
0x73: {  	_ =	shalt  }
0x74: {  	_ =	shalt  }
0x75: {  	_ =	shalt  }
0x76: {  	_ =	shalt  }
0x77: {  	_ =	shalt  }
0x78: {  	_ =	shalt  }
0x79: {  	_ =	shalt  }
0x7a: {  	_ =	shalt  }
0x7b: {  	_ =	shalt  }
0x7c: {  	_ =	shalt  }
0x7d: {  	_ =	shalt  }
0x7e: {  	_ =	shalt  }
0x7f: {  	_ =	shalt  }
0x80: {  	_ =	shalt  }
0x81: {  	_ =	shalt  }
0x82: {  	_ =	shalt  }
0x83: {  	_ =	shalt  }
0x84: {  	_ =	shalt  }
0x85: {  	_ =	shalt  }
0x86: {  	_ =	shalt  }
0x87: {  	_ =	shalt  }
.Lfunc_end0:
.L_simem_size_0:
called_computation_lowered:
.L_overlay_start_0:
0x88: {  	s2 =	sld [smem:$0x3FD9]  }
0x89: {  	s3 =	sld [smem:$0x3FFE];
	_ =	sdelay $0x1  }
0x8a: {  	s1 =	srdreg.scid  }
0x8b: {  	s0 =	sand.u32 $0x1, s1  }
0x8c: {  	s16 =	sshll.u32 s0, $0xA;
	s2 =	sadd.s32 s3, s2  }
0x8d: {  	s2 =	sadd.s32 s2, s16  }
0x8e: {  	[smem:$0x3FB8] =	sst s2  }
0x8f: {  	_ = 	snop  }
0x90: {  	(tm) =	ssettm $0x1  }
0x91: {  	s17 =	sld [smem:$0x3FFB];
	_ =	sdelay $0x3  }
0x92: {  	_ =	strace s17  }
0x93: {  	s2 =	sld [smem:$0x3FFC];
	_ =	sdelay $0x3  }
0x94: {  	_ =	strace s2  }
0x95: {  	s2 =	sld [smem:$0x3FFD];
	_ =	sdelay $0x3  }
0x96: {  	_ =	strace s2  }
0x97: {  	_ =	strace $0x8FFFFFFF  }
0x98: {  	s18 =	sld [smem:$0x3FDB];
	_ =	sdelay $0x1  }
0x99: {  	s19 =	simm.s32 $_scs_section_size  }
0x9a: {  	s4 =	simm.s32 $_size__tile_overlayer_lowered;
	s5 =	simm.s32 $_tile_overlayer_lowered  }
0x9b: {  	s22 =	simm.s32 $0x1BFF;
	s21 =	sshll.u32 s5, $0x1;
	s2 =	sadd.s32 s19, s18  }
0x9c: {  	s6 =	simm.s32 $0x0;
	s20 =	sshll.u32 s4, $0x1;
	s4 =	sadd.s32 s21, s2  }
0x9d: {  	[timem:s6], [sflag:s22] =	dma.local [hbm:s4], s20  }
0x9e: {  	_ =	swait.ge [sflag:s22], s20  }
0x9f: {  	s3 =	ssub.s32 $0x0, s20;
	[sflag:s22] =	ssyncset.done $0x0  }
0xa0: {  	[sflag:s22] =	ssyncadd.s32 s3;
	_ =	sdelay $0x1  }
0xa1: {  	s23 =	simm.s32 $0x1B8B  }
0xa2: {  	_ =	swait.ge [sflag:s23], $0x1  }
0xa3: {  	[sflag:s23] =	ssyncset.done $0x0  }
0xa4: {  	s25 =	simm.s32 $0x1B8E;
	s24 =	sld [smem:$0x3FFE];
	[sflag:s23] =	ssyncadd.s32 $0xFFFFFFFF  }
0xa5: {  	s26 =	simm.s32 $execute0_lowered;
	[smem:$0x3FD2] =	sst s25  }
0xa6: {  	s4 =	sshll.u32 s26, $0x1;
	_ =	strace $0x80000046;
	[dreg:$0x1] =	wrdreg $0xFFFFFFFF  }
0xa7: {  	s28 =	simm.s32 $_size_execute0_lowered;
	s2 =	sadd.s32 s2, s4;
	[dreg:$0x0] =	wrdreg $0x0  }
0xa8: {  	s4 =	sshll.u32 s28, $0x1;
	[dreg:$0x2] =	wrdreg s2  }
0xa9: {  	[dreg:$0x3] =	wrdreg s4  }
0xaa: {  	[dreg:$0x4] =	wrdreg $0xC0  }
0xab: {  	_ =	task [dreg:s6], $0x5FFFF  }
0xac: {  	[dreg:$0x1] =	wrdreg $0xFFFFFFFF  }
0xad: {  	[dreg:$0x0] =	wrdreg $0x60  }
0xae: {  	[dreg:$0x2] =	wrdreg s24  }
0xaf: {  	[dreg:$0x3] =	wrdreg $0x9  }
0xb0: {  	_ =	task.clear_ibuf [dreg:s6], $0x4FFFF;
	_ =	strace $0x90000046  }
0xb1: {  	s29 =	simm.s32 $0x9;
	_ =	strace $0x80000048  }
0xb2: {  	_ =	swait.ge [sflag:s29], $0x1  }
0xb3: {  	[sflag:s29] =	ssyncadd.s32 $0xFFFFFFFF  }
0xb4: {  	_ =	strace $0x90000048  }
0xb5: {  	_ =	sfence  }
0xb6: {  	s30 =	sld [smem:$0x0];
	_ =	sdelay $0x2  }
0xb7: {  	s31 =	sshll.u32 s1, $0xD;
	s1 =	sshrl.u32 s1, $0x2  }
0xb8: {  	s3 =	sand.u32 $0x4000, s31;
	s1 =	sadd.s32 s1, s30  }
0xb9: {  	s0 =	sor.u32 s3, s0;
	s1 =	sshll.u32 s1, $0x11  }
0xba: {  	s0 =	sor.u32 s1, s0  }
0xbb: {  	s0 =	sadd.s32 $0x8F2B, s0  }
0xbc: {  	[sflag:s0] =	ssyncadd.remote.s32 $0x1  }
0xbd: {  	_ =	sfence.sel $0xFFFF  }
0xbe: {  	[dreg:$0x0] =	wrdreg $0xFFFFFFFF;
	(pc) =	sbr.abs _section_cstart, $3  }
0xbf: {  	[dreg:$0x1] =	wrdreg $0xFFFFFFFF  }
0xc0: {  	_ =	task.clear_ibuf [dreg:s6], $0x2FFFF;
	_ =	strace $0x9FFFFFFF  }
0xc1: {  	(tm) =	ssettm $0x7FFFFFFF  }
tec
execute0_lowered:
.L_overlay_start_1:
0x0: {  	(tag) =	ssettag $0x1  }
0x1: {  	s4 =	rddreg [dreg:$0x0]  }
0x2: {  	s0 =	rddreg [dreg:$0x1];
	s3 =	srdreg.scid  }
0x3: {  	s1 =	stileid.u32;
	s2 =	simm.s32 $0x0;
	s10 =	simm.s32 $0xC00  }
0x4: {  	s11 =	simm.s32 $0x100;
	s12 =	simm.s32 $0x1400;
	s13 =	simm.s32 $0x180  }
0x5: {  	s14 =	simm.s32 $0x1C00;
	s15 =	simm.s32 $0x200;
	s16 =	simm.s32 $0x2400  }
0x6: {  	s17 =	simm.s32 $0x280;
	s18 =	simm.s32 $0x2C00;
	s19 =	simm.s32 $0x300  }
0x7: {  	s20 =	simm.s32 $0x3400;
	s21 =	simm.s32 $0x380;
	s22 =	simm.s32 $0x3C00  }
0x8: {  	s23 =	simm.s32 $0x1;
	s24 =	simm.s32 $0x0;
	s6 =	smul.u32 $0x5000, s1  }
0x9: {  	s5 =	sand.u32 $0x1, s3;
	[smem:$0x7FF] =	sst s2;
	s8 =	smul.u32 $0xA000, s1  }
0xa: {  	s3 =	sadd.s32 $0x4D600, s4;
	s7 =	smul.u32 $0x2800, s5;
	s30 =	ssub.s32 $0x2, s5  }
0xb: {  	_ =	strace $0x80000047;
	s5 =	smul.u32 $0x5000, s5;
	s9 =	sshrl.u32 s30, $0x1  }
0xc: {  	s8 =	sadd.s32 s8, s4;
	s6 =	sadd.s32 s7, s6;
	s31 =	ssub.s32 s30, s9  }
0xd: {  	s5 =	sadd.s32 s5, s8;
	s7 =	simm.s32 $0x2;
	s6 =	sshrl.u32 s6, $0x3  }
0xe: {  	s8 =	simm.s32 $0x80;
	s9 =	simm.s32 $0x400;
	s6 =	sadd.s32 s6, s4  }
0xf: {  	s5 =	sadd.s32 $0x55600, s5;
	s4 =	smax.u32 s31, $0x1;
	s6 =	sadd.s32 $0x43600, s6  }
.LBB2_1:
0x10: {  	s25 =	sadd.s32 $0x0, s6  }
0x11: {  	[tilespmem:s2], [sflag:$0x2] =	stream.linear.gather [hbm4b:s25+s2], $0x400, $0x38;
	[tilespmem:$0x4400] =	vst v63  }
0x12: {  	_ =	swait.ge [sflag:s7], $0x400  }
0x13: {  	[sflag:s7] =	ssyncset.done $0x0  }
0x14: {  	[sflag:s7] =	ssyncadd.s32 $0xFFFFFC00  }
0x15: {  	[tilespmem:s9], [sflag:$0x1] =	stream.indirect.gather [hbm4b:s3+s8], $0x10, s2, s8, $0xb8;
	[tilespmem:$0x4400] =	vst v63  }
0x16: {  	_ = 	snop  }
0x17: {  	[tilespmem:s10], [sflag:$0x1] =	stream.indirect.gather [hbm4b:s3+s8], $0x10, s8, s8, $0xb8;
	[tilespmem:$0x4400] =	vst v63  }
0x18: {  	_ = 	snop  }
0x19: {  	[tilespmem:s12], [sflag:$0x1] =	stream.indirect.gather [hbm4b:s3+s8], $0x10, s11, s8, $0xb8;
	[tilespmem:$0x4400] =	vst v63  }
0x1a: {  	_ = 	snop  }
0x1b: {  	[tilespmem:s14], [sflag:$0x1] =	stream.indirect.gather [hbm4b:s3+s8], $0x10, s13, s8, $0xb8;
	[tilespmem:$0x4400] =	vst v63  }
0x1c: {  	_ = 	snop  }
0x1d: {  	[tilespmem:s16], [sflag:$0x1] =	stream.indirect.gather [hbm4b:s3+s8], $0x10, s15, s8, $0xb8;
	[tilespmem:$0x4400] =	vst v63  }
0x1e: {  	_ = 	snop  }
0x1f: {  	[tilespmem:s18], [sflag:$0x1] =	stream.indirect.gather [hbm4b:s3+s8], $0x10, s17, s8, $0xb8;
	[tilespmem:$0x4400] =	vst v63  }
0x20: {  	_ = 	snop  }
0x21: {  	[tilespmem:s20], [sflag:$0x1] =	stream.indirect.gather [hbm4b:s3+s8], $0x10, s19, s8, $0xb8;
	[tilespmem:$0x4400] =	vst v63  }
0x22: {  	_ = 	snop  }
0x23: {  	[tilespmem:s22], [sflag:$0x1] =	stream.indirect.gather [hbm4b:s3+s8], $0x10, s21, s8, $0xb8;
	[tilespmem:$0x4400] =	vst v63  }
0x24: {  	_ =	swait.ge [sflag:s23], $0x800  }
0x25: {  	[sflag:s23] =	ssyncset.done $0x0  }
0x26: {  	[sflag:s23] =	ssyncadd.s32 $0xFFFFF800  }
0x27: {  	_ =	swait.ge [sflag:s23], $0x800  }
0x28: {  	[sflag:s23] =	ssyncset.done $0x0  }
0x29: {  	[sflag:s23] =	ssyncadd.s32 $0xFFFFF800  }
0x2a: {  	_ =	swait.ge [sflag:s23], $0x800  }
0x2b: {  	[sflag:s23] =	ssyncset.done $0x0  }
0x2c: {  	[sflag:s23] =	ssyncadd.s32 $0xFFFFF800  }
0x2d: {  	_ =	swait.ge [sflag:s23], $0x800  }
0x2e: {  	[sflag:s23] =	ssyncset.done $0x0  }
0x2f: {  	[sflag:s23] =	ssyncadd.s32 $0xFFFFF800  }
0x30: {  	_ =	swait.ge [sflag:s23], $0x800  }
0x31: {  	[sflag:s23] =	ssyncset.done $0x0  }
0x32: {  	[sflag:s23] =	ssyncadd.s32 $0xFFFFF800  }
0x33: {  	_ =	swait.ge [sflag:s23], $0x800  }
0x34: {  	[sflag:s23] =	ssyncset.done $0x0  }
0x35: {  	[sflag:s23] =	ssyncadd.s32 $0xFFFFF800  }
0x36: {  	_ =	swait.ge [sflag:s23], $0x800  }
0x37: {  	[sflag:s23] =	ssyncset.done $0x0  }
0x38: {  	[sflag:s23] =	ssyncadd.s32 $0xFFFFF800  }
0x39: {  	_ =	swait.ge [sflag:s23], $0x800  }
0x3a: {  	[sflag:s23] =	ssyncset.done $0x0  }
0x3b: {  	[sflag:s23] =	ssyncadd.s32 $0xFFFFF800  }
0x3c: {  	[hbm4b:s5+s2] =	stream.linear.scatter [tilespmem:s9], [sflag:$0x2], $0x4000, $0x38;
	[tilespmem:$0x4400] =	vst v63  }
0x3d: {  	s26 =	simm.s32 $0x80;
	_ =	swait.ge [sflag:s7], $0x4000  }
0x3e: {  	s29 =	simm.s32 $0x100;
	s25 =	sadd.s32 $0x800, s5;
	[sflag:s7] =	ssyncset.done $0x0  }
.LBB2_2:
0x3f: {  	s30 =	sadd.s32 s26, s6  }
0x40: {  	[sflag:s7] =	ssyncadd.s32 $0xFFFFC000;
	s26 =	smov.u32 s29;
	s28 =	sadd.s32 $0x80, s29  }
0x41: {  	[tilespmem:s2], [sflag:$0x2] =	stream.linear.gather [hbm4b:s30+s2], $0x400, $0x38;
	[tilespmem:$0x4400] =	vst v63  }
0x42: {  	p0 =	sne.s32 s29, $0x480;
	_ =	swait.ge [sflag:s7], $0x400  }
0x43: {  	[sflag:s7] =	ssyncset.done $0x0  }
0x44: {  	[sflag:s7] =	ssyncadd.s32 $0xFFFFFC00  }
0x45: {  	[tilespmem:s9], [sflag:$0x1] =	stream.indirect.gather [hbm4b:s3+s8], $0x10, s2, s8, $0xb8;
	[tilespmem:$0x4400] =	vst v63  }
0x46: {  	_ = 	snop  }
0x47: {  	[tilespmem:s10], [sflag:$0x1] =	stream.indirect.gather [hbm4b:s3+s8], $0x10, s8, s8, $0xb8;
	[tilespmem:$0x4400] =	vst v63  }
0x48: {  	_ = 	snop  }
0x49: {  	[tilespmem:s12], [sflag:$0x1] =	stream.indirect.gather [hbm4b:s3+s8], $0x10, s11, s8, $0xb8;
	[tilespmem:$0x4400] =	vst v63  }
0x4a: {  	_ = 	snop  }
0x4b: {  	[tilespmem:s14], [sflag:$0x1] =	stream.indirect.gather [hbm4b:s3+s8], $0x10, s13, s8, $0xb8;
	[tilespmem:$0x4400] =	vst v63  }
0x4c: {  	_ = 	snop  }
0x4d: {  	[tilespmem:s16], [sflag:$0x1] =	stream.indirect.gather [hbm4b:s3+s8], $0x10, s15, s8, $0xb8;
	[tilespmem:$0x4400] =	vst v63  }
0x4e: {  	_ = 	snop  }
0x4f: {  	[tilespmem:s18], [sflag:$0x1] =	stream.indirect.gather [hbm4b:s3+s8], $0x10, s17, s8, $0xb8;
	[tilespmem:$0x4400] =	vst v63  }
0x50: {  	_ = 	snop  }
0x51: {  	[tilespmem:s20], [sflag:$0x1] =	stream.indirect.gather [hbm4b:s3+s8], $0x10, s19, s8, $0xb8;
	[tilespmem:$0x4400] =	vst v63  }
0x52: {  	_ = 	snop  }
0x53: {  	[tilespmem:s22], [sflag:$0x1] =	stream.indirect.gather [hbm4b:s3+s8], $0x10, s21, s8, $0xb8;
	[tilespmem:$0x4400] =	vst v63  }
0x54: {  	_ =	swait.ge [sflag:s23], $0x800  }
0x55: {  	[sflag:s23] =	ssyncset.done $0x0  }
0x56: {  	[sflag:s23] =	ssyncadd.s32 $0xFFFFF800  }
0x57: {  	_ =	swait.ge [sflag:s23], $0x800  }
0x58: {  	[sflag:s23] =	ssyncset.done $0x0  }
0x59: {  	[sflag:s23] =	ssyncadd.s32 $0xFFFFF800  }
0x5a: {  	_ =	swait.ge [sflag:s23], $0x800  }
0x5b: {  	[sflag:s23] =	ssyncset.done $0x0  }
0x5c: {  	[sflag:s23] =	ssyncadd.s32 $0xFFFFF800  }
0x5d: {  	_ =	swait.ge [sflag:s23], $0x800  }
0x5e: {  	[sflag:s23] =	ssyncset.done $0x0  }
0x5f: {  	[sflag:s23] =	ssyncadd.s32 $0xFFFFF800  }
0x60: {  	_ =	swait.ge [sflag:s23], $0x800  }
0x61: {  	[sflag:s23] =	ssyncset.done $0x0  }
0x62: {  	[sflag:s23] =	ssyncadd.s32 $0xFFFFF800  }
0x63: {  	_ =	swait.ge [sflag:s23], $0x800  }
0x64: {  	[sflag:s23] =	ssyncset.done $0x0  }
0x65: {  	[sflag:s23] =	ssyncadd.s32 $0xFFFFF800  }
0x66: {  	_ =	swait.ge [sflag:s23], $0x800  }
0x67: {  	[sflag:s23] =	ssyncset.done $0x0  }
0x68: {  	[sflag:s23] =	ssyncadd.s32 $0xFFFFF800  }
0x69: {  	_ =	swait.ge [sflag:s23], $0x800  }
.Ltmp0:
0x6a: {  	[sflag:s23] =	ssyncset.done $0x0;
	(pc) =	sbr.rel @p0 .LBB2_2-.Ltmp0, $4  }
0x6b: {  	[sflag:s23] =	ssyncadd.s32 $0xFFFFF800  }
0x6c: {  	[hbm4b:s25+s2] =	stream.linear.scatter [tilespmem:s9], [sflag:$0x2], $0x4000, $0x38;
	[tilespmem:$0x4400] =	vst v63  }
0x6d: {  	_ =	swait.ge [sflag:s7], $0x4000  }
0x6e: {  	s29 =	smov.u32 s28;
	s25 =	sadd.s32 $0x800, s25;
	[sflag:s7] =	ssyncset.done $0x0  }
0x6f: {  	s26 =	sadd.s32 s26, s6;
	[sflag:s7] =	ssyncadd.s32 $0xFFFFC000  }
0x70: {  	[tilespmem:s2], [sflag:$0x2] =	stream.linear.gather [hbm4b:s26+s2], $0x400, $0x38;
	[tilespmem:$0x4400] =	vst v63  }
0x71: {  	_ =	swait.ge [sflag:s7], $0x400  }
0x72: {  	[sflag:s7] =	ssyncset.done $0x0  }
0x73: {  	[sflag:s7] =	ssyncadd.s32 $0xFFFFFC00  }
0x74: {  	[tilespmem:s9], [sflag:$0x1] =	stream.indirect.gather [hbm4b:s3+s8], $0x10, s2, s8, $0xb8;
	[tilespmem:$0x4400] =	vst v63  }
0x75: {  	_ = 	snop  }
0x76: {  	[tilespmem:s10], [sflag:$0x1] =	stream.indirect.gather [hbm4b:s3+s8], $0x10, s8, s8, $0xb8;
	[tilespmem:$0x4400] =	vst v63  }
0x77: {  	_ = 	snop  }
0x78: {  	[tilespmem:s12], [sflag:$0x1] =	stream.indirect.gather [hbm4b:s3+s8], $0x10, s11, s8, $0xb8;
	[tilespmem:$0x4400] =	vst v63  }
0x79: {  	_ = 	snop  }
0x7a: {  	[tilespmem:s14], [sflag:$0x1] =	stream.indirect.gather [hbm4b:s3+s8], $0x10, s13, s8, $0xb8;
	[tilespmem:$0x4400] =	vst v63  }
0x7b: {  	_ = 	snop  }
0x7c: {  	[tilespmem:s16], [sflag:$0x1] =	stream.indirect.gather [hbm4b:s3+s8], $0x10, s15, s8, $0xb8;
	[tilespmem:$0x4400] =	vst v63  }
0x7d: {  	_ = 	snop  }
0x7e: {  	[tilespmem:s18], [sflag:$0x1] =	stream.indirect.gather [hbm4b:s3+s8], $0x10, s17, s8, $0xb8;
	[tilespmem:$0x4400] =	vst v63  }
0x7f: {  	_ = 	snop  }
0x80: {  	[tilespmem:s20], [sflag:$0x1] =	stream.indirect.gather [hbm4b:s3+s8], $0x10, s19, s8, $0xb8;
	[tilespmem:$0x4400] =	vst v63  }
0x81: {  	_ = 	snop  }
0x82: {  	[tilespmem:s22], [sflag:$0x1] =	stream.indirect.gather [hbm4b:s3+s8], $0x10, s21, s8, $0xb8;
	[tilespmem:$0x4400] =	vst v63  }
0x83: {  	_ =	swait.ge [sflag:s23], $0x800  }
0x84: {  	[sflag:s23] =	ssyncset.done $0x0  }
0x85: {  	[sflag:s23] =	ssyncadd.s32 $0xFFFFF800  }
0x86: {  	_ =	swait.ge [sflag:s23], $0x800  }
0x87: {  	[sflag:s23] =	ssyncset.done $0x0  }
0x88: {  	[sflag:s23] =	ssyncadd.s32 $0xFFFFF800  }
0x89: {  	_ =	swait.ge [sflag:s23], $0x800  }
0x8a: {  	[sflag:s23] =	ssyncset.done $0x0  }
0x8b: {  	[sflag:s23] =	ssyncadd.s32 $0xFFFFF800  }
0x8c: {  	_ =	swait.ge [sflag:s23], $0x800  }
0x8d: {  	[sflag:s23] =	ssyncset.done $0x0  }
0x8e: {  	[sflag:s23] =	ssyncadd.s32 $0xFFFFF800  }
0x8f: {  	_ =	swait.ge [sflag:s23], $0x800  }
0x90: {  	[sflag:s23] =	ssyncset.done $0x0  }
0x91: {  	[sflag:s23] =	ssyncadd.s32 $0xFFFFF800  }
0x92: {  	_ =	swait.ge [sflag:s23], $0x800  }
0x93: {  	[sflag:s23] =	ssyncset.done $0x0  }
0x94: {  	[sflag:s23] =	ssyncadd.s32 $0xFFFFF800  }
0x95: {  	_ =	swait.ge [sflag:s23], $0x800  }
0x96: {  	[sflag:s23] =	ssyncset.done $0x0  }
0x97: {  	[sflag:s23] =	ssyncadd.s32 $0xFFFFF800  }
0x98: {  	s24 =	sadd.s32 $0x1, s24;
	_ =	swait.ge [sflag:s23], $0x800  }
0x99: {  	p0 =	sne.s32 s24, s4;
	[sflag:s23] =	ssyncset.done $0x0  }
.Ltmp1:
0x9a: {  	[sflag:s23] =	ssyncadd.s32 $0xFFFFF800;
	(pc) =	sbr.rel @p0 .LBB2_1-.Ltmp1, $4  }
0x9b: {  	[hbm4b:s25+s2] =	stream.linear.scatter [tilespmem:s9], [sflag:$0x2], $0x4000, $0x38;
	[tilespmem:$0x4400] =	vst v63  }
0x9c: {  	_ =	swait.ge [sflag:s7], $0x4000  }
0x9d: {  	[sflag:s7] =	ssyncset.done $0x0  }
0x9e: {  	[sflag:s7] =	ssyncadd.s32 $0xFFFFC000  }
0x9f: {  	_ =	sfence.sel $0x180000  }
0xa0: {  	[bflag:$0x0] =	sbarrier.arrive $0xFFFF  }
0xa1: {  	p0 =	sne.s32 s1, $0x0;
	_ =	strace $0x90000047  }
0xa2: {  	s0 =	sadd.s32 @!p0 $0x100000, s0;
	[bflag:$0x2] =	sbarrier.arrive $0xFFFF  }
0xa3: {  	[sflag:s0] =	ssyncadd.tile.s32 @!p0 $0x1;
	_ =	shalt  }
.Lfunc_end2:
_tile_overlayer_lowered:
.L_overlay_start_2:
0xa4: {  	(tag) =	ssettag $0x2  }
0xa5: {  	s0 =	rddreg [dreg:$0x0];
	s2 =	stileid.u32  }
0xa6: {  	s1 =	rddreg [dreg:$0x1];
	p0 =	sne.s32 s2, $0x0  }
0xa7: {  	s3 =	rddreg [dreg:$0x2];
	[bflag:$0x3] =	sbarrier.arrive $0xFFFF;
	s2 =	simm.s32 @!p0 $0x1C02  }
0xa8: {  	[timem:s3], [sflag:s2] =	dma.local @!p0 [hbm:s0], s1  }
0xa9: {  	s0 =	simm.s32 @!p0 $0x2  }
0xaa: {  	_ =	swait.ge @!p0 [sflag:s0], s1  }
0xab: {  	s1 =	ssub.s32 @!p0 $0x0, s1;
	[sflag:s0] =	ssyncset.done @!p0 $0x0  }
0xac: {  	[sflag:s0] =	ssyncadd.s32 @!p0 s1  }
0xad: {  	[bflag:$0x3] =	sbarrier.arrive $0xFFFF  }
0xae: {  	_ =	shalt  }

// kernel: kernel.18.cloned.1.call-start
scs
__scs_entry_jumppad:
0x0: {  	(pc) =	sbr.rel $0x88, $3  }
0x1: {  	(tag) =	ssettag $0x0;
	lr =	simm.s32 $0x1  }
0x2: {  	[smem:$0x3F91] =	sst lr;
	_ =	strace $0xD0000000  }
0x3: {  	_ = 	snop  }
0x4: {  	_ = 	snop  }
0x5: {  	_ = 	snop  }
0x6: {  	_ = 	snop  }
0x7: {  	_ = 	snop  }
__scs_overlays_trampoline_lowered:
0x8: {  	[smem:$0x3FA0] =	sst s0  }
0x9: {  	[smem:$0x3FA1] =	sst s1  }
0xa: {  	[smem:$0x3FA2] =	sst s2  }
0xb: {  	[smem:$0x3FA3] =	sst s3  }
0xc: {  	[smem:$0x3FA4] =	sst s4  }
0xd: {  	[smem:$0x3FA5] =	sst s5  }
0xe: {  	[smem:$0x3FA6] =	sst s6  }
0xf: {  	[smem:$0x3FA7] =	sst s7  }
0x10: {  	[smem:$0x3FA8] =	sst s8  }
0x11: {  	[smem:$0x3FA9] =	sst s9;
	s0 =	simm.s32 @!p0 $0x0  }
0x12: {  	s1 =	sld [smem:$0x3F8F];
	s0 =	simm.s32 @p0 $0x1  }
0x13: {  	[smem:$0x3FAA] =	sst s0;
	s0 =	simm.s32 @!p1 $0x0  }
0x14: {  	s2 =	sld [smem:$0x3F8E];
	s0 =	simm.s32 @p1 $0x1  }
0x15: {  	[smem:$0x3FAB] =	sst s0;
	s0 =	simm.s32 @!p2 $0x0  }
0x16: {  	s3 =	sld [smem:$0x3FDB];
	s0 =	simm.s32 @p2 $0x1  }
0x17: {  	s4 =	simm.s32 $0x1BF5;
	[smem:$0x3FAD] =	sst s0  }
0x18: {  	s0 =	sld [smem:$0x3F90];
	_ =	swait.ge [sflag:s4], $0x0  }
0x19: {  	s7 =	sld [smem:$0x3F91]  }
0x1a: {  	s8 =	sadd.s32 $0xFFFFE003, lr  }
0x1b: {  	s9 =	sadd.s32 $0xFFFFFEF7, lr;
	s5 =	simm.s32 $0xFFFFFFFF;
	p2 =	slt.u32 s8, $0xFFFFF086  }
0x1c: {  	p1 =	slt.u32 s9, $0xF7A;
	s5 =	simm.s32 @!p2 $0x0  }
0x1d: {  	s5 =	simm.s32 @p1 $0x1;
	p0 =	seq.s32 s7, s2  }
0x1e: {  	s7 =	smul.u32 @!p0 $0xF7A, s2;
	p2 =	seq.s32 @!p0 s5, $0x0  }
0x1f: {  	s9 =	smul.u32 $0xF7A, s1;
	s8 =	simm.s32 @!p0 $0x1BF5;
	p2 =	por !p2, p0  }
0x20: {  	[sflag:s8] =	ssyncset.s32 @!p0 $0xFFFFF086;
	s6 =	sadd.s32 @!p0 s3, s7;
	s7 =	simm.s32 @!p0 $0x108  }
0x21: {  	s3 =	sadd.s32 s3, s9;
	s6 =	sadd.s32 @!p0 $0x88, s6;
	s7 =	simm.s32 @p2 $0x1082  }
0x22: {  	[simem:s7], [sflag:s8] =	dma.local @!p0 [hbm:s6], $0xF7A  }
0x23: {  	s9 =	sor.u32 $0xD0000000, s2;
	s6 =	simm.s32 $0x108;
	_ =	swait.ge @!p0 [sflag:s8], $0x0  }
0x24: {  	s3 =	sadd.s32 $0x88, s3;
	s6 =	simm.s32 @!p1 $0x1082;
	[sflag:s4] =	ssyncset.s32 $0xFFFFF086  }
0x25: {  	[simem:s6], [sflag:s4] =	dma.local [hbm:s3], $0xF7A  }
0x26: {  	[smem:$0x3F91] =	sst s1;
	(tag) =	ssettag s2;
	_ =	strace s9  }
0x27: {  	s1 =	sld [smem:$0x3FA1]  }
0x28: {  	s2 =	sld [smem:$0x3FA2]  }
0x29: {  	s4 =	sld [smem:$0x3FA4]  }
0x2a: {  	p0 =	seq.s32 s5, $0x0;
	s5 =	sld [smem:$0x3FA5]  }
0x2b: {  	s6 =	sld [smem:$0x3FA6]  }
0x2c: {  	s7 =	sld [smem:$0x3FA7]  }
0x2d: {  	s3 =	simm.s32 $0x108;
	s8 =	sld [smem:$0x3FA8]  }
0x2e: {  	s3 =	simm.s32 @!p0 $0x1082;
	s9 =	sld [smem:$0x3FA9]  }
0x2f: {  	lr =	sadd.s32 s0, s3;
	s0 =	sld [smem:$0x3FA0]  }
0x30: {  	s3 =	sld [smem:$0x3FA3]  }
0x31: {  	[smem:$0x3FAC] =	sst s10  }
0x32: {  	s10 =	sld [smem:$0x3FAA];
	_ =	sdelay $0x3  }
0x33: {  	p0 =	seq.s32 s10, $0x1;
	s10 =	sld [smem:$0x3FAC];
	_ =	sdelay $0x3  }
0x34: {  	[smem:$0x3FAC] =	sst s10  }
0x35: {  	s10 =	sld [smem:$0x3FAB];
	_ =	sdelay $0x3  }
0x36: {  	p1 =	seq.s32 s10, $0x1;
	s10 =	sld [smem:$0x3FAC];
	_ =	sdelay $0x3  }
0x37: {  	[smem:$0x3FAC] =	sst s10  }
0x38: {  	s10 =	sld [smem:$0x3FAD]  }
0x39: {  	_ = 	snop;
	(pc) =	sbr.ind lr, $3  }
0x3a: {  	_ = 	snop  }
0x3b: {  	_ = 	snop  }
0x3c: {  	p2 =	seq.s32 s10, $0x1;
	s10 =	sld [smem:$0x3FAC]  }
0x3d: {  	_ =	shalt  }
0x3e: {  	_ =	shalt  }
0x3f: {  	_ =	shalt  }
0x40: {  	_ =	shalt  }
0x41: {  	_ =	shalt  }
0x42: {  	_ =	shalt  }
0x43: {  	_ =	shalt  }
0x44: {  	_ =	shalt  }
0x45: {  	_ =	shalt  }
0x46: {  	_ =	shalt  }
0x47: {  	_ =	shalt  }
0x48: {  	_ =	shalt  }
0x49: {  	_ =	shalt  }
0x4a: {  	_ =	shalt  }
0x4b: {  	_ =	shalt  }
0x4c: {  	_ =	shalt  }
0x4d: {  	_ =	shalt  }
0x4e: {  	_ =	shalt  }
0x4f: {  	_ =	shalt  }
0x50: {  	_ =	shalt  }
0x51: {  	_ =	shalt  }
0x52: {  	_ =	shalt  }
0x53: {  	_ =	shalt  }
0x54: {  	_ =	shalt  }
0x55: {  	_ =	shalt  }
0x56: {  	_ =	shalt  }
0x57: {  	_ =	shalt  }
0x58: {  	_ =	shalt  }
0x59: {  	_ =	shalt  }
0x5a: {  	_ =	shalt  }
0x5b: {  	_ =	shalt  }
0x5c: {  	_ =	shalt  }
0x5d: {  	_ =	shalt  }
0x5e: {  	_ =	shalt  }
0x5f: {  	_ =	shalt  }
0x60: {  	_ =	shalt  }
0x61: {  	_ =	shalt  }
0x62: {  	_ =	shalt  }
0x63: {  	_ =	shalt  }
0x64: {  	_ =	shalt  }
0x65: {  	_ =	shalt  }
0x66: {  	_ =	shalt  }
0x67: {  	_ =	shalt  }
0x68: {  	_ =	shalt  }
0x69: {  	_ =	shalt  }
0x6a: {  	_ =	shalt  }
0x6b: {  	_ =	shalt  }
0x6c: {  	_ =	shalt  }
0x6d: {  	_ =	shalt  }
0x6e: {  	_ =	shalt  }
0x6f: {  	_ =	shalt  }
0x70: {  	_ =	shalt  }
0x71: {  	_ =	shalt  }
0x72: {  	_ =	shalt  }
0x73: {  	_ =	shalt  }
0x74: {  	_ =	shalt  }
0x75: {  	_ =	shalt  }
0x76: {  	_ =	shalt  }
0x77: {  	_ =	shalt  }
0x78: {  	_ =	shalt  }
0x79: {  	_ =	shalt  }
0x7a: {  	_ =	shalt  }
0x7b: {  	_ =	shalt  }
0x7c: {  	_ =	shalt  }
0x7d: {  	_ =	shalt  }
0x7e: {  	_ =	shalt  }
0x7f: {  	_ =	shalt  }
0x80: {  	_ =	shalt  }
0x81: {  	_ =	shalt  }
0x82: {  	_ =	shalt  }
0x83: {  	_ =	shalt  }
0x84: {  	_ =	shalt  }
0x85: {  	_ =	shalt  }
0x86: {  	_ =	shalt  }
0x87: {  	_ =	shalt  }
.Lfunc_end0:
.L_simem_size_0:
called_computation.1_lowered:
.L_overlay_start_0:
0x88: {  	s2 =	sld [smem:$0x3FD9]  }
0x89: {  	s3 =	sld [smem:$0x3FFE];
	_ =	sdelay $0x1  }
0x8a: {  	s1 =	srdreg.scid  }
0x8b: {  	s0 =	sand.u32 $0x1, s1  }
0x8c: {  	s16 =	sshll.u32 s0, $0xA;
	s2 =	sadd.s32 s3, s2  }
0x8d: {  	s2 =	sadd.s32 s2, s16  }
0x8e: {  	[smem:$0x3FB8] =	sst s2  }
0x8f: {  	_ = 	snop  }
0x90: {  	(tm) =	ssettm $0x1  }
0x91: {  	s17 =	sld [smem:$0x3FFB];
	_ =	sdelay $0x3  }
0x92: {  	_ =	strace s17  }
0x93: {  	s2 =	sld [smem:$0x3FFC];
	_ =	sdelay $0x3  }
0x94: {  	_ =	strace s2  }
0x95: {  	s2 =	sld [smem:$0x3FFD];
	_ =	sdelay $0x3  }
0x96: {  	_ =	strace s2  }
0x97: {  	_ =	strace $0x8FFFFFFF  }
0x98: {  	s18 =	sld [smem:$0x3FDB];
	_ =	sdelay $0x1  }
0x99: {  	s19 =	simm.s32 $_scs_section_size  }
0x9a: {  	s4 =	simm.s32 $_size__tile_overlayer_lowered;
	s5 =	simm.s32 $_tile_overlayer_lowered  }
0x9b: {  	s22 =	simm.s32 $0x1BFF;
	s21 =	sshll.u32 s5, $0x1;
	s2 =	sadd.s32 s19, s18  }
0x9c: {  	s6 =	simm.s32 $0x0;
	s20 =	sshll.u32 s4, $0x1;
	s4 =	sadd.s32 s21, s2  }
0x9d: {  	[timem:s6], [sflag:s22] =	dma.local [hbm:s4], s20  }
0x9e: {  	_ =	swait.ge [sflag:s22], s20  }
0x9f: {  	s3 =	ssub.s32 $0x0, s20;
	[sflag:s22] =	ssyncset.done $0x0  }
0xa0: {  	[sflag:s22] =	ssyncadd.s32 s3;
	_ =	sdelay $0x1  }
0xa1: {  	s23 =	simm.s32 $0x1B8B  }
0xa2: {  	_ =	swait.ge [sflag:s23], $0x1  }
0xa3: {  	[sflag:s23] =	ssyncset.done $0x0  }
0xa4: {  	s25 =	simm.s32 $0x1B8E;
	s24 =	sld [smem:$0x3FFE];
	[sflag:s23] =	ssyncadd.s32 $0xFFFFFFFF  }
0xa5: {  	s26 =	simm.s32 $execute0_lowered;
	[smem:$0x3FD2] =	sst s25  }
0xa6: {  	s4 =	sshll.u32 s26, $0x1;
	_ =	strace $0x80000049;
	[dreg:$0x1] =	wrdreg $0xFFFFFFFF  }
0xa7: {  	s28 =	simm.s32 $_size_execute0_lowered;
	s2 =	sadd.s32 s2, s4;
	[dreg:$0x0] =	wrdreg $0x0  }
0xa8: {  	s4 =	sshll.u32 s28, $0x1;
	[dreg:$0x2] =	wrdreg s2  }
0xa9: {  	[dreg:$0x3] =	wrdreg s4  }
0xaa: {  	[dreg:$0x4] =	wrdreg $0xC0  }
0xab: {  	_ =	task [dreg:s6], $0x5FFFF  }
0xac: {  	[dreg:$0x1] =	wrdreg $0xFFFFFFFF  }
0xad: {  	[dreg:$0x0] =	wrdreg $0x60  }
0xae: {  	[dreg:$0x2] =	wrdreg s24  }
0xaf: {  	[dreg:$0x3] =	wrdreg $0x9  }
0xb0: {  	_ =	task.clear_ibuf [dreg:s6], $0x4FFFF;
	_ =	strace $0x90000049  }
0xb1: {  	s29 =	simm.s32 $0x9;
	_ =	strace $0x8000004B  }
0xb2: {  	_ =	swait.ge [sflag:s29], $0x1  }
0xb3: {  	[sflag:s29] =	ssyncadd.s32 $0xFFFFFFFF  }
0xb4: {  	_ =	strace $0x9000004B  }
0xb5: {  	_ =	sfence  }
0xb6: {  	s30 =	sld [smem:$0x0];
	_ =	sdelay $0x2  }
0xb7: {  	s31 =	sshll.u32 s1, $0xD;
	s1 =	sshrl.u32 s1, $0x2  }
0xb8: {  	s3 =	sand.u32 $0x4000, s31;
	s1 =	sadd.s32 s1, s30  }
0xb9: {  	s0 =	sor.u32 s3, s0;
	s1 =	sshll.u32 s1, $0x11  }
0xba: {  	s0 =	sor.u32 s1, s0  }
0xbb: {  	s0 =	sadd.s32 $0x8F2B, s0  }
0xbc: {  	[sflag:s0] =	ssyncadd.remote.s32 $0x1  }
0xbd: {  	_ =	sfence.sel $0xFFFF  }
0xbe: {  	[dreg:$0x0] =	wrdreg $0xFFFFFFFF;
	(pc) =	sbr.abs _section_cstart, $3  }
0xbf: {  	[dreg:$0x1] =	wrdreg $0xFFFFFFFF  }
0xc0: {  	_ =	task.clear_ibuf [dreg:s6], $0x2FFFF;
	_ =	strace $0x9FFFFFFF  }
0xc1: {  	(tm) =	ssettm $0x7FFFFFFF  }
tec
execute0_lowered:
.L_overlay_start_1:
0x0: {  	(tag) =	ssettag $0x1  }
0x1: {  	s4 =	rddreg [dreg:$0x0]  }
0x2: {  	s0 =	rddreg [dreg:$0x1];
	s3 =	srdreg.scid  }
0x3: {  	s1 =	stileid.u32;
	s2 =	simm.s32 $0x0;
	s10 =	simm.s32 $0xC00  }
0x4: {  	s11 =	simm.s32 $0x100;
	s12 =	simm.s32 $0x1400;
	s13 =	simm.s32 $0x180  }
0x5: {  	s14 =	simm.s32 $0x1C00;
	s15 =	simm.s32 $0x200;
	s16 =	simm.s32 $0x2400  }
0x6: {  	s17 =	simm.s32 $0x280;
	s18 =	simm.s32 $0x2C00;
	s19 =	simm.s32 $0x300  }
0x7: {  	s20 =	simm.s32 $0x3400;
	s21 =	simm.s32 $0x380;
	s22 =	simm.s32 $0x3C00  }
0x8: {  	s23 =	simm.s32 $0x1;
	s24 =	simm.s32 $0x0;
	s6 =	smul.u32 $0x5000, s1  }
0x9: {  	s5 =	sand.u32 $0x1, s3;
	[smem:$0x7FF] =	sst s2;
	s8 =	smul.u32 $0xA000, s1  }
0xa: {  	s3 =	sadd.s32 $0x4D600, s4;
	s7 =	smul.u32 $0x2800, s5;
	s30 =	ssub.s32 $0x2, s5  }
0xb: {  	_ =	strace $0x8000004A;
	s5 =	smul.u32 $0x5000, s5;
	s9 =	sshrl.u32 s30, $0x1  }
0xc: {  	s8 =	sadd.s32 s8, s4;
	s6 =	sadd.s32 s7, s6;
	s31 =	ssub.s32 s30, s9  }
0xd: {  	s5 =	sadd.s32 s5, s8;
	s7 =	simm.s32 $0x2;
	s6 =	sshrl.u32 s6, $0x3  }
0xe: {  	s8 =	simm.s32 $0x80;
	s9 =	simm.s32 $0x400;
	s6 =	sadd.s32 s6, s4  }
0xf: {  	s5 =	sadd.s32 $0x55600, s5;
	s4 =	smax.u32 s31, $0x1;
	s6 =	sadd.s32 $0x43600, s6  }
.LBB2_1:
0x10: {  	s25 =	sadd.s32 $0x0, s6  }
0x11: {  	[tilespmem:s2], [sflag:$0x2] =	stream.linear.gather [hbm4b:s25+s2], $0x400, $0x38;
	[tilespmem:$0x4400] =	vst v63  }
0x12: {  	_ =	swait.ge [sflag:s7], $0x400  }
0x13: {  	[sflag:s7] =	ssyncset.done $0x0  }
0x14: {  	[sflag:s7] =	ssyncadd.s32 $0xFFFFFC00  }
0x15: {  	[tilespmem:s9], [sflag:$0x1] =	stream.indirect.gather [hbm4b:s3+s8], $0x10, s2, s8, $0xb8;
	[tilespmem:$0x4400] =	vst v63  }
0x16: {  	_ = 	snop  }
0x17: {  	[tilespmem:s10], [sflag:$0x1] =	stream.indirect.gather [hbm4b:s3+s8], $0x10, s8, s8, $0xb8;
	[tilespmem:$0x4400] =	vst v63  }
0x18: {  	_ = 	snop  }
0x19: {  	[tilespmem:s12], [sflag:$0x1] =	stream.indirect.gather [hbm4b:s3+s8], $0x10, s11, s8, $0xb8;
	[tilespmem:$0x4400] =	vst v63  }
0x1a: {  	_ = 	snop  }
0x1b: {  	[tilespmem:s14], [sflag:$0x1] =	stream.indirect.gather [hbm4b:s3+s8], $0x10, s13, s8, $0xb8;
	[tilespmem:$0x4400] =	vst v63  }
0x1c: {  	_ = 	snop  }
0x1d: {  	[tilespmem:s16], [sflag:$0x1] =	stream.indirect.gather [hbm4b:s3+s8], $0x10, s15, s8, $0xb8;
	[tilespmem:$0x4400] =	vst v63  }
0x1e: {  	_ = 	snop  }
0x1f: {  	[tilespmem:s18], [sflag:$0x1] =	stream.indirect.gather [hbm4b:s3+s8], $0x10, s17, s8, $0xb8;
	[tilespmem:$0x4400] =	vst v63  }
0x20: {  	_ = 	snop  }
0x21: {  	[tilespmem:s20], [sflag:$0x1] =	stream.indirect.gather [hbm4b:s3+s8], $0x10, s19, s8, $0xb8;
	[tilespmem:$0x4400] =	vst v63  }
0x22: {  	_ = 	snop  }
0x23: {  	[tilespmem:s22], [sflag:$0x1] =	stream.indirect.gather [hbm4b:s3+s8], $0x10, s21, s8, $0xb8;
	[tilespmem:$0x4400] =	vst v63  }
0x24: {  	_ =	swait.ge [sflag:s23], $0x800  }
0x25: {  	[sflag:s23] =	ssyncset.done $0x0  }
0x26: {  	[sflag:s23] =	ssyncadd.s32 $0xFFFFF800  }
0x27: {  	_ =	swait.ge [sflag:s23], $0x800  }
0x28: {  	[sflag:s23] =	ssyncset.done $0x0  }
0x29: {  	[sflag:s23] =	ssyncadd.s32 $0xFFFFF800  }
0x2a: {  	_ =	swait.ge [sflag:s23], $0x800  }
0x2b: {  	[sflag:s23] =	ssyncset.done $0x0  }
0x2c: {  	[sflag:s23] =	ssyncadd.s32 $0xFFFFF800  }
0x2d: {  	_ =	swait.ge [sflag:s23], $0x800  }
0x2e: {  	[sflag:s23] =	ssyncset.done $0x0  }
0x2f: {  	[sflag:s23] =	ssyncadd.s32 $0xFFFFF800  }
0x30: {  	_ =	swait.ge [sflag:s23], $0x800  }
0x31: {  	[sflag:s23] =	ssyncset.done $0x0  }
0x32: {  	[sflag:s23] =	ssyncadd.s32 $0xFFFFF800  }
0x33: {  	_ =	swait.ge [sflag:s23], $0x800  }
0x34: {  	[sflag:s23] =	ssyncset.done $0x0  }
0x35: {  	[sflag:s23] =	ssyncadd.s32 $0xFFFFF800  }
0x36: {  	_ =	swait.ge [sflag:s23], $0x800  }
0x37: {  	[sflag:s23] =	ssyncset.done $0x0  }
0x38: {  	[sflag:s23] =	ssyncadd.s32 $0xFFFFF800  }
0x39: {  	_ =	swait.ge [sflag:s23], $0x800  }
0x3a: {  	[sflag:s23] =	ssyncset.done $0x0  }
0x3b: {  	[sflag:s23] =	ssyncadd.s32 $0xFFFFF800  }
0x3c: {  	[hbm4b:s5+s2] =	stream.linear.scatter [tilespmem:s9], [sflag:$0x2], $0x4000, $0x38;
	[tilespmem:$0x4400] =	vst v63  }
0x3d: {  	s26 =	simm.s32 $0x80;
	_ =	swait.ge [sflag:s7], $0x4000  }
0x3e: {  	s29 =	simm.s32 $0x100;
	s25 =	sadd.s32 $0x800, s5;
	[sflag:s7] =	ssyncset.done $0x0  }
.LBB2_2:
0x3f: {  	s30 =	sadd.s32 s26, s6  }
0x40: {  	[sflag:s7] =	ssyncadd.s32 $0xFFFFC000;
	s26 =	smov.u32 s29;
	s28 =	sadd.s32 $0x80, s29  }
0x41: {  	[tilespmem:s2], [sflag:$0x2] =	stream.linear.gather [hbm4b:s30+s2], $0x400, $0x38;
	[tilespmem:$0x4400] =	vst v63  }
0x42: {  	p0 =	sne.s32 s29, $0x480;
	_ =	swait.ge [sflag:s7], $0x400  }
0x43: {  	[sflag:s7] =	ssyncset.done $0x0  }
0x44: {  	[sflag:s7] =	ssyncadd.s32 $0xFFFFFC00  }
0x45: {  	[tilespmem:s9], [sflag:$0x1] =	stream.indirect.gather [hbm4b:s3+s8], $0x10, s2, s8, $0xb8;
	[tilespmem:$0x4400] =	vst v63  }
0x46: {  	_ = 	snop  }
0x47: {  	[tilespmem:s10], [sflag:$0x1] =	stream.indirect.gather [hbm4b:s3+s8], $0x10, s8, s8, $0xb8;
	[tilespmem:$0x4400] =	vst v63  }
0x48: {  	_ = 	snop  }
0x49: {  	[tilespmem:s12], [sflag:$0x1] =	stream.indirect.gather [hbm4b:s3+s8], $0x10, s11, s8, $0xb8;
	[tilespmem:$0x4400] =	vst v63  }
0x4a: {  	_ = 	snop  }
0x4b: {  	[tilespmem:s14], [sflag:$0x1] =	stream.indirect.gather [hbm4b:s3+s8], $0x10, s13, s8, $0xb8;
	[tilespmem:$0x4400] =	vst v63  }
0x4c: {  	_ = 	snop  }
0x4d: {  	[tilespmem:s16], [sflag:$0x1] =	stream.indirect.gather [hbm4b:s3+s8], $0x10, s15, s8, $0xb8;
	[tilespmem:$0x4400] =	vst v63  }
0x4e: {  	_ = 	snop  }
0x4f: {  	[tilespmem:s18], [sflag:$0x1] =	stream.indirect.gather [hbm4b:s3+s8], $0x10, s17, s8, $0xb8;
	[tilespmem:$0x4400] =	vst v63  }
0x50: {  	_ = 	snop  }
0x51: {  	[tilespmem:s20], [sflag:$0x1] =	stream.indirect.gather [hbm4b:s3+s8], $0x10, s19, s8, $0xb8;
	[tilespmem:$0x4400] =	vst v63  }
0x52: {  	_ = 	snop  }
0x53: {  	[tilespmem:s22], [sflag:$0x1] =	stream.indirect.gather [hbm4b:s3+s8], $0x10, s21, s8, $0xb8;
	[tilespmem:$0x4400] =	vst v63  }
0x54: {  	_ =	swait.ge [sflag:s23], $0x800  }
0x55: {  	[sflag:s23] =	ssyncset.done $0x0  }
0x56: {  	[sflag:s23] =	ssyncadd.s32 $0xFFFFF800  }
0x57: {  	_ =	swait.ge [sflag:s23], $0x800  }
0x58: {  	[sflag:s23] =	ssyncset.done $0x0  }
0x59: {  	[sflag:s23] =	ssyncadd.s32 $0xFFFFF800  }
0x5a: {  	_ =	swait.ge [sflag:s23], $0x800  }
0x5b: {  	[sflag:s23] =	ssyncset.done $0x0  }
0x5c: {  	[sflag:s23] =	ssyncadd.s32 $0xFFFFF800  }
0x5d: {  	_ =	swait.ge [sflag:s23], $0x800  }
0x5e: {  	[sflag:s23] =	ssyncset.done $0x0  }
0x5f: {  	[sflag:s23] =	ssyncadd.s32 $0xFFFFF800  }
0x60: {  	_ =	swait.ge [sflag:s23], $0x800  }
0x61: {  	[sflag:s23] =	ssyncset.done $0x0  }
0x62: {  	[sflag:s23] =	ssyncadd.s32 $0xFFFFF800  }
0x63: {  	_ =	swait.ge [sflag:s23], $0x800  }
0x64: {  	[sflag:s23] =	ssyncset.done $0x0  }
0x65: {  	[sflag:s23] =	ssyncadd.s32 $0xFFFFF800  }
0x66: {  	_ =	swait.ge [sflag:s23], $0x800  }
0x67: {  	[sflag:s23] =	ssyncset.done $0x0  }
0x68: {  	[sflag:s23] =	ssyncadd.s32 $0xFFFFF800  }
0x69: {  	_ =	swait.ge [sflag:s23], $0x800  }
.Ltmp0:
0x6a: {  	[sflag:s23] =	ssyncset.done $0x0;
	(pc) =	sbr.rel @p0 .LBB2_2-.Ltmp0, $4  }
0x6b: {  	[sflag:s23] =	ssyncadd.s32 $0xFFFFF800  }
0x6c: {  	[hbm4b:s25+s2] =	stream.linear.scatter [tilespmem:s9], [sflag:$0x2], $0x4000, $0x38;
	[tilespmem:$0x4400] =	vst v63  }
0x6d: {  	_ =	swait.ge [sflag:s7], $0x4000  }
0x6e: {  	s29 =	smov.u32 s28;
	s25 =	sadd.s32 $0x800, s25;
	[sflag:s7] =	ssyncset.done $0x0  }
0x6f: {  	s26 =	sadd.s32 s26, s6;
	[sflag:s7] =	ssyncadd.s32 $0xFFFFC000  }
0x70: {  	[tilespmem:s2], [sflag:$0x2] =	stream.linear.gather [hbm4b:s26+s2], $0x400, $0x38;
	[tilespmem:$0x4400] =	vst v63  }
0x71: {  	_ =	swait.ge [sflag:s7], $0x400  }
0x72: {  	[sflag:s7] =	ssyncset.done $0x0  }
0x73: {  	[sflag:s7] =	ssyncadd.s32 $0xFFFFFC00  }
0x74: {  	[tilespmem:s9], [sflag:$0x1] =	stream.indirect.gather [hbm4b:s3+s8], $0x10, s2, s8, $0xb8;
	[tilespmem:$0x4400] =	vst v63  }
0x75: {  	_ = 	snop  }
0x76: {  	[tilespmem:s10], [sflag:$0x1] =	stream.indirect.gather [hbm4b:s3+s8], $0x10, s8, s8, $0xb8;
	[tilespmem:$0x4400] =	vst v63  }
0x77: {  	_ = 	snop  }
0x78: {  	[tilespmem:s12], [sflag:$0x1] =	stream.indirect.gather [hbm4b:s3+s8], $0x10, s11, s8, $0xb8;
	[tilespmem:$0x4400] =	vst v63  }
0x79: {  	_ = 	snop  }
0x7a: {  	[tilespmem:s14], [sflag:$0x1] =	stream.indirect.gather [hbm4b:s3+s8], $0x10, s13, s8, $0xb8;
	[tilespmem:$0x4400] =	vst v63  }
0x7b: {  	_ = 	snop  }
0x7c: {  	[tilespmem:s16], [sflag:$0x1] =	stream.indirect.gather [hbm4b:s3+s8], $0x10, s15, s8, $0xb8;
	[tilespmem:$0x4400] =	vst v63  }
0x7d: {  	_ = 	snop  }
0x7e: {  	[tilespmem:s18], [sflag:$0x1] =	stream.indirect.gather [hbm4b:s3+s8], $0x10, s17, s8, $0xb8;
	[tilespmem:$0x4400] =	vst v63  }
0x7f: {  	_ = 	snop  }
0x80: {  	[tilespmem:s20], [sflag:$0x1] =	stream.indirect.gather [hbm4b:s3+s8], $0x10, s19, s8, $0xb8;
	[tilespmem:$0x4400] =	vst v63  }
0x81: {  	_ = 	snop  }
0x82: {  	[tilespmem:s22], [sflag:$0x1] =	stream.indirect.gather [hbm4b:s3+s8], $0x10, s21, s8, $0xb8;
	[tilespmem:$0x4400] =	vst v63  }
0x83: {  	_ =	swait.ge [sflag:s23], $0x800  }
0x84: {  	[sflag:s23] =	ssyncset.done $0x0  }
0x85: {  	[sflag:s23] =	ssyncadd.s32 $0xFFFFF800  }
0x86: {  	_ =	swait.ge [sflag:s23], $0x800  }
0x87: {  	[sflag:s23] =	ssyncset.done $0x0  }
0x88: {  	[sflag:s23] =	ssyncadd.s32 $0xFFFFF800  }
0x89: {  	_ =	swait.ge [sflag:s23], $0x800  }
0x8a: {  	[sflag:s23] =	ssyncset.done $0x0  }
0x8b: {  	[sflag:s23] =	ssyncadd.s32 $0xFFFFF800  }
0x8c: {  	_ =	swait.ge [sflag:s23], $0x800  }
0x8d: {  	[sflag:s23] =	ssyncset.done $0x0  }
0x8e: {  	[sflag:s23] =	ssyncadd.s32 $0xFFFFF800  }
0x8f: {  	_ =	swait.ge [sflag:s23], $0x800  }
0x90: {  	[sflag:s23] =	ssyncset.done $0x0  }
0x91: {  	[sflag:s23] =	ssyncadd.s32 $0xFFFFF800  }
0x92: {  	_ =	swait.ge [sflag:s23], $0x800  }
0x93: {  	[sflag:s23] =	ssyncset.done $0x0  }
0x94: {  	[sflag:s23] =	ssyncadd.s32 $0xFFFFF800  }
0x95: {  	_ =	swait.ge [sflag:s23], $0x800  }
0x96: {  	[sflag:s23] =	ssyncset.done $0x0  }
0x97: {  	[sflag:s23] =	ssyncadd.s32 $0xFFFFF800  }
0x98: {  	s24 =	sadd.s32 $0x1, s24;
	_ =	swait.ge [sflag:s23], $0x800  }
0x99: {  	p0 =	sne.s32 s24, s4;
	[sflag:s23] =	ssyncset.done $0x0  }
.Ltmp1:
0x9a: {  	[sflag:s23] =	ssyncadd.s32 $0xFFFFF800;
	(pc) =	sbr.rel @p0 .LBB2_1-.Ltmp1, $4  }
0x9b: {  	[hbm4b:s25+s2] =	stream.linear.scatter [tilespmem:s9], [sflag:$0x2], $0x4000, $0x38;
	[tilespmem:$0x4400] =	vst v63  }
0x9c: {  	_ =	swait.ge [sflag:s7], $0x4000  }
0x9d: {  	[sflag:s7] =	ssyncset.done $0x0  }
0x9e: {  	[sflag:s7] =	ssyncadd.s32 $0xFFFFC000  }
0x9f: {  	_ =	sfence.sel $0x180000  }
0xa0: {  	[bflag:$0x0] =	sbarrier.arrive $0xFFFF  }
0xa1: {  	p0 =	sne.s32 s1, $0x0;
	_ =	strace $0x9000004A  }
0xa2: {  	s0 =	sadd.s32 @!p0 $0x100000, s0;
	[bflag:$0x2] =	sbarrier.arrive $0xFFFF  }
0xa3: {  	[sflag:s0] =	ssyncadd.tile.s32 @!p0 $0x1;
	_ =	shalt  }
.Lfunc_end2:
_tile_overlayer_lowered:
.L_overlay_start_2:
0xa4: {  	(tag) =	ssettag $0x2  }
0xa5: {  	s0 =	rddreg [dreg:$0x0];
	s2 =	stileid.u32  }
0xa6: {  	s1 =	rddreg [dreg:$0x1];
	p0 =	sne.s32 s2, $0x0  }
0xa7: {  	s3 =	rddreg [dreg:$0x2];
	[bflag:$0x3] =	sbarrier.arrive $0xFFFF;
	s2 =	simm.s32 @!p0 $0x1C02  }
0xa8: {  	[timem:s3], [sflag:s2] =	dma.local @!p0 [hbm:s0], s1  }
0xa9: {  	s0 =	simm.s32 @!p0 $0x2  }
0xaa: {  	_ =	swait.ge @!p0 [sflag:s0], s1  }
0xab: {  	s1 =	ssub.s32 @!p0 $0x0, s1;
	[sflag:s0] =	ssyncset.done @!p0 $0x0  }
0xac: {  	[sflag:s0] =	ssyncadd.s32 @!p0 s1  }
0xad: {  	[bflag:$0x3] =	sbarrier.arrive $0xFFFF  }
0xae: {  	_ =	shalt  }

// kernel: kernel.21.cloned.1.call-start
scs
__scs_entry_jumppad:
0x0: {  	(pc) =	sbr.rel $0x88, $3  }
0x1: {  	(tag) =	ssettag $0x0;
	lr =	simm.s32 $0x1  }
0x2: {  	[smem:$0x3F91] =	sst lr;
	_ =	strace $0xD0000000  }
0x3: {  	_ = 	snop  }
0x4: {  	_ = 	snop  }
0x5: {  	_ = 	snop  }
0x6: {  	_ = 	snop  }
0x7: {  	_ = 	snop  }
__scs_overlays_trampoline_lowered:
0x8: {  	[smem:$0x3FA0] =	sst s0  }
0x9: {  	[smem:$0x3FA1] =	sst s1  }
0xa: {  	[smem:$0x3FA2] =	sst s2  }
0xb: {  	[smem:$0x3FA3] =	sst s3  }
0xc: {  	[smem:$0x3FA4] =	sst s4  }
0xd: {  	[smem:$0x3FA5] =	sst s5  }
0xe: {  	[smem:$0x3FA6] =	sst s6  }
0xf: {  	[smem:$0x3FA7] =	sst s7  }
0x10: {  	[smem:$0x3FA8] =	sst s8  }
0x11: {  	[smem:$0x3FA9] =	sst s9;
	s0 =	simm.s32 @!p0 $0x0  }
0x12: {  	s1 =	sld [smem:$0x3F8F];
	s0 =	simm.s32 @p0 $0x1  }
0x13: {  	[smem:$0x3FAA] =	sst s0;
	s0 =	simm.s32 @!p1 $0x0  }
0x14: {  	s2 =	sld [smem:$0x3F8E];
	s0 =	simm.s32 @p1 $0x1  }
0x15: {  	[smem:$0x3FAB] =	sst s0;
	s0 =	simm.s32 @!p2 $0x0  }
0x16: {  	s3 =	sld [smem:$0x3FDB];
	s0 =	simm.s32 @p2 $0x1  }
0x17: {  	s4 =	simm.s32 $0x1BF5;
	[smem:$0x3FAD] =	sst s0  }
0x18: {  	s0 =	sld [smem:$0x3F90];
	_ =	swait.ge [sflag:s4], $0x0  }
0x19: {  	s7 =	sld [smem:$0x3F91]  }
0x1a: {  	s8 =	sadd.s32 $0xFFFFE003, lr  }
0x1b: {  	s9 =	sadd.s32 $0xFFFFFEF7, lr;
	s5 =	simm.s32 $0xFFFFFFFF;
	p2 =	slt.u32 s8, $0xFFFFF086  }
0x1c: {  	p1 =	slt.u32 s9, $0xF7A;
	s5 =	simm.s32 @!p2 $0x0  }
0x1d: {  	s5 =	simm.s32 @p1 $0x1;
	p0 =	seq.s32 s7, s2  }
0x1e: {  	s7 =	smul.u32 @!p0 $0xF7A, s2;
	p2 =	seq.s32 @!p0 s5, $0x0  }
0x1f: {  	s9 =	smul.u32 $0xF7A, s1;
	s8 =	simm.s32 @!p0 $0x1BF5;
	p2 =	por !p2, p0  }
0x20: {  	[sflag:s8] =	ssyncset.s32 @!p0 $0xFFFFF086;
	s6 =	sadd.s32 @!p0 s3, s7;
	s7 =	simm.s32 @!p0 $0x108  }
0x21: {  	s3 =	sadd.s32 s3, s9;
	s6 =	sadd.s32 @!p0 $0x88, s6;
	s7 =	simm.s32 @p2 $0x1082  }
0x22: {  	[simem:s7], [sflag:s8] =	dma.local @!p0 [hbm:s6], $0xF7A  }
0x23: {  	s9 =	sor.u32 $0xD0000000, s2;
	s6 =	simm.s32 $0x108;
	_ =	swait.ge @!p0 [sflag:s8], $0x0  }
0x24: {  	s3 =	sadd.s32 $0x88, s3;
	s6 =	simm.s32 @!p1 $0x1082;
	[sflag:s4] =	ssyncset.s32 $0xFFFFF086  }
0x25: {  	[simem:s6], [sflag:s4] =	dma.local [hbm:s3], $0xF7A  }
0x26: {  	[smem:$0x3F91] =	sst s1;
	(tag) =	ssettag s2;
	_ =	strace s9  }
0x27: {  	s1 =	sld [smem:$0x3FA1]  }
0x28: {  	s2 =	sld [smem:$0x3FA2]  }
0x29: {  	s4 =	sld [smem:$0x3FA4]  }
0x2a: {  	p0 =	seq.s32 s5, $0x0;
	s5 =	sld [smem:$0x3FA5]  }
0x2b: {  	s6 =	sld [smem:$0x3FA6]  }
0x2c: {  	s7 =	sld [smem:$0x3FA7]  }
0x2d: {  	s3 =	simm.s32 $0x108;
	s8 =	sld [smem:$0x3FA8]  }
0x2e: {  	s3 =	simm.s32 @!p0 $0x1082;
	s9 =	sld [smem:$0x3FA9]  }
0x2f: {  	lr =	sadd.s32 s0, s3;
	s0 =	sld [smem:$0x3FA0]  }
0x30: {  	s3 =	sld [smem:$0x3FA3]  }
0x31: {  	[smem:$0x3FAC] =	sst s10  }
0x32: {  	s10 =	sld [smem:$0x3FAA];
	_ =	sdelay $0x3  }
0x33: {  	p0 =	seq.s32 s10, $0x1;
	s10 =	sld [smem:$0x3FAC];
	_ =	sdelay $0x3  }
0x34: {  	[smem:$0x3FAC] =	sst s10  }
0x35: {  	s10 =	sld [smem:$0x3FAB];
	_ =	sdelay $0x3  }
0x36: {  	p1 =	seq.s32 s10, $0x1;
	s10 =	sld [smem:$0x3FAC];
	_ =	sdelay $0x3  }
0x37: {  	[smem:$0x3FAC] =	sst s10  }
0x38: {  	s10 =	sld [smem:$0x3FAD]  }
0x39: {  	_ = 	snop;
	(pc) =	sbr.ind lr, $3  }
0x3a: {  	_ = 	snop  }
0x3b: {  	_ = 	snop  }
0x3c: {  	p2 =	seq.s32 s10, $0x1;
	s10 =	sld [smem:$0x3FAC]  }
0x3d: {  	_ =	shalt  }
0x3e: {  	_ =	shalt  }
0x3f: {  	_ =	shalt  }
0x40: {  	_ =	shalt  }
0x41: {  	_ =	shalt  }
0x42: {  	_ =	shalt  }
0x43: {  	_ =	shalt  }
0x44: {  	_ =	shalt  }
0x45: {  	_ =	shalt  }
0x46: {  	_ =	shalt  }
0x47: {  	_ =	shalt  }
0x48: {  	_ =	shalt  }
0x49: {  	_ =	shalt  }
0x4a: {  	_ =	shalt  }
0x4b: {  	_ =	shalt  }
0x4c: {  	_ =	shalt  }
0x4d: {  	_ =	shalt  }
0x4e: {  	_ =	shalt  }
0x4f: {  	_ =	shalt  }
0x50: {  	_ =	shalt  }
0x51: {  	_ =	shalt  }
0x52: {  	_ =	shalt  }
0x53: {  	_ =	shalt  }
0x54: {  	_ =	shalt  }
0x55: {  	_ =	shalt  }
0x56: {  	_ =	shalt  }
0x57: {  	_ =	shalt  }
0x58: {  	_ =	shalt  }
0x59: {  	_ =	shalt  }
0x5a: {  	_ =	shalt  }
0x5b: {  	_ =	shalt  }
0x5c: {  	_ =	shalt  }
0x5d: {  	_ =	shalt  }
0x5e: {  	_ =	shalt  }
0x5f: {  	_ =	shalt  }
0x60: {  	_ =	shalt  }
0x61: {  	_ =	shalt  }
0x62: {  	_ =	shalt  }
0x63: {  	_ =	shalt  }
0x64: {  	_ =	shalt  }
0x65: {  	_ =	shalt  }
0x66: {  	_ =	shalt  }
0x67: {  	_ =	shalt  }
0x68: {  	_ =	shalt  }
0x69: {  	_ =	shalt  }
0x6a: {  	_ =	shalt  }
0x6b: {  	_ =	shalt  }
0x6c: {  	_ =	shalt  }
0x6d: {  	_ =	shalt  }
0x6e: {  	_ =	shalt  }
0x6f: {  	_ =	shalt  }
0x70: {  	_ =	shalt  }
0x71: {  	_ =	shalt  }
0x72: {  	_ =	shalt  }
0x73: {  	_ =	shalt  }
0x74: {  	_ =	shalt  }
0x75: {  	_ =	shalt  }
0x76: {  	_ =	shalt  }
0x77: {  	_ =	shalt  }
0x78: {  	_ =	shalt  }
0x79: {  	_ =	shalt  }
0x7a: {  	_ =	shalt  }
0x7b: {  	_ =	shalt  }
0x7c: {  	_ =	shalt  }
0x7d: {  	_ =	shalt  }
0x7e: {  	_ =	shalt  }
0x7f: {  	_ =	shalt  }
0x80: {  	_ =	shalt  }
0x81: {  	_ =	shalt  }
0x82: {  	_ =	shalt  }
0x83: {  	_ =	shalt  }
0x84: {  	_ =	shalt  }
0x85: {  	_ =	shalt  }
0x86: {  	_ =	shalt  }
0x87: {  	_ =	shalt  }
.Lfunc_end0:
.L_simem_size_0:
called_computation.2_lowered:
.L_overlay_start_0:
0x88: {  	s2 =	sld [smem:$0x3FD9]  }
0x89: {  	s3 =	sld [smem:$0x3FFE];
	_ =	sdelay $0x1  }
0x8a: {  	s1 =	srdreg.scid  }
0x8b: {  	s0 =	sand.u32 $0x1, s1  }
0x8c: {  	s16 =	sshll.u32 s0, $0xA;
	s2 =	sadd.s32 s3, s2  }
0x8d: {  	s2 =	sadd.s32 s2, s16  }
0x8e: {  	[smem:$0x3FB8] =	sst s2  }
0x8f: {  	_ = 	snop  }
0x90: {  	(tm) =	ssettm $0x1  }
0x91: {  	s17 =	sld [smem:$0x3FFB];
	_ =	sdelay $0x3  }
0x92: {  	_ =	strace s17  }
0x93: {  	s2 =	sld [smem:$0x3FFC];
	_ =	sdelay $0x3  }
0x94: {  	_ =	strace s2  }
0x95: {  	s2 =	sld [smem:$0x3FFD];
	_ =	sdelay $0x3  }
0x96: {  	_ =	strace s2  }
0x97: {  	_ =	strace $0x8FFFFFFF  }
0x98: {  	s18 =	sld [smem:$0x3FDB];
	_ =	sdelay $0x1  }
0x99: {  	s19 =	simm.s32 $_scs_section_size  }
0x9a: {  	s4 =	simm.s32 $_size__tile_overlayer_lowered;
	s5 =	simm.s32 $_tile_overlayer_lowered  }
0x9b: {  	s22 =	simm.s32 $0x1BFF;
	s21 =	sshll.u32 s5, $0x1;
	s2 =	sadd.s32 s19, s18  }
0x9c: {  	s6 =	simm.s32 $0x0;
	s20 =	sshll.u32 s4, $0x1;
	s4 =	sadd.s32 s21, s2  }
0x9d: {  	[timem:s6], [sflag:s22] =	dma.local [hbm:s4], s20  }
0x9e: {  	_ =	swait.ge [sflag:s22], s20  }
0x9f: {  	s3 =	ssub.s32 $0x0, s20;
	[sflag:s22] =	ssyncset.done $0x0  }
0xa0: {  	[sflag:s22] =	ssyncadd.s32 s3;
	_ =	sdelay $0x1  }
0xa1: {  	s23 =	simm.s32 $0x1B8B  }
0xa2: {  	_ =	swait.ge [sflag:s23], $0x1  }
0xa3: {  	[sflag:s23] =	ssyncset.done $0x0  }
0xa4: {  	s25 =	simm.s32 $0x1B8E;
	s24 =	sld [smem:$0x3FFE];
	[sflag:s23] =	ssyncadd.s32 $0xFFFFFFFF  }
0xa5: {  	s26 =	simm.s32 $execute0_lowered;
	[smem:$0x3FD2] =	sst s25  }
0xa6: {  	s4 =	sshll.u32 s26, $0x1;
	_ =	strace $0x8000004C;
	[dreg:$0x1] =	wrdreg $0xFFFFFFFF  }
0xa7: {  	s28 =	simm.s32 $_size_execute0_lowered;
	s2 =	sadd.s32 s2, s4;
	[dreg:$0x0] =	wrdreg $0x0  }
0xa8: {  	s4 =	sshll.u32 s28, $0x1;
	[dreg:$0x2] =	wrdreg s2  }
0xa9: {  	[dreg:$0x3] =	wrdreg s4  }
0xaa: {  	[dreg:$0x4] =	wrdreg $0xC0  }
0xab: {  	_ =	task [dreg:s6], $0x5FFFF  }
0xac: {  	[dreg:$0x1] =	wrdreg $0xFFFFFFFF  }
0xad: {  	[dreg:$0x0] =	wrdreg $0x60  }
0xae: {  	[dreg:$0x2] =	wrdreg s24  }
0xaf: {  	[dreg:$0x3] =	wrdreg $0x9  }
0xb0: {  	_ =	task.clear_ibuf [dreg:s6], $0x4FFFF;
	_ =	strace $0x9000004C  }
0xb1: {  	s29 =	simm.s32 $0x9;
	_ =	strace $0x8000004E  }
0xb2: {  	_ =	swait.ge [sflag:s29], $0x1  }
0xb3: {  	[sflag:s29] =	ssyncadd.s32 $0xFFFFFFFF  }
0xb4: {  	_ =	strace $0x9000004E  }
0xb5: {  	_ =	sfence  }
0xb6: {  	s30 =	sld [smem:$0x0];
	_ =	sdelay $0x2  }
0xb7: {  	s31 =	sshll.u32 s1, $0xD;
	s1 =	sshrl.u32 s1, $0x2  }
0xb8: {  	s3 =	sand.u32 $0x4000, s31;
	s1 =	sadd.s32 s1, s30  }
0xb9: {  	s0 =	sor.u32 s3, s0;
	s1 =	sshll.u32 s1, $0x11  }
0xba: {  	s0 =	sor.u32 s1, s0  }
0xbb: {  	s0 =	sadd.s32 $0x8F2B, s0  }
0xbc: {  	[sflag:s0] =	ssyncadd.remote.s32 $0x1  }
0xbd: {  	_ =	sfence.sel $0xFFFF  }
0xbe: {  	[dreg:$0x0] =	wrdreg $0xFFFFFFFF;
	(pc) =	sbr.abs _section_cstart, $3  }
0xbf: {  	[dreg:$0x1] =	wrdreg $0xFFFFFFFF  }
0xc0: {  	_ =	task.clear_ibuf [dreg:s6], $0x2FFFF;
	_ =	strace $0x9FFFFFFF  }
0xc1: {  	(tm) =	ssettm $0x7FFFFFFF  }
tec
execute0_lowered:
.L_overlay_start_1:
0x0: {  	(tag) =	ssettag $0x1  }
0x1: {  	s4 =	rddreg [dreg:$0x0]  }
0x2: {  	s0 =	rddreg [dreg:$0x1];
	s3 =	srdreg.scid  }
0x3: {  	s1 =	stileid.u32;
	s2 =	simm.s32 $0x0;
	s10 =	simm.s32 $0xC00  }
0x4: {  	s11 =	simm.s32 $0x100;
	s12 =	simm.s32 $0x1400;
	s13 =	simm.s32 $0x180  }
0x5: {  	s14 =	simm.s32 $0x1C00;
	s15 =	simm.s32 $0x200;
	s16 =	simm.s32 $0x2400  }
0x6: {  	s17 =	simm.s32 $0x280;
	s18 =	simm.s32 $0x2C00;
	s19 =	simm.s32 $0x300  }
0x7: {  	s20 =	simm.s32 $0x3400;
	s21 =	simm.s32 $0x380;
	s22 =	simm.s32 $0x3C00  }
0x8: {  	s23 =	simm.s32 $0x1;
	s24 =	simm.s32 $0x0;
	s6 =	smul.u32 $0x5000, s1  }
0x9: {  	s5 =	sand.u32 $0x1, s3;
	[smem:$0x7FF] =	sst s2;
	s8 =	smul.u32 $0xA000, s1  }
0xa: {  	s3 =	sadd.s32 $0x8D600, s4;
	s7 =	smul.u32 $0x2800, s5;
	s30 =	ssub.s32 $0x2, s5  }
0xb: {  	_ =	strace $0x8000004D;
	s5 =	smul.u32 $0x5000, s5;
	s9 =	sshrl.u32 s30, $0x1  }
0xc: {  	s8 =	sadd.s32 s8, s4;
	s6 =	sadd.s32 s7, s6;
	s31 =	ssub.s32 s30, s9  }
0xd: {  	s5 =	sadd.s32 s5, s8;
	s7 =	simm.s32 $0x2;
	s6 =	sshrl.u32 s6, $0x3  }
0xe: {  	s8 =	simm.s32 $0x80;
	s9 =	simm.s32 $0x400;
	s6 =	sadd.s32 s6, s4  }
0xf: {  	s5 =	sadd.s32 $0x95600, s5;
	s4 =	smax.u32 s31, $0x1;
	s6 =	sadd.s32 $0x83600, s6  }
.LBB2_1:
0x10: {  	s25 =	sadd.s32 $0x0, s6  }
0x11: {  	[tilespmem:s2], [sflag:$0x2] =	stream.linear.gather [hbm4b:s25+s2], $0x400, $0x38;
	[tilespmem:$0x4400] =	vst v63  }
0x12: {  	_ =	swait.ge [sflag:s7], $0x400  }
0x13: {  	[sflag:s7] =	ssyncset.done $0x0  }
0x14: {  	[sflag:s7] =	ssyncadd.s32 $0xFFFFFC00  }
0x15: {  	[tilespmem:s9], [sflag:$0x1] =	stream.indirect.gather [hbm4b:s3+s8], $0x10, s2, s8, $0xb8;
	[tilespmem:$0x4400] =	vst v63  }
0x16: {  	_ = 	snop  }
0x17: {  	[tilespmem:s10], [sflag:$0x1] =	stream.indirect.gather [hbm4b:s3+s8], $0x10, s8, s8, $0xb8;
	[tilespmem:$0x4400] =	vst v63  }
0x18: {  	_ = 	snop  }
0x19: {  	[tilespmem:s12], [sflag:$0x1] =	stream.indirect.gather [hbm4b:s3+s8], $0x10, s11, s8, $0xb8;
	[tilespmem:$0x4400] =	vst v63  }
0x1a: {  	_ = 	snop  }
0x1b: {  	[tilespmem:s14], [sflag:$0x1] =	stream.indirect.gather [hbm4b:s3+s8], $0x10, s13, s8, $0xb8;
	[tilespmem:$0x4400] =	vst v63  }
0x1c: {  	_ = 	snop  }
0x1d: {  	[tilespmem:s16], [sflag:$0x1] =	stream.indirect.gather [hbm4b:s3+s8], $0x10, s15, s8, $0xb8;
	[tilespmem:$0x4400] =	vst v63  }
0x1e: {  	_ = 	snop  }
0x1f: {  	[tilespmem:s18], [sflag:$0x1] =	stream.indirect.gather [hbm4b:s3+s8], $0x10, s17, s8, $0xb8;
	[tilespmem:$0x4400] =	vst v63  }
0x20: {  	_ = 	snop  }
0x21: {  	[tilespmem:s20], [sflag:$0x1] =	stream.indirect.gather [hbm4b:s3+s8], $0x10, s19, s8, $0xb8;
	[tilespmem:$0x4400] =	vst v63  }
0x22: {  	_ = 	snop  }
0x23: {  	[tilespmem:s22], [sflag:$0x1] =	stream.indirect.gather [hbm4b:s3+s8], $0x10, s21, s8, $0xb8;
	[tilespmem:$0x4400] =	vst v63  }
0x24: {  	_ =	swait.ge [sflag:s23], $0x800  }
0x25: {  	[sflag:s23] =	ssyncset.done $0x0  }
0x26: {  	[sflag:s23] =	ssyncadd.s32 $0xFFFFF800  }
0x27: {  	_ =	swait.ge [sflag:s23], $0x800  }
0x28: {  	[sflag:s23] =	ssyncset.done $0x0  }
0x29: {  	[sflag:s23] =	ssyncadd.s32 $0xFFFFF800  }
0x2a: {  	_ =	swait.ge [sflag:s23], $0x800  }
0x2b: {  	[sflag:s23] =	ssyncset.done $0x0  }
0x2c: {  	[sflag:s23] =	ssyncadd.s32 $0xFFFFF800  }
0x2d: {  	_ =	swait.ge [sflag:s23], $0x800  }
0x2e: {  	[sflag:s23] =	ssyncset.done $0x0  }
0x2f: {  	[sflag:s23] =	ssyncadd.s32 $0xFFFFF800  }
0x30: {  	_ =	swait.ge [sflag:s23], $0x800  }
0x31: {  	[sflag:s23] =	ssyncset.done $0x0  }
0x32: {  	[sflag:s23] =	ssyncadd.s32 $0xFFFFF800  }
0x33: {  	_ =	swait.ge [sflag:s23], $0x800  }
0x34: {  	[sflag:s23] =	ssyncset.done $0x0  }
0x35: {  	[sflag:s23] =	ssyncadd.s32 $0xFFFFF800  }
0x36: {  	_ =	swait.ge [sflag:s23], $0x800  }
0x37: {  	[sflag:s23] =	ssyncset.done $0x0  }
0x38: {  	[sflag:s23] =	ssyncadd.s32 $0xFFFFF800  }
0x39: {  	_ =	swait.ge [sflag:s23], $0x800  }
0x3a: {  	[sflag:s23] =	ssyncset.done $0x0  }
0x3b: {  	[sflag:s23] =	ssyncadd.s32 $0xFFFFF800  }
0x3c: {  	[hbm4b:s5+s2] =	stream.linear.scatter [tilespmem:s9], [sflag:$0x2], $0x4000, $0x38;
	[tilespmem:$0x4400] =	vst v63  }
0x3d: {  	s26 =	simm.s32 $0x80;
	_ =	swait.ge [sflag:s7], $0x4000  }
0x3e: {  	s29 =	simm.s32 $0x100;
	s25 =	sadd.s32 $0x800, s5;
	[sflag:s7] =	ssyncset.done $0x0  }
.LBB2_2:
0x3f: {  	s30 =	sadd.s32 s26, s6  }
0x40: {  	[sflag:s7] =	ssyncadd.s32 $0xFFFFC000;
	s26 =	smov.u32 s29;
	s28 =	sadd.s32 $0x80, s29  }
0x41: {  	[tilespmem:s2], [sflag:$0x2] =	stream.linear.gather [hbm4b:s30+s2], $0x400, $0x38;
	[tilespmem:$0x4400] =	vst v63  }
0x42: {  	p0 =	sne.s32 s29, $0x480;
	_ =	swait.ge [sflag:s7], $0x400  }
0x43: {  	[sflag:s7] =	ssyncset.done $0x0  }
0x44: {  	[sflag:s7] =	ssyncadd.s32 $0xFFFFFC00  }
0x45: {  	[tilespmem:s9], [sflag:$0x1] =	stream.indirect.gather [hbm4b:s3+s8], $0x10, s2, s8, $0xb8;
	[tilespmem:$0x4400] =	vst v63  }
0x46: {  	_ = 	snop  }
0x47: {  	[tilespmem:s10], [sflag:$0x1] =	stream.indirect.gather [hbm4b:s3+s8], $0x10, s8, s8, $0xb8;
	[tilespmem:$0x4400] =	vst v63  }
0x48: {  	_ = 	snop  }
0x49: {  	[tilespmem:s12], [sflag:$0x1] =	stream.indirect.gather [hbm4b:s3+s8], $0x10, s11, s8, $0xb8;
	[tilespmem:$0x4400] =	vst v63  }
0x4a: {  	_ = 	snop  }
0x4b: {  	[tilespmem:s14], [sflag:$0x1] =	stream.indirect.gather [hbm4b:s3+s8], $0x10, s13, s8, $0xb8;
	[tilespmem:$0x4400] =	vst v63  }
0x4c: {  	_ = 	snop  }
0x4d: {  	[tilespmem:s16], [sflag:$0x1] =	stream.indirect.gather [hbm4b:s3+s8], $0x10, s15, s8, $0xb8;
	[tilespmem:$0x4400] =	vst v63  }
0x4e: {  	_ = 	snop  }
0x4f: {  	[tilespmem:s18], [sflag:$0x1] =	stream.indirect.gather [hbm4b:s3+s8], $0x10, s17, s8, $0xb8;
	[tilespmem:$0x4400] =	vst v63  }
0x50: {  	_ = 	snop  }
0x51: {  	[tilespmem:s20], [sflag:$0x1] =	stream.indirect.gather [hbm4b:s3+s8], $0x10, s19, s8, $0xb8;
	[tilespmem:$0x4400] =	vst v63  }
0x52: {  	_ = 	snop  }
0x53: {  	[tilespmem:s22], [sflag:$0x1] =	stream.indirect.gather [hbm4b:s3+s8], $0x10, s21, s8, $0xb8;
	[tilespmem:$0x4400] =	vst v63  }
0x54: {  	_ =	swait.ge [sflag:s23], $0x800  }
0x55: {  	[sflag:s23] =	ssyncset.done $0x0  }
0x56: {  	[sflag:s23] =	ssyncadd.s32 $0xFFFFF800  }
0x57: {  	_ =	swait.ge [sflag:s23], $0x800  }
0x58: {  	[sflag:s23] =	ssyncset.done $0x0  }
0x59: {  	[sflag:s23] =	ssyncadd.s32 $0xFFFFF800  }
0x5a: {  	_ =	swait.ge [sflag:s23], $0x800  }
0x5b: {  	[sflag:s23] =	ssyncset.done $0x0  }
0x5c: {  	[sflag:s23] =	ssyncadd.s32 $0xFFFFF800  }
0x5d: {  	_ =	swait.ge [sflag:s23], $0x800  }
0x5e: {  	[sflag:s23] =	ssyncset.done $0x0  }
0x5f: {  	[sflag:s23] =	ssyncadd.s32 $0xFFFFF800  }
0x60: {  	_ =	swait.ge [sflag:s23], $0x800  }
0x61: {  	[sflag:s23] =	ssyncset.done $0x0  }
0x62: {  	[sflag:s23] =	ssyncadd.s32 $0xFFFFF800  }
0x63: {  	_ =	swait.ge [sflag:s23], $0x800  }
0x64: {  	[sflag:s23] =	ssyncset.done $0x0  }
0x65: {  	[sflag:s23] =	ssyncadd.s32 $0xFFFFF800  }
0x66: {  	_ =	swait.ge [sflag:s23], $0x800  }
0x67: {  	[sflag:s23] =	ssyncset.done $0x0  }
0x68: {  	[sflag:s23] =	ssyncadd.s32 $0xFFFFF800  }
0x69: {  	_ =	swait.ge [sflag:s23], $0x800  }
.Ltmp0:
0x6a: {  	[sflag:s23] =	ssyncset.done $0x0;
	(pc) =	sbr.rel @p0 .LBB2_2-.Ltmp0, $4  }
0x6b: {  	[sflag:s23] =	ssyncadd.s32 $0xFFFFF800  }
0x6c: {  	[hbm4b:s25+s2] =	stream.linear.scatter [tilespmem:s9], [sflag:$0x2], $0x4000, $0x38;
	[tilespmem:$0x4400] =	vst v63  }
0x6d: {  	_ =	swait.ge [sflag:s7], $0x4000  }
0x6e: {  	s29 =	smov.u32 s28;
	s25 =	sadd.s32 $0x800, s25;
	[sflag:s7] =	ssyncset.done $0x0  }
0x6f: {  	s26 =	sadd.s32 s26, s6;
	[sflag:s7] =	ssyncadd.s32 $0xFFFFC000  }
0x70: {  	[tilespmem:s2], [sflag:$0x2] =	stream.linear.gather [hbm4b:s26+s2], $0x400, $0x38;
	[tilespmem:$0x4400] =	vst v63  }
0x71: {  	_ =	swait.ge [sflag:s7], $0x400  }
0x72: {  	[sflag:s7] =	ssyncset.done $0x0  }
0x73: {  	[sflag:s7] =	ssyncadd.s32 $0xFFFFFC00  }
0x74: {  	[tilespmem:s9], [sflag:$0x1] =	stream.indirect.gather [hbm4b:s3+s8], $0x10, s2, s8, $0xb8;
	[tilespmem:$0x4400] =	vst v63  }
0x75: {  	_ = 	snop  }
0x76: {  	[tilespmem:s10], [sflag:$0x1] =	stream.indirect.gather [hbm4b:s3+s8], $0x10, s8, s8, $0xb8;
	[tilespmem:$0x4400] =	vst v63  }
0x77: {  	_ = 	snop  }
0x78: {  	[tilespmem:s12], [sflag:$0x1] =	stream.indirect.gather [hbm4b:s3+s8], $0x10, s11, s8, $0xb8;
	[tilespmem:$0x4400] =	vst v63  }
0x79: {  	_ = 	snop  }
0x7a: {  	[tilespmem:s14], [sflag:$0x1] =	stream.indirect.gather [hbm4b:s3+s8], $0x10, s13, s8, $0xb8;
	[tilespmem:$0x4400] =	vst v63  }
0x7b: {  	_ = 	snop  }
0x7c: {  	[tilespmem:s16], [sflag:$0x1] =	stream.indirect.gather [hbm4b:s3+s8], $0x10, s15, s8, $0xb8;
	[tilespmem:$0x4400] =	vst v63  }
0x7d: {  	_ = 	snop  }
0x7e: {  	[tilespmem:s18], [sflag:$0x1] =	stream.indirect.gather [hbm4b:s3+s8], $0x10, s17, s8, $0xb8;
	[tilespmem:$0x4400] =	vst v63  }
0x7f: {  	_ = 	snop  }
0x80: {  	[tilespmem:s20], [sflag:$0x1] =	stream.indirect.gather [hbm4b:s3+s8], $0x10, s19, s8, $0xb8;
	[tilespmem:$0x4400] =	vst v63  }
0x81: {  	_ = 	snop  }
0x82: {  	[tilespmem:s22], [sflag:$0x1] =	stream.indirect.gather [hbm4b:s3+s8], $0x10, s21, s8, $0xb8;
	[tilespmem:$0x4400] =	vst v63  }
0x83: {  	_ =	swait.ge [sflag:s23], $0x800  }
0x84: {  	[sflag:s23] =	ssyncset.done $0x0  }
0x85: {  	[sflag:s23] =	ssyncadd.s32 $0xFFFFF800  }
0x86: {  	_ =	swait.ge [sflag:s23], $0x800  }
0x87: {  	[sflag:s23] =	ssyncset.done $0x0  }
0x88: {  	[sflag:s23] =	ssyncadd.s32 $0xFFFFF800  }
0x89: {  	_ =	swait.ge [sflag:s23], $0x800  }
0x8a: {  	[sflag:s23] =	ssyncset.done $0x0  }
0x8b: {  	[sflag:s23] =	ssyncadd.s32 $0xFFFFF800  }
0x8c: {  	_ =	swait.ge [sflag:s23], $0x800  }
0x8d: {  	[sflag:s23] =	ssyncset.done $0x0  }
0x8e: {  	[sflag:s23] =	ssyncadd.s32 $0xFFFFF800  }
0x8f: {  	_ =	swait.ge [sflag:s23], $0x800  }
0x90: {  	[sflag:s23] =	ssyncset.done $0x0  }
0x91: {  	[sflag:s23] =	ssyncadd.s32 $0xFFFFF800  }
0x92: {  	_ =	swait.ge [sflag:s23], $0x800  }
0x93: {  	[sflag:s23] =	ssyncset.done $0x0  }
0x94: {  	[sflag:s23] =	ssyncadd.s32 $0xFFFFF800  }
0x95: {  	_ =	swait.ge [sflag:s23], $0x800  }
0x96: {  	[sflag:s23] =	ssyncset.done $0x0  }
0x97: {  	[sflag:s23] =	ssyncadd.s32 $0xFFFFF800  }
0x98: {  	s24 =	sadd.s32 $0x1, s24;
	_ =	swait.ge [sflag:s23], $0x800  }
0x99: {  	p0 =	sne.s32 s24, s4;
	[sflag:s23] =	ssyncset.done $0x0  }
.Ltmp1:
0x9a: {  	[sflag:s23] =	ssyncadd.s32 $0xFFFFF800;
	(pc) =	sbr.rel @p0 .LBB2_1-.Ltmp1, $4  }
0x9b: {  	[hbm4b:s25+s2] =	stream.linear.scatter [tilespmem:s9], [sflag:$0x2], $0x4000, $0x38;
	[tilespmem:$0x4400] =	vst v63  }
0x9c: {  	_ =	swait.ge [sflag:s7], $0x4000  }
0x9d: {  	[sflag:s7] =	ssyncset.done $0x0  }
0x9e: {  	[sflag:s7] =	ssyncadd.s32 $0xFFFFC000  }
0x9f: {  	_ =	sfence.sel $0x180000  }
0xa0: {  	[bflag:$0x0] =	sbarrier.arrive $0xFFFF  }
0xa1: {  	p0 =	sne.s32 s1, $0x0;
	_ =	strace $0x9000004D  }
0xa2: {  	s0 =	sadd.s32 @!p0 $0x100000, s0;
	[bflag:$0x2] =	sbarrier.arrive $0xFFFF  }
0xa3: {  	[sflag:s0] =	ssyncadd.tile.s32 @!p0 $0x1;
	_ =	shalt  }
.Lfunc_end2:
_tile_overlayer_lowered:
.L_overlay_start_2:
0xa4: {  	(tag) =	ssettag $0x2  }
0xa5: {  	s0 =	rddreg [dreg:$0x0];
	s2 =	stileid.u32  }
0xa6: {  	s1 =	rddreg [dreg:$0x1];
	p0 =	sne.s32 s2, $0x0  }
0xa7: {  	s3 =	rddreg [dreg:$0x2];
	[bflag:$0x3] =	sbarrier.arrive $0xFFFF;
	s2 =	simm.s32 @!p0 $0x1C02  }
0xa8: {  	[timem:s3], [sflag:s2] =	dma.local @!p0 [hbm:s0], s1  }
0xa9: {  	s0 =	simm.s32 @!p0 $0x2  }
0xaa: {  	_ =	swait.ge @!p0 [sflag:s0], s1  }
0xab: {  	s1 =	ssub.s32 @!p0 $0x0, s1;
	[sflag:s0] =	ssyncset.done @!p0 $0x0  }
0xac: {  	[sflag:s0] =	ssyncadd.s32 @!p0 s1  }
0xad: {  	[bflag:$0x3] =	sbarrier.arrive $0xFFFF  }
0xae: {  	_ =	shalt  }

// kernel: kernel.24.cloned.1.call-start
scs
__scs_entry_jumppad:
0x0: {  	(pc) =	sbr.rel $0x88, $3  }
0x1: {  	(tag) =	ssettag $0x0;
	lr =	simm.s32 $0x1  }
0x2: {  	[smem:$0x3F91] =	sst lr;
	_ =	strace $0xD0000000  }
0x3: {  	_ = 	snop  }
0x4: {  	_ = 	snop  }
0x5: {  	_ = 	snop  }
0x6: {  	_ = 	snop  }
0x7: {  	_ = 	snop  }
__scs_overlays_trampoline_lowered:
0x8: {  	[smem:$0x3FA0] =	sst s0  }
0x9: {  	[smem:$0x3FA1] =	sst s1  }
0xa: {  	[smem:$0x3FA2] =	sst s2  }
0xb: {  	[smem:$0x3FA3] =	sst s3  }
0xc: {  	[smem:$0x3FA4] =	sst s4  }
0xd: {  	[smem:$0x3FA5] =	sst s5  }
0xe: {  	[smem:$0x3FA6] =	sst s6  }
0xf: {  	[smem:$0x3FA7] =	sst s7  }
0x10: {  	[smem:$0x3FA8] =	sst s8  }
0x11: {  	[smem:$0x3FA9] =	sst s9;
	s0 =	simm.s32 @!p0 $0x0  }
0x12: {  	s1 =	sld [smem:$0x3F8F];
	s0 =	simm.s32 @p0 $0x1  }
0x13: {  	[smem:$0x3FAA] =	sst s0;
	s0 =	simm.s32 @!p1 $0x0  }
0x14: {  	s2 =	sld [smem:$0x3F8E];
	s0 =	simm.s32 @p1 $0x1  }
0x15: {  	[smem:$0x3FAB] =	sst s0;
	s0 =	simm.s32 @!p2 $0x0  }
0x16: {  	s3 =	sld [smem:$0x3FDB];
	s0 =	simm.s32 @p2 $0x1  }
0x17: {  	s4 =	simm.s32 $0x1BF5;
	[smem:$0x3FAD] =	sst s0  }
0x18: {  	s0 =	sld [smem:$0x3F90];
	_ =	swait.ge [sflag:s4], $0x0  }
0x19: {  	s7 =	sld [smem:$0x3F91]  }
0x1a: {  	s8 =	sadd.s32 $0xFFFFE003, lr  }
0x1b: {  	s9 =	sadd.s32 $0xFFFFFEF7, lr;
	s5 =	simm.s32 $0xFFFFFFFF;
	p2 =	slt.u32 s8, $0xFFFFF086  }
0x1c: {  	p1 =	slt.u32 s9, $0xF7A;
	s5 =	simm.s32 @!p2 $0x0  }
0x1d: {  	s5 =	simm.s32 @p1 $0x1;
	p0 =	seq.s32 s7, s2  }
0x1e: {  	s7 =	smul.u32 @!p0 $0xF7A, s2;
	p2 =	seq.s32 @!p0 s5, $0x0  }
0x1f: {  	s9 =	smul.u32 $0xF7A, s1;
	s8 =	simm.s32 @!p0 $0x1BF5;
	p2 =	por !p2, p0  }
0x20: {  	[sflag:s8] =	ssyncset.s32 @!p0 $0xFFFFF086;
	s6 =	sadd.s32 @!p0 s3, s7;
	s7 =	simm.s32 @!p0 $0x108  }
0x21: {  	s3 =	sadd.s32 s3, s9;
	s6 =	sadd.s32 @!p0 $0x88, s6;
	s7 =	simm.s32 @p2 $0x1082  }
0x22: {  	[simem:s7], [sflag:s8] =	dma.local @!p0 [hbm:s6], $0xF7A  }
0x23: {  	s9 =	sor.u32 $0xD0000000, s2;
	s6 =	simm.s32 $0x108;
	_ =	swait.ge @!p0 [sflag:s8], $0x0  }
0x24: {  	s3 =	sadd.s32 $0x88, s3;
	s6 =	simm.s32 @!p1 $0x1082;
	[sflag:s4] =	ssyncset.s32 $0xFFFFF086  }
0x25: {  	[simem:s6], [sflag:s4] =	dma.local [hbm:s3], $0xF7A  }
0x26: {  	[smem:$0x3F91] =	sst s1;
	(tag) =	ssettag s2;
	_ =	strace s9  }
0x27: {  	s1 =	sld [smem:$0x3FA1]  }
0x28: {  	s2 =	sld [smem:$0x3FA2]  }
0x29: {  	s4 =	sld [smem:$0x3FA4]  }
0x2a: {  	p0 =	seq.s32 s5, $0x0;
	s5 =	sld [smem:$0x3FA5]  }
0x2b: {  	s6 =	sld [smem:$0x3FA6]  }
0x2c: {  	s7 =	sld [smem:$0x3FA7]  }
0x2d: {  	s3 =	simm.s32 $0x108;
	s8 =	sld [smem:$0x3FA8]  }
0x2e: {  	s3 =	simm.s32 @!p0 $0x1082;
	s9 =	sld [smem:$0x3FA9]  }
0x2f: {  	lr =	sadd.s32 s0, s3;
	s0 =	sld [smem:$0x3FA0]  }
0x30: {  	s3 =	sld [smem:$0x3FA3]  }
0x31: {  	[smem:$0x3FAC] =	sst s10  }
0x32: {  	s10 =	sld [smem:$0x3FAA];
	_ =	sdelay $0x3  }
0x33: {  	p0 =	seq.s32 s10, $0x1;
	s10 =	sld [smem:$0x3FAC];
	_ =	sdelay $0x3  }
0x34: {  	[smem:$0x3FAC] =	sst s10  }
0x35: {  	s10 =	sld [smem:$0x3FAB];
	_ =	sdelay $0x3  }
0x36: {  	p1 =	seq.s32 s10, $0x1;
	s10 =	sld [smem:$0x3FAC];
	_ =	sdelay $0x3  }
0x37: {  	[smem:$0x3FAC] =	sst s10  }
0x38: {  	s10 =	sld [smem:$0x3FAD]  }
0x39: {  	_ = 	snop;
	(pc) =	sbr.ind lr, $3  }
0x3a: {  	_ = 	snop  }
0x3b: {  	_ = 	snop  }
0x3c: {  	p2 =	seq.s32 s10, $0x1;
	s10 =	sld [smem:$0x3FAC]  }
0x3d: {  	_ =	shalt  }
0x3e: {  	_ =	shalt  }
0x3f: {  	_ =	shalt  }
0x40: {  	_ =	shalt  }
0x41: {  	_ =	shalt  }
0x42: {  	_ =	shalt  }
0x43: {  	_ =	shalt  }
0x44: {  	_ =	shalt  }
0x45: {  	_ =	shalt  }
0x46: {  	_ =	shalt  }
0x47: {  	_ =	shalt  }
0x48: {  	_ =	shalt  }
0x49: {  	_ =	shalt  }
0x4a: {  	_ =	shalt  }
0x4b: {  	_ =	shalt  }
0x4c: {  	_ =	shalt  }
0x4d: {  	_ =	shalt  }
0x4e: {  	_ =	shalt  }
0x4f: {  	_ =	shalt  }
0x50: {  	_ =	shalt  }
0x51: {  	_ =	shalt  }
0x52: {  	_ =	shalt  }
0x53: {  	_ =	shalt  }
0x54: {  	_ =	shalt  }
0x55: {  	_ =	shalt  }
0x56: {  	_ =	shalt  }
0x57: {  	_ =	shalt  }
0x58: {  	_ =	shalt  }
0x59: {  	_ =	shalt  }
0x5a: {  	_ =	shalt  }
0x5b: {  	_ =	shalt  }
0x5c: {  	_ =	shalt  }
0x5d: {  	_ =	shalt  }
0x5e: {  	_ =	shalt  }
0x5f: {  	_ =	shalt  }
0x60: {  	_ =	shalt  }
0x61: {  	_ =	shalt  }
0x62: {  	_ =	shalt  }
0x63: {  	_ =	shalt  }
0x64: {  	_ =	shalt  }
0x65: {  	_ =	shalt  }
0x66: {  	_ =	shalt  }
0x67: {  	_ =	shalt  }
0x68: {  	_ =	shalt  }
0x69: {  	_ =	shalt  }
0x6a: {  	_ =	shalt  }
0x6b: {  	_ =	shalt  }
0x6c: {  	_ =	shalt  }
0x6d: {  	_ =	shalt  }
0x6e: {  	_ =	shalt  }
0x6f: {  	_ =	shalt  }
0x70: {  	_ =	shalt  }
0x71: {  	_ =	shalt  }
0x72: {  	_ =	shalt  }
0x73: {  	_ =	shalt  }
0x74: {  	_ =	shalt  }
0x75: {  	_ =	shalt  }
0x76: {  	_ =	shalt  }
0x77: {  	_ =	shalt  }
0x78: {  	_ =	shalt  }
0x79: {  	_ =	shalt  }
0x7a: {  	_ =	shalt  }
0x7b: {  	_ =	shalt  }
0x7c: {  	_ =	shalt  }
0x7d: {  	_ =	shalt  }
0x7e: {  	_ =	shalt  }
0x7f: {  	_ =	shalt  }
0x80: {  	_ =	shalt  }
0x81: {  	_ =	shalt  }
0x82: {  	_ =	shalt  }
0x83: {  	_ =	shalt  }
0x84: {  	_ =	shalt  }
0x85: {  	_ =	shalt  }
0x86: {  	_ =	shalt  }
0x87: {  	_ =	shalt  }
.Lfunc_end0:
.L_simem_size_0:
called_computation.3_lowered:
.L_overlay_start_0:
0x88: {  	s2 =	sld [smem:$0x3FD9]  }
0x89: {  	s3 =	sld [smem:$0x3FFE];
	_ =	sdelay $0x1  }
0x8a: {  	s1 =	srdreg.scid  }
0x8b: {  	s0 =	sand.u32 $0x1, s1  }
0x8c: {  	s16 =	sshll.u32 s0, $0xA;
	s2 =	sadd.s32 s3, s2  }
0x8d: {  	s2 =	sadd.s32 s2, s16  }
0x8e: {  	[smem:$0x3FB8] =	sst s2  }
0x8f: {  	_ = 	snop  }
0x90: {  	(tm) =	ssettm $0x1  }
0x91: {  	s17 =	sld [smem:$0x3FFB];
	_ =	sdelay $0x3  }
0x92: {  	_ =	strace s17  }
0x93: {  	s2 =	sld [smem:$0x3FFC];
	_ =	sdelay $0x3  }
0x94: {  	_ =	strace s2  }
0x95: {  	s2 =	sld [smem:$0x3FFD];
	_ =	sdelay $0x3  }
0x96: {  	_ =	strace s2  }
0x97: {  	_ =	strace $0x8FFFFFFF  }
0x98: {  	s18 =	sld [smem:$0x3FDB];
	_ =	sdelay $0x1  }
0x99: {  	s19 =	simm.s32 $_scs_section_size  }
0x9a: {  	s4 =	simm.s32 $_size__tile_overlayer_lowered;
	s5 =	simm.s32 $_tile_overlayer_lowered  }
0x9b: {  	s22 =	simm.s32 $0x1BFF;
	s21 =	sshll.u32 s5, $0x1;
	s2 =	sadd.s32 s19, s18  }
0x9c: {  	s6 =	simm.s32 $0x0;
	s20 =	sshll.u32 s4, $0x1;
	s4 =	sadd.s32 s21, s2  }
0x9d: {  	[timem:s6], [sflag:s22] =	dma.local [hbm:s4], s20  }
0x9e: {  	_ =	swait.ge [sflag:s22], s20  }
0x9f: {  	s3 =	ssub.s32 $0x0, s20;
	[sflag:s22] =	ssyncset.done $0x0  }
0xa0: {  	[sflag:s22] =	ssyncadd.s32 s3;
	_ =	sdelay $0x1  }
0xa1: {  	s23 =	simm.s32 $0x1B8B  }
0xa2: {  	_ =	swait.ge [sflag:s23], $0x1  }
0xa3: {  	[sflag:s23] =	ssyncset.done $0x0  }
0xa4: {  	s25 =	simm.s32 $0x1B8E;
	s24 =	sld [smem:$0x3FFE];
	[sflag:s23] =	ssyncadd.s32 $0xFFFFFFFF  }
0xa5: {  	s26 =	simm.s32 $execute0_lowered;
	[smem:$0x3FD2] =	sst s25  }
0xa6: {  	s4 =	sshll.u32 s26, $0x1;
	_ =	strace $0x8000004F;
	[dreg:$0x1] =	wrdreg $0xFFFFFFFF  }
0xa7: {  	s28 =	simm.s32 $_size_execute0_lowered;
	s2 =	sadd.s32 s2, s4;
	[dreg:$0x0] =	wrdreg $0x0  }
0xa8: {  	s4 =	sshll.u32 s28, $0x1;
	[dreg:$0x2] =	wrdreg s2  }
0xa9: {  	[dreg:$0x3] =	wrdreg s4  }
0xaa: {  	[dreg:$0x4] =	wrdreg $0xC0  }
0xab: {  	_ =	task [dreg:s6], $0x5FFFF  }
0xac: {  	[dreg:$0x1] =	wrdreg $0xFFFFFFFF  }
0xad: {  	[dreg:$0x0] =	wrdreg $0x60  }
0xae: {  	[dreg:$0x2] =	wrdreg s24  }
0xaf: {  	[dreg:$0x3] =	wrdreg $0x9  }
0xb0: {  	_ =	task.clear_ibuf [dreg:s6], $0x4FFFF;
	_ =	strace $0x9000004F  }
0xb1: {  	s29 =	simm.s32 $0x9;
	_ =	strace $0x80000051  }
0xb2: {  	_ =	swait.ge [sflag:s29], $0x1  }
0xb3: {  	[sflag:s29] =	ssyncadd.s32 $0xFFFFFFFF  }
0xb4: {  	_ =	strace $0x90000051  }
0xb5: {  	_ =	sfence  }
0xb6: {  	s30 =	sld [smem:$0x0];
	_ =	sdelay $0x2  }
0xb7: {  	s31 =	sshll.u32 s1, $0xD;
	s1 =	sshrl.u32 s1, $0x2  }
0xb8: {  	s3 =	sand.u32 $0x4000, s31;
	s1 =	sadd.s32 s1, s30  }
0xb9: {  	s0 =	sor.u32 s3, s0;
	s1 =	sshll.u32 s1, $0x11  }
0xba: {  	s0 =	sor.u32 s1, s0  }
0xbb: {  	s0 =	sadd.s32 $0x8F2B, s0  }
0xbc: {  	[sflag:s0] =	ssyncadd.remote.s32 $0x1  }
0xbd: {  	_ =	sfence.sel $0xFFFF  }
0xbe: {  	[dreg:$0x0] =	wrdreg $0xFFFFFFFF;
	(pc) =	sbr.abs _section_cstart, $3  }
0xbf: {  	[dreg:$0x1] =	wrdreg $0xFFFFFFFF  }
0xc0: {  	_ =	task.clear_ibuf [dreg:s6], $0x2FFFF;
	_ =	strace $0x9FFFFFFF  }
0xc1: {  	(tm) =	ssettm $0x7FFFFFFF  }
tec
execute0_lowered:
.L_overlay_start_1:
0x0: {  	(tag) =	ssettag $0x1  }
0x1: {  	s4 =	rddreg [dreg:$0x0]  }
0x2: {  	s0 =	rddreg [dreg:$0x1];
	s3 =	srdreg.scid  }
0x3: {  	s1 =	stileid.u32;
	s2 =	simm.s32 $0x0;
	s10 =	simm.s32 $0x1400  }
0x4: {  	s11 =	simm.s32 $0x100;
	s12 =	simm.s32 $0x2400;
	s13 =	simm.s32 $0x180  }
0x5: {  	s14 =	simm.s32 $0x3400;
	s15 =	simm.s32 $0x200;
	s16 =	simm.s32 $0x4400  }
0x6: {  	s17 =	simm.s32 $0x280;
	s18 =	simm.s32 $0x5400;
	s19 =	simm.s32 $0x300  }
0x7: {  	s20 =	simm.s32 $0x6400;
	s21 =	simm.s32 $0x380;
	s22 =	simm.s32 $0x7400  }
0x8: {  	s23 =	simm.s32 $0x1;
	s24 =	simm.s32 $0x0;
	s6 =	smul.u32 $0x5000, s1  }
0x9: {  	s5 =	sand.u32 $0x1, s3;
	[smem:$0x7FF] =	sst s2;
	s8 =	smul.u32 $0x14000, s1  }
0xa: {  	s3 =	sadd.s32 $0xCD600, s4;
	s7 =	smul.u32 $0x2800, s5;
	s30 =	ssub.s32 $0x2, s5  }
0xb: {  	_ =	strace $0x80000050;
	s5 =	smul.u32 $0xA000, s5;
	s9 =	sshrl.u32 s30, $0x1  }
0xc: {  	s8 =	sadd.s32 s8, s4;
	s6 =	sadd.s32 s7, s6;
	s31 =	ssub.s32 s30, s9  }
0xd: {  	s5 =	sadd.s32 s5, s8;
	s7 =	simm.s32 $0x2;
	s6 =	sshrl.u32 s6, $0x3  }
0xe: {  	s8 =	simm.s32 $0x80;
	s9 =	simm.s32 $0x400;
	s6 =	sadd.s32 s6, s4  }
0xf: {  	s5 =	sadd.s32 $0xDD600, s5;
	s4 =	smax.u32 s31, $0x1;
	s6 =	sadd.s32 $0xC3600, s6  }
.LBB2_1:
0x10: {  	s25 =	sadd.s32 $0x0, s6  }
0x11: {  	[tilespmem:s2], [sflag:$0x2] =	stream.linear.gather [hbm4b:s25+s2], $0x400, $0x38;
	[tilespmem:$0x8400] =	vst v63  }
0x12: {  	_ =	swait.ge [sflag:s7], $0x400  }
0x13: {  	[sflag:s7] =	ssyncset.done $0x0  }
0x14: {  	[sflag:s7] =	ssyncadd.s32 $0xFFFFFC00  }
0x15: {  	[tilespmem:s9], [sflag:$0x1] =	stream.indirect.gather [hbm4b:s3+s8], $0x20, s2, s8, $0xb8;
	[tilespmem:$0x8400] =	vst v63  }
0x16: {  	_ = 	snop  }
0x17: {  	[tilespmem:s10], [sflag:$0x1] =	stream.indirect.gather [hbm4b:s3+s8], $0x20, s8, s8, $0xb8;
	[tilespmem:$0x8400] =	vst v63  }
0x18: {  	_ = 	snop  }
0x19: {  	[tilespmem:s12], [sflag:$0x1] =	stream.indirect.gather [hbm4b:s3+s8], $0x20, s11, s8, $0xb8;
	[tilespmem:$0x8400] =	vst v63  }
0x1a: {  	_ = 	snop  }
0x1b: {  	[tilespmem:s14], [sflag:$0x1] =	stream.indirect.gather [hbm4b:s3+s8], $0x20, s13, s8, $0xb8;
	[tilespmem:$0x8400] =	vst v63  }
0x1c: {  	_ = 	snop  }
0x1d: {  	[tilespmem:s16], [sflag:$0x1] =	stream.indirect.gather [hbm4b:s3+s8], $0x20, s15, s8, $0xb8;
	[tilespmem:$0x8400] =	vst v63  }
0x1e: {  	_ = 	snop  }
0x1f: {  	[tilespmem:s18], [sflag:$0x1] =	stream.indirect.gather [hbm4b:s3+s8], $0x20, s17, s8, $0xb8;
	[tilespmem:$0x8400] =	vst v63  }
0x20: {  	_ = 	snop  }
0x21: {  	[tilespmem:s20], [sflag:$0x1] =	stream.indirect.gather [hbm4b:s3+s8], $0x20, s19, s8, $0xb8;
	[tilespmem:$0x8400] =	vst v63  }
0x22: {  	_ = 	snop  }
0x23: {  	[tilespmem:s22], [sflag:$0x1] =	stream.indirect.gather [hbm4b:s3+s8], $0x20, s21, s8, $0xb8;
	[tilespmem:$0x8400] =	vst v63  }
0x24: {  	_ =	swait.ge [sflag:s23], $0x1000  }
0x25: {  	[sflag:s23] =	ssyncset.done $0x0  }
0x26: {  	[sflag:s23] =	ssyncadd.s32 $0xFFFFF000  }
0x27: {  	_ =	swait.ge [sflag:s23], $0x1000  }
0x28: {  	[sflag:s23] =	ssyncset.done $0x0  }
0x29: {  	[sflag:s23] =	ssyncadd.s32 $0xFFFFF000  }
0x2a: {  	_ =	swait.ge [sflag:s23], $0x1000  }
0x2b: {  	[sflag:s23] =	ssyncset.done $0x0  }
0x2c: {  	[sflag:s23] =	ssyncadd.s32 $0xFFFFF000  }
0x2d: {  	_ =	swait.ge [sflag:s23], $0x1000  }
0x2e: {  	[sflag:s23] =	ssyncset.done $0x0  }
0x2f: {  	[sflag:s23] =	ssyncadd.s32 $0xFFFFF000  }
0x30: {  	_ =	swait.ge [sflag:s23], $0x1000  }
0x31: {  	[sflag:s23] =	ssyncset.done $0x0  }
0x32: {  	[sflag:s23] =	ssyncadd.s32 $0xFFFFF000  }
0x33: {  	_ =	swait.ge [sflag:s23], $0x1000  }
0x34: {  	[sflag:s23] =	ssyncset.done $0x0  }
0x35: {  	[sflag:s23] =	ssyncadd.s32 $0xFFFFF000  }
0x36: {  	_ =	swait.ge [sflag:s23], $0x1000  }
0x37: {  	[sflag:s23] =	ssyncset.done $0x0  }
0x38: {  	[sflag:s23] =	ssyncadd.s32 $0xFFFFF000  }
0x39: {  	_ =	swait.ge [sflag:s23], $0x1000  }
0x3a: {  	[sflag:s23] =	ssyncset.done $0x0  }
0x3b: {  	[sflag:s23] =	ssyncadd.s32 $0xFFFFF000  }
0x3c: {  	[hbm4b:s5+s2] =	stream.linear.scatter [tilespmem:s9], [sflag:$0x2], $0x8000, $0x38;
	[tilespmem:$0x8400] =	vst v63  }
0x3d: {  	s26 =	simm.s32 $0x80;
	_ =	swait.ge [sflag:s7], $0x8000  }
0x3e: {  	s29 =	simm.s32 $0x100;
	s25 =	sadd.s32 $0x1000, s5;
	[sflag:s7] =	ssyncset.done $0x0  }
.LBB2_2:
0x3f: {  	s30 =	sadd.s32 s26, s6  }
0x40: {  	[sflag:s7] =	ssyncadd.s32 $0xFFFF8000;
	s26 =	smov.u32 s29;
	s28 =	sadd.s32 $0x80, s29  }
0x41: {  	[tilespmem:s2], [sflag:$0x2] =	stream.linear.gather [hbm4b:s30+s2], $0x400, $0x38;
	[tilespmem:$0x8400] =	vst v63  }
0x42: {  	p0 =	sne.s32 s29, $0x480;
	_ =	swait.ge [sflag:s7], $0x400  }
0x43: {  	[sflag:s7] =	ssyncset.done $0x0  }
0x44: {  	[sflag:s7] =	ssyncadd.s32 $0xFFFFFC00  }
0x45: {  	[tilespmem:s9], [sflag:$0x1] =	stream.indirect.gather [hbm4b:s3+s8], $0x20, s2, s8, $0xb8;
	[tilespmem:$0x8400] =	vst v63  }
0x46: {  	_ = 	snop  }
0x47: {  	[tilespmem:s10], [sflag:$0x1] =	stream.indirect.gather [hbm4b:s3+s8], $0x20, s8, s8, $0xb8;
	[tilespmem:$0x8400] =	vst v63  }
0x48: {  	_ = 	snop  }
0x49: {  	[tilespmem:s12], [sflag:$0x1] =	stream.indirect.gather [hbm4b:s3+s8], $0x20, s11, s8, $0xb8;
	[tilespmem:$0x8400] =	vst v63  }
0x4a: {  	_ = 	snop  }
0x4b: {  	[tilespmem:s14], [sflag:$0x1] =	stream.indirect.gather [hbm4b:s3+s8], $0x20, s13, s8, $0xb8;
	[tilespmem:$0x8400] =	vst v63  }
0x4c: {  	_ = 	snop  }
0x4d: {  	[tilespmem:s16], [sflag:$0x1] =	stream.indirect.gather [hbm4b:s3+s8], $0x20, s15, s8, $0xb8;
	[tilespmem:$0x8400] =	vst v63  }
0x4e: {  	_ = 	snop  }
0x4f: {  	[tilespmem:s18], [sflag:$0x1] =	stream.indirect.gather [hbm4b:s3+s8], $0x20, s17, s8, $0xb8;
	[tilespmem:$0x8400] =	vst v63  }
0x50: {  	_ = 	snop  }
0x51: {  	[tilespmem:s20], [sflag:$0x1] =	stream.indirect.gather [hbm4b:s3+s8], $0x20, s19, s8, $0xb8;
	[tilespmem:$0x8400] =	vst v63  }
0x52: {  	_ = 	snop  }
0x53: {  	[tilespmem:s22], [sflag:$0x1] =	stream.indirect.gather [hbm4b:s3+s8], $0x20, s21, s8, $0xb8;
	[tilespmem:$0x8400] =	vst v63  }
0x54: {  	_ =	swait.ge [sflag:s23], $0x1000  }
0x55: {  	[sflag:s23] =	ssyncset.done $0x0  }
0x56: {  	[sflag:s23] =	ssyncadd.s32 $0xFFFFF000  }
0x57: {  	_ =	swait.ge [sflag:s23], $0x1000  }
0x58: {  	[sflag:s23] =	ssyncset.done $0x0  }
0x59: {  	[sflag:s23] =	ssyncadd.s32 $0xFFFFF000  }
0x5a: {  	_ =	swait.ge [sflag:s23], $0x1000  }
0x5b: {  	[sflag:s23] =	ssyncset.done $0x0  }
0x5c: {  	[sflag:s23] =	ssyncadd.s32 $0xFFFFF000  }
0x5d: {  	_ =	swait.ge [sflag:s23], $0x1000  }
0x5e: {  	[sflag:s23] =	ssyncset.done $0x0  }
0x5f: {  	[sflag:s23] =	ssyncadd.s32 $0xFFFFF000  }
0x60: {  	_ =	swait.ge [sflag:s23], $0x1000  }
0x61: {  	[sflag:s23] =	ssyncset.done $0x0  }
0x62: {  	[sflag:s23] =	ssyncadd.s32 $0xFFFFF000  }
0x63: {  	_ =	swait.ge [sflag:s23], $0x1000  }
0x64: {  	[sflag:s23] =	ssyncset.done $0x0  }
0x65: {  	[sflag:s23] =	ssyncadd.s32 $0xFFFFF000  }
0x66: {  	_ =	swait.ge [sflag:s23], $0x1000  }
0x67: {  	[sflag:s23] =	ssyncset.done $0x0  }
0x68: {  	[sflag:s23] =	ssyncadd.s32 $0xFFFFF000  }
0x69: {  	_ =	swait.ge [sflag:s23], $0x1000  }
.Ltmp0:
0x6a: {  	[sflag:s23] =	ssyncset.done $0x0;
	(pc) =	sbr.rel @p0 .LBB2_2-.Ltmp0, $4  }
0x6b: {  	[sflag:s23] =	ssyncadd.s32 $0xFFFFF000  }
0x6c: {  	[hbm4b:s25+s2] =	stream.linear.scatter [tilespmem:s9], [sflag:$0x2], $0x8000, $0x38;
	[tilespmem:$0x8400] =	vst v63  }
0x6d: {  	_ =	swait.ge [sflag:s7], $0x8000  }
0x6e: {  	s29 =	smov.u32 s28;
	s25 =	sadd.s32 $0x1000, s25;
	[sflag:s7] =	ssyncset.done $0x0  }
0x6f: {  	s26 =	sadd.s32 s26, s6;
	[sflag:s7] =	ssyncadd.s32 $0xFFFF8000  }
0x70: {  	[tilespmem:s2], [sflag:$0x2] =	stream.linear.gather [hbm4b:s26+s2], $0x400, $0x38;
	[tilespmem:$0x8400] =	vst v63  }
0x71: {  	_ =	swait.ge [sflag:s7], $0x400  }
0x72: {  	[sflag:s7] =	ssyncset.done $0x0  }
0x73: {  	[sflag:s7] =	ssyncadd.s32 $0xFFFFFC00  }
0x74: {  	[tilespmem:s9], [sflag:$0x1] =	stream.indirect.gather [hbm4b:s3+s8], $0x20, s2, s8, $0xb8;
	[tilespmem:$0x8400] =	vst v63  }
0x75: {  	_ = 	snop  }
0x76: {  	[tilespmem:s10], [sflag:$0x1] =	stream.indirect.gather [hbm4b:s3+s8], $0x20, s8, s8, $0xb8;
	[tilespmem:$0x8400] =	vst v63  }
0x77: {  	_ = 	snop  }
0x78: {  	[tilespmem:s12], [sflag:$0x1] =	stream.indirect.gather [hbm4b:s3+s8], $0x20, s11, s8, $0xb8;
	[tilespmem:$0x8400] =	vst v63  }
0x79: {  	_ = 	snop  }
0x7a: {  	[tilespmem:s14], [sflag:$0x1] =	stream.indirect.gather [hbm4b:s3+s8], $0x20, s13, s8, $0xb8;
	[tilespmem:$0x8400] =	vst v63  }
0x7b: {  	_ = 	snop  }
0x7c: {  	[tilespmem:s16], [sflag:$0x1] =	stream.indirect.gather [hbm4b:s3+s8], $0x20, s15, s8, $0xb8;
	[tilespmem:$0x8400] =	vst v63  }
0x7d: {  	_ = 	snop  }
0x7e: {  	[tilespmem:s18], [sflag:$0x1] =	stream.indirect.gather [hbm4b:s3+s8], $0x20, s17, s8, $0xb8;
	[tilespmem:$0x8400] =	vst v63  }
0x7f: {  	_ = 	snop  }
0x80: {  	[tilespmem:s20], [sflag:$0x1] =	stream.indirect.gather [hbm4b:s3+s8], $0x20, s19, s8, $0xb8;
	[tilespmem:$0x8400] =	vst v63  }
0x81: {  	_ = 	snop  }
0x82: {  	[tilespmem:s22], [sflag:$0x1] =	stream.indirect.gather [hbm4b:s3+s8], $0x20, s21, s8, $0xb8;
	[tilespmem:$0x8400] =	vst v63  }
0x83: {  	_ =	swait.ge [sflag:s23], $0x1000  }
0x84: {  	[sflag:s23] =	ssyncset.done $0x0  }
0x85: {  	[sflag:s23] =	ssyncadd.s32 $0xFFFFF000  }
0x86: {  	_ =	swait.ge [sflag:s23], $0x1000  }
0x87: {  	[sflag:s23] =	ssyncset.done $0x0  }
0x88: {  	[sflag:s23] =	ssyncadd.s32 $0xFFFFF000  }
0x89: {  	_ =	swait.ge [sflag:s23], $0x1000  }
0x8a: {  	[sflag:s23] =	ssyncset.done $0x0  }
0x8b: {  	[sflag:s23] =	ssyncadd.s32 $0xFFFFF000  }
0x8c: {  	_ =	swait.ge [sflag:s23], $0x1000  }
0x8d: {  	[sflag:s23] =	ssyncset.done $0x0  }
0x8e: {  	[sflag:s23] =	ssyncadd.s32 $0xFFFFF000  }
0x8f: {  	_ =	swait.ge [sflag:s23], $0x1000  }
0x90: {  	[sflag:s23] =	ssyncset.done $0x0  }
0x91: {  	[sflag:s23] =	ssyncadd.s32 $0xFFFFF000  }
0x92: {  	_ =	swait.ge [sflag:s23], $0x1000  }
0x93: {  	[sflag:s23] =	ssyncset.done $0x0  }
0x94: {  	[sflag:s23] =	ssyncadd.s32 $0xFFFFF000  }
0x95: {  	_ =	swait.ge [sflag:s23], $0x1000  }
0x96: {  	[sflag:s23] =	ssyncset.done $0x0  }
0x97: {  	[sflag:s23] =	ssyncadd.s32 $0xFFFFF000  }
0x98: {  	s24 =	sadd.s32 $0x1, s24;
	_ =	swait.ge [sflag:s23], $0x1000  }
0x99: {  	p0 =	sne.s32 s24, s4;
	[sflag:s23] =	ssyncset.done $0x0  }
.Ltmp1:
0x9a: {  	[sflag:s23] =	ssyncadd.s32 $0xFFFFF000;
	(pc) =	sbr.rel @p0 .LBB2_1-.Ltmp1, $4  }
0x9b: {  	[hbm4b:s25+s2] =	stream.linear.scatter [tilespmem:s9], [sflag:$0x2], $0x8000, $0x38;
	[tilespmem:$0x8400] =	vst v63  }
0x9c: {  	_ =	swait.ge [sflag:s7], $0x8000  }
0x9d: {  	[sflag:s7] =	ssyncset.done $0x0  }
0x9e: {  	[sflag:s7] =	ssyncadd.s32 $0xFFFF8000  }
0x9f: {  	_ =	sfence.sel $0x180000  }
0xa0: {  	[bflag:$0x0] =	sbarrier.arrive $0xFFFF  }
0xa1: {  	p0 =	sne.s32 s1, $0x0;
	_ =	strace $0x90000050  }
0xa2: {  	s0 =	sadd.s32 @!p0 $0x100000, s0;
	[bflag:$0x2] =	sbarrier.arrive $0xFFFF  }
0xa3: {  	[sflag:s0] =	ssyncadd.tile.s32 @!p0 $0x1;
	_ =	shalt  }
.Lfunc_end2:
_tile_overlayer_lowered:
.L_overlay_start_2:
0xa4: {  	(tag) =	ssettag $0x2  }
0xa5: {  	s0 =	rddreg [dreg:$0x0];
	s2 =	stileid.u32  }
0xa6: {  	s1 =	rddreg [dreg:$0x1];
	p0 =	sne.s32 s2, $0x0  }
0xa7: {  	s3 =	rddreg [dreg:$0x2];
	[bflag:$0x3] =	sbarrier.arrive $0xFFFF;
	s2 =	simm.s32 @!p0 $0x1C02  }
0xa8: {  	[timem:s3], [sflag:s2] =	dma.local @!p0 [hbm:s0], s1  }
0xa9: {  	s0 =	simm.s32 @!p0 $0x2  }
0xaa: {  	_ =	swait.ge @!p0 [sflag:s0], s1  }
0xab: {  	s1 =	ssub.s32 @!p0 $0x0, s1;
	[sflag:s0] =	ssyncset.done @!p0 $0x0  }
0xac: {  	[sflag:s0] =	ssyncadd.s32 @!p0 s1  }
0xad: {  	[bflag:$0x3] =	sbarrier.arrive $0xFFFF  }
0xae: {  	_ =	shalt  }

</sc_bundles>
